<compile_context>
chip_gen: v7x
topology: tpu7x:2x2x1
jax: 0.10.2.dev20260603
libtpu: 0.0.44.dev20260713+nightly
codegen_flags: <defaults>
</compile_context>

<pallas_src>
import functools

import jax
import jax.numpy as jnp
import numpy as np
from jax import lax
from jax.experimental import pallas as pl
from jax.experimental.pallas import tpu as pltpu
from jax.experimental.pallas import tpu_sc as plsc

N_NODES = 10000
N_EDGES = 320000
IN_DIM = 128
OUT_DIM = 16
N_HEADS = 8
ROW = OUT_DIM * N_HEADS
ZROW = ROW + 16

NC = 2
NS = 16
NW = NC * NS
EPW = N_EDGES // NW
CHUNK = 40
NCHUNK = EPW // CHUNK
RPT = N_NODES // NS


def _qkv_body(x_ref, wq_ref, wk_ref, wv_ref, pm_ref, q_ref, k_ref, v_ref):
    xb = x_ref[...]
    pm = pm_ref[...]
    wq = jnp.dot(wq_ref[...], pm, preferred_element_type=jnp.float32)
    wk = jnp.dot(wk_ref[...], pm, preferred_element_type=jnp.float32) * 0.25
    q_ref[...] = jnp.dot(
        xb, wq, preferred_element_type=jnp.float32).astype(jnp.bfloat16)
    k_ref[...] = jnp.dot(
        xb, wk, preferred_element_type=jnp.float32).astype(jnp.bfloat16)
    v_ref[...] = jnp.dot(xb, wv_ref[...], preferred_element_type=jnp.float32)


def _qkv(x, Wq, Wk, Wv):
    blk = 2000
    grid = (N_NODES // blk,)
    outh = jax.ShapeDtypeStruct((N_NODES, ROW), jnp.bfloat16)
    outf = jax.ShapeDtypeStruct((N_NODES, ROW), jnp.float32)
    return pl.pallas_call(
        _qkv_body,
        grid=grid,
        in_specs=[
            pl.BlockSpec((blk, IN_DIM), lambda i: (i, 0)),
            pl.BlockSpec((IN_DIM, ROW), lambda i: (0, 0)),
            pl.BlockSpec((IN_DIM, ROW), lambda i: (0, 0)),
            pl.BlockSpec((IN_DIM, ROW), lambda i: (0, 0)),
            pl.BlockSpec((ROW, ROW), lambda i: (0, 0)),
        ],
        out_specs=[
            pl.BlockSpec((blk, ROW), lambda i: (i, 0)),
            pl.BlockSpec((blk, ROW), lambda i: (i, 0)),
            pl.BlockSpec((blk, ROW), lambda i: (i, 0)),
        ],
        out_shape=[outh, outh, outf],
    )(x, Wq, Wk, Wv, jnp.asarray(_PMAT))


_sc_mesh = plsc.VectorSubcoreMesh(core_axis_name="c", subcore_axis_name="s")


@functools.partial(
    pl.kernel,
    mesh=_sc_mesh,
    compiler_params=pltpu.CompilerParams(use_tc_tiling_on_sc=False,
                                         needs_layout_passes=False),
    out_type=(jax.ShapeDtypeStruct((NC, N_NODES, ROW), jnp.float32),
              jax.ShapeDtypeStruct((NC, N_NODES, 16), jnp.float32)),
    scratch_types=[
        pltpu.VMEM((4, CHUNK), jnp.int32),
        pltpu.VMEM((4, CHUNK), jnp.int32),
        pltpu.VMEM((2, CHUNK, ROW), jnp.bfloat16),
        pltpu.VMEM((2, CHUNK, ROW), jnp.bfloat16),
        pltpu.VMEM((2, CHUNK, ROW), jnp.float32),
        pltpu.VMEM((2, CHUNK, 16), jnp.float32),
        pltpu.VMEM_SHARED((N_NODES, ROW), jnp.float32),
        pltpu.VMEM_SHARED((N_NODES, 16), jnp.float32),
        pltpu.SemaphoreType.DMA,
        pltpu.SemaphoreType.DMA,
        pltpu.SemaphoreType.DMA,
        pltpu.SemaphoreType.DMA,
        pltpu.SemaphoreType.DMA,
        pltpu.SemaphoreType.DMA,
        pltpu.SemaphoreType.DMA,
    ],
)
def _sc_attn(k_hbm, q_hbm, v_hbm, edge_hbm, outwv_hbm, outz_hbm,
             srcv, dstv, kr, qr, vr, zmsg, accwv, accz,
             sem1, sem2, sem3, semi0, semi1, semw, semz):
    cid = lax.axis_index("c")
    sid = lax.axis_index("s")
    wid = sid * NC + cid

    zeros16 = jnp.zeros((16,), jnp.float32)

    def zero_row(r, carry):
        for j in range(ROW // 16):
            vr[0, r, pl.ds(j * 16, 16)] = zeros16
        zmsg[0, r, pl.ds(0, 16)] = zeros16
        return carry

    lax.fori_loop(0, CHUNK, zero_row, 0)
    zc = []
    for k in range(RPT // CHUNK):
        base = sid * RPT + k * CHUNK
        zc.append(pltpu.async_copy(
            vr.at[0], accwv.at[pl.ds(base, CHUNK)], semw))
        zc.append(pltpu.async_copy(
            zmsg.at[0], accz.at[pl.ds(base, CHUNK)], semz))
    tail = RPT % CHUNK
    tbase = sid * RPT + (RPT // CHUNK) * CHUNK
    zc.append(pltpu.async_copy(
        vr.at[0, pl.ds(0, tail)], accwv.at[pl.ds(tbase, tail)], semw))
    zc.append(pltpu.async_copy(
        zmsg.at[0, pl.ds(0, tail)], accz.at[pl.ds(tbase, tail)], semz))
    for c in zc:
        c.wait()
    plsc.subcore_barrier()

    lanes = lax.iota(jnp.int32, 16)
    hmask = [lanes == h for h in range(N_HEADS)]
    hsel = [jnp.full((16,), h, jnp.int32) for h in range(N_HEADS)]

    def fetch_idx(i, bi, semi):
        base = wid * EPW + i * CHUNK
        pltpu.async_copy(edge_hbm.at[0, pl.ds(base, CHUNK)], srcv.at[bi], semi)
        pltpu.async_copy(edge_hbm.at[1, pl.ds(base, CHUNK)], dstv.at[bi], semi)

    def wait_idx(i, bi, semi):
        base = wid * EPW + i * CHUNK
        pltpu.make_async_copy(edge_hbm.at[0, pl.ds(base, CHUNK)],
                              srcv.at[bi], semi).wait()
        pltpu.make_async_copy(edge_hbm.at[1, pl.ds(base, CHUNK)],
                              dstv.at[bi], semi).wait()

    def fetch_rows(bi, b):
        pltpu.async_copy(k_hbm.at[srcv.at[bi]], kr.at[b], sem1)
        pltpu.async_copy(q_hbm.at[dstv.at[bi]], qr.at[b], sem2)
        pltpu.async_copy(v_hbm.at[srcv.at[bi]], vr.at[b], sem3)

    def drain_rows(bi, b):
        pltpu.make_async_copy(k_hbm.at[srcv.at[bi]], kr.at[b], sem1).wait()
        pltpu.make_async_copy(q_hbm.at[dstv.at[bi]], qr.at[b], sem2).wait()
        pltpu.make_async_copy(v_hbm.at[srcv.at[bi]], vr.at[b], sem3).wait()

    def start_scatter(bi, b):
        pltpu.async_copy(vr.at[b], accwv.at[dstv.at[bi]], semw, add=True)
        pltpu.async_copy(zmsg.at[b], accz.at[dstv.at[bi]], semz, add=True)

    def wait_scatter(bi, b):
        pltpu.make_async_copy(vr.at[b], accwv.at[dstv.at[bi]], semw).wait()
        pltpu.make_async_copy(zmsg.at[b], accz.at[dstv.at[bi]], semz).wait()

    def compute(b, e):
        zvec = jnp.zeros((16,), jnp.float32)
        for g in range(N_HEADS // 2):
            kv2 = kr[b, e, pl.ds(32 * g, 32)]
            qv2 = qr[b, e, pl.ds(32 * g, 32)]
            ka, kb = plsc.unpack(kv2, format=plsc.PackFormat.INTERLEAVED)
            qa, qb = plsc.unpack(qv2, format=plsc.PackFormat.INTERLEAVED)
            for h, kv, qv in ((2 * g, ka, qa), (2 * g + 1, kb, qb)):
                s = jnp.clip(jnp.sum(kv * qv), -5.0, 5.0)
                zvec = jnp.where(hmask[h], s, zvec)
        ez = jnp.exp(zvec)
        zmsg[b, e, pl.ds(0, 16)] = ez
        for h in range(N_HEADS):
            sv = ez.at[hsel[h]].get(mode="promise_in_bounds")
            vr[b, e, pl.ds(h * 16, 16)] = vr[b, e, pl.ds(h * 16, 16)] * sv

    def half_body(i, b, semi_here, semi_next):
        @pl.when(i + 2 < NCHUNK)
        def _():
            fetch_idx(i + 2, lax.rem(i + 2, 4), semi_here)

        @pl.when(i + 1 < NCHUNK)
        def _():
            wait_idx(i + 1, lax.rem(i + 1, 4), semi_next)

            @pl.when(i >= 1)
            def _():
                wait_scatter(lax.rem(i + 3, 4), 1 - b)

            fetch_rows(lax.rem(i + 1, 4), 1 - b)

        drain_rows(lax.rem(i, 4), b)

        @plsc.parallel_loop(0, CHUNK, unroll=4)
        def edge_body(e):
            compute(b, e)

        start_scatter(lax.rem(i, 4), b)

    fetch_idx(0, 0, semi0)
    fetch_idx(1, 1, semi1)
    wait_idx(0, 0, semi0)
    fetch_rows(0, 0)

    def chunk_pair(j, carry):
        i0 = 2 * j
        half_body(i0, 0, semi0, semi1)
        half_body(i0 + 1, 1, semi1, semi0)
        return carry

    lax.fori_loop(0, NCHUNK // 2, chunk_pair, 0)
    wait_scatter((NCHUNK - 1) % 4, (NCHUNK - 1) % 2)
    plsc.subcore_barrier()

    pltpu.sync_copy(accwv.at[pl.ds(sid * RPT, RPT)],
                    outwv_hbm.at[cid, pl.ds(sid * RPT, RPT)])
    pltpu.sync_copy(accz.at[pl.ds(sid * RPT, RPT)],
                    outz_hbm.at[cid, pl.ds(sid * RPT, RPT)])


def _combine_body(pwv_ref, pz_ref, b_ref, o_ref):
    wv = pwv_ref[0] + pwv_ref[1]
    z = pz_ref[0, :, :N_HEADS] + pz_ref[1, :, :N_HEADS]
    zb = jnp.dot(z, b_ref[...], preferred_element_type=jnp.float32)
    o_ref[...] = wv / (zb + 1e-6)


def _combine(pwv, pz, bmat):
    blk = 2000
    return pl.pallas_call(
        _combine_body,
        grid=(N_NODES // blk,),
        in_specs=[
            pl.BlockSpec((NC, blk, ROW), lambda i: (0, i, 0)),
            pl.BlockSpec((NC, blk, 16), lambda i: (0, i, 0)),
            pl.BlockSpec((N_HEADS, ROW), lambda i: (0, 0)),
        ],
        out_specs=pl.BlockSpec((blk, ROW), lambda i: (i, 0)),
        out_shape=jax.ShapeDtypeStruct((N_NODES, ROW), jnp.float32),
    )(pwv, pz, bmat)


_BMAT = np.zeros((N_HEADS, ROW), dtype=np.float32)
for _h in range(N_HEADS):
    _BMAT[_h, _h * OUT_DIM:(_h + 1) * OUT_DIM] = 1.0
_BMAT.setflags(write=False)

_PERM = np.zeros((ROW,), dtype=np.int32)
for _g in range(N_HEADS // 2):
    for _d in range(OUT_DIM):
        _PERM[32 * _g + 2 * _d] = 32 * _g + _d
        _PERM[32 * _g + 2 * _d + 1] = 32 * _g + OUT_DIM + _d
_PERM.setflags(write=False)
_PMAT = np.zeros((ROW, ROW), dtype=np.float32)
_PMAT[_PERM, np.arange(ROW)] = 1.0
_PMAT.setflags(write=False)


def kernel(x, edge_index, Wq, Wk, Wv):
    q, k, v = _qkv(x, Wq, Wk, Wv)
    pwv, pz = _sc_attn(k, q, v, edge_index)
    out = _combine(pwv, pz, jnp.asarray(_BMAT))
    return out.reshape(N_NODES, N_HEADS, OUT_DIM)

# --- scband reference (transcript-rebuilt; emitter-appended) ---
"""Pipeline reference for scband-multi-head-attention-layer-34651796144198 (READ-ONLY COPY).

The authoritative reference and input builder live on the scoring server;
editing this copy changes nothing except your own understanding.
"""

import jax, jax.numpy as jnp
import numpy as np

N_NODES = 10000
N_EDGES = 320000
IN_DIM = 128
OUT_DIM = 16
N_HEADS = 8


def setup_inputs(seed: int = 0) -> dict:
    key = jax.random.key(seed)
    k1, k2, k3, k4, k5 = jax.random.split(key, 5)
    x = jax.random.normal(k1, (N_NODES, IN_DIM), dtype=jnp.float32)
    edge_index = jax.random.randint(k2, (2, N_EDGES), 0, N_NODES, dtype=jnp.int32)
    Wq = jax.random.normal(k3, (IN_DIM, OUT_DIM * N_HEADS), dtype=jnp.float32) * 0.05
    Wk = jax.random.normal(k4, (IN_DIM, OUT_DIM * N_HEADS), dtype=jnp.float32) * 0.05
    Wv = jax.random.normal(k5, (IN_DIM, OUT_DIM * N_HEADS), dtype=jnp.float32) * 0.05
    return {"x": x, "edge_index": edge_index, "Wq": Wq, "Wk": Wk, "Wv": Wv}


def reference(x, edge_index, Wq, Wk, Wv):
    # compute_query_key_value: Q/K/V projections (use_bias=False), view as [N, H, D]
    Q_h = (x @ Wq).reshape(-1, N_HEADS, OUT_DIM)
    K_h = (x @ Wk).reshape(-1, N_HEADS, OUT_DIM)
    V_h = (x @ Wv).reshape(-1, N_HEADS, OUT_DIM)
    src = edge_index[0]
    dst = edge_index[1]
    # compute_attention: e_src_dot_dst('K_h', 'Q_h', 'score') -> [E, H, 1]
    score = jnp.sum(K_h[src] * Q_h[dst], axis=-1, keepdims=True)
    # e_scaled_exp('score', sqrt(out_dim)) with clamp(-5, 5)
    score = jnp.exp(jnp.clip(score / np.sqrt(OUT_DIM), -5.0, 5.0))
    # _apply_attention: message V_h[src] * score, sum at dst -> wV; sum score at dst -> z
    msg = V_h[src] * score
    wV = jax.ops.segment_sum(msg, dst, num_segments=N_NODES)
    z = jax.ops.segment_sum(score, dst, num_segments=N_NODES)
    head_out = wV / (z + 1e-06)
    return head_out

if __name__ == "__main__":
    import jax
    _d = setup_inputs()
    print(jax.jit(kernel)(*tuple(_d.values())))

</pallas_src>

<mosaic_0001>
#map = affine_map<(d0, d1) -> (0, 0)>
#map1 = affine_map<(d0, d1) -> (0, 0, 0)>
module attributes {stable_mosaic.version = 14 : i64} {
  func.func @_sc_attn(%arg0: i32, %arg1: i32, %arg2: memref<10000x128xbf16, #tpu.memory_space<hbm>>, %arg3: memref<10000x128xbf16, #tpu.memory_space<hbm>>, %arg4: memref<10000x128xf32, #tpu.memory_space<hbm>>, %arg5: memref<2x320000xi32, #tpu.memory_space<hbm>>, %arg6: memref<2x10000x128xf32, #tpu.memory_space<hbm>>, %arg7: memref<2x10000x16xf32, #tpu.memory_space<hbm>>, %arg8: memref<4x40xi32, #tpu.memory_space<vmem>>, %arg9: memref<4x40xi32, #tpu.memory_space<vmem>>, %arg10: memref<2x40x128xbf16, #tpu.memory_space<vmem>>, %arg11: memref<2x40x128xbf16, #tpu.memory_space<vmem>>, %arg12: memref<2x40x128xf32, #tpu.memory_space<vmem>>, %arg13: memref<2x40x16xf32, #tpu.memory_space<vmem>>, %arg14: memref<10000x128xf32, #tpu.memory_space<vmem_shared>>, %arg15: memref<10000x16xf32, #tpu.memory_space<vmem_shared>>, %arg16: memref<!tpu.dma_semaphore, #tpu.memory_space<semaphore_mem>>, %arg17: memref<!tpu.dma_semaphore, #tpu.memory_space<semaphore_mem>>, %arg18: memref<!tpu.dma_semaphore, #tpu.memory_space<semaphore_mem>>, %arg19: memref<!tpu.dma_semaphore, #tpu.memory_space<semaphore_mem>>, %arg20: memref<!tpu.dma_semaphore, #tpu.memory_space<semaphore_mem>>, %arg21: memref<!tpu.dma_semaphore, #tpu.memory_space<semaphore_mem>>, %arg22: memref<!tpu.dma_semaphore, #tpu.memory_space<semaphore_mem>>) attributes {dimension_semantics = [#tpu.dimension_semantics<core_parallel>, #tpu.dimension_semantics<subcore_parallel>], iteration_bounds = array<i64: 2, 16>, scalar_prefetch = 0 : i64, scratch_operands = 15 : i64, tpu.core_type = #tpu.core_type<sc_vector_subcore>, window_params = [{transform_indices = #map}, {transform_indices = #map}, {transform_indices = #map}, {transform_indices = #map}, {transform_indices = #map1}, {transform_indices = #map1}]} {
    %mul3A = arith.constant 2 : i32
    %mul3A_0 = arith.muli %arg1, %mul3A : i32
    %add3A = arith.addi %mul3A_0, %arg0 : i32
    %broadcast_in_dim3A = arith.constant 0.000000e+00 : f32
    %broadcast_in_dim3A_1 = vector.broadcast %broadcast_in_dim3A : f32 to vector<16xf32>
    %scan3A = arith.constant 0 : i32
    %scan3A_2 = arith.constant 0 : i32
    %scan3A_3 = arith.constant 40 : i32
    %scan3A_4 = arith.addi %scan3A_2, %scan3A_3 : i32
    %scan3A_5 = arith.constant 1 : i32
    scf.for %scan3A_1099 = %scan3A_2 to %scan3A_4 step %scan3A_5  : i32 {
      %swap3A = arith.constant 0 : i32
      %swap3A_1100 = arith.index_cast %swap3A : i32 to index
      %swap3A_1101 = arith.index_cast %scan3A_1099 : i32 to index
      %swap3A_1102 = arith.constant 0 : index
      %swap3A_1103 = tpu.vector_load %arg12[%swap3A_1100, %swap3A_1101, %swap3A_1102] {strides = array<i32>} : memref<2x40x128xf32, #tpu.memory_space<vmem>>, vector<16xf32>,
      tpu.vector_store %arg12[%swap3A_1100, %swap3A_1101, %swap3A_1102], %broadcast_in_dim3A_1 {strides = array<i32>} : memref<2x40x128xf32, #tpu.memory_space<vmem>>, vector<16xf32>,
      %swap3A_1104 = arith.constant 0 : i32
      %swap3A_1105 = arith.index_cast %swap3A_1104 : i32 to index
      %swap3A_1106 = arith.index_cast %scan3A_1099 : i32 to index
      %swap3A_1107 = arith.constant 16 : index
      %swap3A_1108 = tpu.vector_load %arg12[%swap3A_1105, %swap3A_1106, %swap3A_1107] {strides = array<i32>} : memref<2x40x128xf32, #tpu.memory_space<vmem>>, vector<16xf32>,
      tpu.vector_store %arg12[%swap3A_1105, %swap3A_1106, %swap3A_1107], %broadcast_in_dim3A_1 {strides = array<i32>} : memref<2x40x128xf32, #tpu.memory_space<vmem>>, vector<16xf32>,
      %swap3A_1109 = arith.constant 0 : i32
      %swap3A_1110 = arith.index_cast %swap3A_1109 : i32 to index
      %swap3A_1111 = arith.index_cast %scan3A_1099 : i32 to index
      %swap3A_1112 = arith.constant 32 : index
      %swap3A_1113 = tpu.vector_load %arg12[%swap3A_1110, %swap3A_1111, %swap3A_1112] {strides = array<i32>} : memref<2x40x128xf32, #tpu.memory_space<vmem>>, vector<16xf32>,
      tpu.vector_store %arg12[%swap3A_1110, %swap3A_1111, %swap3A_1112], %broadcast_in_dim3A_1 {strides = array<i32>} : memref<2x40x128xf32, #tpu.memory_space<vmem>>, vector<16xf32>,
      %swap3A_1114 = arith.constant 0 : i32
      %swap3A_1115 = arith.index_cast %swap3A_1114 : i32 to index
      %swap3A_1116 = arith.index_cast %scan3A_1099 : i32 to index
      %swap3A_1117 = arith.constant 48 : index
      %swap3A_1118 = tpu.vector_load %arg12[%swap3A_1115, %swap3A_1116, %swap3A_1117] {strides = array<i32>} : memref<2x40x128xf32, #tpu.memory_space<vmem>>, vector<16xf32>,
      tpu.vector_store %arg12[%swap3A_1115, %swap3A_1116, %swap3A_1117], %broadcast_in_dim3A_1 {strides = array<i32>} : memref<2x40x128xf32, #tpu.memory_space<vmem>>, vector<16xf32>,
      %swap3A_1119 = arith.constant 0 : i32
      %swap3A_1120 = arith.index_cast %swap3A_1119 : i32 to index
      %swap3A_1121 = arith.index_cast %scan3A_1099 : i32 to index
      %swap3A_1122 = arith.constant 64 : index
      %swap3A_1123 = tpu.vector_load %arg12[%swap3A_1120, %swap3A_1121, %swap3A_1122] {strides = array<i32>} : memref<2x40x128xf32, #tpu.memory_space<vmem>>, vector<16xf32>,
      tpu.vector_store %arg12[%swap3A_1120, %swap3A_1121, %swap3A_1122], %broadcast_in_dim3A_1 {strides = array<i32>} : memref<2x40x128xf32, #tpu.memory_space<vmem>>, vector<16xf32>,
      %swap3A_1124 = arith.constant 0 : i32
      %swap3A_1125 = arith.index_cast %swap3A_1124 : i32 to index
      %swap3A_1126 = arith.index_cast %scan3A_1099 : i32 to index
      %swap3A_1127 = arith.constant 80 : index
      %swap3A_1128 = tpu.vector_load %arg12[%swap3A_1125, %swap3A_1126, %swap3A_1127] {strides = array<i32>} : memref<2x40x128xf32, #tpu.memory_space<vmem>>, vector<16xf32>,
      tpu.vector_store %arg12[%swap3A_1125, %swap3A_1126, %swap3A_1127], %broadcast_in_dim3A_1 {strides = array<i32>} : memref<2x40x128xf32, #tpu.memory_space<vmem>>, vector<16xf32>,
      %swap3A_1129 = arith.constant 0 : i32
      %swap3A_1130 = arith.index_cast %swap3A_1129 : i32 to index
      %swap3A_1131 = arith.index_cast %scan3A_1099 : i32 to index
      %swap3A_1132 = arith.constant 96 : index
      %swap3A_1133 = tpu.vector_load %arg12[%swap3A_1130, %swap3A_1131, %swap3A_1132] {strides = array<i32>} : memref<2x40x128xf32, #tpu.memory_space<vmem>>, vector<16xf32>,
      tpu.vector_store %arg12[%swap3A_1130, %swap3A_1131, %swap3A_1132], %broadcast_in_dim3A_1 {strides = array<i32>} : memref<2x40x128xf32, #tpu.memory_space<vmem>>, vector<16xf32>,
      %swap3A_1134 = arith.constant 0 : i32
      %swap3A_1135 = arith.index_cast %swap3A_1134 : i32 to index
      %swap3A_1136 = arith.index_cast %scan3A_1099 : i32 to index
      %swap3A_1137 = arith.constant 112 : index
      %swap3A_1138 = tpu.vector_load %arg12[%swap3A_1135, %swap3A_1136, %swap3A_1137] {strides = array<i32>} : memref<2x40x128xf32, #tpu.memory_space<vmem>>, vector<16xf32>,
      tpu.vector_store %arg12[%swap3A_1135, %swap3A_1136, %swap3A_1137], %broadcast_in_dim3A_1 {strides = array<i32>} : memref<2x40x128xf32, #tpu.memory_space<vmem>>, vector<16xf32>,
      %swap3A_1139 = arith.constant 0 : i32
      %swap3A_1140 = arith.index_cast %swap3A_1139 : i32 to index
      %swap3A_1141 = arith.index_cast %scan3A_1099 : i32 to index
      %swap3A_1142 = arith.constant 0 : index
      %swap3A_1143 = tpu.vector_load %arg13[%swap3A_1140, %swap3A_1141, %swap3A_1142] {strides = array<i32>} : memref<2x40x16xf32, #tpu.memory_space<vmem>>, vector<16xf32>,
      tpu.vector_store %arg13[%swap3A_1140, %swap3A_1141, %swap3A_1142], %broadcast_in_dim3A_1 {strides = array<i32>} : memref<2x40x16xf32, #tpu.memory_space<vmem>>, vector<16xf32>,
    }
    %scan3A_6 = arith.constant 40 : i32
    %mul3A_7 = arith.constant 625 : i32
    %mul3A_8 = arith.muli %arg1, %mul3A_7 : i32
    %add3A_9 = arith.constant 0 : i32
    %add3A_10 = arith.addi %mul3A_8, %add3A_9 : i32
    %dma_start3A = arith.constant 0 : i32
    %dma_start3A_11 = arith.constant 0 : i32
    %dma_start3A_12 = arith.constant 0 : i32
    %dma_start3A_13 = tpu.memref_slice %arg12[%dma_start3A, %dma_start3A_11, %dma_start3A_12] : memref<2x40x128xf32, #tpu.memory_space<vmem>> -> memref<1x40x128xf32, #tpu.memory_space<vmem>>
    %dma_start3A_14 = tpu.memref_squeeze %dma_start3A_13 : memref<1x40x128xf32, #tpu.memory_space<vmem>> -> memref<40x128xf32, #tpu.memory_space<vmem>>
    %dma_start3A_15 = arith.constant 0 : i32
    %dma_start3A_16 = tpu.memref_slice %arg14[%add3A_10, %dma_start3A_15] : memref<10000x128xf32, #tpu.memory_space<vmem_shared>> -> memref<40x128xf32, #tpu.memory_space<vmem_shared>>
    %dma_start3A_17 = arith.constant 0 : i32
    %dma_start3A_18 = tpu.memref_slice %arg14[%add3A_10, %dma_start3A_17] : memref<10000x128xf32, #tpu.memory_space<vmem_shared>> -> memref<40x128xf32, #tpu.memory_space<vmem_shared>>
    %dma_start3A_19 = arith.constant 0 : i32
    %dma_start3A_20 = arith.constant 0 : i32
    %dma_start3A_21 = tpu.memref_slice %arg12[%dma_start3A, %dma_start3A_19, %dma_start3A_20] : memref<2x40x128xf32, #tpu.memory_space<vmem>> -> memref<1x40x128xf32, #tpu.memory_space<vmem>>
    %dma_start3A_22 = tpu.memref_squeeze %dma_start3A_21 : memref<1x40x128xf32, #tpu.memory_space<vmem>> -> memref<40x128xf32, #tpu.memory_space<vmem>>
    tpu.enqueue_dma source(%dma_start3A_22 : memref<40x128xf32, #tpu.memory_space<vmem>>) target(%dma_start3A_18 : memref<40x128xf32, #tpu.memory_space<vmem_shared>>) target_semaphore(%arg21 : memref<!tpu.dma_semaphore, #tpu.memory_space<semaphore_mem>>)
    %dma_start3A_23 = arith.constant 0 : i32
    %dma_start3A_24 = arith.constant 0 : i32
    %dma_start3A_25 = arith.constant 0 : i32
    %dma_start3A_26 = tpu.memref_slice %arg13[%dma_start3A_23, %dma_start3A_24, %dma_start3A_25] : memref<2x40x16xf32, #tpu.memory_space<vmem>> -> memref<1x40x16xf32, #tpu.memory_space<vmem>>
    %dma_start3A_27 = tpu.memref_squeeze %dma_start3A_26 : memref<1x40x16xf32, #tpu.memory_space<vmem>> -> memref<40x16xf32, #tpu.memory_space<vmem>>
    %dma_start3A_28 = arith.constant 0 : i32
    %dma_start3A_29 = tpu.memref_slice %arg15[%add3A_10, %dma_start3A_28] : memref<10000x16xf32, #tpu.memory_space<vmem_shared>> -> memref<40x16xf32, #tpu.memory_space<vmem_shared>>
    %dma_start3A_30 = arith.constant 0 : i32
    %dma_start3A_31 = tpu.memref_slice %arg15[%add3A_10, %dma_start3A_30] : memref<10000x16xf32, #tpu.memory_space<vmem_shared>> -> memref<40x16xf32, #tpu.memory_space<vmem_shared>>
    %dma_start3A_32 = arith.constant 0 : i32
    %dma_start3A_33 = arith.constant 0 : i32
    %dma_start3A_34 = tpu.memref_slice %arg13[%dma_start3A_23, %dma_start3A_32, %dma_start3A_33] : memref<2x40x16xf32, #tpu.memory_space<vmem>> -> memref<1x40x16xf32, #tpu.memory_space<vmem>>
    %dma_start3A_35 = tpu.memref_squeeze %dma_start3A_34 : memref<1x40x16xf32, #tpu.memory_space<vmem>> -> memref<40x16xf32, #tpu.memory_space<vmem>>
    tpu.enqueue_dma source(%dma_start3A_35 : memref<40x16xf32, #tpu.memory_space<vmem>>) target(%dma_start3A_31 : memref<40x16xf32, #tpu.memory_space<vmem_shared>>) target_semaphore(%arg22 : memref<!tpu.dma_semaphore, #tpu.memory_space<semaphore_mem>>)
    %mul3A_36 = arith.constant 625 : i32
    %mul3A_37 = arith.muli %arg1, %mul3A_36 : i32
    %add3A_38 = arith.constant 40 : i32
    %add3A_39 = arith.addi %mul3A_37, %add3A_38 : i32
    %dma_start3A_40 = arith.constant 0 : i32
    %dma_start3A_41 = arith.constant 0 : i32
    %dma_start3A_42 = arith.constant 0 : i32
    %dma_start3A_43 = tpu.memref_slice %arg12[%dma_start3A_40, %dma_start3A_41, %dma_start3A_42] : memref<2x40x128xf32, #tpu.memory_space<vmem>> -> memref<1x40x128xf32, #tpu.memory_space<vmem>>
    %dma_start3A_44 = tpu.memref_squeeze %dma_start3A_43 : memref<1x40x128xf32, #tpu.memory_space<vmem>> -> memref<40x128xf32, #tpu.memory_space<vmem>>
    %dma_start3A_45 = arith.constant 0 : i32
    %dma_start3A_46 = tpu.memref_slice %arg14[%add3A_39, %dma_start3A_45] : memref<10000x128xf32, #tpu.memory_space<vmem_shared>> -> memref<40x128xf32, #tpu.memory_space<vmem_shared>>
    %dma_start3A_47 = arith.constant 0 : i32
    %dma_start3A_48 = tpu.memref_slice %arg14[%add3A_39, %dma_start3A_47] : memref<10000x128xf32, #tpu.memory_space<vmem_shared>> -> memref<40x128xf32, #tpu.memory_space<vmem_shared>>
    %dma_start3A_49 = arith.constant 0 : i32
    %dma_start3A_50 = arith.constant 0 : i32
    %dma_start3A_51 = tpu.memref_slice %arg12[%dma_start3A_40, %dma_start3A_49, %dma_start3A_50] : memref<2x40x128xf32, #tpu.memory_space<vmem>> -> memref<1x40x128xf32, #tpu.memory_space<vmem>>
    %dma_start3A_52 = tpu.memref_squeeze %dma_start3A_51 : memref<1x40x128xf32, #tpu.memory_space<vmem>> -> memref<40x128xf32, #tpu.memory_space<vmem>>
    tpu.enqueue_dma source(%dma_start3A_52 : memref<40x128xf32, #tpu.memory_space<vmem>>) target(%dma_start3A_48 : memref<40x128xf32, #tpu.memory_space<vmem_shared>>) target_semaphore(%arg21 : memref<!tpu.dma_semaphore, #tpu.memory_space<semaphore_mem>>)
    %dma_start3A_53 = arith.constant 0 : i32
    %dma_start3A_54 = arith.constant 0 : i32
    %dma_start3A_55 = arith.constant 0 : i32
    %dma_start3A_56 = tpu.memref_slice %arg13[%dma_start3A_53, %dma_start3A_54, %dma_start3A_55] : memref<2x40x16xf32, #tpu.memory_space<vmem>> -> memref<1x40x16xf32, #tpu.memory_space<vmem>>
    %dma_start3A_57 = tpu.memref_squeeze %dma_start3A_56 : memref<1x40x16xf32, #tpu.memory_space<vmem>> -> memref<40x16xf32, #tpu.memory_space<vmem>>
    %dma_start3A_58 = arith.constant 0 : i32
    %dma_start3A_59 = tpu.memref_slice %arg15[%add3A_39, %dma_start3A_58] : memref<10000x16xf32, #tpu.memory_space<vmem_shared>> -> memref<40x16xf32, #tpu.memory_space<vmem_shared>>
    %dma_start3A_60 = arith.constant 0 : i32
    %dma_start3A_61 = tpu.memref_slice %arg15[%add3A_39, %dma_start3A_60] : memref<10000x16xf32, #tpu.memory_space<vmem_shared>> -> memref<40x16xf32, #tpu.memory_space<vmem_shared>>
    %dma_start3A_62 = arith.constant 0 : i32
    %dma_start3A_63 = arith.constant 0 : i32
    %dma_start3A_64 = tpu.memref_slice %arg13[%dma_start3A_53, %dma_start3A_62, %dma_start3A_63] : memref<2x40x16xf32, #tpu.memory_space<vmem>> -> memref<1x40x16xf32, #tpu.memory_space<vmem>>
    %dma_start3A_65 = tpu.memref_squeeze %dma_start3A_64 : memref<1x40x16xf32, #tpu.memory_space<vmem>> -> memref<40x16xf32, #tpu.memory_space<vmem>>
    tpu.enqueue_dma source(%dma_start3A_65 : memref<40x16xf32, #tpu.memory_space<vmem>>) target(%dma_start3A_61 : memref<40x16xf32, #tpu.memory_space<vmem_shared>>) target_semaphore(%arg22 : memref<!tpu.dma_semaphore, #tpu.memory_space<semaphore_mem>>)
    %mul3A_66 = arith.constant 625 : i32
    %mul3A_67 = arith.muli %arg1, %mul3A_66 : i32
    %add3A_68 = arith.constant 80 : i32
    %add3A_69 = arith.addi %mul3A_67, %add3A_68 : i32
    %dma_start3A_70 = arith.constant 0 : i32
    %dma_start3A_71 = arith.constant 0 : i32
    %dma_start3A_72 = arith.constant 0 : i32
    %dma_start3A_73 = tpu.memref_slice %arg12[%dma_start3A_70, %dma_start3A_71, %dma_start3A_72] : memref<2x40x128xf32, #tpu.memory_space<vmem>> -> memref<1x40x128xf32, #tpu.memory_space<vmem>>
    %dma_start3A_74 = tpu.memref_squeeze %dma_start3A_73 : memref<1x40x128xf32, #tpu.memory_space<vmem>> -> memref<40x128xf32, #tpu.memory_space<vmem>>
    %dma_start3A_75 = arith.constant 0 : i32
    %dma_start3A_76 = tpu.memref_slice %arg14[%add3A_69, %dma_start3A_75] : memref<10000x128xf32, #tpu.memory_space<vmem_shared>> -> memref<40x128xf32, #tpu.memory_space<vmem_shared>>
    %dma_start3A_77 = arith.constant 0 : i32
    %dma_start3A_78 = tpu.memref_slice %arg14[%add3A_69, %dma_start3A_77] : memref<10000x128xf32, #tpu.memory_space<vmem_shared>> -> memref<40x128xf32, #tpu.memory_space<vmem_shared>>
    %dma_start3A_79 = arith.constant 0 : i32
    %dma_start3A_80 = arith.constant 0 : i32
    %dma_start3A_81 = tpu.memref_slice %arg12[%dma_start3A_70, %dma_start3A_79, %dma_start3A_80] : memref<2x40x128xf32, #tpu.memory_space<vmem>> -> memref<1x40x128xf32, #tpu.memory_space<vmem>>
    %dma_start3A_82 = tpu.memref_squeeze %dma_start3A_81 : memref<1x40x128xf32, #tpu.memory_space<vmem>> -> memref<40x128xf32, #tpu.memory_space<vmem>>
    tpu.enqueue_dma source(%dma_start3A_82 : memref<40x128xf32, #tpu.memory_space<vmem>>) target(%dma_start3A_78 : memref<40x128xf32, #tpu.memory_space<vmem_shared>>) target_semaphore(%arg21 : memref<!tpu.dma_semaphore, #tpu.memory_space<semaphore_mem>>)
    %dma_start3A_83 = arith.constant 0 : i32
    %dma_start3A_84 = arith.constant 0 : i32
    %dma_start3A_85 = arith.constant 0 : i32
    %dma_start3A_86 = tpu.memref_slice %arg13[%dma_start3A_83, %dma_start3A_84, %dma_start3A_85] : memref<2x40x16xf32, #tpu.memory_space<vmem>> -> memref<1x40x16xf32, #tpu.memory_space<vmem>>
    %dma_start3A_87 = tpu.memref_squeeze %dma_start3A_86 : memref<1x40x16xf32, #tpu.memory_space<vmem>> -> memref<40x16xf32, #tpu.memory_space<vmem>>
    %dma_start3A_88 = arith.constant 0 : i32
    %dma_start3A_89 = tpu.memref_slice %arg15[%add3A_69, %dma_start3A_88] : memref<10000x16xf32, #tpu.memory_space<vmem_shared>> -> memref<40x16xf32, #tpu.memory_space<vmem_shared>>
    %dma_start3A_90 = arith.constant 0 : i32
    %dma_start3A_91 = tpu.memref_slice %arg15[%add3A_69, %dma_start3A_90] : memref<10000x16xf32, #tpu.memory_space<vmem_shared>> -> memref<40x16xf32, #tpu.memory_space<vmem_shared>>
    %dma_start3A_92 = arith.constant 0 : i32
    %dma_start3A_93 = arith.constant 0 : i32
    %dma_start3A_94 = tpu.memref_slice %arg13[%dma_start3A_83, %dma_start3A_92, %dma_start3A_93] : memref<2x40x16xf32, #tpu.memory_space<vmem>> -> memref<1x40x16xf32, #tpu.memory_space<vmem>>
    %dma_start3A_95 = tpu.memref_squeeze %dma_start3A_94 : memref<1x40x16xf32, #tpu.memory_space<vmem>> -> memref<40x16xf32, #tpu.memory_space<vmem>>
    tpu.enqueue_dma source(%dma_start3A_95 : memref<40x16xf32, #tpu.memory_space<vmem>>) target(%dma_start3A_91 : memref<40x16xf32, #tpu.memory_space<vmem_shared>>) target_semaphore(%arg22 : memref<!tpu.dma_semaphore, #tpu.memory_space<semaphore_mem>>)
    %mul3A_96 = arith.constant 625 : i32
    %mul3A_97 = arith.muli %arg1, %mul3A_96 : i32
    %add3A_98 = arith.constant 120 : i32
    %add3A_99 = arith.addi %mul3A_97, %add3A_98 : i32
    %dma_start3A_100 = arith.constant 0 : i32
    %dma_start3A_101 = arith.constant 0 : i32
    %dma_start3A_102 = arith.constant 0 : i32
    %dma_start3A_103 = tpu.memref_slice %arg12[%dma_start3A_100, %dma_start3A_101, %dma_start3A_102] : memref<2x40x128xf32, #tpu.memory_space<vmem>> -> memref<1x40x128xf32, #tpu.memory_space<vmem>>
    %dma_start3A_104 = tpu.memref_squeeze %dma_start3A_103 : memref<1x40x128xf32, #tpu.memory_space<vmem>> -> memref<40x128xf32, #tpu.memory_space<vmem>>
    %dma_start3A_105 = arith.constant 0 : i32
    %dma_start3A_106 = tpu.memref_slice %arg14[%add3A_99, %dma_start3A_105] : memref<10000x128xf32, #tpu.memory_space<vmem_shared>> -> memref<40x128xf32, #tpu.memory_space<vmem_shared>>
    %dma_start3A_107 = arith.constant 0 : i32
    %dma_start3A_108 = tpu.memref_slice %arg14[%add3A_99, %dma_start3A_107] : memref<10000x128xf32, #tpu.memory_space<vmem_shared>> -> memref<40x128xf32, #tpu.memory_space<vmem_shared>>
    %dma_start3A_109 = arith.constant 0 : i32
    %dma_start3A_110 = arith.constant 0 : i32
    %dma_start3A_111 = tpu.memref_slice %arg12[%dma_start3A_100, %dma_start3A_109, %dma_start3A_110] : memref<2x40x128xf32, #tpu.memory_space<vmem>> -> memref<1x40x128xf32, #tpu.memory_space<vmem>>
    %dma_start3A_112 = tpu.memref_squeeze %dma_start3A_111 : memref<1x40x128xf32, #tpu.memory_space<vmem>> -> memref<40x128xf32, #tpu.memory_space<vmem>>
    tpu.enqueue_dma source(%dma_start3A_112 : memref<40x128xf32, #tpu.memory_space<vmem>>) target(%dma_start3A_108 : memref<40x128xf32, #tpu.memory_space<vmem_shared>>) target_semaphore(%arg21 : memref<!tpu.dma_semaphore, #tpu.memory_space<semaphore_mem>>)
    %dma_start3A_113 = arith.constant 0 : i32
    %dma_start3A_114 = arith.constant 0 : i32
    %dma_start3A_115 = arith.constant 0 : i32
    %dma_start3A_116 = tpu.memref_slice %arg13[%dma_start3A_113, %dma_start3A_114, %dma_start3A_115] : memref<2x40x16xf32, #tpu.memory_space<vmem>> -> memref<1x40x16xf32, #tpu.memory_space<vmem>>
    %dma_start3A_117 = tpu.memref_squeeze %dma_start3A_116 : memref<1x40x16xf32, #tpu.memory_space<vmem>> -> memref<40x16xf32, #tpu.memory_space<vmem>>
    %dma_start3A_118 = arith.constant 0 : i32
    %dma_start3A_119 = tpu.memref_slice %arg15[%add3A_99, %dma_start3A_118] : memref<10000x16xf32, #tpu.memory_space<vmem_shared>> -> memref<40x16xf32, #tpu.memory_space<vmem_shared>>
    %dma_start3A_120 = arith.constant 0 : i32
    %dma_start3A_121 = tpu.memref_slice %arg15[%add3A_99, %dma_start3A_120] : memref<10000x16xf32, #tpu.memory_space<vmem_shared>> -> memref<40x16xf32, #tpu.memory_space<vmem_shared>>
    %dma_start3A_122 = arith.constant 0 : i32
    %dma_start3A_123 = arith.constant 0 : i32
    %dma_start3A_124 = tpu.memref_slice %arg13[%dma_start3A_113, %dma_start3A_122, %dma_start3A_123] : memref<2x40x16xf32, #tpu.memory_space<vmem>> -> memref<1x40x16xf32, #tpu.memory_space<vmem>>
    %dma_start3A_125 = tpu.memref_squeeze %dma_start3A_124 : memref<1x40x16xf32, #tpu.memory_space<vmem>> -> memref<40x16xf32, #tpu.memory_space<vmem>>
    tpu.enqueue_dma source(%dma_start3A_125 : memref<40x16xf32, #tpu.memory_space<vmem>>) target(%dma_start3A_121 : memref<40x16xf32, #tpu.memory_space<vmem_shared>>) target_semaphore(%arg22 : memref<!tpu.dma_semaphore, #tpu.memory_space<semaphore_mem>>)
    %mul3A_126 = arith.constant 625 : i32
    %mul3A_127 = arith.muli %arg1, %mul3A_126 : i32
    %add3A_128 = arith.constant 160 : i32
    %add3A_129 = arith.addi %mul3A_127, %add3A_128 : i32
    %dma_start3A_130 = arith.constant 0 : i32
    %dma_start3A_131 = arith.constant 0 : i32
    %dma_start3A_132 = arith.constant 0 : i32
    %dma_start3A_133 = tpu.memref_slice %arg12[%dma_start3A_130, %dma_start3A_131, %dma_start3A_132] : memref<2x40x128xf32, #tpu.memory_space<vmem>> -> memref<1x40x128xf32, #tpu.memory_space<vmem>>
    %dma_start3A_134 = tpu.memref_squeeze %dma_start3A_133 : memref<1x40x128xf32, #tpu.memory_space<vmem>> -> memref<40x128xf32, #tpu.memory_space<vmem>>
    %dma_start3A_135 = arith.constant 0 : i32
    %dma_start3A_136 = tpu.memref_slice %arg14[%add3A_129, %dma_start3A_135] : memref<10000x128xf32, #tpu.memory_space<vmem_shared>> -> memref<40x128xf32, #tpu.memory_space<vmem_shared>>
    %dma_start3A_137 = arith.constant 0 : i32
    %dma_start3A_138 = tpu.memref_slice %arg14[%add3A_129, %dma_start3A_137] : memref<10000x128xf32, #tpu.memory_space<vmem_shared>> -> memref<40x128xf32, #tpu.memory_space<vmem_shared>>
    %dma_start3A_139 = arith.constant 0 : i32
    %dma_start3A_140 = arith.constant 0 : i32
    %dma_start3A_141 = tpu.memref_slice %arg12[%dma_start3A_130, %dma_start3A_139, %dma_start3A_140] : memref<2x40x128xf32, #tpu.memory_space<vmem>> -> memref<1x40x128xf32, #tpu.memory_space<vmem>>
    %dma_start3A_142 = tpu.memref_squeeze %dma_start3A_141 : memref<1x40x128xf32, #tpu.memory_space<vmem>> -> memref<40x128xf32, #tpu.memory_space<vmem>>
    tpu.enqueue_dma source(%dma_start3A_142 : memref<40x128xf32, #tpu.memory_space<vmem>>) target(%dma_start3A_138 : memref<40x128xf32, #tpu.memory_space<vmem_shared>>) target_semaphore(%arg21 : memref<!tpu.dma_semaphore, #tpu.memory_space<semaphore_mem>>)
    %dma_start3A_143 = arith.constant 0 : i32
    %dma_start3A_144 = arith.constant 0 : i32
    %dma_start3A_145 = arith.constant 0 : i32
    %dma_start3A_146 = tpu.memref_slice %arg13[%dma_start3A_143, %dma_start3A_144, %dma_start3A_145] : memref<2x40x16xf32, #tpu.memory_space<vmem>> -> memref<1x40x16xf32, #tpu.memory_space<vmem>>
    %dma_start3A_147 = tpu.memref_squeeze %dma_start3A_146 : memref<1x40x16xf32, #tpu.memory_space<vmem>> -> memref<40x16xf32, #tpu.memory_space<vmem>>
    %dma_start3A_148 = arith.constant 0 : i32
    %dma_start3A_149 = tpu.memref_slice %arg15[%add3A_129, %dma_start3A_148] : memref<10000x16xf32, #tpu.memory_space<vmem_shared>> -> memref<40x16xf32, #tpu.memory_space<vmem_shared>>
    %dma_start3A_150 = arith.constant 0 : i32
    %dma_start3A_151 = tpu.memref_slice %arg15[%add3A_129, %dma_start3A_150] : memref<10000x16xf32, #tpu.memory_space<vmem_shared>> -> memref<40x16xf32, #tpu.memory_space<vmem_shared>>
    %dma_start3A_152 = arith.constant 0 : i32
    %dma_start3A_153 = arith.constant 0 : i32
    %dma_start3A_154 = tpu.memref_slice %arg13[%dma_start3A_143, %dma_start3A_152, %dma_start3A_153] : memref<2x40x16xf32, #tpu.memory_space<vmem>> -> memref<1x40x16xf32, #tpu.memory_space<vmem>>
    %dma_start3A_155 = tpu.memref_squeeze %dma_start3A_154 : memref<1x40x16xf32, #tpu.memory_space<vmem>> -> memref<40x16xf32, #tpu.memory_space<vmem>>
    tpu.enqueue_dma source(%dma_start3A_155 : memref<40x16xf32, #tpu.memory_space<vmem>>) target(%dma_start3A_151 : memref<40x16xf32, #tpu.memory_space<vmem_shared>>) target_semaphore(%arg22 : memref<!tpu.dma_semaphore, #tpu.memory_space<semaphore_mem>>)
    %mul3A_156 = arith.constant 625 : i32
    %mul3A_157 = arith.muli %arg1, %mul3A_156 : i32
    %add3A_158 = arith.constant 200 : i32
    %add3A_159 = arith.addi %mul3A_157, %add3A_158 : i32
    %dma_start3A_160 = arith.constant 0 : i32
    %dma_start3A_161 = arith.constant 0 : i32
    %dma_start3A_162 = arith.constant 0 : i32
    %dma_start3A_163 = tpu.memref_slice %arg12[%dma_start3A_160, %dma_start3A_161, %dma_start3A_162] : memref<2x40x128xf32, #tpu.memory_space<vmem>> -> memref<1x40x128xf32, #tpu.memory_space<vmem>>
    %dma_start3A_164 = tpu.memref_squeeze %dma_start3A_163 : memref<1x40x128xf32, #tpu.memory_space<vmem>> -> memref<40x128xf32, #tpu.memory_space<vmem>>
    %dma_start3A_165 = arith.constant 0 : i32
    %dma_start3A_166 = tpu.memref_slice %arg14[%add3A_159, %dma_start3A_165] : memref<10000x128xf32, #tpu.memory_space<vmem_shared>> -> memref<40x128xf32, #tpu.memory_space<vmem_shared>>
    %dma_start3A_167 = arith.constant 0 : i32
    %dma_start3A_168 = tpu.memref_slice %arg14[%add3A_159, %dma_start3A_167] : memref<10000x128xf32, #tpu.memory_space<vmem_shared>> -> memref<40x128xf32, #tpu.memory_space<vmem_shared>>
    %dma_start3A_169 = arith.constant 0 : i32
    %dma_start3A_170 = arith.constant 0 : i32
    %dma_start3A_171 = tpu.memref_slice %arg12[%dma_start3A_160, %dma_start3A_169, %dma_start3A_170] : memref<2x40x128xf32, #tpu.memory_space<vmem>> -> memref<1x40x128xf32, #tpu.memory_space<vmem>>
    %dma_start3A_172 = tpu.memref_squeeze %dma_start3A_171 : memref<1x40x128xf32, #tpu.memory_space<vmem>> -> memref<40x128xf32, #tpu.memory_space<vmem>>
    tpu.enqueue_dma source(%dma_start3A_172 : memref<40x128xf32, #tpu.memory_space<vmem>>) target(%dma_start3A_168 : memref<40x128xf32, #tpu.memory_space<vmem_shared>>) target_semaphore(%arg21 : memref<!tpu.dma_semaphore, #tpu.memory_space<semaphore_mem>>)
    %dma_start3A_173 = arith.constant 0 : i32
    %dma_start3A_174 = arith.constant 0 : i32
    %dma_start3A_175 = arith.constant 0 : i32
    %dma_start3A_176 = tpu.memref_slice %arg13[%dma_start3A_173, %dma_start3A_174, %dma_start3A_175] : memref<2x40x16xf32, #tpu.memory_space<vmem>> -> memref<1x40x16xf32, #tpu.memory_space<vmem>>
    %dma_start3A_177 = tpu.memref_squeeze %dma_start3A_176 : memref<1x40x16xf32, #tpu.memory_space<vmem>> -> memref<40x16xf32, #tpu.memory_space<vmem>>
    %dma_start3A_178 = arith.constant 0 : i32
    %dma_start3A_179 = tpu.memref_slice %arg15[%add3A_159, %dma_start3A_178] : memref<10000x16xf32, #tpu.memory_space<vmem_shared>> -> memref<40x16xf32, #tpu.memory_space<vmem_shared>>
    %dma_start3A_180 = arith.constant 0 : i32
    %dma_start3A_181 = tpu.memref_slice %arg15[%add3A_159, %dma_start3A_180] : memref<10000x16xf32, #tpu.memory_space<vmem_shared>> -> memref<40x16xf32, #tpu.memory_space<vmem_shared>>
    %dma_start3A_182 = arith.constant 0 : i32
    %dma_start3A_183 = arith.constant 0 : i32
    %dma_start3A_184 = tpu.memref_slice %arg13[%dma_start3A_173, %dma_start3A_182, %dma_start3A_183] : memref<2x40x16xf32, #tpu.memory_space<vmem>> -> memref<1x40x16xf32, #tpu.memory_space<vmem>>
    %dma_start3A_185 = tpu.memref_squeeze %dma_start3A_184 : memref<1x40x16xf32, #tpu.memory_space<vmem>> -> memref<40x16xf32, #tpu.memory_space<vmem>>
    tpu.enqueue_dma source(%dma_start3A_185 : memref<40x16xf32, #tpu.memory_space<vmem>>) target(%dma_start3A_181 : memref<40x16xf32, #tpu.memory_space<vmem_shared>>) target_semaphore(%arg22 : memref<!tpu.dma_semaphore, #tpu.memory_space<semaphore_mem>>)
    %mul3A_186 = arith.constant 625 : i32
    %mul3A_187 = arith.muli %arg1, %mul3A_186 : i32
    %add3A_188 = arith.constant 240 : i32
    %add3A_189 = arith.addi %mul3A_187, %add3A_188 : i32
    %dma_start3A_190 = arith.constant 0 : i32
    %dma_start3A_191 = arith.constant 0 : i32
    %dma_start3A_192 = arith.constant 0 : i32
    %dma_start3A_193 = tpu.memref_slice %arg12[%dma_start3A_190, %dma_start3A_191, %dma_start3A_192] : memref<2x40x128xf32, #tpu.memory_space<vmem>> -> memref<1x40x128xf32, #tpu.memory_space<vmem>>
    %dma_start3A_194 = tpu.memref_squeeze %dma_start3A_193 : memref<1x40x128xf32, #tpu.memory_space<vmem>> -> memref<40x128xf32, #tpu.memory_space<vmem>>
    %dma_start3A_195 = arith.constant 0 : i32
    %dma_start3A_196 = tpu.memref_slice %arg14[%add3A_189, %dma_start3A_195] : memref<10000x128xf32, #tpu.memory_space<vmem_shared>> -> memref<40x128xf32, #tpu.memory_space<vmem_shared>>
    %dma_start3A_197 = arith.constant 0 : i32
    %dma_start3A_198 = tpu.memref_slice %arg14[%add3A_189, %dma_start3A_197] : memref<10000x128xf32, #tpu.memory_space<vmem_shared>> -> memref<40x128xf32, #tpu.memory_space<vmem_shared>>
    %dma_start3A_199 = arith.constant 0 : i32
    %dma_start3A_200 = arith.constant 0 : i32
    %dma_start3A_201 = tpu.memref_slice %arg12[%dma_start3A_190, %dma_start3A_199, %dma_start3A_200] : memref<2x40x128xf32, #tpu.memory_space<vmem>> -> memref<1x40x128xf32, #tpu.memory_space<vmem>>
    %dma_start3A_202 = tpu.memref_squeeze %dma_start3A_201 : memref<1x40x128xf32, #tpu.memory_space<vmem>> -> memref<40x128xf32, #tpu.memory_space<vmem>>
    tpu.enqueue_dma source(%dma_start3A_202 : memref<40x128xf32, #tpu.memory_space<vmem>>) target(%dma_start3A_198 : memref<40x128xf32, #tpu.memory_space<vmem_shared>>) target_semaphore(%arg21 : memref<!tpu.dma_semaphore, #tpu.memory_space<semaphore_mem>>)
    %dma_start3A_203 = arith.constant 0 : i32
    %dma_start3A_204 = arith.constant 0 : i32
    %dma_start3A_205 = arith.constant 0 : i32
    %dma_start3A_206 = tpu.memref_slice %arg13[%dma_start3A_203, %dma_start3A_204, %dma_start3A_205] : memref<2x40x16xf32, #tpu.memory_space<vmem>> -> memref<1x40x16xf32, #tpu.memory_space<vmem>>
    %dma_start3A_207 = tpu.memref_squeeze %dma_start3A_206 : memref<1x40x16xf32, #tpu.memory_space<vmem>> -> memref<40x16xf32, #tpu.memory_space<vmem>>
    %dma_start3A_208 = arith.constant 0 : i32
    %dma_start3A_209 = tpu.memref_slice %arg15[%add3A_189, %dma_start3A_208] : memref<10000x16xf32, #tpu.memory_space<vmem_shared>> -> memref<40x16xf32, #tpu.memory_space<vmem_shared>>
    %dma_start3A_210 = arith.constant 0 : i32
    %dma_start3A_211 = tpu.memref_slice %arg15[%add3A_189, %dma_start3A_210] : memref<10000x16xf32, #tpu.memory_space<vmem_shared>> -> memref<40x16xf32, #tpu.memory_space<vmem_shared>>
    %dma_start3A_212 = arith.constant 0 : i32
    %dma_start3A_213 = arith.constant 0 : i32
    %dma_start3A_214 = tpu.memref_slice %arg13[%dma_start3A_203, %dma_start3A_212, %dma_start3A_213] : memref<2x40x16xf32, #tpu.memory_space<vmem>> -> memref<1x40x16xf32, #tpu.memory_space<vmem>>
    %dma_start3A_215 = tpu.memref_squeeze %dma_start3A_214 : memref<1x40x16xf32, #tpu.memory_space<vmem>> -> memref<40x16xf32, #tpu.memory_space<vmem>>
    tpu.enqueue_dma source(%dma_start3A_215 : memref<40x16xf32, #tpu.memory_space<vmem>>) target(%dma_start3A_211 : memref<40x16xf32, #tpu.memory_space<vmem_shared>>) target_semaphore(%arg22 : memref<!tpu.dma_semaphore, #tpu.memory_space<semaphore_mem>>)
    %mul3A_216 = arith.constant 625 : i32
    %mul3A_217 = arith.muli %arg1, %mul3A_216 : i32
    %add3A_218 = arith.constant 280 : i32
    %add3A_219 = arith.addi %mul3A_217, %add3A_218 : i32
    %dma_start3A_220 = arith.constant 0 : i32
    %dma_start3A_221 = arith.constant 0 : i32
    %dma_start3A_222 = arith.constant 0 : i32
    %dma_start3A_223 = tpu.memref_slice %arg12[%dma_start3A_220, %dma_start3A_221, %dma_start3A_222] : memref<2x40x128xf32, #tpu.memory_space<vmem>> -> memref<1x40x128xf32, #tpu.memory_space<vmem>>
    %dma_start3A_224 = tpu.memref_squeeze %dma_start3A_223 : memref<1x40x128xf32, #tpu.memory_space<vmem>> -> memref<40x128xf32, #tpu.memory_space<vmem>>
    %dma_start3A_225 = arith.constant 0 : i32
    %dma_start3A_226 = tpu.memref_slice %arg14[%add3A_219, %dma_start3A_225] : memref<10000x128xf32, #tpu.memory_space<vmem_shared>> -> memref<40x128xf32, #tpu.memory_space<vmem_shared>>
    %dma_start3A_227 = arith.constant 0 : i32
    %dma_start3A_228 = tpu.memref_slice %arg14[%add3A_219, %dma_start3A_227] : memref<10000x128xf32, #tpu.memory_space<vmem_shared>> -> memref<40x128xf32, #tpu.memory_space<vmem_shared>>
    %dma_start3A_229 = arith.constant 0 : i32
    %dma_start3A_230 = arith.constant 0 : i32
    %dma_start3A_231 = tpu.memref_slice %arg12[%dma_start3A_220, %dma_start3A_229, %dma_start3A_230] : memref<2x40x128xf32, #tpu.memory_space<vmem>> -> memref<1x40x128xf32, #tpu.memory_space<vmem>>
    %dma_start3A_232 = tpu.memref_squeeze %dma_start3A_231 : memref<1x40x128xf32, #tpu.memory_space<vmem>> -> memref<40x128xf32, #tpu.memory_space<vmem>>
    tpu.enqueue_dma source(%dma_start3A_232 : memref<40x128xf32, #tpu.memory_space<vmem>>) target(%dma_start3A_228 : memref<40x128xf32, #tpu.memory_space<vmem_shared>>) target_semaphore(%arg21 : memref<!tpu.dma_semaphore, #tpu.memory_space<semaphore_mem>>)
    %dma_start3A_233 = arith.constant 0 : i32
    %dma_start3A_234 = arith.constant 0 : i32
    %dma_start3A_235 = arith.constant 0 : i32
    %dma_start3A_236 = tpu.memref_slice %arg13[%dma_start3A_233, %dma_start3A_234, %dma_start3A_235] : memref<2x40x16xf32, #tpu.memory_space<vmem>> -> memref<1x40x16xf32, #tpu.memory_space<vmem>>
    %dma_start3A_237 = tpu.memref_squeeze %dma_start3A_236 : memref<1x40x16xf32, #tpu.memory_space<vmem>> -> memref<40x16xf32, #tpu.memory_space<vmem>>
    %dma_start3A_238 = arith.constant 0 : i32
    %dma_start3A_239 = tpu.memref_slice %arg15[%add3A_219, %dma_start3A_238] : memref<10000x16xf32, #tpu.memory_space<vmem_shared>> -> memref<40x16xf32, #tpu.memory_space<vmem_shared>>
    %dma_start3A_240 = arith.constant 0 : i32
    %dma_start3A_241 = tpu.memref_slice %arg15[%add3A_219, %dma_start3A_240] : memref<10000x16xf32, #tpu.memory_space<vmem_shared>> -> memref<40x16xf32, #tpu.memory_space<vmem_shared>>
    %dma_start3A_242 = arith.constant 0 : i32
    %dma_start3A_243 = arith.constant 0 : i32
    %dma_start3A_244 = tpu.memref_slice %arg13[%dma_start3A_233, %dma_start3A_242, %dma_start3A_243] : memref<2x40x16xf32, #tpu.memory_space<vmem>> -> memref<1x40x16xf32, #tpu.memory_space<vmem>>
    %dma_start3A_245 = tpu.memref_squeeze %dma_start3A_244 : memref<1x40x16xf32, #tpu.memory_space<vmem>> -> memref<40x16xf32, #tpu.memory_space<vmem>>
    tpu.enqueue_dma source(%dma_start3A_245 : memref<40x16xf32, #tpu.memory_space<vmem>>) target(%dma_start3A_241 : memref<40x16xf32, #tpu.memory_space<vmem_shared>>) target_semaphore(%arg22 : memref<!tpu.dma_semaphore, #tpu.memory_space<semaphore_mem>>)
    %mul3A_246 = arith.constant 625 : i32
    %mul3A_247 = arith.muli %arg1, %mul3A_246 : i32
    %add3A_248 = arith.constant 320 : i32
    %add3A_249 = arith.addi %mul3A_247, %add3A_248 : i32
    %dma_start3A_250 = arith.constant 0 : i32
    %dma_start3A_251 = arith.constant 0 : i32
    %dma_start3A_252 = arith.constant 0 : i32
    %dma_start3A_253 = tpu.memref_slice %arg12[%dma_start3A_250, %dma_start3A_251, %dma_start3A_252] : memref<2x40x128xf32, #tpu.memory_space<vmem>> -> memref<1x40x128xf32, #tpu.memory_space<vmem>>
    %dma_start3A_254 = tpu.memref_squeeze %dma_start3A_253 : memref<1x40x128xf32, #tpu.memory_space<vmem>> -> memref<40x128xf32, #tpu.memory_space<vmem>>
    %dma_start3A_255 = arith.constant 0 : i32
    %dma_start3A_256 = tpu.memref_slice %arg14[%add3A_249, %dma_start3A_255] : memref<10000x128xf32, #tpu.memory_space<vmem_shared>> -> memref<40x128xf32, #tpu.memory_space<vmem_shared>>
    %dma_start3A_257 = arith.constant 0 : i32
    %dma_start3A_258 = tpu.memref_slice %arg14[%add3A_249, %dma_start3A_257] : memref<10000x128xf32, #tpu.memory_space<vmem_shared>> -> memref<40x128xf32, #tpu.memory_space<vmem_shared>>
    %dma_start3A_259 = arith.constant 0 : i32
    %dma_start3A_260 = arith.constant 0 : i32
    %dma_start3A_261 = tpu.memref_slice %arg12[%dma_start3A_250, %dma_start3A_259, %dma_start3A_260] : memref<2x40x128xf32, #tpu.memory_space<vmem>> -> memref<1x40x128xf32, #tpu.memory_space<vmem>>
    %dma_start3A_262 = tpu.memref_squeeze %dma_start3A_261 : memref<1x40x128xf32, #tpu.memory_space<vmem>> -> memref<40x128xf32, #tpu.memory_space<vmem>>
    tpu.enqueue_dma source(%dma_start3A_262 : memref<40x128xf32, #tpu.memory_space<vmem>>) target(%dma_start3A_258 : memref<40x128xf32, #tpu.memory_space<vmem_shared>>) target_semaphore(%arg21 : memref<!tpu.dma_semaphore, #tpu.memory_space<semaphore_mem>>)
    %dma_start3A_263 = arith.constant 0 : i32
    %dma_start3A_264 = arith.constant 0 : i32
    %dma_start3A_265 = arith.constant 0 : i32
    %dma_start3A_266 = tpu.memref_slice %arg13[%dma_start3A_263, %dma_start3A_264, %dma_start3A_265] : memref<2x40x16xf32, #tpu.memory_space<vmem>> -> memref<1x40x16xf32, #tpu.memory_space<vmem>>
    %dma_start3A_267 = tpu.memref_squeeze %dma_start3A_266 : memref<1x40x16xf32, #tpu.memory_space<vmem>> -> memref<40x16xf32, #tpu.memory_space<vmem>>
    %dma_start3A_268 = arith.constant 0 : i32
    %dma_start3A_269 = tpu.memref_slice %arg15[%add3A_249, %dma_start3A_268] : memref<10000x16xf32, #tpu.memory_space<vmem_shared>> -> memref<40x16xf32, #tpu.memory_space<vmem_shared>>
    %dma_start3A_270 = arith.constant 0 : i32
    %dma_start3A_271 = tpu.memref_slice %arg15[%add3A_249, %dma_start3A_270] : memref<10000x16xf32, #tpu.memory_space<vmem_shared>> -> memref<40x16xf32, #tpu.memory_space<vmem_shared>>
    %dma_start3A_272 = arith.constant 0 : i32
    %dma_start3A_273 = arith.constant 0 : i32
    %dma_start3A_274 = tpu.memref_slice %arg13[%dma_start3A_263, %dma_start3A_272, %dma_start3A_273] : memref<2x40x16xf32, #tpu.memory_space<vmem>> -> memref<1x40x16xf32, #tpu.memory_space<vmem>>
    %dma_start3A_275 = tpu.memref_squeeze %dma_start3A_274 : memref<1x40x16xf32, #tpu.memory_space<vmem>> -> memref<40x16xf32, #tpu.memory_space<vmem>>
    tpu.enqueue_dma source(%dma_start3A_275 : memref<40x16xf32, #tpu.memory_space<vmem>>) target(%dma_start3A_271 : memref<40x16xf32, #tpu.memory_space<vmem_shared>>) target_semaphore(%arg22 : memref<!tpu.dma_semaphore, #tpu.memory_space<semaphore_mem>>)
    %mul3A_276 = arith.constant 625 : i32
    %mul3A_277 = arith.muli %arg1, %mul3A_276 : i32
    %add3A_278 = arith.constant 360 : i32
    %add3A_279 = arith.addi %mul3A_277, %add3A_278 : i32
    %dma_start3A_280 = arith.constant 0 : i32
    %dma_start3A_281 = arith.constant 0 : i32
    %dma_start3A_282 = arith.constant 0 : i32
    %dma_start3A_283 = tpu.memref_slice %arg12[%dma_start3A_280, %dma_start3A_281, %dma_start3A_282] : memref<2x40x128xf32, #tpu.memory_space<vmem>> -> memref<1x40x128xf32, #tpu.memory_space<vmem>>
    %dma_start3A_284 = tpu.memref_squeeze %dma_start3A_283 : memref<1x40x128xf32, #tpu.memory_space<vmem>> -> memref<40x128xf32, #tpu.memory_space<vmem>>
    %dma_start3A_285 = arith.constant 0 : i32
    %dma_start3A_286 = tpu.memref_slice %arg14[%add3A_279, %dma_start3A_285] : memref<10000x128xf32, #tpu.memory_space<vmem_shared>> -> memref<40x128xf32, #tpu.memory_space<vmem_shared>>
    %dma_start3A_287 = arith.constant 0 : i32
    %dma_start3A_288 = tpu.memref_slice %arg14[%add3A_279, %dma_start3A_287] : memref<10000x128xf32, #tpu.memory_space<vmem_shared>> -> memref<40x128xf32, #tpu.memory_space<vmem_shared>>
    %dma_start3A_289 = arith.constant 0 : i32
    %dma_start3A_290 = arith.constant 0 : i32
    %dma_start3A_291 = tpu.memref_slice %arg12[%dma_start3A_280, %dma_start3A_289, %dma_start3A_290] : memref<2x40x128xf32, #tpu.memory_space<vmem>> -> memref<1x40x128xf32, #tpu.memory_space<vmem>>
    %dma_start3A_292 = tpu.memref_squeeze %dma_start3A_291 : memref<1x40x128xf32, #tpu.memory_space<vmem>> -> memref<40x128xf32, #tpu.memory_space<vmem>>
    tpu.enqueue_dma source(%dma_start3A_292 : memref<40x128xf32, #tpu.memory_space<vmem>>) target(%dma_start3A_288 : memref<40x128xf32, #tpu.memory_space<vmem_shared>>) target_semaphore(%arg21 : memref<!tpu.dma_semaphore, #tpu.memory_space<semaphore_mem>>)
    %dma_start3A_293 = arith.constant 0 : i32
    %dma_start3A_294 = arith.constant 0 : i32
    %dma_start3A_295 = arith.constant 0 : i32
    %dma_start3A_296 = tpu.memref_slice %arg13[%dma_start3A_293, %dma_start3A_294, %dma_start3A_295] : memref<2x40x16xf32, #tpu.memory_space<vmem>> -> memref<1x40x16xf32, #tpu.memory_space<vmem>>
    %dma_start3A_297 = tpu.memref_squeeze %dma_start3A_296 : memref<1x40x16xf32, #tpu.memory_space<vmem>> -> memref<40x16xf32, #tpu.memory_space<vmem>>
    %dma_start3A_298 = arith.constant 0 : i32
    %dma_start3A_299 = tpu.memref_slice %arg15[%add3A_279, %dma_start3A_298] : memref<10000x16xf32, #tpu.memory_space<vmem_shared>> -> memref<40x16xf32, #tpu.memory_space<vmem_shared>>
    %dma_start3A_300 = arith.constant 0 : i32
    %dma_start3A_301 = tpu.memref_slice %arg15[%add3A_279, %dma_start3A_300] : memref<10000x16xf32, #tpu.memory_space<vmem_shared>> -> memref<40x16xf32, #tpu.memory_space<vmem_shared>>
    %dma_start3A_302 = arith.constant 0 : i32
    %dma_start3A_303 = arith.constant 0 : i32
    %dma_start3A_304 = tpu.memref_slice %arg13[%dma_start3A_293, %dma_start3A_302, %dma_start3A_303] : memref<2x40x16xf32, #tpu.memory_space<vmem>> -> memref<1x40x16xf32, #tpu.memory_space<vmem>>
    %dma_start3A_305 = tpu.memref_squeeze %dma_start3A_304 : memref<1x40x16xf32, #tpu.memory_space<vmem>> -> memref<40x16xf32, #tpu.memory_space<vmem>>
    tpu.enqueue_dma source(%dma_start3A_305 : memref<40x16xf32, #tpu.memory_space<vmem>>) target(%dma_start3A_301 : memref<40x16xf32, #tpu.memory_space<vmem_shared>>) target_semaphore(%arg22 : memref<!tpu.dma_semaphore, #tpu.memory_space<semaphore_mem>>)
    %mul3A_306 = arith.constant 625 : i32
    %mul3A_307 = arith.muli %arg1, %mul3A_306 : i32
    %add3A_308 = arith.constant 400 : i32
    %add3A_309 = arith.addi %mul3A_307, %add3A_308 : i32
    %dma_start3A_310 = arith.constant 0 : i32
    %dma_start3A_311 = arith.constant 0 : i32
    %dma_start3A_312 = arith.constant 0 : i32
    %dma_start3A_313 = tpu.memref_slice %arg12[%dma_start3A_310, %dma_start3A_311, %dma_start3A_312] : memref<2x40x128xf32, #tpu.memory_space<vmem>> -> memref<1x40x128xf32, #tpu.memory_space<vmem>>
    %dma_start3A_314 = tpu.memref_squeeze %dma_start3A_313 : memref<1x40x128xf32, #tpu.memory_space<vmem>> -> memref<40x128xf32, #tpu.memory_space<vmem>>
    %dma_start3A_315 = arith.constant 0 : i32
    %dma_start3A_316 = tpu.memref_slice %arg14[%add3A_309, %dma_start3A_315] : memref<10000x128xf32, #tpu.memory_space<vmem_shared>> -> memref<40x128xf32, #tpu.memory_space<vmem_shared>>
    %dma_start3A_317 = arith.constant 0 : i32
    %dma_start3A_318 = tpu.memref_slice %arg14[%add3A_309, %dma_start3A_317] : memref<10000x128xf32, #tpu.memory_space<vmem_shared>> -> memref<40x128xf32, #tpu.memory_space<vmem_shared>>
    %dma_start3A_319 = arith.constant 0 : i32
    %dma_start3A_320 = arith.constant 0 : i32
    %dma_start3A_321 = tpu.memref_slice %arg12[%dma_start3A_310, %dma_start3A_319, %dma_start3A_320] : memref<2x40x128xf32, #tpu.memory_space<vmem>> -> memref<1x40x128xf32, #tpu.memory_space<vmem>>
    %dma_start3A_322 = tpu.memref_squeeze %dma_start3A_321 : memref<1x40x128xf32, #tpu.memory_space<vmem>> -> memref<40x128xf32, #tpu.memory_space<vmem>>
    tpu.enqueue_dma source(%dma_start3A_322 : memref<40x128xf32, #tpu.memory_space<vmem>>) target(%dma_start3A_318 : memref<40x128xf32, #tpu.memory_space<vmem_shared>>) target_semaphore(%arg21 : memref<!tpu.dma_semaphore, #tpu.memory_space<semaphore_mem>>)
    %dma_start3A_323 = arith.constant 0 : i32
    %dma_start3A_324 = arith.constant 0 : i32
    %dma_start3A_325 = arith.constant 0 : i32
    %dma_start3A_326 = tpu.memref_slice %arg13[%dma_start3A_323, %dma_start3A_324, %dma_start3A_325] : memref<2x40x16xf32, #tpu.memory_space<vmem>> -> memref<1x40x16xf32, #tpu.memory_space<vmem>>
    %dma_start3A_327 = tpu.memref_squeeze %dma_start3A_326 : memref<1x40x16xf32, #tpu.memory_space<vmem>> -> memref<40x16xf32, #tpu.memory_space<vmem>>
    %dma_start3A_328 = arith.constant 0 : i32
    %dma_start3A_329 = tpu.memref_slice %arg15[%add3A_309, %dma_start3A_328] : memref<10000x16xf32, #tpu.memory_space<vmem_shared>> -> memref<40x16xf32, #tpu.memory_space<vmem_shared>>
    %dma_start3A_330 = arith.constant 0 : i32
    %dma_start3A_331 = tpu.memref_slice %arg15[%add3A_309, %dma_start3A_330] : memref<10000x16xf32, #tpu.memory_space<vmem_shared>> -> memref<40x16xf32, #tpu.memory_space<vmem_shared>>
    %dma_start3A_332 = arith.constant 0 : i32
    %dma_start3A_333 = arith.constant 0 : i32
    %dma_start3A_334 = tpu.memref_slice %arg13[%dma_start3A_323, %dma_start3A_332, %dma_start3A_333] : memref<2x40x16xf32, #tpu.memory_space<vmem>> -> memref<1x40x16xf32, #tpu.memory_space<vmem>>
    %dma_start3A_335 = tpu.memref_squeeze %dma_start3A_334 : memref<1x40x16xf32, #tpu.memory_space<vmem>> -> memref<40x16xf32, #tpu.memory_space<vmem>>
    tpu.enqueue_dma source(%dma_start3A_335 : memref<40x16xf32, #tpu.memory_space<vmem>>) target(%dma_start3A_331 : memref<40x16xf32, #tpu.memory_space<vmem_shared>>) target_semaphore(%arg22 : memref<!tpu.dma_semaphore, #tpu.memory_space<semaphore_mem>>)
    %mul3A_336 = arith.constant 625 : i32
    %mul3A_337 = arith.muli %arg1, %mul3A_336 : i32
    %add3A_338 = arith.constant 440 : i32
    %add3A_339 = arith.addi %mul3A_337, %add3A_338 : i32
    %dma_start3A_340 = arith.constant 0 : i32
    %dma_start3A_341 = arith.constant 0 : i32
    %dma_start3A_342 = arith.constant 0 : i32
    %dma_start3A_343 = tpu.memref_slice %arg12[%dma_start3A_340, %dma_start3A_341, %dma_start3A_342] : memref<2x40x128xf32, #tpu.memory_space<vmem>> -> memref<1x40x128xf32, #tpu.memory_space<vmem>>
    %dma_start3A_344 = tpu.memref_squeeze %dma_start3A_343 : memref<1x40x128xf32, #tpu.memory_space<vmem>> -> memref<40x128xf32, #tpu.memory_space<vmem>>
    %dma_start3A_345 = arith.constant 0 : i32
    %dma_start3A_346 = tpu.memref_slice %arg14[%add3A_339, %dma_start3A_345] : memref<10000x128xf32, #tpu.memory_space<vmem_shared>> -> memref<40x128xf32, #tpu.memory_space<vmem_shared>>
    %dma_start3A_347 = arith.constant 0 : i32
    %dma_start3A_348 = tpu.memref_slice %arg14[%add3A_339, %dma_start3A_347] : memref<10000x128xf32, #tpu.memory_space<vmem_shared>> -> memref<40x128xf32, #tpu.memory_space<vmem_shared>>
    %dma_start3A_349 = arith.constant 0 : i32
    %dma_start3A_350 = arith.constant 0 : i32
    %dma_start3A_351 = tpu.memref_slice %arg12[%dma_start3A_340, %dma_start3A_349, %dma_start3A_350] : memref<2x40x128xf32, #tpu.memory_space<vmem>> -> memref<1x40x128xf32, #tpu.memory_space<vmem>>
    %dma_start3A_352 = tpu.memref_squeeze %dma_start3A_351 : memref<1x40x128xf32, #tpu.memory_space<vmem>> -> memref<40x128xf32, #tpu.memory_space<vmem>>
    tpu.enqueue_dma source(%dma_start3A_352 : memref<40x128xf32, #tpu.memory_space<vmem>>) target(%dma_start3A_348 : memref<40x128xf32, #tpu.memory_space<vmem_shared>>) target_semaphore(%arg21 : memref<!tpu.dma_semaphore, #tpu.memory_space<semaphore_mem>>)
    %dma_start3A_353 = arith.constant 0 : i32
    %dma_start3A_354 = arith.constant 0 : i32
    %dma_start3A_355 = arith.constant 0 : i32
    %dma_start3A_356 = tpu.memref_slice %arg13[%dma_start3A_353, %dma_start3A_354, %dma_start3A_355] : memref<2x40x16xf32, #tpu.memory_space<vmem>> -> memref<1x40x16xf32, #tpu.memory_space<vmem>>
    %dma_start3A_357 = tpu.memref_squeeze %dma_start3A_356 : memref<1x40x16xf32, #tpu.memory_space<vmem>> -> memref<40x16xf32, #tpu.memory_space<vmem>>
    %dma_start3A_358 = arith.constant 0 : i32
    %dma_start3A_359 = tpu.memref_slice %arg15[%add3A_339, %dma_start3A_358] : memref<10000x16xf32, #tpu.memory_space<vmem_shared>> -> memref<40x16xf32, #tpu.memory_space<vmem_shared>>
    %dma_start3A_360 = arith.constant 0 : i32
    %dma_start3A_361 = tpu.memref_slice %arg15[%add3A_339, %dma_start3A_360] : memref<10000x16xf32, #tpu.memory_space<vmem_shared>> -> memref<40x16xf32, #tpu.memory_space<vmem_shared>>
    %dma_start3A_362 = arith.constant 0 : i32
    %dma_start3A_363 = arith.constant 0 : i32
    %dma_start3A_364 = tpu.memref_slice %arg13[%dma_start3A_353, %dma_start3A_362, %dma_start3A_363] : memref<2x40x16xf32, #tpu.memory_space<vmem>> -> memref<1x40x16xf32, #tpu.memory_space<vmem>>
    %dma_start3A_365 = tpu.memref_squeeze %dma_start3A_364 : memref<1x40x16xf32, #tpu.memory_space<vmem>> -> memref<40x16xf32, #tpu.memory_space<vmem>>
    tpu.enqueue_dma source(%dma_start3A_365 : memref<40x16xf32, #tpu.memory_space<vmem>>) target(%dma_start3A_361 : memref<40x16xf32, #tpu.memory_space<vmem_shared>>) target_semaphore(%arg22 : memref<!tpu.dma_semaphore, #tpu.memory_space<semaphore_mem>>)
    %mul3A_366 = arith.constant 625 : i32
    %mul3A_367 = arith.muli %arg1, %mul3A_366 : i32
    %add3A_368 = arith.constant 480 : i32
    %add3A_369 = arith.addi %mul3A_367, %add3A_368 : i32
    %dma_start3A_370 = arith.constant 0 : i32
    %dma_start3A_371 = arith.constant 0 : i32
    %dma_start3A_372 = arith.constant 0 : i32
    %dma_start3A_373 = tpu.memref_slice %arg12[%dma_start3A_370, %dma_start3A_371, %dma_start3A_372] : memref<2x40x128xf32, #tpu.memory_space<vmem>> -> memref<1x40x128xf32, #tpu.memory_space<vmem>>
    %dma_start3A_374 = tpu.memref_squeeze %dma_start3A_373 : memref<1x40x128xf32, #tpu.memory_space<vmem>> -> memref<40x128xf32, #tpu.memory_space<vmem>>
    %dma_start3A_375 = arith.constant 0 : i32
    %dma_start3A_376 = tpu.memref_slice %arg14[%add3A_369, %dma_start3A_375] : memref<10000x128xf32, #tpu.memory_space<vmem_shared>> -> memref<40x128xf32, #tpu.memory_space<vmem_shared>>
    %dma_start3A_377 = arith.constant 0 : i32
    %dma_start3A_378 = tpu.memref_slice %arg14[%add3A_369, %dma_start3A_377] : memref<10000x128xf32, #tpu.memory_space<vmem_shared>> -> memref<40x128xf32, #tpu.memory_space<vmem_shared>>
    %dma_start3A_379 = arith.constant 0 : i32
    %dma_start3A_380 = arith.constant 0 : i32
    %dma_start3A_381 = tpu.memref_slice %arg12[%dma_start3A_370, %dma_start3A_379, %dma_start3A_380] : memref<2x40x128xf32, #tpu.memory_space<vmem>> -> memref<1x40x128xf32, #tpu.memory_space<vmem>>
    %dma_start3A_382 = tpu.memref_squeeze %dma_start3A_381 : memref<1x40x128xf32, #tpu.memory_space<vmem>> -> memref<40x128xf32, #tpu.memory_space<vmem>>
    tpu.enqueue_dma source(%dma_start3A_382 : memref<40x128xf32, #tpu.memory_space<vmem>>) target(%dma_start3A_378 : memref<40x128xf32, #tpu.memory_space<vmem_shared>>) target_semaphore(%arg21 : memref<!tpu.dma_semaphore, #tpu.memory_space<semaphore_mem>>)
    %dma_start3A_383 = arith.constant 0 : i32
    %dma_start3A_384 = arith.constant 0 : i32
    %dma_start3A_385 = arith.constant 0 : i32
    %dma_start3A_386 = tpu.memref_slice %arg13[%dma_start3A_383, %dma_start3A_384, %dma_start3A_385] : memref<2x40x16xf32, #tpu.memory_space<vmem>> -> memref<1x40x16xf32, #tpu.memory_space<vmem>>
    %dma_start3A_387 = tpu.memref_squeeze %dma_start3A_386 : memref<1x40x16xf32, #tpu.memory_space<vmem>> -> memref<40x16xf32, #tpu.memory_space<vmem>>
    %dma_start3A_388 = arith.constant 0 : i32
    %dma_start3A_389 = tpu.memref_slice %arg15[%add3A_369, %dma_start3A_388] : memref<10000x16xf32, #tpu.memory_space<vmem_shared>> -> memref<40x16xf32, #tpu.memory_space<vmem_shared>>
    %dma_start3A_390 = arith.constant 0 : i32
    %dma_start3A_391 = tpu.memref_slice %arg15[%add3A_369, %dma_start3A_390] : memref<10000x16xf32, #tpu.memory_space<vmem_shared>> -> memref<40x16xf32, #tpu.memory_space<vmem_shared>>
    %dma_start3A_392 = arith.constant 0 : i32
    %dma_start3A_393 = arith.constant 0 : i32
    %dma_start3A_394 = tpu.memref_slice %arg13[%dma_start3A_383, %dma_start3A_392, %dma_start3A_393] : memref<2x40x16xf32, #tpu.memory_space<vmem>> -> memref<1x40x16xf32, #tpu.memory_space<vmem>>
    %dma_start3A_395 = tpu.memref_squeeze %dma_start3A_394 : memref<1x40x16xf32, #tpu.memory_space<vmem>> -> memref<40x16xf32, #tpu.memory_space<vmem>>
    tpu.enqueue_dma source(%dma_start3A_395 : memref<40x16xf32, #tpu.memory_space<vmem>>) target(%dma_start3A_391 : memref<40x16xf32, #tpu.memory_space<vmem_shared>>) target_semaphore(%arg22 : memref<!tpu.dma_semaphore, #tpu.memory_space<semaphore_mem>>)
    %mul3A_396 = arith.constant 625 : i32
    %mul3A_397 = arith.muli %arg1, %mul3A_396 : i32
    %add3A_398 = arith.constant 520 : i32
    %add3A_399 = arith.addi %mul3A_397, %add3A_398 : i32
    %dma_start3A_400 = arith.constant 0 : i32
    %dma_start3A_401 = arith.constant 0 : i32
    %dma_start3A_402 = arith.constant 0 : i32
    %dma_start3A_403 = tpu.memref_slice %arg12[%dma_start3A_400, %dma_start3A_401, %dma_start3A_402] : memref<2x40x128xf32, #tpu.memory_space<vmem>> -> memref<1x40x128xf32, #tpu.memory_space<vmem>>
    %dma_start3A_404 = tpu.memref_squeeze %dma_start3A_403 : memref<1x40x128xf32, #tpu.memory_space<vmem>> -> memref<40x128xf32, #tpu.memory_space<vmem>>
    %dma_start3A_405 = arith.constant 0 : i32
    %dma_start3A_406 = tpu.memref_slice %arg14[%add3A_399, %dma_start3A_405] : memref<10000x128xf32, #tpu.memory_space<vmem_shared>> -> memref<40x128xf32, #tpu.memory_space<vmem_shared>>
    %dma_start3A_407 = arith.constant 0 : i32
    %dma_start3A_408 = tpu.memref_slice %arg14[%add3A_399, %dma_start3A_407] : memref<10000x128xf32, #tpu.memory_space<vmem_shared>> -> memref<40x128xf32, #tpu.memory_space<vmem_shared>>
    %dma_start3A_409 = arith.constant 0 : i32
    %dma_start3A_410 = arith.constant 0 : i32
    %dma_start3A_411 = tpu.memref_slice %arg12[%dma_start3A_400, %dma_start3A_409, %dma_start3A_410] : memref<2x40x128xf32, #tpu.memory_space<vmem>> -> memref<1x40x128xf32, #tpu.memory_space<vmem>>
    %dma_start3A_412 = tpu.memref_squeeze %dma_start3A_411 : memref<1x40x128xf32, #tpu.memory_space<vmem>> -> memref<40x128xf32, #tpu.memory_space<vmem>>
    tpu.enqueue_dma source(%dma_start3A_412 : memref<40x128xf32, #tpu.memory_space<vmem>>) target(%dma_start3A_408 : memref<40x128xf32, #tpu.memory_space<vmem_shared>>) target_semaphore(%arg21 : memref<!tpu.dma_semaphore, #tpu.memory_space<semaphore_mem>>)
    %dma_start3A_413 = arith.constant 0 : i32
    %dma_start3A_414 = arith.constant 0 : i32
    %dma_start3A_415 = arith.constant 0 : i32
    %dma_start3A_416 = tpu.memref_slice %arg13[%dma_start3A_413, %dma_start3A_414, %dma_start3A_415] : memref<2x40x16xf32, #tpu.memory_space<vmem>> -> memref<1x40x16xf32, #tpu.memory_space<vmem>>
    %dma_start3A_417 = tpu.memref_squeeze %dma_start3A_416 : memref<1x40x16xf32, #tpu.memory_space<vmem>> -> memref<40x16xf32, #tpu.memory_space<vmem>>
    %dma_start3A_418 = arith.constant 0 : i32
    %dma_start3A_419 = tpu.memref_slice %arg15[%add3A_399, %dma_start3A_418] : memref<10000x16xf32, #tpu.memory_space<vmem_shared>> -> memref<40x16xf32, #tpu.memory_space<vmem_shared>>
    %dma_start3A_420 = arith.constant 0 : i32
    %dma_start3A_421 = tpu.memref_slice %arg15[%add3A_399, %dma_start3A_420] : memref<10000x16xf32, #tpu.memory_space<vmem_shared>> -> memref<40x16xf32, #tpu.memory_space<vmem_shared>>
    %dma_start3A_422 = arith.constant 0 : i32
    %dma_start3A_423 = arith.constant 0 : i32
    %dma_start3A_424 = tpu.memref_slice %arg13[%dma_start3A_413, %dma_start3A_422, %dma_start3A_423] : memref<2x40x16xf32, #tpu.memory_space<vmem>> -> memref<1x40x16xf32, #tpu.memory_space<vmem>>
    %dma_start3A_425 = tpu.memref_squeeze %dma_start3A_424 : memref<1x40x16xf32, #tpu.memory_space<vmem>> -> memref<40x16xf32, #tpu.memory_space<vmem>>
    tpu.enqueue_dma source(%dma_start3A_425 : memref<40x16xf32, #tpu.memory_space<vmem>>) target(%dma_start3A_421 : memref<40x16xf32, #tpu.memory_space<vmem_shared>>) target_semaphore(%arg22 : memref<!tpu.dma_semaphore, #tpu.memory_space<semaphore_mem>>)
    %mul3A_426 = arith.constant 625 : i32
    %mul3A_427 = arith.muli %arg1, %mul3A_426 : i32
    %add3A_428 = arith.constant 560 : i32
    %add3A_429 = arith.addi %mul3A_427, %add3A_428 : i32
    %dma_start3A_430 = arith.constant 0 : i32
    %dma_start3A_431 = arith.constant 0 : i32
    %dma_start3A_432 = arith.constant 0 : i32
    %dma_start3A_433 = tpu.memref_slice %arg12[%dma_start3A_430, %dma_start3A_431, %dma_start3A_432] : memref<2x40x128xf32, #tpu.memory_space<vmem>> -> memref<1x40x128xf32, #tpu.memory_space<vmem>>
    %dma_start3A_434 = tpu.memref_squeeze %dma_start3A_433 : memref<1x40x128xf32, #tpu.memory_space<vmem>> -> memref<40x128xf32, #tpu.memory_space<vmem>>
    %dma_start3A_435 = arith.constant 0 : i32
    %dma_start3A_436 = tpu.memref_slice %arg14[%add3A_429, %dma_start3A_435] : memref<10000x128xf32, #tpu.memory_space<vmem_shared>> -> memref<40x128xf32, #tpu.memory_space<vmem_shared>>
    %dma_start3A_437 = arith.constant 0 : i32
    %dma_start3A_438 = tpu.memref_slice %arg14[%add3A_429, %dma_start3A_437] : memref<10000x128xf32, #tpu.memory_space<vmem_shared>> -> memref<40x128xf32, #tpu.memory_space<vmem_shared>>
    %dma_start3A_439 = arith.constant 0 : i32
    %dma_start3A_440 = arith.constant 0 : i32
    %dma_start3A_441 = tpu.memref_slice %arg12[%dma_start3A_430, %dma_start3A_439, %dma_start3A_440] : memref<2x40x128xf32, #tpu.memory_space<vmem>> -> memref<1x40x128xf32, #tpu.memory_space<vmem>>
    %dma_start3A_442 = tpu.memref_squeeze %dma_start3A_441 : memref<1x40x128xf32, #tpu.memory_space<vmem>> -> memref<40x128xf32, #tpu.memory_space<vmem>>
    tpu.enqueue_dma source(%dma_start3A_442 : memref<40x128xf32, #tpu.memory_space<vmem>>) target(%dma_start3A_438 : memref<40x128xf32, #tpu.memory_space<vmem_shared>>) target_semaphore(%arg21 : memref<!tpu.dma_semaphore, #tpu.memory_space<semaphore_mem>>)
    %dma_start3A_443 = arith.constant 0 : i32
    %dma_start3A_444 = arith.constant 0 : i32
    %dma_start3A_445 = arith.constant 0 : i32
    %dma_start3A_446 = tpu.memref_slice %arg13[%dma_start3A_443, %dma_start3A_444, %dma_start3A_445] : memref<2x40x16xf32, #tpu.memory_space<vmem>> -> memref<1x40x16xf32, #tpu.memory_space<vmem>>
    %dma_start3A_447 = tpu.memref_squeeze %dma_start3A_446 : memref<1x40x16xf32, #tpu.memory_space<vmem>> -> memref<40x16xf32, #tpu.memory_space<vmem>>
    %dma_start3A_448 = arith.constant 0 : i32
    %dma_start3A_449 = tpu.memref_slice %arg15[%add3A_429, %dma_start3A_448] : memref<10000x16xf32, #tpu.memory_space<vmem_shared>> -> memref<40x16xf32, #tpu.memory_space<vmem_shared>>
    %dma_start3A_450 = arith.constant 0 : i32
    %dma_start3A_451 = tpu.memref_slice %arg15[%add3A_429, %dma_start3A_450] : memref<10000x16xf32, #tpu.memory_space<vmem_shared>> -> memref<40x16xf32, #tpu.memory_space<vmem_shared>>
    %dma_start3A_452 = arith.constant 0 : i32
    %dma_start3A_453 = arith.constant 0 : i32
    %dma_start3A_454 = tpu.memref_slice %arg13[%dma_start3A_443, %dma_start3A_452, %dma_start3A_453] : memref<2x40x16xf32, #tpu.memory_space<vmem>> -> memref<1x40x16xf32, #tpu.memory_space<vmem>>
    %dma_start3A_455 = tpu.memref_squeeze %dma_start3A_454 : memref<1x40x16xf32, #tpu.memory_space<vmem>> -> memref<40x16xf32, #tpu.memory_space<vmem>>
    tpu.enqueue_dma source(%dma_start3A_455 : memref<40x16xf32, #tpu.memory_space<vmem>>) target(%dma_start3A_451 : memref<40x16xf32, #tpu.memory_space<vmem_shared>>) target_semaphore(%arg22 : memref<!tpu.dma_semaphore, #tpu.memory_space<semaphore_mem>>)
    %mul3A_456 = arith.constant 625 : i32
    %mul3A_457 = arith.muli %arg1, %mul3A_456 : i32
    %add3A_458 = arith.constant 600 : i32
    %add3A_459 = arith.addi %mul3A_457, %add3A_458 : i32
    %dma_start3A_460 = arith.constant 0 : i32
    %dma_start3A_461 = arith.constant 0 : i32
    %dma_start3A_462 = arith.constant 0 : i32
    %dma_start3A_463 = tpu.memref_slice %arg12[%dma_start3A_460, %dma_start3A_461, %dma_start3A_462] : memref<2x40x128xf32, #tpu.memory_space<vmem>> -> memref<1x25x128xf32, #tpu.memory_space<vmem>>
    %dma_start3A_464 = tpu.memref_squeeze %dma_start3A_463 : memref<1x25x128xf32, #tpu.memory_space<vmem>> -> memref<25x128xf32, #tpu.memory_space<vmem>>
    %dma_start3A_465 = arith.constant 0 : i32
    %dma_start3A_466 = tpu.memref_slice %arg14[%add3A_459, %dma_start3A_465] : memref<10000x128xf32, #tpu.memory_space<vmem_shared>> -> memref<25x128xf32, #tpu.memory_space<vmem_shared>>
    %dma_start3A_467 = arith.constant 0 : i32
    %dma_start3A_468 = tpu.memref_slice %arg14[%add3A_459, %dma_start3A_467] : memref<10000x128xf32, #tpu.memory_space<vmem_shared>> -> memref<25x128xf32, #tpu.memory_space<vmem_shared>>
    %dma_start3A_469 = arith.constant 0 : i32
    %dma_start3A_470 = arith.constant 0 : i32
    %dma_start3A_471 = tpu.memref_slice %arg12[%dma_start3A_460, %dma_start3A_469, %dma_start3A_470] : memref<2x40x128xf32, #tpu.memory_space<vmem>> -> memref<1x25x128xf32, #tpu.memory_space<vmem>>
    %dma_start3A_472 = tpu.memref_squeeze %dma_start3A_471 : memref<1x25x128xf32, #tpu.memory_space<vmem>> -> memref<25x128xf32, #tpu.memory_space<vmem>>
    tpu.enqueue_dma source(%dma_start3A_472 : memref<25x128xf32, #tpu.memory_space<vmem>>) target(%dma_start3A_468 : memref<25x128xf32, #tpu.memory_space<vmem_shared>>) target_semaphore(%arg21 : memref<!tpu.dma_semaphore, #tpu.memory_space<semaphore_mem>>)
    %dma_start3A_473 = arith.constant 0 : i32
    %dma_start3A_474 = arith.constant 0 : i32
    %dma_start3A_475 = arith.constant 0 : i32
    %dma_start3A_476 = tpu.memref_slice %arg13[%dma_start3A_473, %dma_start3A_474, %dma_start3A_475] : memref<2x40x16xf32, #tpu.memory_space<vmem>> -> memref<1x25x16xf32, #tpu.memory_space<vmem>>
    %dma_start3A_477 = tpu.memref_squeeze %dma_start3A_476 : memref<1x25x16xf32, #tpu.memory_space<vmem>> -> memref<25x16xf32, #tpu.memory_space<vmem>>
    %dma_start3A_478 = arith.constant 0 : i32
    %dma_start3A_479 = tpu.memref_slice %arg15[%add3A_459, %dma_start3A_478] : memref<10000x16xf32, #tpu.memory_space<vmem_shared>> -> memref<25x16xf32, #tpu.memory_space<vmem_shared>>
    %dma_start3A_480 = arith.constant 0 : i32
    %dma_start3A_481 = tpu.memref_slice %arg15[%add3A_459, %dma_start3A_480] : memref<10000x16xf32, #tpu.memory_space<vmem_shared>> -> memref<25x16xf32, #tpu.memory_space<vmem_shared>>
    %dma_start3A_482 = arith.constant 0 : i32
    %dma_start3A_483 = arith.constant 0 : i32
    %dma_start3A_484 = tpu.memref_slice %arg13[%dma_start3A_473, %dma_start3A_482, %dma_start3A_483] : memref<2x40x16xf32, #tpu.memory_space<vmem>> -> memref<1x25x16xf32, #tpu.memory_space<vmem>>
    %dma_start3A_485 = tpu.memref_squeeze %dma_start3A_484 : memref<1x25x16xf32, #tpu.memory_space<vmem>> -> memref<25x16xf32, #tpu.memory_space<vmem>>
    tpu.enqueue_dma source(%dma_start3A_485 : memref<25x16xf32, #tpu.memory_space<vmem>>) target(%dma_start3A_481 : memref<25x16xf32, #tpu.memory_space<vmem_shared>>) target_semaphore(%arg22 : memref<!tpu.dma_semaphore, #tpu.memory_space<semaphore_mem>>)
    %dma_wait3A = arith.constant 0 : i32
    %dma_wait3A_486 = arith.constant 0 : i32
    %dma_wait3A_487 = arith.constant 0 : i32
    %dma_wait3A_488 = tpu.memref_slice %arg12[%dma_wait3A, %dma_wait3A_486, %dma_wait3A_487] : memref<2x40x128xf32, #tpu.memory_space<vmem>> -> memref<1x40x128xf32, #tpu.memory_space<vmem>>
    %dma_wait3A_489 = tpu.memref_squeeze %dma_wait3A_488 : memref<1x40x128xf32, #tpu.memory_space<vmem>> -> memref<40x128xf32, #tpu.memory_space<vmem>>
    %dma_wait3A_490 = arith.constant 0 : i32
    %dma_wait3A_491 = tpu.memref_slice %arg14[%add3A_10, %dma_wait3A_490] : memref<10000x128xf32, #tpu.memory_space<vmem_shared>> -> memref<40x128xf32, #tpu.memory_space<vmem_shared>>
    %dma_wait3A_492 = arith.constant 0 : i32
    %dma_wait3A_493 = tpu.memref_slice %arg14[%add3A_10, %dma_wait3A_492] : memref<10000x128xf32, #tpu.memory_space<vmem_shared>> -> memref<40x128xf32, #tpu.memory_space<vmem_shared>>
    %dma_wait3A_494 = arith.constant 0 : i32
    %dma_wait3A_495 = arith.constant 0 : i32
    %dma_wait3A_496 = tpu.memref_slice %arg12[%dma_wait3A, %dma_wait3A_494, %dma_wait3A_495] : memref<2x40x128xf32, #tpu.memory_space<vmem>> -> memref<1x40x128xf32, #tpu.memory_space<vmem>>
    %dma_wait3A_497 = tpu.memref_squeeze %dma_wait3A_496 : memref<1x40x128xf32, #tpu.memory_space<vmem>> -> memref<40x128xf32, #tpu.memory_space<vmem>>
    tpu.wait_dma2 semaphore(%arg21 : memref<!tpu.dma_semaphore, #tpu.memory_space<semaphore_mem>>) src(%dma_wait3A_497 : memref<40x128xf32, #tpu.memory_space<vmem>>) dst(%dma_wait3A_493 : memref<40x128xf32, #tpu.memory_space<vmem_shared>>)
    %dma_wait3A_498 = arith.constant 0 : i32
    %dma_wait3A_499 = arith.constant 0 : i32
    %dma_wait3A_500 = arith.constant 0 : i32
    %dma_wait3A_501 = tpu.memref_slice %arg13[%dma_wait3A_498, %dma_wait3A_499, %dma_wait3A_500] : memref<2x40x16xf32, #tpu.memory_space<vmem>> -> memref<1x40x16xf32, #tpu.memory_space<vmem>>
    %dma_wait3A_502 = tpu.memref_squeeze %dma_wait3A_501 : memref<1x40x16xf32, #tpu.memory_space<vmem>> -> memref<40x16xf32, #tpu.memory_space<vmem>>
    %dma_wait3A_503 = arith.constant 0 : i32
    %dma_wait3A_504 = tpu.memref_slice %arg15[%add3A_10, %dma_wait3A_503] : memref<10000x16xf32, #tpu.memory_space<vmem_shared>> -> memref<40x16xf32, #tpu.memory_space<vmem_shared>>
    %dma_wait3A_505 = arith.constant 0 : i32
    %dma_wait3A_506 = tpu.memref_slice %arg15[%add3A_10, %dma_wait3A_505] : memref<10000x16xf32, #tpu.memory_space<vmem_shared>> -> memref<40x16xf32, #tpu.memory_space<vmem_shared>>
    %dma_wait3A_507 = arith.constant 0 : i32
    %dma_wait3A_508 = arith.constant 0 : i32
    %dma_wait3A_509 = tpu.memref_slice %arg13[%dma_wait3A_498, %dma_wait3A_507, %dma_wait3A_508] : memref<2x40x16xf32, #tpu.memory_space<vmem>> -> memref<1x40x16xf32, #tpu.memory_space<vmem>>
    %dma_wait3A_510 = tpu.memref_squeeze %dma_wait3A_509 : memref<1x40x16xf32, #tpu.memory_space<vmem>> -> memref<40x16xf32, #tpu.memory_space<vmem>>
    tpu.wait_dma2 semaphore(%arg22 : memref<!tpu.dma_semaphore, #tpu.memory_space<semaphore_mem>>) src(%dma_wait3A_510 : memref<40x16xf32, #tpu.memory_space<vmem>>) dst(%dma_wait3A_506 : memref<40x16xf32, #tpu.memory_space<vmem_shared>>)
    %dma_wait3A_511 = arith.constant 0 : i32
    %dma_wait3A_512 = arith.constant 0 : i32
    %dma_wait3A_513 = arith.constant 0 : i32
    %dma_wait3A_514 = tpu.memref_slice %arg12[%dma_wait3A_511, %dma_wait3A_512, %dma_wait3A_513] : memref<2x40x128xf32, #tpu.memory_space<vmem>> -> memref<1x40x128xf32, #tpu.memory_space<vmem>>
    %dma_wait3A_515 = tpu.memref_squeeze %dma_wait3A_514 : memref<1x40x128xf32, #tpu.memory_space<vmem>> -> memref<40x128xf32, #tpu.memory_space<vmem>>
    %dma_wait3A_516 = arith.constant 0 : i32
    %dma_wait3A_517 = tpu.memref_slice %arg14[%add3A_39, %dma_wait3A_516] : memref<10000x128xf32, #tpu.memory_space<vmem_shared>> -> memref<40x128xf32, #tpu.memory_space<vmem_shared>>
    %dma_wait3A_518 = arith.constant 0 : i32
    %dma_wait3A_519 = tpu.memref_slice %arg14[%add3A_39, %dma_wait3A_518] : memref<10000x128xf32, #tpu.memory_space<vmem_shared>> -> memref<40x128xf32, #tpu.memory_space<vmem_shared>>
    %dma_wait3A_520 = arith.constant 0 : i32
    %dma_wait3A_521 = arith.constant 0 : i32
    %dma_wait3A_522 = tpu.memref_slice %arg12[%dma_wait3A_511, %dma_wait3A_520, %dma_wait3A_521] : memref<2x40x128xf32, #tpu.memory_space<vmem>> -> memref<1x40x128xf32, #tpu.memory_space<vmem>>
    %dma_wait3A_523 = tpu.memref_squeeze %dma_wait3A_522 : memref<1x40x128xf32, #tpu.memory_space<vmem>> -> memref<40x128xf32, #tpu.memory_space<vmem>>
    tpu.wait_dma2 semaphore(%arg21 : memref<!tpu.dma_semaphore, #tpu.memory_space<semaphore_mem>>) src(%dma_wait3A_523 : memref<40x128xf32, #tpu.memory_space<vmem>>) dst(%dma_wait3A_519 : memref<40x128xf32, #tpu.memory_space<vmem_shared>>)
    %dma_wait3A_524 = arith.constant 0 : i32
    %dma_wait3A_525 = arith.constant 0 : i32
    %dma_wait3A_526 = arith.constant 0 : i32
    %dma_wait3A_527 = tpu.memref_slice %arg13[%dma_wait3A_524, %dma_wait3A_525, %dma_wait3A_526] : memref<2x40x16xf32, #tpu.memory_space<vmem>> -> memref<1x40x16xf32, #tpu.memory_space<vmem>>
    %dma_wait3A_528 = tpu.memref_squeeze %dma_wait3A_527 : memref<1x40x16xf32, #tpu.memory_space<vmem>> -> memref<40x16xf32, #tpu.memory_space<vmem>>
    %dma_wait3A_529 = arith.constant 0 : i32
    %dma_wait3A_530 = tpu.memref_slice %arg15[%add3A_39, %dma_wait3A_529] : memref<10000x16xf32, #tpu.memory_space<vmem_shared>> -> memref<40x16xf32, #tpu.memory_space<vmem_shared>>
    %dma_wait3A_531 = arith.constant 0 : i32
    %dma_wait3A_532 = tpu.memref_slice %arg15[%add3A_39, %dma_wait3A_531] : memref<10000x16xf32, #tpu.memory_space<vmem_shared>> -> memref<40x16xf32, #tpu.memory_space<vmem_shared>>
    %dma_wait3A_533 = arith.constant 0 : i32
    %dma_wait3A_534 = arith.constant 0 : i32
    %dma_wait3A_535 = tpu.memref_slice %arg13[%dma_wait3A_524, %dma_wait3A_533, %dma_wait3A_534] : memref<2x40x16xf32, #tpu.memory_space<vmem>> -> memref<1x40x16xf32, #tpu.memory_space<vmem>>
    %dma_wait3A_536 = tpu.memref_squeeze %dma_wait3A_535 : memref<1x40x16xf32, #tpu.memory_space<vmem>> -> memref<40x16xf32, #tpu.memory_space<vmem>>
    tpu.wait_dma2 semaphore(%arg22 : memref<!tpu.dma_semaphore, #tpu.memory_space<semaphore_mem>>) src(%dma_wait3A_536 : memref<40x16xf32, #tpu.memory_space<vmem>>) dst(%dma_wait3A_532 : memref<40x16xf32, #tpu.memory_space<vmem_shared>>)
    %dma_wait3A_537 = arith.constant 0 : i32
    %dma_wait3A_538 = arith.constant 0 : i32
    %dma_wait3A_539 = arith.constant 0 : i32
    %dma_wait3A_540 = tpu.memref_slice %arg12[%dma_wait3A_537, %dma_wait3A_538, %dma_wait3A_539] : memref<2x40x128xf32, #tpu.memory_space<vmem>> -> memref<1x40x128xf32, #tpu.memory_space<vmem>>
    %dma_wait3A_541 = tpu.memref_squeeze %dma_wait3A_540 : memref<1x40x128xf32, #tpu.memory_space<vmem>> -> memref<40x128xf32, #tpu.memory_space<vmem>>
    %dma_wait3A_542 = arith.constant 0 : i32
    %dma_wait3A_543 = tpu.memref_slice %arg14[%add3A_69, %dma_wait3A_542] : memref<10000x128xf32, #tpu.memory_space<vmem_shared>> -> memref<40x128xf32, #tpu.memory_space<vmem_shared>>
    %dma_wait3A_544 = arith.constant 0 : i32
    %dma_wait3A_545 = tpu.memref_slice %arg14[%add3A_69, %dma_wait3A_544] : memref<10000x128xf32, #tpu.memory_space<vmem_shared>> -> memref<40x128xf32, #tpu.memory_space<vmem_shared>>
    %dma_wait3A_546 = arith.constant 0 : i32
    %dma_wait3A_547 = arith.constant 0 : i32
    %dma_wait3A_548 = tpu.memref_slice %arg12[%dma_wait3A_537, %dma_wait3A_546, %dma_wait3A_547] : memref<2x40x128xf32, #tpu.memory_space<vmem>> -> memref<1x40x128xf32, #tpu.memory_space<vmem>>
    %dma_wait3A_549 = tpu.memref_squeeze %dma_wait3A_548 : memref<1x40x128xf32, #tpu.memory_space<vmem>> -> memref<40x128xf32, #tpu.memory_space<vmem>>
    tpu.wait_dma2 semaphore(%arg21 : memref<!tpu.dma_semaphore, #tpu.memory_space<semaphore_mem>>) src(%dma_wait3A_549 : memref<40x128xf32, #tpu.memory_space<vmem>>) dst(%dma_wait3A_545 : memref<40x128xf32, #tpu.memory_space<vmem_shared>>)
    %dma_wait3A_550 = arith.constant 0 : i32
    %dma_wait3A_551 = arith.constant 0 : i32
    %dma_wait3A_552 = arith.constant 0 : i32
    %dma_wait3A_553 = tpu.memref_slice %arg13[%dma_wait3A_550, %dma_wait3A_551, %dma_wait3A_552] : memref<2x40x16xf32, #tpu.memory_space<vmem>> -> memref<1x40x16xf32, #tpu.memory_space<vmem>>
    %dma_wait3A_554 = tpu.memref_squeeze %dma_wait3A_553 : memref<1x40x16xf32, #tpu.memory_space<vmem>> -> memref<40x16xf32, #tpu.memory_space<vmem>>
    %dma_wait3A_555 = arith.constant 0 : i32
    %dma_wait3A_556 = tpu.memref_slice %arg15[%add3A_69, %dma_wait3A_555] : memref<10000x16xf32, #tpu.memory_space<vmem_shared>> -> memref<40x16xf32, #tpu.memory_space<vmem_shared>>
    %dma_wait3A_557 = arith.constant 0 : i32
    %dma_wait3A_558 = tpu.memref_slice %arg15[%add3A_69, %dma_wait3A_557] : memref<10000x16xf32, #tpu.memory_space<vmem_shared>> -> memref<40x16xf32, #tpu.memory_space<vmem_shared>>
    %dma_wait3A_559 = arith.constant 0 : i32
    %dma_wait3A_560 = arith.constant 0 : i32
    %dma_wait3A_561 = tpu.memref_slice %arg13[%dma_wait3A_550, %dma_wait3A_559, %dma_wait3A_560] : memref<2x40x16xf32, #tpu.memory_space<vmem>> -> memref<1x40x16xf32, #tpu.memory_space<vmem>>
    %dma_wait3A_562 = tpu.memref_squeeze %dma_wait3A_561 : memref<1x40x16xf32, #tpu.memory_space<vmem>> -> memref<40x16xf32, #tpu.memory_space<vmem>>
    tpu.wait_dma2 semaphore(%arg22 : memref<!tpu.dma_semaphore, #tpu.memory_space<semaphore_mem>>) src(%dma_wait3A_562 : memref<40x16xf32, #tpu.memory_space<vmem>>) dst(%dma_wait3A_558 : memref<40x16xf32, #tpu.memory_space<vmem_shared>>)
    %dma_wait3A_563 = arith.constant 0 : i32
    %dma_wait3A_564 = arith.constant 0 : i32
    %dma_wait3A_565 = arith.constant 0 : i32
    %dma_wait3A_566 = tpu.memref_slice %arg12[%dma_wait3A_563, %dma_wait3A_564, %dma_wait3A_565] : memref<2x40x128xf32, #tpu.memory_space<vmem>> -> memref<1x40x128xf32, #tpu.memory_space<vmem>>
    %dma_wait3A_567 = tpu.memref_squeeze %dma_wait3A_566 : memref<1x40x128xf32, #tpu.memory_space<vmem>> -> memref<40x128xf32, #tpu.memory_space<vmem>>
    %dma_wait3A_568 = arith.constant 0 : i32
    %dma_wait3A_569 = tpu.memref_slice %arg14[%add3A_99, %dma_wait3A_568] : memref<10000x128xf32, #tpu.memory_space<vmem_shared>> -> memref<40x128xf32, #tpu.memory_space<vmem_shared>>
    %dma_wait3A_570 = arith.constant 0 : i32
    %dma_wait3A_571 = tpu.memref_slice %arg14[%add3A_99, %dma_wait3A_570] : memref<10000x128xf32, #tpu.memory_space<vmem_shared>> -> memref<40x128xf32, #tpu.memory_space<vmem_shared>>
    %dma_wait3A_572 = arith.constant 0 : i32
    %dma_wait3A_573 = arith.constant 0 : i32
    %dma_wait3A_574 = tpu.memref_slice %arg12[%dma_wait3A_563, %dma_wait3A_572, %dma_wait3A_573] : memref<2x40x128xf32, #tpu.memory_space<vmem>> -> memref<1x40x128xf32, #tpu.memory_space<vmem>>
    %dma_wait3A_575 = tpu.memref_squeeze %dma_wait3A_574 : memref<1x40x128xf32, #tpu.memory_space<vmem>> -> memref<40x128xf32, #tpu.memory_space<vmem>>
    tpu.wait_dma2 semaphore(%arg21 : memref<!tpu.dma_semaphore, #tpu.memory_space<semaphore_mem>>) src(%dma_wait3A_575 : memref<40x128xf32, #tpu.memory_space<vmem>>) dst(%dma_wait3A_571 : memref<40x128xf32, #tpu.memory_space<vmem_shared>>)
    %dma_wait3A_576 = arith.constant 0 : i32
    %dma_wait3A_577 = arith.constant 0 : i32
    %dma_wait3A_578 = arith.constant 0 : i32
    %dma_wait3A_579 = tpu.memref_slice %arg13[%dma_wait3A_576, %dma_wait3A_577, %dma_wait3A_578] : memref<2x40x16xf32, #tpu.memory_space<vmem>> -> memref<1x40x16xf32, #tpu.memory_space<vmem>>
    %dma_wait3A_580 = tpu.memref_squeeze %dma_wait3A_579 : memref<1x40x16xf32, #tpu.memory_space<vmem>> -> memref<40x16xf32, #tpu.memory_space<vmem>>
    %dma_wait3A_581 = arith.constant 0 : i32
    %dma_wait3A_582 = tpu.memref_slice %arg15[%add3A_99, %dma_wait3A_581] : memref<10000x16xf32, #tpu.memory_space<vmem_shared>> -> memref<40x16xf32, #tpu.memory_space<vmem_shared>>
    %dma_wait3A_583 = arith.constant 0 : i32
    %dma_wait3A_584 = tpu.memref_slice %arg15[%add3A_99, %dma_wait3A_583] : memref<10000x16xf32, #tpu.memory_space<vmem_shared>> -> memref<40x16xf32, #tpu.memory_space<vmem_shared>>
    %dma_wait3A_585 = arith.constant 0 : i32
    %dma_wait3A_586 = arith.constant 0 : i32
    %dma_wait3A_587 = tpu.memref_slice %arg13[%dma_wait3A_576, %dma_wait3A_585, %dma_wait3A_586] : memref<2x40x16xf32, #tpu.memory_space<vmem>> -> memref<1x40x16xf32, #tpu.memory_space<vmem>>
    %dma_wait3A_588 = tpu.memref_squeeze %dma_wait3A_587 : memref<1x40x16xf32, #tpu.memory_space<vmem>> -> memref<40x16xf32, #tpu.memory_space<vmem>>
    tpu.wait_dma2 semaphore(%arg22 : memref<!tpu.dma_semaphore, #tpu.memory_space<semaphore_mem>>) src(%dma_wait3A_588 : memref<40x16xf32, #tpu.memory_space<vmem>>) dst(%dma_wait3A_584 : memref<40x16xf32, #tpu.memory_space<vmem_shared>>)
    %dma_wait3A_589 = arith.constant 0 : i32
    %dma_wait3A_590 = arith.constant 0 : i32
    %dma_wait3A_591 = arith.constant 0 : i32
    %dma_wait3A_592 = tpu.memref_slice %arg12[%dma_wait3A_589, %dma_wait3A_590, %dma_wait3A_591] : memref<2x40x128xf32, #tpu.memory_space<vmem>> -> memref<1x40x128xf32, #tpu.memory_space<vmem>>
    %dma_wait3A_593 = tpu.memref_squeeze %dma_wait3A_592 : memref<1x40x128xf32, #tpu.memory_space<vmem>> -> memref<40x128xf32, #tpu.memory_space<vmem>>
    %dma_wait3A_594 = arith.constant 0 : i32
    %dma_wait3A_595 = tpu.memref_slice %arg14[%add3A_129, %dma_wait3A_594] : memref<10000x128xf32, #tpu.memory_space<vmem_shared>> -> memref<40x128xf32, #tpu.memory_space<vmem_shared>>
    %dma_wait3A_596 = arith.constant 0 : i32
    %dma_wait3A_597 = tpu.memref_slice %arg14[%add3A_129, %dma_wait3A_596] : memref<10000x128xf32, #tpu.memory_space<vmem_shared>> -> memref<40x128xf32, #tpu.memory_space<vmem_shared>>
    %dma_wait3A_598 = arith.constant 0 : i32
    %dma_wait3A_599 = arith.constant 0 : i32
    %dma_wait3A_600 = tpu.memref_slice %arg12[%dma_wait3A_589, %dma_wait3A_598, %dma_wait3A_599] : memref<2x40x128xf32, #tpu.memory_space<vmem>> -> memref<1x40x128xf32, #tpu.memory_space<vmem>>
    %dma_wait3A_601 = tpu.memref_squeeze %dma_wait3A_600 : memref<1x40x128xf32, #tpu.memory_space<vmem>> -> memref<40x128xf32, #tpu.memory_space<vmem>>
    tpu.wait_dma2 semaphore(%arg21 : memref<!tpu.dma_semaphore, #tpu.memory_space<semaphore_mem>>) src(%dma_wait3A_601 : memref<40x128xf32, #tpu.memory_space<vmem>>) dst(%dma_wait3A_597 : memref<40x128xf32, #tpu.memory_space<vmem_shared>>)
    %dma_wait3A_602 = arith.constant 0 : i32
    %dma_wait3A_603 = arith.constant 0 : i32
    %dma_wait3A_604 = arith.constant 0 : i32
    %dma_wait3A_605 = tpu.memref_slice %arg13[%dma_wait3A_602, %dma_wait3A_603, %dma_wait3A_604] : memref<2x40x16xf32, #tpu.memory_space<vmem>> -> memref<1x40x16xf32, #tpu.memory_space<vmem>>
    %dma_wait3A_606 = tpu.memref_squeeze %dma_wait3A_605 : memref<1x40x16xf32, #tpu.memory_space<vmem>> -> memref<40x16xf32, #tpu.memory_space<vmem>>
    %dma_wait3A_607 = arith.constant 0 : i32
    %dma_wait3A_608 = tpu.memref_slice %arg15[%add3A_129, %dma_wait3A_607] : memref<10000x16xf32, #tpu.memory_space<vmem_shared>> -> memref<40x16xf32, #tpu.memory_space<vmem_shared>>
    %dma_wait3A_609 = arith.constant 0 : i32
    %dma_wait3A_610 = tpu.memref_slice %arg15[%add3A_129, %dma_wait3A_609] : memref<10000x16xf32, #tpu.memory_space<vmem_shared>> -> memref<40x16xf32, #tpu.memory_space<vmem_shared>>
    %dma_wait3A_611 = arith.constant 0 : i32
    %dma_wait3A_612 = arith.constant 0 : i32
    %dma_wait3A_613 = tpu.memref_slice %arg13[%dma_wait3A_602, %dma_wait3A_611, %dma_wait3A_612] : memref<2x40x16xf32, #tpu.memory_space<vmem>> -> memref<1x40x16xf32, #tpu.memory_space<vmem>>
    %dma_wait3A_614 = tpu.memref_squeeze %dma_wait3A_613 : memref<1x40x16xf32, #tpu.memory_space<vmem>> -> memref<40x16xf32, #tpu.memory_space<vmem>>
    tpu.wait_dma2 semaphore(%arg22 : memref<!tpu.dma_semaphore, #tpu.memory_space<semaphore_mem>>) src(%dma_wait3A_614 : memref<40x16xf32, #tpu.memory_space<vmem>>) dst(%dma_wait3A_610 : memref<40x16xf32, #tpu.memory_space<vmem_shared>>)
    %dma_wait3A_615 = arith.constant 0 : i32
    %dma_wait3A_616 = arith.constant 0 : i32
    %dma_wait3A_617 = arith.constant 0 : i32
    %dma_wait3A_618 = tpu.memref_slice %arg12[%dma_wait3A_615, %dma_wait3A_616, %dma_wait3A_617] : memref<2x40x128xf32, #tpu.memory_space<vmem>> -> memref<1x40x128xf32, #tpu.memory_space<vmem>>
    %dma_wait3A_619 = tpu.memref_squeeze %dma_wait3A_618 : memref<1x40x128xf32, #tpu.memory_space<vmem>> -> memref<40x128xf32, #tpu.memory_space<vmem>>
    %dma_wait3A_620 = arith.constant 0 : i32
    %dma_wait3A_621 = tpu.memref_slice %arg14[%add3A_159, %dma_wait3A_620] : memref<10000x128xf32, #tpu.memory_space<vmem_shared>> -> memref<40x128xf32, #tpu.memory_space<vmem_shared>>
    %dma_wait3A_622 = arith.constant 0 : i32
    %dma_wait3A_623 = tpu.memref_slice %arg14[%add3A_159, %dma_wait3A_622] : memref<10000x128xf32, #tpu.memory_space<vmem_shared>> -> memref<40x128xf32, #tpu.memory_space<vmem_shared>>
    %dma_wait3A_624 = arith.constant 0 : i32
    %dma_wait3A_625 = arith.constant 0 : i32
    %dma_wait3A_626 = tpu.memref_slice %arg12[%dma_wait3A_615, %dma_wait3A_624, %dma_wait3A_625] : memref<2x40x128xf32, #tpu.memory_space<vmem>> -> memref<1x40x128xf32, #tpu.memory_space<vmem>>
    %dma_wait3A_627 = tpu.memref_squeeze %dma_wait3A_626 : memref<1x40x128xf32, #tpu.memory_space<vmem>> -> memref<40x128xf32, #tpu.memory_space<vmem>>
    tpu.wait_dma2 semaphore(%arg21 : memref<!tpu.dma_semaphore, #tpu.memory_space<semaphore_mem>>) src(%dma_wait3A_627 : memref<40x128xf32, #tpu.memory_space<vmem>>) dst(%dma_wait3A_623 : memref<40x128xf32, #tpu.memory_space<vmem_shared>>)
    %dma_wait3A_628 = arith.constant 0 : i32
    %dma_wait3A_629 = arith.constant 0 : i32
    %dma_wait3A_630 = arith.constant 0 : i32
    %dma_wait3A_631 = tpu.memref_slice %arg13[%dma_wait3A_628, %dma_wait3A_629, %dma_wait3A_630] : memref<2x40x16xf32, #tpu.memory_space<vmem>> -> memref<1x40x16xf32, #tpu.memory_space<vmem>>
    %dma_wait3A_632 = tpu.memref_squeeze %dma_wait3A_631 : memref<1x40x16xf32, #tpu.memory_space<vmem>> -> memref<40x16xf32, #tpu.memory_space<vmem>>
    %dma_wait3A_633 = arith.constant 0 : i32
    %dma_wait3A_634 = tpu.memref_slice %arg15[%add3A_159, %dma_wait3A_633] : memref<10000x16xf32, #tpu.memory_space<vmem_shared>> -> memref<40x16xf32, #tpu.memory_space<vmem_shared>>
    %dma_wait3A_635 = arith.constant 0 : i32
    %dma_wait3A_636 = tpu.memref_slice %arg15[%add3A_159, %dma_wait3A_635] : memref<10000x16xf32, #tpu.memory_space<vmem_shared>> -> memref<40x16xf32, #tpu.memory_space<vmem_shared>>
    %dma_wait3A_637 = arith.constant 0 : i32
    %dma_wait3A_638 = arith.constant 0 : i32
    %dma_wait3A_639 = tpu.memref_slice %arg13[%dma_wait3A_628, %dma_wait3A_637, %dma_wait3A_638] : memref<2x40x16xf32, #tpu.memory_space<vmem>> -> memref<1x40x16xf32, #tpu.memory_space<vmem>>
    %dma_wait3A_640 = tpu.memref_squeeze %dma_wait3A_639 : memref<1x40x16xf32, #tpu.memory_space<vmem>> -> memref<40x16xf32, #tpu.memory_space<vmem>>
    tpu.wait_dma2 semaphore(%arg22 : memref<!tpu.dma_semaphore, #tpu.memory_space<semaphore_mem>>) src(%dma_wait3A_640 : memref<40x16xf32, #tpu.memory_space<vmem>>) dst(%dma_wait3A_636 : memref<40x16xf32, #tpu.memory_space<vmem_shared>>)
    %dma_wait3A_641 = arith.constant 0 : i32
    %dma_wait3A_642 = arith.constant 0 : i32
    %dma_wait3A_643 = arith.constant 0 : i32
    %dma_wait3A_644 = tpu.memref_slice %arg12[%dma_wait3A_641, %dma_wait3A_642, %dma_wait3A_643] : memref<2x40x128xf32, #tpu.memory_space<vmem>> -> memref<1x40x128xf32, #tpu.memory_space<vmem>>
    %dma_wait3A_645 = tpu.memref_squeeze %dma_wait3A_644 : memref<1x40x128xf32, #tpu.memory_space<vmem>> -> memref<40x128xf32, #tpu.memory_space<vmem>>
    %dma_wait3A_646 = arith.constant 0 : i32
    %dma_wait3A_647 = tpu.memref_slice %arg14[%add3A_189, %dma_wait3A_646] : memref<10000x128xf32, #tpu.memory_space<vmem_shared>> -> memref<40x128xf32, #tpu.memory_space<vmem_shared>>
    %dma_wait3A_648 = arith.constant 0 : i32
    %dma_wait3A_649 = tpu.memref_slice %arg14[%add3A_189, %dma_wait3A_648] : memref<10000x128xf32, #tpu.memory_space<vmem_shared>> -> memref<40x128xf32, #tpu.memory_space<vmem_shared>>
    %dma_wait3A_650 = arith.constant 0 : i32
    %dma_wait3A_651 = arith.constant 0 : i32
    %dma_wait3A_652 = tpu.memref_slice %arg12[%dma_wait3A_641, %dma_wait3A_650, %dma_wait3A_651] : memref<2x40x128xf32, #tpu.memory_space<vmem>> -> memref<1x40x128xf32, #tpu.memory_space<vmem>>
    %dma_wait3A_653 = tpu.memref_squeeze %dma_wait3A_652 : memref<1x40x128xf32, #tpu.memory_space<vmem>> -> memref<40x128xf32, #tpu.memory_space<vmem>>
    tpu.wait_dma2 semaphore(%arg21 : memref<!tpu.dma_semaphore, #tpu.memory_space<semaphore_mem>>) src(%dma_wait3A_653 : memref<40x128xf32, #tpu.memory_space<vmem>>) dst(%dma_wait3A_649 : memref<40x128xf32, #tpu.memory_space<vmem_shared>>)
    %dma_wait3A_654 = arith.constant 0 : i32
    %dma_wait3A_655 = arith.constant 0 : i32
    %dma_wait3A_656 = arith.constant 0 : i32
    %dma_wait3A_657 = tpu.memref_slice %arg13[%dma_wait3A_654, %dma_wait3A_655, %dma_wait3A_656] : memref<2x40x16xf32, #tpu.memory_space<vmem>> -> memref<1x40x16xf32, #tpu.memory_space<vmem>>
    %dma_wait3A_658 = tpu.memref_squeeze %dma_wait3A_657 : memref<1x40x16xf32, #tpu.memory_space<vmem>> -> memref<40x16xf32, #tpu.memory_space<vmem>>
    %dma_wait3A_659 = arith.constant 0 : i32
    %dma_wait3A_660 = tpu.memref_slice %arg15[%add3A_189, %dma_wait3A_659] : memref<10000x16xf32, #tpu.memory_space<vmem_shared>> -> memref<40x16xf32, #tpu.memory_space<vmem_shared>>
    %dma_wait3A_661 = arith.constant 0 : i32
    %dma_wait3A_662 = tpu.memref_slice %arg15[%add3A_189, %dma_wait3A_661] : memref<10000x16xf32, #tpu.memory_space<vmem_shared>> -> memref<40x16xf32, #tpu.memory_space<vmem_shared>>
    %dma_wait3A_663 = arith.constant 0 : i32
    %dma_wait3A_664 = arith.constant 0 : i32
    %dma_wait3A_665 = tpu.memref_slice %arg13[%dma_wait3A_654, %dma_wait3A_663, %dma_wait3A_664] : memref<2x40x16xf32, #tpu.memory_space<vmem>> -> memref<1x40x16xf32, #tpu.memory_space<vmem>>
    %dma_wait3A_666 = tpu.memref_squeeze %dma_wait3A_665 : memref<1x40x16xf32, #tpu.memory_space<vmem>> -> memref<40x16xf32, #tpu.memory_space<vmem>>
    tpu.wait_dma2 semaphore(%arg22 : memref<!tpu.dma_semaphore, #tpu.memory_space<semaphore_mem>>) src(%dma_wait3A_666 : memref<40x16xf32, #tpu.memory_space<vmem>>) dst(%dma_wait3A_662 : memref<40x16xf32, #tpu.memory_space<vmem_shared>>)
    %dma_wait3A_667 = arith.constant 0 : i32
    %dma_wait3A_668 = arith.constant 0 : i32
    %dma_wait3A_669 = arith.constant 0 : i32
    %dma_wait3A_670 = tpu.memref_slice %arg12[%dma_wait3A_667, %dma_wait3A_668, %dma_wait3A_669] : memref<2x40x128xf32, #tpu.memory_space<vmem>> -> memref<1x40x128xf32, #tpu.memory_space<vmem>>
    %dma_wait3A_671 = tpu.memref_squeeze %dma_wait3A_670 : memref<1x40x128xf32, #tpu.memory_space<vmem>> -> memref<40x128xf32, #tpu.memory_space<vmem>>
    %dma_wait3A_672 = arith.constant 0 : i32
    %dma_wait3A_673 = tpu.memref_slice %arg14[%add3A_219, %dma_wait3A_672] : memref<10000x128xf32, #tpu.memory_space<vmem_shared>> -> memref<40x128xf32, #tpu.memory_space<vmem_shared>>
    %dma_wait3A_674 = arith.constant 0 : i32
    %dma_wait3A_675 = tpu.memref_slice %arg14[%add3A_219, %dma_wait3A_674] : memref<10000x128xf32, #tpu.memory_space<vmem_shared>> -> memref<40x128xf32, #tpu.memory_space<vmem_shared>>
    %dma_wait3A_676 = arith.constant 0 : i32
    %dma_wait3A_677 = arith.constant 0 : i32
    %dma_wait3A_678 = tpu.memref_slice %arg12[%dma_wait3A_667, %dma_wait3A_676, %dma_wait3A_677] : memref<2x40x128xf32, #tpu.memory_space<vmem>> -> memref<1x40x128xf32, #tpu.memory_space<vmem>>
    %dma_wait3A_679 = tpu.memref_squeeze %dma_wait3A_678 : memref<1x40x128xf32, #tpu.memory_space<vmem>> -> memref<40x128xf32, #tpu.memory_space<vmem>>
    tpu.wait_dma2 semaphore(%arg21 : memref<!tpu.dma_semaphore, #tpu.memory_space<semaphore_mem>>) src(%dma_wait3A_679 : memref<40x128xf32, #tpu.memory_space<vmem>>) dst(%dma_wait3A_675 : memref<40x128xf32, #tpu.memory_space<vmem_shared>>)
    %dma_wait3A_680 = arith.constant 0 : i32
    %dma_wait3A_681 = arith.constant 0 : i32
    %dma_wait3A_682 = arith.constant 0 : i32
    %dma_wait3A_683 = tpu.memref_slice %arg13[%dma_wait3A_680, %dma_wait3A_681, %dma_wait3A_682] : memref<2x40x16xf32, #tpu.memory_space<vmem>> -> memref<1x40x16xf32, #tpu.memory_space<vmem>>
    %dma_wait3A_684 = tpu.memref_squeeze %dma_wait3A_683 : memref<1x40x16xf32, #tpu.memory_space<vmem>> -> memref<40x16xf32, #tpu.memory_space<vmem>>
    %dma_wait3A_685 = arith.constant 0 : i32
    %dma_wait3A_686 = tpu.memref_slice %arg15[%add3A_219, %dma_wait3A_685] : memref<10000x16xf32, #tpu.memory_space<vmem_shared>> -> memref<40x16xf32, #tpu.memory_space<vmem_shared>>
    %dma_wait3A_687 = arith.constant 0 : i32
    %dma_wait3A_688 = tpu.memref_slice %arg15[%add3A_219, %dma_wait3A_687] : memref<10000x16xf32, #tpu.memory_space<vmem_shared>> -> memref<40x16xf32, #tpu.memory_space<vmem_shared>>
    %dma_wait3A_689 = arith.constant 0 : i32
    %dma_wait3A_690 = arith.constant 0 : i32
    %dma_wait3A_691 = tpu.memref_slice %arg13[%dma_wait3A_680, %dma_wait3A_689, %dma_wait3A_690] : memref<2x40x16xf32, #tpu.memory_space<vmem>> -> memref<1x40x16xf32, #tpu.memory_space<vmem>>
    %dma_wait3A_692 = tpu.memref_squeeze %dma_wait3A_691 : memref<1x40x16xf32, #tpu.memory_space<vmem>> -> memref<40x16xf32, #tpu.memory_space<vmem>>
    tpu.wait_dma2 semaphore(%arg22 : memref<!tpu.dma_semaphore, #tpu.memory_space<semaphore_mem>>) src(%dma_wait3A_692 : memref<40x16xf32, #tpu.memory_space<vmem>>) dst(%dma_wait3A_688 : memref<40x16xf32, #tpu.memory_space<vmem_shared>>)
    %dma_wait3A_693 = arith.constant 0 : i32
    %dma_wait3A_694 = arith.constant 0 : i32
    %dma_wait3A_695 = arith.constant 0 : i32
    %dma_wait3A_696 = tpu.memref_slice %arg12[%dma_wait3A_693, %dma_wait3A_694, %dma_wait3A_695] : memref<2x40x128xf32, #tpu.memory_space<vmem>> -> memref<1x40x128xf32, #tpu.memory_space<vmem>>
    %dma_wait3A_697 = tpu.memref_squeeze %dma_wait3A_696 : memref<1x40x128xf32, #tpu.memory_space<vmem>> -> memref<40x128xf32, #tpu.memory_space<vmem>>
    %dma_wait3A_698 = arith.constant 0 : i32
    %dma_wait3A_699 = tpu.memref_slice %arg14[%add3A_249, %dma_wait3A_698] : memref<10000x128xf32, #tpu.memory_space<vmem_shared>> -> memref<40x128xf32, #tpu.memory_space<vmem_shared>>
    %dma_wait3A_700 = arith.constant 0 : i32
    %dma_wait3A_701 = tpu.memref_slice %arg14[%add3A_249, %dma_wait3A_700] : memref<10000x128xf32, #tpu.memory_space<vmem_shared>> -> memref<40x128xf32, #tpu.memory_space<vmem_shared>>
    %dma_wait3A_702 = arith.constant 0 : i32
    %dma_wait3A_703 = arith.constant 0 : i32
    %dma_wait3A_704 = tpu.memref_slice %arg12[%dma_wait3A_693, %dma_wait3A_702, %dma_wait3A_703] : memref<2x40x128xf32, #tpu.memory_space<vmem>> -> memref<1x40x128xf32, #tpu.memory_space<vmem>>
    %dma_wait3A_705 = tpu.memref_squeeze %dma_wait3A_704 : memref<1x40x128xf32, #tpu.memory_space<vmem>> -> memref<40x128xf32, #tpu.memory_space<vmem>>
    tpu.wait_dma2 semaphore(%arg21 : memref<!tpu.dma_semaphore, #tpu.memory_space<semaphore_mem>>) src(%dma_wait3A_705 : memref<40x128xf32, #tpu.memory_space<vmem>>) dst(%dma_wait3A_701 : memref<40x128xf32, #tpu.memory_space<vmem_shared>>)
    %dma_wait3A_706 = arith.constant 0 : i32
    %dma_wait3A_707 = arith.constant 0 : i32
    %dma_wait3A_708 = arith.constant 0 : i32
    %dma_wait3A_709 = tpu.memref_slice %arg13[%dma_wait3A_706, %dma_wait3A_707, %dma_wait3A_708] : memref<2x40x16xf32, #tpu.memory_space<vmem>> -> memref<1x40x16xf32, #tpu.memory_space<vmem>>
    %dma_wait3A_710 = tpu.memref_squeeze %dma_wait3A_709 : memref<1x40x16xf32, #tpu.memory_space<vmem>> -> memref<40x16xf32, #tpu.memory_space<vmem>>
    %dma_wait3A_711 = arith.constant 0 : i32
    %dma_wait3A_712 = tpu.memref_slice %arg15[%add3A_249, %dma_wait3A_711] : memref<10000x16xf32, #tpu.memory_space<vmem_shared>> -> memref<40x16xf32, #tpu.memory_space<vmem_shared>>
    %dma_wait3A_713 = arith.constant 0 : i32
    %dma_wait3A_714 = tpu.memref_slice %arg15[%add3A_249, %dma_wait3A_713] : memref<10000x16xf32, #tpu.memory_space<vmem_shared>> -> memref<40x16xf32, #tpu.memory_space<vmem_shared>>
    %dma_wait3A_715 = arith.constant 0 : i32
    %dma_wait3A_716 = arith.constant 0 : i32
    %dma_wait3A_717 = tpu.memref_slice %arg13[%dma_wait3A_706, %dma_wait3A_715, %dma_wait3A_716] : memref<2x40x16xf32, #tpu.memory_space<vmem>> -> memref<1x40x16xf32, #tpu.memory_space<vmem>>
    %dma_wait3A_718 = tpu.memref_squeeze %dma_wait3A_717 : memref<1x40x16xf32, #tpu.memory_space<vmem>> -> memref<40x16xf32, #tpu.memory_space<vmem>>
    tpu.wait_dma2 semaphore(%arg22 : memref<!tpu.dma_semaphore, #tpu.memory_space<semaphore_mem>>) src(%dma_wait3A_718 : memref<40x16xf32, #tpu.memory_space<vmem>>) dst(%dma_wait3A_714 : memref<40x16xf32, #tpu.memory_space<vmem_shared>>)
    %dma_wait3A_719 = arith.constant 0 : i32
    %dma_wait3A_720 = arith.constant 0 : i32
    %dma_wait3A_721 = arith.constant 0 : i32
    %dma_wait3A_722 = tpu.memref_slice %arg12[%dma_wait3A_719, %dma_wait3A_720, %dma_wait3A_721] : memref<2x40x128xf32, #tpu.memory_space<vmem>> -> memref<1x40x128xf32, #tpu.memory_space<vmem>>
    %dma_wait3A_723 = tpu.memref_squeeze %dma_wait3A_722 : memref<1x40x128xf32, #tpu.memory_space<vmem>> -> memref<40x128xf32, #tpu.memory_space<vmem>>
    %dma_wait3A_724 = arith.constant 0 : i32
    %dma_wait3A_725 = tpu.memref_slice %arg14[%add3A_279, %dma_wait3A_724] : memref<10000x128xf32, #tpu.memory_space<vmem_shared>> -> memref<40x128xf32, #tpu.memory_space<vmem_shared>>
    %dma_wait3A_726 = arith.constant 0 : i32
    %dma_wait3A_727 = tpu.memref_slice %arg14[%add3A_279, %dma_wait3A_726] : memref<10000x128xf32, #tpu.memory_space<vmem_shared>> -> memref<40x128xf32, #tpu.memory_space<vmem_shared>>
    %dma_wait3A_728 = arith.constant 0 : i32
    %dma_wait3A_729 = arith.constant 0 : i32
    %dma_wait3A_730 = tpu.memref_slice %arg12[%dma_wait3A_719, %dma_wait3A_728, %dma_wait3A_729] : memref<2x40x128xf32, #tpu.memory_space<vmem>> -> memref<1x40x128xf32, #tpu.memory_space<vmem>>
    %dma_wait3A_731 = tpu.memref_squeeze %dma_wait3A_730 : memref<1x40x128xf32, #tpu.memory_space<vmem>> -> memref<40x128xf32, #tpu.memory_space<vmem>>
    tpu.wait_dma2 semaphore(%arg21 : memref<!tpu.dma_semaphore, #tpu.memory_space<semaphore_mem>>) src(%dma_wait3A_731 : memref<40x128xf32, #tpu.memory_space<vmem>>) dst(%dma_wait3A_727 : memref<40x128xf32, #tpu.memory_space<vmem_shared>>)
    %dma_wait3A_732 = arith.constant 0 : i32
    %dma_wait3A_733 = arith.constant 0 : i32
    %dma_wait3A_734 = arith.constant 0 : i32
    %dma_wait3A_735 = tpu.memref_slice %arg13[%dma_wait3A_732, %dma_wait3A_733, %dma_wait3A_734] : memref<2x40x16xf32, #tpu.memory_space<vmem>> -> memref<1x40x16xf32, #tpu.memory_space<vmem>>
    %dma_wait3A_736 = tpu.memref_squeeze %dma_wait3A_735 : memref<1x40x16xf32, #tpu.memory_space<vmem>> -> memref<40x16xf32, #tpu.memory_space<vmem>>
    %dma_wait3A_737 = arith.constant 0 : i32
    %dma_wait3A_738 = tpu.memref_slice %arg15[%add3A_279, %dma_wait3A_737] : memref<10000x16xf32, #tpu.memory_space<vmem_shared>> -> memref<40x16xf32, #tpu.memory_space<vmem_shared>>
    %dma_wait3A_739 = arith.constant 0 : i32
    %dma_wait3A_740 = tpu.memref_slice %arg15[%add3A_279, %dma_wait3A_739] : memref<10000x16xf32, #tpu.memory_space<vmem_shared>> -> memref<40x16xf32, #tpu.memory_space<vmem_shared>>
    %dma_wait3A_741 = arith.constant 0 : i32
    %dma_wait3A_742 = arith.constant 0 : i32
    %dma_wait3A_743 = tpu.memref_slice %arg13[%dma_wait3A_732, %dma_wait3A_741, %dma_wait3A_742] : memref<2x40x16xf32, #tpu.memory_space<vmem>> -> memref<1x40x16xf32, #tpu.memory_space<vmem>>
    %dma_wait3A_744 = tpu.memref_squeeze %dma_wait3A_743 : memref<1x40x16xf32, #tpu.memory_space<vmem>> -> memref<40x16xf32, #tpu.memory_space<vmem>>
    tpu.wait_dma2 semaphore(%arg22 : memref<!tpu.dma_semaphore, #tpu.memory_space<semaphore_mem>>) src(%dma_wait3A_744 : memref<40x16xf32, #tpu.memory_space<vmem>>) dst(%dma_wait3A_740 : memref<40x16xf32, #tpu.memory_space<vmem_shared>>)
    %dma_wait3A_745 = arith.constant 0 : i32
    %dma_wait3A_746 = arith.constant 0 : i32
    %dma_wait3A_747 = arith.constant 0 : i32
    %dma_wait3A_748 = tpu.memref_slice %arg12[%dma_wait3A_745, %dma_wait3A_746, %dma_wait3A_747] : memref<2x40x128xf32, #tpu.memory_space<vmem>> -> memref<1x40x128xf32, #tpu.memory_space<vmem>>
    %dma_wait3A_749 = tpu.memref_squeeze %dma_wait3A_748 : memref<1x40x128xf32, #tpu.memory_space<vmem>> -> memref<40x128xf32, #tpu.memory_space<vmem>>
    %dma_wait3A_750 = arith.constant 0 : i32
    %dma_wait3A_751 = tpu.memref_slice %arg14[%add3A_309, %dma_wait3A_750] : memref<10000x128xf32, #tpu.memory_space<vmem_shared>> -> memref<40x128xf32, #tpu.memory_space<vmem_shared>>
    %dma_wait3A_752 = arith.constant 0 : i32
    %dma_wait3A_753 = tpu.memref_slice %arg14[%add3A_309, %dma_wait3A_752] : memref<10000x128xf32, #tpu.memory_space<vmem_shared>> -> memref<40x128xf32, #tpu.memory_space<vmem_shared>>
    %dma_wait3A_754 = arith.constant 0 : i32
    %dma_wait3A_755 = arith.constant 0 : i32
    %dma_wait3A_756 = tpu.memref_slice %arg12[%dma_wait3A_745, %dma_wait3A_754, %dma_wait3A_755] : memref<2x40x128xf32, #tpu.memory_space<vmem>> -> memref<1x40x128xf32, #tpu.memory_space<vmem>>
    %dma_wait3A_757 = tpu.memref_squeeze %dma_wait3A_756 : memref<1x40x128xf32, #tpu.memory_space<vmem>> -> memref<40x128xf32, #tpu.memory_space<vmem>>
    tpu.wait_dma2 semaphore(%arg21 : memref<!tpu.dma_semaphore, #tpu.memory_space<semaphore_mem>>) src(%dma_wait3A_757 : memref<40x128xf32, #tpu.memory_space<vmem>>) dst(%dma_wait3A_753 : memref<40x128xf32, #tpu.memory_space<vmem_shared>>)
    %dma_wait3A_758 = arith.constant 0 : i32
    %dma_wait3A_759 = arith.constant 0 : i32
    %dma_wait3A_760 = arith.constant 0 : i32
    %dma_wait3A_761 = tpu.memref_slice %arg13[%dma_wait3A_758, %dma_wait3A_759, %dma_wait3A_760] : memref<2x40x16xf32, #tpu.memory_space<vmem>> -> memref<1x40x16xf32, #tpu.memory_space<vmem>>
    %dma_wait3A_762 = tpu.memref_squeeze %dma_wait3A_761 : memref<1x40x16xf32, #tpu.memory_space<vmem>> -> memref<40x16xf32, #tpu.memory_space<vmem>>
    %dma_wait3A_763 = arith.constant 0 : i32
    %dma_wait3A_764 = tpu.memref_slice %arg15[%add3A_309, %dma_wait3A_763] : memref<10000x16xf32, #tpu.memory_space<vmem_shared>> -> memref<40x16xf32, #tpu.memory_space<vmem_shared>>
    %dma_wait3A_765 = arith.constant 0 : i32
    %dma_wait3A_766 = tpu.memref_slice %arg15[%add3A_309, %dma_wait3A_765] : memref<10000x16xf32, #tpu.memory_space<vmem_shared>> -> memref<40x16xf32, #tpu.memory_space<vmem_shared>>
    %dma_wait3A_767 = arith.constant 0 : i32
    %dma_wait3A_768 = arith.constant 0 : i32
    %dma_wait3A_769 = tpu.memref_slice %arg13[%dma_wait3A_758, %dma_wait3A_767, %dma_wait3A_768] : memref<2x40x16xf32, #tpu.memory_space<vmem>> -> memref<1x40x16xf32, #tpu.memory_space<vmem>>
    %dma_wait3A_770 = tpu.memref_squeeze %dma_wait3A_769 : memref<1x40x16xf32, #tpu.memory_space<vmem>> -> memref<40x16xf32, #tpu.memory_space<vmem>>
    tpu.wait_dma2 semaphore(%arg22 : memref<!tpu.dma_semaphore, #tpu.memory_space<semaphore_mem>>) src(%dma_wait3A_770 : memref<40x16xf32, #tpu.memory_space<vmem>>) dst(%dma_wait3A_766 : memref<40x16xf32, #tpu.memory_space<vmem_shared>>)
    %dma_wait3A_771 = arith.constant 0 : i32
    %dma_wait3A_772 = arith.constant 0 : i32
    %dma_wait3A_773 = arith.constant 0 : i32
    %dma_wait3A_774 = tpu.memref_slice %arg12[%dma_wait3A_771, %dma_wait3A_772, %dma_wait3A_773] : memref<2x40x128xf32, #tpu.memory_space<vmem>> -> memref<1x40x128xf32, #tpu.memory_space<vmem>>
    %dma_wait3A_775 = tpu.memref_squeeze %dma_wait3A_774 : memref<1x40x128xf32, #tpu.memory_space<vmem>> -> memref<40x128xf32, #tpu.memory_space<vmem>>
    %dma_wait3A_776 = arith.constant 0 : i32
    %dma_wait3A_777 = tpu.memref_slice %arg14[%add3A_339, %dma_wait3A_776] : memref<10000x128xf32, #tpu.memory_space<vmem_shared>> -> memref<40x128xf32, #tpu.memory_space<vmem_shared>>
    %dma_wait3A_778 = arith.constant 0 : i32
    %dma_wait3A_779 = tpu.memref_slice %arg14[%add3A_339, %dma_wait3A_778] : memref<10000x128xf32, #tpu.memory_space<vmem_shared>> -> memref<40x128xf32, #tpu.memory_space<vmem_shared>>
    %dma_wait3A_780 = arith.constant 0 : i32
    %dma_wait3A_781 = arith.constant 0 : i32
    %dma_wait3A_782 = tpu.memref_slice %arg12[%dma_wait3A_771, %dma_wait3A_780, %dma_wait3A_781] : memref<2x40x128xf32, #tpu.memory_space<vmem>> -> memref<1x40x128xf32, #tpu.memory_space<vmem>>
    %dma_wait3A_783 = tpu.memref_squeeze %dma_wait3A_782 : memref<1x40x128xf32, #tpu.memory_space<vmem>> -> memref<40x128xf32, #tpu.memory_space<vmem>>
    tpu.wait_dma2 semaphore(%arg21 : memref<!tpu.dma_semaphore, #tpu.memory_space<semaphore_mem>>) src(%dma_wait3A_783 : memref<40x128xf32, #tpu.memory_space<vmem>>) dst(%dma_wait3A_779 : memref<40x128xf32, #tpu.memory_space<vmem_shared>>)
    %dma_wait3A_784 = arith.constant 0 : i32
    %dma_wait3A_785 = arith.constant 0 : i32
    %dma_wait3A_786 = arith.constant 0 : i32
    %dma_wait3A_787 = tpu.memref_slice %arg13[%dma_wait3A_784, %dma_wait3A_785, %dma_wait3A_786] : memref<2x40x16xf32, #tpu.memory_space<vmem>> -> memref<1x40x16xf32, #tpu.memory_space<vmem>>
    %dma_wait3A_788 = tpu.memref_squeeze %dma_wait3A_787 : memref<1x40x16xf32, #tpu.memory_space<vmem>> -> memref<40x16xf32, #tpu.memory_space<vmem>>
    %dma_wait3A_789 = arith.constant 0 : i32
    %dma_wait3A_790 = tpu.memref_slice %arg15[%add3A_339, %dma_wait3A_789] : memref<10000x16xf32, #tpu.memory_space<vmem_shared>> -> memref<40x16xf32, #tpu.memory_space<vmem_shared>>
    %dma_wait3A_791 = arith.constant 0 : i32
    %dma_wait3A_792 = tpu.memref_slice %arg15[%add3A_339, %dma_wait3A_791] : memref<10000x16xf32, #tpu.memory_space<vmem_shared>> -> memref<40x16xf32, #tpu.memory_space<vmem_shared>>
    %dma_wait3A_793 = arith.constant 0 : i32
    %dma_wait3A_794 = arith.constant 0 : i32
    %dma_wait3A_795 = tpu.memref_slice %arg13[%dma_wait3A_784, %dma_wait3A_793, %dma_wait3A_794] : memref<2x40x16xf32, #tpu.memory_space<vmem>> -> memref<1x40x16xf32, #tpu.memory_space<vmem>>
    %dma_wait3A_796 = tpu.memref_squeeze %dma_wait3A_795 : memref<1x40x16xf32, #tpu.memory_space<vmem>> -> memref<40x16xf32, #tpu.memory_space<vmem>>
    tpu.wait_dma2 semaphore(%arg22 : memref<!tpu.dma_semaphore, #tpu.memory_space<semaphore_mem>>) src(%dma_wait3A_796 : memref<40x16xf32, #tpu.memory_space<vmem>>) dst(%dma_wait3A_792 : memref<40x16xf32, #tpu.memory_space<vmem_shared>>)
    %dma_wait3A_797 = arith.constant 0 : i32
    %dma_wait3A_798 = arith.constant 0 : i32
    %dma_wait3A_799 = arith.constant 0 : i32
    %dma_wait3A_800 = tpu.memref_slice %arg12[%dma_wait3A_797, %dma_wait3A_798, %dma_wait3A_799] : memref<2x40x128xf32, #tpu.memory_space<vmem>> -> memref<1x40x128xf32, #tpu.memory_space<vmem>>
    %dma_wait3A_801 = tpu.memref_squeeze %dma_wait3A_800 : memref<1x40x128xf32, #tpu.memory_space<vmem>> -> memref<40x128xf32, #tpu.memory_space<vmem>>
    %dma_wait3A_802 = arith.constant 0 : i32
    %dma_wait3A_803 = tpu.memref_slice %arg14[%add3A_369, %dma_wait3A_802] : memref<10000x128xf32, #tpu.memory_space<vmem_shared>> -> memref<40x128xf32, #tpu.memory_space<vmem_shared>>
    %dma_wait3A_804 = arith.constant 0 : i32
    %dma_wait3A_805 = tpu.memref_slice %arg14[%add3A_369, %dma_wait3A_804] : memref<10000x128xf32, #tpu.memory_space<vmem_shared>> -> memref<40x128xf32, #tpu.memory_space<vmem_shared>>
    %dma_wait3A_806 = arith.constant 0 : i32
    %dma_wait3A_807 = arith.constant 0 : i32
    %dma_wait3A_808 = tpu.memref_slice %arg12[%dma_wait3A_797, %dma_wait3A_806, %dma_wait3A_807] : memref<2x40x128xf32, #tpu.memory_space<vmem>> -> memref<1x40x128xf32, #tpu.memory_space<vmem>>
    %dma_wait3A_809 = tpu.memref_squeeze %dma_wait3A_808 : memref<1x40x128xf32, #tpu.memory_space<vmem>> -> memref<40x128xf32, #tpu.memory_space<vmem>>
    tpu.wait_dma2 semaphore(%arg21 : memref<!tpu.dma_semaphore, #tpu.memory_space<semaphore_mem>>) src(%dma_wait3A_809 : memref<40x128xf32, #tpu.memory_space<vmem>>) dst(%dma_wait3A_805 : memref<40x128xf32, #tpu.memory_space<vmem_shared>>)
    %dma_wait3A_810 = arith.constant 0 : i32
    %dma_wait3A_811 = arith.constant 0 : i32
    %dma_wait3A_812 = arith.constant 0 : i32
    %dma_wait3A_813 = tpu.memref_slice %arg13[%dma_wait3A_810, %dma_wait3A_811, %dma_wait3A_812] : memref<2x40x16xf32, #tpu.memory_space<vmem>> -> memref<1x40x16xf32, #tpu.memory_space<vmem>>
    %dma_wait3A_814 = tpu.memref_squeeze %dma_wait3A_813 : memref<1x40x16xf32, #tpu.memory_space<vmem>> -> memref<40x16xf32, #tpu.memory_space<vmem>>
    %dma_wait3A_815 = arith.constant 0 : i32
    %dma_wait3A_816 = tpu.memref_slice %arg15[%add3A_369, %dma_wait3A_815] : memref<10000x16xf32, #tpu.memory_space<vmem_shared>> -> memref<40x16xf32, #tpu.memory_space<vmem_shared>>
    %dma_wait3A_817 = arith.constant 0 : i32
    %dma_wait3A_818 = tpu.memref_slice %arg15[%add3A_369, %dma_wait3A_817] : memref<10000x16xf32, #tpu.memory_space<vmem_shared>> -> memref<40x16xf32, #tpu.memory_space<vmem_shared>>
    %dma_wait3A_819 = arith.constant 0 : i32
    %dma_wait3A_820 = arith.constant 0 : i32
    %dma_wait3A_821 = tpu.memref_slice %arg13[%dma_wait3A_810, %dma_wait3A_819, %dma_wait3A_820] : memref<2x40x16xf32, #tpu.memory_space<vmem>> -> memref<1x40x16xf32, #tpu.memory_space<vmem>>
    %dma_wait3A_822 = tpu.memref_squeeze %dma_wait3A_821 : memref<1x40x16xf32, #tpu.memory_space<vmem>> -> memref<40x16xf32, #tpu.memory_space<vmem>>
    tpu.wait_dma2 semaphore(%arg22 : memref<!tpu.dma_semaphore, #tpu.memory_space<semaphore_mem>>) src(%dma_wait3A_822 : memref<40x16xf32, #tpu.memory_space<vmem>>) dst(%dma_wait3A_818 : memref<40x16xf32, #tpu.memory_space<vmem_shared>>)
    %dma_wait3A_823 = arith.constant 0 : i32
    %dma_wait3A_824 = arith.constant 0 : i32
    %dma_wait3A_825 = arith.constant 0 : i32
    %dma_wait3A_826 = tpu.memref_slice %arg12[%dma_wait3A_823, %dma_wait3A_824, %dma_wait3A_825] : memref<2x40x128xf32, #tpu.memory_space<vmem>> -> memref<1x40x128xf32, #tpu.memory_space<vmem>>
    %dma_wait3A_827 = tpu.memref_squeeze %dma_wait3A_826 : memref<1x40x128xf32, #tpu.memory_space<vmem>> -> memref<40x128xf32, #tpu.memory_space<vmem>>
    %dma_wait3A_828 = arith.constant 0 : i32
    %dma_wait3A_829 = tpu.memref_slice %arg14[%add3A_399, %dma_wait3A_828] : memref<10000x128xf32, #tpu.memory_space<vmem_shared>> -> memref<40x128xf32, #tpu.memory_space<vmem_shared>>
    %dma_wait3A_830 = arith.constant 0 : i32
    %dma_wait3A_831 = tpu.memref_slice %arg14[%add3A_399, %dma_wait3A_830] : memref<10000x128xf32, #tpu.memory_space<vmem_shared>> -> memref<40x128xf32, #tpu.memory_space<vmem_shared>>
    %dma_wait3A_832 = arith.constant 0 : i32
    %dma_wait3A_833 = arith.constant 0 : i32
    %dma_wait3A_834 = tpu.memref_slice %arg12[%dma_wait3A_823, %dma_wait3A_832, %dma_wait3A_833] : memref<2x40x128xf32, #tpu.memory_space<vmem>> -> memref<1x40x128xf32, #tpu.memory_space<vmem>>
    %dma_wait3A_835 = tpu.memref_squeeze %dma_wait3A_834 : memref<1x40x128xf32, #tpu.memory_space<vmem>> -> memref<40x128xf32, #tpu.memory_space<vmem>>
    tpu.wait_dma2 semaphore(%arg21 : memref<!tpu.dma_semaphore, #tpu.memory_space<semaphore_mem>>) src(%dma_wait3A_835 : memref<40x128xf32, #tpu.memory_space<vmem>>) dst(%dma_wait3A_831 : memref<40x128xf32, #tpu.memory_space<vmem_shared>>)
    %dma_wait3A_836 = arith.constant 0 : i32
    %dma_wait3A_837 = arith.constant 0 : i32
    %dma_wait3A_838 = arith.constant 0 : i32
    %dma_wait3A_839 = tpu.memref_slice %arg13[%dma_wait3A_836, %dma_wait3A_837, %dma_wait3A_838] : memref<2x40x16xf32, #tpu.memory_space<vmem>> -> memref<1x40x16xf32, #tpu.memory_space<vmem>>
    %dma_wait3A_840 = tpu.memref_squeeze %dma_wait3A_839 : memref<1x40x16xf32, #tpu.memory_space<vmem>> -> memref<40x16xf32, #tpu.memory_space<vmem>>
    %dma_wait3A_841 = arith.constant 0 : i32
    %dma_wait3A_842 = tpu.memref_slice %arg15[%add3A_399, %dma_wait3A_841] : memref<10000x16xf32, #tpu.memory_space<vmem_shared>> -> memref<40x16xf32, #tpu.memory_space<vmem_shared>>
    %dma_wait3A_843 = arith.constant 0 : i32
    %dma_wait3A_844 = tpu.memref_slice %arg15[%add3A_399, %dma_wait3A_843] : memref<10000x16xf32, #tpu.memory_space<vmem_shared>> -> memref<40x16xf32, #tpu.memory_space<vmem_shared>>
    %dma_wait3A_845 = arith.constant 0 : i32
    %dma_wait3A_846 = arith.constant 0 : i32
    %dma_wait3A_847 = tpu.memref_slice %arg13[%dma_wait3A_836, %dma_wait3A_845, %dma_wait3A_846] : memref<2x40x16xf32, #tpu.memory_space<vmem>> -> memref<1x40x16xf32, #tpu.memory_space<vmem>>
    %dma_wait3A_848 = tpu.memref_squeeze %dma_wait3A_847 : memref<1x40x16xf32, #tpu.memory_space<vmem>> -> memref<40x16xf32, #tpu.memory_space<vmem>>
    tpu.wait_dma2 semaphore(%arg22 : memref<!tpu.dma_semaphore, #tpu.memory_space<semaphore_mem>>) src(%dma_wait3A_848 : memref<40x16xf32, #tpu.memory_space<vmem>>) dst(%dma_wait3A_844 : memref<40x16xf32, #tpu.memory_space<vmem_shared>>)
    %dma_wait3A_849 = arith.constant 0 : i32
    %dma_wait3A_850 = arith.constant 0 : i32
    %dma_wait3A_851 = arith.constant 0 : i32
    %dma_wait3A_852 = tpu.memref_slice %arg12[%dma_wait3A_849, %dma_wait3A_850, %dma_wait3A_851] : memref<2x40x128xf32, #tpu.memory_space<vmem>> -> memref<1x40x128xf32, #tpu.memory_space<vmem>>
    %dma_wait3A_853 = tpu.memref_squeeze %dma_wait3A_852 : memref<1x40x128xf32, #tpu.memory_space<vmem>> -> memref<40x128xf32, #tpu.memory_space<vmem>>
    %dma_wait3A_854 = arith.constant 0 : i32
    %dma_wait3A_855 = tpu.memref_slice %arg14[%add3A_429, %dma_wait3A_854] : memref<10000x128xf32, #tpu.memory_space<vmem_shared>> -> memref<40x128xf32, #tpu.memory_space<vmem_shared>>
    %dma_wait3A_856 = arith.constant 0 : i32
    %dma_wait3A_857 = tpu.memref_slice %arg14[%add3A_429, %dma_wait3A_856] : memref<10000x128xf32, #tpu.memory_space<vmem_shared>> -> memref<40x128xf32, #tpu.memory_space<vmem_shared>>
    %dma_wait3A_858 = arith.constant 0 : i32
    %dma_wait3A_859 = arith.constant 0 : i32
    %dma_wait3A_860 = tpu.memref_slice %arg12[%dma_wait3A_849, %dma_wait3A_858, %dma_wait3A_859] : memref<2x40x128xf32, #tpu.memory_space<vmem>> -> memref<1x40x128xf32, #tpu.memory_space<vmem>>
    %dma_wait3A_861 = tpu.memref_squeeze %dma_wait3A_860 : memref<1x40x128xf32, #tpu.memory_space<vmem>> -> memref<40x128xf32, #tpu.memory_space<vmem>>
    tpu.wait_dma2 semaphore(%arg21 : memref<!tpu.dma_semaphore, #tpu.memory_space<semaphore_mem>>) src(%dma_wait3A_861 : memref<40x128xf32, #tpu.memory_space<vmem>>) dst(%dma_wait3A_857 : memref<40x128xf32, #tpu.memory_space<vmem_shared>>)
    %dma_wait3A_862 = arith.constant 0 : i32
    %dma_wait3A_863 = arith.constant 0 : i32
    %dma_wait3A_864 = arith.constant 0 : i32
    %dma_wait3A_865 = tpu.memref_slice %arg13[%dma_wait3A_862, %dma_wait3A_863, %dma_wait3A_864] : memref<2x40x16xf32, #tpu.memory_space<vmem>> -> memref<1x40x16xf32, #tpu.memory_space<vmem>>
    %dma_wait3A_866 = tpu.memref_squeeze %dma_wait3A_865 : memref<1x40x16xf32, #tpu.memory_space<vmem>> -> memref<40x16xf32, #tpu.memory_space<vmem>>
    %dma_wait3A_867 = arith.constant 0 : i32
    %dma_wait3A_868 = tpu.memref_slice %arg15[%add3A_429, %dma_wait3A_867] : memref<10000x16xf32, #tpu.memory_space<vmem_shared>> -> memref<40x16xf32, #tpu.memory_space<vmem_shared>>
    %dma_wait3A_869 = arith.constant 0 : i32
    %dma_wait3A_870 = tpu.memref_slice %arg15[%add3A_429, %dma_wait3A_869] : memref<10000x16xf32, #tpu.memory_space<vmem_shared>> -> memref<40x16xf32, #tpu.memory_space<vmem_shared>>
    %dma_wait3A_871 = arith.constant 0 : i32
    %dma_wait3A_872 = arith.constant 0 : i32
    %dma_wait3A_873 = tpu.memref_slice %arg13[%dma_wait3A_862, %dma_wait3A_871, %dma_wait3A_872] : memref<2x40x16xf32, #tpu.memory_space<vmem>> -> memref<1x40x16xf32, #tpu.memory_space<vmem>>
    %dma_wait3A_874 = tpu.memref_squeeze %dma_wait3A_873 : memref<1x40x16xf32, #tpu.memory_space<vmem>> -> memref<40x16xf32, #tpu.memory_space<vmem>>
    tpu.wait_dma2 semaphore(%arg22 : memref<!tpu.dma_semaphore, #tpu.memory_space<semaphore_mem>>) src(%dma_wait3A_874 : memref<40x16xf32, #tpu.memory_space<vmem>>) dst(%dma_wait3A_870 : memref<40x16xf32, #tpu.memory_space<vmem_shared>>)
    %dma_wait3A_875 = arith.constant 0 : i32
    %dma_wait3A_876 = arith.constant 0 : i32
    %dma_wait3A_877 = arith.constant 0 : i32
    %dma_wait3A_878 = tpu.memref_slice %arg12[%dma_wait3A_875, %dma_wait3A_876, %dma_wait3A_877] : memref<2x40x128xf32, #tpu.memory_space<vmem>> -> memref<1x25x128xf32, #tpu.memory_space<vmem>>
    %dma_wait3A_879 = tpu.memref_squeeze %dma_wait3A_878 : memref<1x25x128xf32, #tpu.memory_space<vmem>> -> memref<25x128xf32, #tpu.memory_space<vmem>>
    %dma_wait3A_880 = arith.constant 0 : i32
    %dma_wait3A_881 = tpu.memref_slice %arg14[%add3A_459, %dma_wait3A_880] : memref<10000x128xf32, #tpu.memory_space<vmem_shared>> -> memref<25x128xf32, #tpu.memory_space<vmem_shared>>
    %dma_wait3A_882 = arith.constant 0 : i32
    %dma_wait3A_883 = tpu.memref_slice %arg14[%add3A_459, %dma_wait3A_882] : memref<10000x128xf32, #tpu.memory_space<vmem_shared>> -> memref<25x128xf32, #tpu.memory_space<vmem_shared>>
    %dma_wait3A_884 = arith.constant 0 : i32
    %dma_wait3A_885 = arith.constant 0 : i32
    %dma_wait3A_886 = tpu.memref_slice %arg12[%dma_wait3A_875, %dma_wait3A_884, %dma_wait3A_885] : memref<2x40x128xf32, #tpu.memory_space<vmem>> -> memref<1x25x128xf32, #tpu.memory_space<vmem>>
    %dma_wait3A_887 = tpu.memref_squeeze %dma_wait3A_886 : memref<1x25x128xf32, #tpu.memory_space<vmem>> -> memref<25x128xf32, #tpu.memory_space<vmem>>
    tpu.wait_dma2 semaphore(%arg21 : memref<!tpu.dma_semaphore, #tpu.memory_space<semaphore_mem>>) src(%dma_wait3A_887 : memref<25x128xf32, #tpu.memory_space<vmem>>) dst(%dma_wait3A_883 : memref<25x128xf32, #tpu.memory_space<vmem_shared>>)
    %dma_wait3A_888 = arith.constant 0 : i32
    %dma_wait3A_889 = arith.constant 0 : i32
    %dma_wait3A_890 = arith.constant 0 : i32
    %dma_wait3A_891 = tpu.memref_slice %arg13[%dma_wait3A_888, %dma_wait3A_889, %dma_wait3A_890] : memref<2x40x16xf32, #tpu.memory_space<vmem>> -> memref<1x25x16xf32, #tpu.memory_space<vmem>>
    %dma_wait3A_892 = tpu.memref_squeeze %dma_wait3A_891 : memref<1x25x16xf32, #tpu.memory_space<vmem>> -> memref<25x16xf32, #tpu.memory_space<vmem>>
    %dma_wait3A_893 = arith.constant 0 : i32
    %dma_wait3A_894 = tpu.memref_slice %arg15[%add3A_459, %dma_wait3A_893] : memref<10000x16xf32, #tpu.memory_space<vmem_shared>> -> memref<25x16xf32, #tpu.memory_space<vmem_shared>>
    %dma_wait3A_895 = arith.constant 0 : i32
    %dma_wait3A_896 = tpu.memref_slice %arg15[%add3A_459, %dma_wait3A_895] : memref<10000x16xf32, #tpu.memory_space<vmem_shared>> -> memref<25x16xf32, #tpu.memory_space<vmem_shared>>
    %dma_wait3A_897 = arith.constant 0 : i32
    %dma_wait3A_898 = arith.constant 0 : i32
    %dma_wait3A_899 = tpu.memref_slice %arg13[%dma_wait3A_888, %dma_wait3A_897, %dma_wait3A_898] : memref<2x40x16xf32, #tpu.memory_space<vmem>> -> memref<1x25x16xf32, #tpu.memory_space<vmem>>
    %dma_wait3A_900 = tpu.memref_squeeze %dma_wait3A_899 : memref<1x25x16xf32, #tpu.memory_space<vmem>> -> memref<25x16xf32, #tpu.memory_space<vmem>>
    tpu.wait_dma2 semaphore(%arg22 : memref<!tpu.dma_semaphore, #tpu.memory_space<semaphore_mem>>) src(%dma_wait3A_900 : memref<25x16xf32, #tpu.memory_space<vmem>>) dst(%dma_wait3A_896 : memref<25x16xf32, #tpu.memory_space<vmem_shared>>)
    %barrier3A = arith.constant 0 : index
    tpu.barrier barrier_id(%barrier3A)
    %iota3A = tpu.iota {dimensions = array<i32: 0>} : vector<16xi32>
    %eq3A = arith.constant 0 : i32
    %eq3A_901 = vector.broadcast %eq3A : i32 to vector<16xi32>
    %eq3A_902 = arith.cmpi eq, %iota3A, %eq3A_901 : vector<16xi32>
    %eq3A_903 = arith.constant 1 : i32
    %eq3A_904 = vector.broadcast %eq3A_903 : i32 to vector<16xi32>
    %eq3A_905 = arith.cmpi eq, %iota3A, %eq3A_904 : vector<16xi32>
    %eq3A_906 = arith.constant 2 : i32
    %eq3A_907 = vector.broadcast %eq3A_906 : i32 to vector<16xi32>
    %eq3A_908 = arith.cmpi eq, %iota3A, %eq3A_907 : vector<16xi32>
    %eq3A_909 = arith.constant 3 : i32
    %eq3A_910 = vector.broadcast %eq3A_909 : i32 to vector<16xi32>
    %eq3A_911 = arith.cmpi eq, %iota3A, %eq3A_910 : vector<16xi32>
    %eq3A_912 = arith.constant 4 : i32
    %eq3A_913 = vector.broadcast %eq3A_912 : i32 to vector<16xi32>
    %eq3A_914 = arith.cmpi eq, %iota3A, %eq3A_913 : vector<16xi32>
    %eq3A_915 = arith.constant 5 : i32
    %eq3A_916 = vector.broadcast %eq3A_915 : i32 to vector<16xi32>
    %eq3A_917 = arith.cmpi eq, %iota3A, %eq3A_916 : vector<16xi32>
    %eq3A_918 = arith.constant 6 : i32
    %eq3A_919 = vector.broadcast %eq3A_918 : i32 to vector<16xi32>
    %eq3A_920 = arith.cmpi eq, %iota3A, %eq3A_919 : vector<16xi32>
    %eq3A_921 = arith.constant 7 : i32
    %eq3A_922 = vector.broadcast %eq3A_921 : i32 to vector<16xi32>
    %eq3A_923 = arith.cmpi eq, %iota3A, %eq3A_922 : vector<16xi32>
    %broadcast_in_dim3A_924 = arith.constant 0 : i32
    %broadcast_in_dim3A_925 = vector.broadcast %broadcast_in_dim3A_924 : i32 to vector<16xi32>
    %broadcast_in_dim3A_926 = arith.constant 1 : i32
    %broadcast_in_dim3A_927 = vector.broadcast %broadcast_in_dim3A_926 : i32 to vector<16xi32>
    %broadcast_in_dim3A_928 = arith.constant 2 : i32
    %broadcast_in_dim3A_929 = vector.broadcast %broadcast_in_dim3A_928 : i32 to vector<16xi32>
    %broadcast_in_dim3A_930 = arith.constant 3 : i32
    %broadcast_in_dim3A_931 = vector.broadcast %broadcast_in_dim3A_930 : i32 to vector<16xi32>
    %broadcast_in_dim3A_932 = arith.constant 4 : i32
    %broadcast_in_dim3A_933 = vector.broadcast %broadcast_in_dim3A_932 : i32 to vector<16xi32>
    %broadcast_in_dim3A_934 = arith.constant 5 : i32
    %broadcast_in_dim3A_935 = vector.broadcast %broadcast_in_dim3A_934 : i32 to vector<16xi32>
    %broadcast_in_dim3A_936 = arith.constant 6 : i32
    %broadcast_in_dim3A_937 = vector.broadcast %broadcast_in_dim3A_936 : i32 to vector<16xi32>
    %broadcast_in_dim3A_938 = arith.constant 7 : i32
    %broadcast_in_dim3A_939 = vector.broadcast %broadcast_in_dim3A_938 : i32 to vector<16xi32>
    %mul3A_940 = arith.constant 10000 : i32
    %mul3A_941 = arith.muli %add3A, %mul3A_940 : i32
    %add3A_942 = arith.constant 0 : i32
    %add3A_943 = arith.addi %mul3A_941, %add3A_942 : i32
    %dma_start3A_944 = arith.constant 0 : i32
    %dma_start3A_945 = arith.constant 0 : i32
    %dma_start3A_946 = arith.constant 0 : i32
    %dma_start3A_947 = tpu.memref_slice %arg8[%dma_start3A_945, %dma_start3A_946] : memref<4x40xi32, #tpu.memory_space<vmem>> -> memref<1x40xi32, #tpu.memory_space<vmem>>
    %dma_start3A_948 = tpu.memref_squeeze %dma_start3A_947 : memref<1x40xi32, #tpu.memory_space<vmem>> -> memref<40xi32, #tpu.memory_space<vmem>>
    %dma_start3A_949 = tpu.memref_slice %arg5[%dma_start3A_944, %add3A_943] : memref<2x320000xi32, #tpu.memory_space<hbm>> -> memref<1x40xi32, #tpu.memory_space<hbm>>
    %dma_start3A_950 = tpu.memref_squeeze %dma_start3A_949 : memref<1x40xi32, #tpu.memory_space<hbm>> -> memref<40xi32, #tpu.memory_space<hbm>>
    %dma_start3A_951 = arith.constant 0 : i32
    %dma_start3A_952 = tpu.memref_slice %arg8[%dma_start3A_945, %dma_start3A_951] : memref<4x40xi32, #tpu.memory_space<vmem>> -> memref<1x40xi32, #tpu.memory_space<vmem>>
    %dma_start3A_953 = tpu.memref_squeeze %dma_start3A_952 : memref<1x40xi32, #tpu.memory_space<vmem>> -> memref<40xi32, #tpu.memory_space<vmem>>
    %dma_start3A_954 = tpu.memref_slice %arg5[%dma_start3A_944, %add3A_943] : memref<2x320000xi32, #tpu.memory_space<hbm>> -> memref<1x40xi32, #tpu.memory_space<hbm>>
    %dma_start3A_955 = tpu.memref_squeeze %dma_start3A_954 : memref<1x40xi32, #tpu.memory_space<hbm>> -> memref<40xi32, #tpu.memory_space<hbm>>
    tpu.enqueue_dma source(%dma_start3A_955 : memref<40xi32, #tpu.memory_space<hbm>>) target(%dma_start3A_953 : memref<40xi32, #tpu.memory_space<vmem>>) target_semaphore(%arg19 : memref<!tpu.dma_semaphore, #tpu.memory_space<semaphore_mem>>)
    %dma_start3A_956 = arith.constant 1 : i32
    %dma_start3A_957 = arith.constant 0 : i32
    %dma_start3A_958 = arith.constant 0 : i32
    %dma_start3A_959 = tpu.memref_slice %arg9[%dma_start3A_957, %dma_start3A_958] : memref<4x40xi32, #tpu.memory_space<vmem>> -> memref<1x40xi32, #tpu.memory_space<vmem>>
    %dma_start3A_960 = tpu.memref_squeeze %dma_start3A_959 : memref<1x40xi32, #tpu.memory_space<vmem>> -> memref<40xi32, #tpu.memory_space<vmem>>
    %dma_start3A_961 = tpu.memref_slice %arg5[%dma_start3A_956, %add3A_943] : memref<2x320000xi32, #tpu.memory_space<hbm>> -> memref<1x40xi32, #tpu.memory_space<hbm>>
    %dma_start3A_962 = tpu.memref_squeeze %dma_start3A_961 : memref<1x40xi32, #tpu.memory_space<hbm>> -> memref<40xi32, #tpu.memory_space<hbm>>
    %dma_start3A_963 = arith.constant 0 : i32
    %dma_start3A_964 = tpu.memref_slice %arg9[%dma_start3A_957, %dma_start3A_963] : memref<4x40xi32, #tpu.memory_space<vmem>> -> memref<1x40xi32, #tpu.memory_space<vmem>>
    %dma_start3A_965 = tpu.memref_squeeze %dma_start3A_964 : memref<1x40xi32, #tpu.memory_space<vmem>> -> memref<40xi32, #tpu.memory_space<vmem>>
    %dma_start3A_966 = tpu.memref_slice %arg5[%dma_start3A_956, %add3A_943] : memref<2x320000xi32, #tpu.memory_space<hbm>> -> memref<1x40xi32, #tpu.memory_space<hbm>>
    %dma_start3A_967 = tpu.memref_squeeze %dma_start3A_966 : memref<1x40xi32, #tpu.memory_space<hbm>> -> memref<40xi32, #tpu.memory_space<hbm>>
    tpu.enqueue_dma source(%dma_start3A_967 : memref<40xi32, #tpu.memory_space<hbm>>) target(%dma_start3A_965 : memref<40xi32, #tpu.memory_space<vmem>>) target_semaphore(%arg19 : memref<!tpu.dma_semaphore, #tpu.memory_space<semaphore_mem>>)
    %mul3A_968 = arith.constant 10000 : i32
    %mul3A_969 = arith.muli %add3A, %mul3A_968 : i32
    %add3A_970 = arith.constant 40 : i32
    %add3A_971 = arith.addi %mul3A_969, %add3A_970 : i32
    %dma_start3A_972 = arith.constant 0 : i32
    %dma_start3A_973 = arith.constant 1 : i32
    %dma_start3A_974 = arith.constant 0 : i32
    %dma_start3A_975 = tpu.memref_slice %arg8[%dma_start3A_973, %dma_start3A_974] : memref<4x40xi32, #tpu.memory_space<vmem>> -> memref<1x40xi32, #tpu.memory_space<vmem>>
    %dma_start3A_976 = tpu.memref_squeeze %dma_start3A_975 : memref<1x40xi32, #tpu.memory_space<vmem>> -> memref<40xi32, #tpu.memory_space<vmem>>
    %dma_start3A_977 = tpu.memref_slice %arg5[%dma_start3A_972, %add3A_971] : memref<2x320000xi32, #tpu.memory_space<hbm>> -> memref<1x40xi32, #tpu.memory_space<hbm>>
    %dma_start3A_978 = tpu.memref_squeeze %dma_start3A_977 : memref<1x40xi32, #tpu.memory_space<hbm>> -> memref<40xi32, #tpu.memory_space<hbm>>
    %dma_start3A_979 = arith.constant 0 : i32
    %dma_start3A_980 = tpu.memref_slice %arg8[%dma_start3A_973, %dma_start3A_979] : memref<4x40xi32, #tpu.memory_space<vmem>> -> memref<1x40xi32, #tpu.memory_space<vmem>>
    %dma_start3A_981 = tpu.memref_squeeze %dma_start3A_980 : memref<1x40xi32, #tpu.memory_space<vmem>> -> memref<40xi32, #tpu.memory_space<vmem>>
    %dma_start3A_982 = tpu.memref_slice %arg5[%dma_start3A_972, %add3A_971] : memref<2x320000xi32, #tpu.memory_space<hbm>> -> memref<1x40xi32, #tpu.memory_space<hbm>>
    %dma_start3A_983 = tpu.memref_squeeze %dma_start3A_982 : memref<1x40xi32, #tpu.memory_space<hbm>> -> memref<40xi32, #tpu.memory_space<hbm>>
    tpu.enqueue_dma source(%dma_start3A_983 : memref<40xi32, #tpu.memory_space<hbm>>) target(%dma_start3A_981 : memref<40xi32, #tpu.memory_space<vmem>>) target_semaphore(%arg20 : memref<!tpu.dma_semaphore, #tpu.memory_space<semaphore_mem>>)
    %dma_start3A_984 = arith.constant 1 : i32
    %dma_start3A_985 = arith.constant 1 : i32
    %dma_start3A_986 = arith.constant 0 : i32
    %dma_start3A_987 = tpu.memref_slice %arg9[%dma_start3A_985, %dma_start3A_986] : memref<4x40xi32, #tpu.memory_space<vmem>> -> memref<1x40xi32, #tpu.memory_space<vmem>>
    %dma_start3A_988 = tpu.memref_squeeze %dma_start3A_987 : memref<1x40xi32, #tpu.memory_space<vmem>> -> memref<40xi32, #tpu.memory_space<vmem>>
    %dma_start3A_989 = tpu.memref_slice %arg5[%dma_start3A_984, %add3A_971] : memref<2x320000xi32, #tpu.memory_space<hbm>> -> memref<1x40xi32, #tpu.memory_space<hbm>>
    %dma_start3A_990 = tpu.memref_squeeze %dma_start3A_989 : memref<1x40xi32, #tpu.memory_space<hbm>> -> memref<40xi32, #tpu.memory_space<hbm>>
    %dma_start3A_991 = arith.constant 0 : i32
    %dma_start3A_992 = tpu.memref_slice %arg9[%dma_start3A_985, %dma_start3A_991] : memref<4x40xi32, #tpu.memory_space<vmem>> -> memref<1x40xi32, #tpu.memory_space<vmem>>
    %dma_start3A_993 = tpu.memref_squeeze %dma_start3A_992 : memref<1x40xi32, #tpu.memory_space<vmem>> -> memref<40xi32, #tpu.memory_space<vmem>>
    %dma_start3A_994 = tpu.memref_slice %arg5[%dma_start3A_984, %add3A_971] : memref<2x320000xi32, #tpu.memory_space<hbm>> -> memref<1x40xi32, #tpu.memory_space<hbm>>
    %dma_start3A_995 = tpu.memref_squeeze %dma_start3A_994 : memref<1x40xi32, #tpu.memory_space<hbm>> -> memref<40xi32, #tpu.memory_space<hbm>>
    tpu.enqueue_dma source(%dma_start3A_995 : memref<40xi32, #tpu.memory_space<hbm>>) target(%dma_start3A_993 : memref<40xi32, #tpu.memory_space<vmem>>) target_semaphore(%arg20 : memref<!tpu.dma_semaphore, #tpu.memory_space<semaphore_mem>>)
    %mul3A_996 = arith.constant 10000 : i32
    %mul3A_997 = arith.muli %add3A, %mul3A_996 : i32
    %add3A_998 = arith.constant 0 : i32
    %add3A_999 = arith.addi %mul3A_997, %add3A_998 : i32
    %dma_wait3A_1000 = arith.constant 0 : i32
    %dma_wait3A_1001 = arith.constant 0 : i32
    %dma_wait3A_1002 = arith.constant 0 : i32
    %dma_wait3A_1003 = tpu.memref_slice %arg8[%dma_wait3A_1001, %dma_wait3A_1002] : memref<4x40xi32, #tpu.memory_space<vmem>> -> memref<1x40xi32, #tpu.memory_space<vmem>>
    %dma_wait3A_1004 = tpu.memref_squeeze %dma_wait3A_1003 : memref<1x40xi32, #tpu.memory_space<vmem>> -> memref<40xi32, #tpu.memory_space<vmem>>
    %dma_wait3A_1005 = tpu.memref_slice %arg5[%dma_wait3A_1000, %add3A_999] : memref<2x320000xi32, #tpu.memory_space<hbm>> -> memref<1x40xi32, #tpu.memory_space<hbm>>
    %dma_wait3A_1006 = tpu.memref_squeeze %dma_wait3A_1005 : memref<1x40xi32, #tpu.memory_space<hbm>> -> memref<40xi32, #tpu.memory_space<hbm>>
    %dma_wait3A_1007 = arith.constant 0 : i32
    %dma_wait3A_1008 = tpu.memref_slice %arg8[%dma_wait3A_1001, %dma_wait3A_1007] : memref<4x40xi32, #tpu.memory_space<vmem>> -> memref<1x40xi32, #tpu.memory_space<vmem>>
    %dma_wait3A_1009 = tpu.memref_squeeze %dma_wait3A_1008 : memref<1x40xi32, #tpu.memory_space<vmem>> -> memref<40xi32, #tpu.memory_space<vmem>>
    %dma_wait3A_1010 = tpu.memref_slice %arg5[%dma_wait3A_1000, %add3A_999] : memref<2x320000xi32, #tpu.memory_space<hbm>> -> memref<1x40xi32, #tpu.memory_space<hbm>>
    %dma_wait3A_1011 = tpu.memref_squeeze %dma_wait3A_1010 : memref<1x40xi32, #tpu.memory_space<hbm>> -> memref<40xi32, #tpu.memory_space<hbm>>
    tpu.wait_dma2 semaphore(%arg19 : memref<!tpu.dma_semaphore, #tpu.memory_space<semaphore_mem>>) src(%dma_wait3A_1011 : memref<40xi32, #tpu.memory_space<hbm>>) dst(%dma_wait3A_1009 : memref<40xi32, #tpu.memory_space<vmem>>)
    %dma_wait3A_1012 = arith.constant 1 : i32
    %dma_wait3A_1013 = arith.constant 0 : i32
    %dma_wait3A_1014 = arith.constant 0 : i32
    %dma_wait3A_1015 = tpu.memref_slice %arg9[%dma_wait3A_1013, %dma_wait3A_1014] : memref<4x40xi32, #tpu.memory_space<vmem>> -> memref<1x40xi32, #tpu.memory_space<vmem>>
    %dma_wait3A_1016 = tpu.memref_squeeze %dma_wait3A_1015 : memref<1x40xi32, #tpu.memory_space<vmem>> -> memref<40xi32, #tpu.memory_space<vmem>>
    %dma_wait3A_1017 = tpu.memref_slice %arg5[%dma_wait3A_1012, %add3A_999] : memref<2x320000xi32, #tpu.memory_space<hbm>> -> memref<1x40xi32, #tpu.memory_space<hbm>>
    %dma_wait3A_1018 = tpu.memref_squeeze %dma_wait3A_1017 : memref<1x40xi32, #tpu.memory_space<hbm>> -> memref<40xi32, #tpu.memory_space<hbm>>
    %dma_wait3A_1019 = arith.constant 0 : i32
    %dma_wait3A_1020 = tpu.memref_slice %arg9[%dma_wait3A_1013, %dma_wait3A_1019] : memref<4x40xi32, #tpu.memory_space<vmem>> -> memref<1x40xi32, #tpu.memory_space<vmem>>
    %dma_wait3A_1021 = tpu.memref_squeeze %dma_wait3A_1020 : memref<1x40xi32, #tpu.memory_space<vmem>> -> memref<40xi32, #tpu.memory_space<vmem>>
    %dma_wait3A_1022 = tpu.memref_slice %arg5[%dma_wait3A_1012, %add3A_999] : memref<2x320000xi32, #tpu.memory_space<hbm>> -> memref<1x40xi32, #tpu.memory_space<hbm>>
    %dma_wait3A_1023 = tpu.memref_squeeze %dma_wait3A_1022 : memref<1x40xi32, #tpu.memory_space<hbm>> -> memref<40xi32, #tpu.memory_space<hbm>>
    tpu.wait_dma2 semaphore(%arg19 : memref<!tpu.dma_semaphore, #tpu.memory_space<semaphore_mem>>) src(%dma_wait3A_1023 : memref<40xi32, #tpu.memory_space<hbm>>) dst(%dma_wait3A_1021 : memref<40xi32, #tpu.memory_space<vmem>>)
    %dma_start3A_1024 = arith.constant 0 : i32
    %dma_start3A_1025 = arith.constant 0 : i32
    %dma_start3A_1026 = arith.constant 0 : i32
    %dma_start3A_1027 = arith.constant 0 : i32
    %dma_start3A_1028 = tpu.memref_slice %arg10[%dma_start3A_1025, %dma_start3A_1026, %dma_start3A_1027] : memref<2x40x128xbf16, #tpu.memory_space<vmem>> -> memref<1x40x128xbf16, #tpu.memory_space<vmem>>
    %dma_start3A_1029 = tpu.memref_squeeze %dma_start3A_1028 : memref<1x40x128xbf16, #tpu.memory_space<vmem>> -> memref<40x128xbf16, #tpu.memory_space<vmem>>
    %dma_start3A_1030 = arith.constant 0 : i32
    %dma_start3A_1031 = tpu.memref_slice %arg8[%dma_start3A_1024, %dma_start3A_1030] : memref<4x40xi32, #tpu.memory_space<vmem>> -> memref<1x40xi32, #tpu.memory_space<vmem>>
    %dma_start3A_1032 = tpu.memref_squeeze %dma_start3A_1031 : memref<1x40xi32, #tpu.memory_space<vmem>> -> memref<40xi32, #tpu.memory_space<vmem>>
    %dma_start3A_1033 = arith.constant 0 : i32
    %dma_start3A_1034 = arith.constant 0 : i32
    %dma_start3A_1035 = tpu.memref_slice %arg2[%dma_start3A_1033, %dma_start3A_1034] : memref<10000x128xbf16, #tpu.memory_space<hbm>> -> memref<10000x128xbf16, #tpu.memory_space<hbm>>
    tpu.enqueue_indirect_dma source(%dma_start3A_1035 : memref<10000x128xbf16, #tpu.memory_space<hbm>>) target(%dma_start3A_1029 : memref<40x128xbf16, #tpu.memory_space<vmem>>) offsets(%dma_start3A_1032 : memref<40xi32, #tpu.memory_space<vmem>>) semaphore(%arg16 : memref<!tpu.dma_semaphore, #tpu.memory_space<semaphore_mem>>)
    %dma_start3A_1036 = arith.constant 0 : i32
    %dma_start3A_1037 = arith.constant 0 : i32
    %dma_start3A_1038 = arith.constant 0 : i32
    %dma_start3A_1039 = arith.constant 0 : i32
    %dma_start3A_1040 = tpu.memref_slice %arg11[%dma_start3A_1037, %dma_start3A_1038, %dma_start3A_1039] : memref<2x40x128xbf16, #tpu.memory_space<vmem>> -> memref<1x40x128xbf16, #tpu.memory_space<vmem>>
    %dma_start3A_1041 = tpu.memref_squeeze %dma_start3A_1040 : memref<1x40x128xbf16, #tpu.memory_space<vmem>> -> memref<40x128xbf16, #tpu.memory_space<vmem>>
    %dma_start3A_1042 = arith.constant 0 : i32
    %dma_start3A_1043 = tpu.memref_slice %arg9[%dma_start3A_1036, %dma_start3A_1042] : memref<4x40xi32, #tpu.memory_space<vmem>> -> memref<1x40xi32, #tpu.memory_space<vmem>>
    %dma_start3A_1044 = tpu.memref_squeeze %dma_start3A_1043 : memref<1x40xi32, #tpu.memory_space<vmem>> -> memref<40xi32, #tpu.memory_space<vmem>>
    %dma_start3A_1045 = arith.constant 0 : i32
    %dma_start3A_1046 = arith.constant 0 : i32
    %dma_start3A_1047 = tpu.memref_slice %arg3[%dma_start3A_1045, %dma_start3A_1046] : memref<10000x128xbf16, #tpu.memory_space<hbm>> -> memref<10000x128xbf16, #tpu.memory_space<hbm>>
    tpu.enqueue_indirect_dma source(%dma_start3A_1047 : memref<10000x128xbf16, #tpu.memory_space<hbm>>) target(%dma_start3A_1041 : memref<40x128xbf16, #tpu.memory_space<vmem>>) offsets(%dma_start3A_1044 : memref<40xi32, #tpu.memory_space<vmem>>) semaphore(%arg17 : memref<!tpu.dma_semaphore, #tpu.memory_space<semaphore_mem>>)
    %dma_start3A_1048 = arith.constant 0 : i32
    %dma_start3A_1049 = arith.constant 0 : i32
    %dma_start3A_1050 = arith.constant 0 : i32
    %dma_start3A_1051 = arith.constant 0 : i32
    %dma_start3A_1052 = tpu.memref_slice %arg12[%dma_start3A_1049, %dma_start3A_1050, %dma_start3A_1051] : memref<2x40x128xf32, #tpu.memory_space<vmem>> -> memref<1x40x128xf32, #tpu.memory_space<vmem>>
    %dma_start3A_1053 = tpu.memref_squeeze %dma_start3A_1052 : memref<1x40x128xf32, #tpu.memory_space<vmem>> -> memref<40x128xf32, #tpu.memory_space<vmem>>
    %dma_start3A_1054 = arith.constant 0 : i32
    %dma_start3A_1055 = tpu.memref_slice %arg8[%dma_start3A_1048, %dma_start3A_1054] : memref<4x40xi32, #tpu.memory_space<vmem>> -> memref<1x40xi32, #tpu.memory_space<vmem>>
    %dma_start3A_1056 = tpu.memref_squeeze %dma_start3A_1055 : memref<1x40xi32, #tpu.memory_space<vmem>> -> memref<40xi32, #tpu.memory_space<vmem>>
    %dma_start3A_1057 = arith.constant 0 : i32
    %dma_start3A_1058 = arith.constant 0 : i32
    %dma_start3A_1059 = tpu.memref_slice %arg4[%dma_start3A_1057, %dma_start3A_1058] : memref<10000x128xf32, #tpu.memory_space<hbm>> -> memref<10000x128xf32, #tpu.memory_space<hbm>>
    tpu.enqueue_indirect_dma source(%dma_start3A_1059 : memref<10000x128xf32, #tpu.memory_space<hbm>>) target(%dma_start3A_1053 : memref<40x128xf32, #tpu.memory_space<vmem>>) offsets(%dma_start3A_1056 : memref<40xi32, #tpu.memory_space<vmem>>) semaphore(%arg18 : memref<!tpu.dma_semaphore, #tpu.memory_space<semaphore_mem>>)
    %scan3A_1060 = arith.constant 0 : i32
    %scan3A_1061 = arith.constant 0 : i32
    %scan3A_1062 = arith.constant 125 : i32
    %scan3A_1063 = arith.addi %scan3A_1061, %scan3A_1062 : i32
    %scan3A_1064 = arith.constant 1 : i32
    scf.for %scan3A_1099 = %scan3A_1061 to %scan3A_1063 step %scan3A_1064  : i32 {
      %mul3A_1100 = arith.constant 2 : i32
      %mul3A_1101 = arith.muli %mul3A_1100, %scan3A_1099 : i32
      %add3A_1102 = arith.constant 2 : i32
      %add3A_1103 = arith.addi %mul3A_1101, %add3A_1102 : i32
      %lt3A = arith.constant 250 : i32
      %lt3A_1104 = arith.cmpi slt, %add3A_1103, %lt3A : i32
      %convert_element_type3A = arith.extui %lt3A_1104 : i1 to i32
      %cond3A = arith.constant 0 : i32
      %cond3A_1105 = arith.cmpi ne, %convert_element_type3A, %cond3A : i32
      scf.if %cond3A_1105 {
        %add3A_1251 = arith.constant 2 : i32
        %add3A_1252 = arith.addi %mul3A_1101, %add3A_1251 : i32
        %add3A_1253 = arith.constant 2 : i32
        %add3A_1254 = arith.addi %mul3A_1101, %add3A_1253 : i32
        %rem3A_1255 = arith.constant 4 : i32
        %rem3A_1256 = arith.remsi %add3A_1254, %rem3A_1255 : i32
        %mul3A_1257 = arith.constant 10000 : i32
        %mul3A_1258 = arith.muli %add3A, %mul3A_1257 : i32
        %mul3A_1259 = arith.constant 40 : i32
        %mul3A_1260 = arith.muli %add3A_1252, %mul3A_1259 : i32
        %add3A_1261 = arith.addi %mul3A_1258, %mul3A_1260 : i32
        %dma_start3A_1262 = arith.constant 0 : i32
        %dma_start3A_1263 = arith.constant 0 : i32
        %dma_start3A_1264 = tpu.memref_slice %arg8[%rem3A_1256, %dma_start3A_1263] : memref<4x40xi32, #tpu.memory_space<vmem>> -> memref<1x40xi32, #tpu.memory_space<vmem>>
        %dma_start3A_1265 = tpu.memref_squeeze %dma_start3A_1264 : memref<1x40xi32, #tpu.memory_space<vmem>> -> memref<40xi32, #tpu.memory_space<vmem>>
        %dma_start3A_1266 = tpu.memref_slice %arg5[%dma_start3A_1262, %add3A_1261] : memref<2x320000xi32, #tpu.memory_space<hbm>> -> memref<1x40xi32, #tpu.memory_space<hbm>>
        %dma_start3A_1267 = tpu.memref_squeeze %dma_start3A_1266 : memref<1x40xi32, #tpu.memory_space<hbm>> -> memref<40xi32, #tpu.memory_space<hbm>>
        %dma_start3A_1268 = arith.constant 0 : i32
        %dma_start3A_1269 = tpu.memref_slice %arg8[%rem3A_1256, %dma_start3A_1268] : memref<4x40xi32, #tpu.memory_space<vmem>> -> memref<1x40xi32, #tpu.memory_space<vmem>>
        %dma_start3A_1270 = tpu.memref_squeeze %dma_start3A_1269 : memref<1x40xi32, #tpu.memory_space<vmem>> -> memref<40xi32, #tpu.memory_space<vmem>>
        %dma_start3A_1271 = tpu.memref_slice %arg5[%dma_start3A_1262, %add3A_1261] : memref<2x320000xi32, #tpu.memory_space<hbm>> -> memref<1x40xi32, #tpu.memory_space<hbm>>
        %dma_start3A_1272 = tpu.memref_squeeze %dma_start3A_1271 : memref<1x40xi32, #tpu.memory_space<hbm>> -> memref<40xi32, #tpu.memory_space<hbm>>
        tpu.enqueue_dma source(%dma_start3A_1272 : memref<40xi32, #tpu.memory_space<hbm>>) target(%dma_start3A_1270 : memref<40xi32, #tpu.memory_space<vmem>>) target_semaphore(%arg19 : memref<!tpu.dma_semaphore, #tpu.memory_space<semaphore_mem>>)
        %dma_start3A_1273 = arith.constant 1 : i32
        %dma_start3A_1274 = arith.constant 0 : i32
        %dma_start3A_1275 = tpu.memref_slice %arg9[%rem3A_1256, %dma_start3A_1274] : memref<4x40xi32, #tpu.memory_space<vmem>> -> memref<1x40xi32, #tpu.memory_space<vmem>>
        %dma_start3A_1276 = tpu.memref_squeeze %dma_start3A_1275 : memref<1x40xi32, #tpu.memory_space<vmem>> -> memref<40xi32, #tpu.memory_space<vmem>>
        %dma_start3A_1277 = tpu.memref_slice %arg5[%dma_start3A_1273, %add3A_1261] : memref<2x320000xi32, #tpu.memory_space<hbm>> -> memref<1x40xi32, #tpu.memory_space<hbm>>
        %dma_start3A_1278 = tpu.memref_squeeze %dma_start3A_1277 : memref<1x40xi32, #tpu.memory_space<hbm>> -> memref<40xi32, #tpu.memory_space<hbm>>
        %dma_start3A_1279 = arith.constant 0 : i32
        %dma_start3A_1280 = tpu.memref_slice %arg9[%rem3A_1256, %dma_start3A_1279] : memref<4x40xi32, #tpu.memory_space<vmem>> -> memref<1x40xi32, #tpu.memory_space<vmem>>
        %dma_start3A_1281 = tpu.memref_squeeze %dma_start3A_1280 : memref<1x40xi32, #tpu.memory_space<vmem>> -> memref<40xi32, #tpu.memory_space<vmem>>
        %dma_start3A_1282 = tpu.memref_slice %arg5[%dma_start3A_1273, %add3A_1261] : memref<2x320000xi32, #tpu.memory_space<hbm>> -> memref<1x40xi32, #tpu.memory_space<hbm>>
        %dma_start3A_1283 = tpu.memref_squeeze %dma_start3A_1282 : memref<1x40xi32, #tpu.memory_space<hbm>> -> memref<40xi32, #tpu.memory_space<hbm>>
        tpu.enqueue_dma source(%dma_start3A_1283 : memref<40xi32, #tpu.memory_space<hbm>>) target(%dma_start3A_1281 : memref<40xi32, #tpu.memory_space<vmem>>) target_semaphore(%arg19 : memref<!tpu.dma_semaphore, #tpu.memory_space<semaphore_mem>>)
      } else {
      }
      %add3A_1106 = arith.constant 1 : i32
      %add3A_1107 = arith.addi %mul3A_1101, %add3A_1106 : i32
      %lt3A_1108 = arith.constant 250 : i32
      %lt3A_1109 = arith.cmpi slt, %add3A_1107, %lt3A_1108 : i32
      %convert_element_type3A_1110 = arith.extui %lt3A_1109 : i1 to i32
      %cond3A_1111 = arith.constant 0 : i32
      %cond3A_1112 = arith.cmpi ne, %convert_element_type3A_1110, %cond3A_1111 : i32
      scf.if %cond3A_1112 {
        %add3A_1251 = arith.constant 1 : i32
        %add3A_1252 = arith.addi %mul3A_1101, %add3A_1251 : i32
        %add3A_1253 = arith.constant 1 : i32
        %add3A_1254 = arith.addi %mul3A_1101, %add3A_1253 : i32
        %rem3A_1255 = arith.constant 4 : i32
        %rem3A_1256 = arith.remsi %add3A_1254, %rem3A_1255 : i32
        %mul3A_1257 = arith.constant 10000 : i32
        %mul3A_1258 = arith.muli %add3A, %mul3A_1257 : i32
        %mul3A_1259 = arith.constant 40 : i32
        %mul3A_1260 = arith.muli %add3A_1252, %mul3A_1259 : i32
        %add3A_1261 = arith.addi %mul3A_1258, %mul3A_1260 : i32
        %dma_wait3A_1262 = arith.constant 0 : i32
        %dma_wait3A_1263 = arith.constant 0 : i32
        %dma_wait3A_1264 = tpu.memref_slice %arg8[%rem3A_1256, %dma_wait3A_1263] : memref<4x40xi32, #tpu.memory_space<vmem>> -> memref<1x40xi32, #tpu.memory_space<vmem>>
        %dma_wait3A_1265 = tpu.memref_squeeze %dma_wait3A_1264 : memref<1x40xi32, #tpu.memory_space<vmem>> -> memref<40xi32, #tpu.memory_space<vmem>>
        %dma_wait3A_1266 = tpu.memref_slice %arg5[%dma_wait3A_1262, %add3A_1261] : memref<2x320000xi32, #tpu.memory_space<hbm>> -> memref<1x40xi32, #tpu.memory_space<hbm>>
        %dma_wait3A_1267 = tpu.memref_squeeze %dma_wait3A_1266 : memref<1x40xi32, #tpu.memory_space<hbm>> -> memref<40xi32, #tpu.memory_space<hbm>>
        %dma_wait3A_1268 = arith.constant 0 : i32
        %dma_wait3A_1269 = tpu.memref_slice %arg8[%rem3A_1256, %dma_wait3A_1268] : memref<4x40xi32, #tpu.memory_space<vmem>> -> memref<1x40xi32, #tpu.memory_space<vmem>>
        %dma_wait3A_1270 = tpu.memref_squeeze %dma_wait3A_1269 : memref<1x40xi32, #tpu.memory_space<vmem>> -> memref<40xi32, #tpu.memory_space<vmem>>
        %dma_wait3A_1271 = tpu.memref_slice %arg5[%dma_wait3A_1262, %add3A_1261] : memref<2x320000xi32, #tpu.memory_space<hbm>> -> memref<1x40xi32, #tpu.memory_space<hbm>>
        %dma_wait3A_1272 = tpu.memref_squeeze %dma_wait3A_1271 : memref<1x40xi32, #tpu.memory_space<hbm>> -> memref<40xi32, #tpu.memory_space<hbm>>
        tpu.wait_dma2 semaphore(%arg20 : memref<!tpu.dma_semaphore, #tpu.memory_space<semaphore_mem>>) src(%dma_wait3A_1272 : memref<40xi32, #tpu.memory_space<hbm>>) dst(%dma_wait3A_1270 : memref<40xi32, #tpu.memory_space<vmem>>)
        %dma_wait3A_1273 = arith.constant 1 : i32
        %dma_wait3A_1274 = arith.constant 0 : i32
        %dma_wait3A_1275 = tpu.memref_slice %arg9[%rem3A_1256, %dma_wait3A_1274] : memref<4x40xi32, #tpu.memory_space<vmem>> -> memref<1x40xi32, #tpu.memory_space<vmem>>
        %dma_wait3A_1276 = tpu.memref_squeeze %dma_wait3A_1275 : memref<1x40xi32, #tpu.memory_space<vmem>> -> memref<40xi32, #tpu.memory_space<vmem>>
        %dma_wait3A_1277 = tpu.memref_slice %arg5[%dma_wait3A_1273, %add3A_1261] : memref<2x320000xi32, #tpu.memory_space<hbm>> -> memref<1x40xi32, #tpu.memory_space<hbm>>
        %dma_wait3A_1278 = tpu.memref_squeeze %dma_wait3A_1277 : memref<1x40xi32, #tpu.memory_space<hbm>> -> memref<40xi32, #tpu.memory_space<hbm>>
        %dma_wait3A_1279 = arith.constant 0 : i32
        %dma_wait3A_1280 = tpu.memref_slice %arg9[%rem3A_1256, %dma_wait3A_1279] : memref<4x40xi32, #tpu.memory_space<vmem>> -> memref<1x40xi32, #tpu.memory_space<vmem>>
        %dma_wait3A_1281 = tpu.memref_squeeze %dma_wait3A_1280 : memref<1x40xi32, #tpu.memory_space<vmem>> -> memref<40xi32, #tpu.memory_space<vmem>>
        %dma_wait3A_1282 = tpu.memref_slice %arg5[%dma_wait3A_1273, %add3A_1261] : memref<2x320000xi32, #tpu.memory_space<hbm>> -> memref<1x40xi32, #tpu.memory_space<hbm>>
        %dma_wait3A_1283 = tpu.memref_squeeze %dma_wait3A_1282 : memref<1x40xi32, #tpu.memory_space<hbm>> -> memref<40xi32, #tpu.memory_space<hbm>>
        tpu.wait_dma2 semaphore(%arg20 : memref<!tpu.dma_semaphore, #tpu.memory_space<semaphore_mem>>) src(%dma_wait3A_1283 : memref<40xi32, #tpu.memory_space<hbm>>) dst(%dma_wait3A_1281 : memref<40xi32, #tpu.memory_space<vmem>>)
        %ge3A = arith.constant 1 : i32
        %ge3A_1284 = arith.cmpi sge, %mul3A_1101, %ge3A : i32
        %convert_element_type3A_1285 = arith.extui %ge3A_1284 : i1 to i32
        %cond3A_1286 = arith.constant 0 : i32
        %cond3A_1287 = arith.cmpi ne, %convert_element_type3A_1285, %cond3A_1286 : i32
        scf.if %cond3A_1287 {
          %add3A_1325 = arith.constant 3 : i32
          %add3A_1326 = arith.addi %mul3A_1101, %add3A_1325 : i32
          %rem3A_1327 = arith.constant 4 : i32
          %rem3A_1328 = arith.remsi %add3A_1326, %rem3A_1327 : i32
          %dma_wait3A_1329 = arith.constant 1 : i32
          %dma_wait3A_1330 = arith.constant 0 : i32
          %dma_wait3A_1331 = arith.constant 0 : i32
          %dma_wait3A_1332 = tpu.memref_slice %arg12[%dma_wait3A_1329, %dma_wait3A_1330, %dma_wait3A_1331] : memref<2x40x128xf32, #tpu.memory_space<vmem>> -> memref<1x40x128xf32, #tpu.memory_space<vmem>>
          %dma_wait3A_1333 = tpu.memref_squeeze %dma_wait3A_1332 : memref<1x40x128xf32, #tpu.memory_space<vmem>> -> memref<40x128xf32, #tpu.memory_space<vmem>>
          %dma_wait3A_1334 = arith.constant 0 : i32
          %dma_wait3A_1335 = tpu.memref_slice %arg9[%rem3A_1328, %dma_wait3A_1334] : memref<4x40xi32, #tpu.memory_space<vmem>> -> memref<1x40xi32, #tpu.memory_space<vmem>>
          %dma_wait3A_1336 = tpu.memref_squeeze %dma_wait3A_1335 : memref<1x40xi32, #tpu.memory_space<vmem>> -> memref<40xi32, #tpu.memory_space<vmem>>
          %dma_wait3A_1337 = arith.constant 0 : i32
          %dma_wait3A_1338 = arith.constant 0 : i32
          %dma_wait3A_1339 = tpu.memref_slice %arg14[%dma_wait3A_1337, %dma_wait3A_1338] : memref<10000x128xf32, #tpu.memory_space<vmem_shared>> -> memref<10000x128xf32, #tpu.memory_space<vmem_shared>>
          tpu.wait_indirect_dma semaphore(%arg21 : memref<!tpu.dma_semaphore, #tpu.memory_space<semaphore_mem>>) src(%dma_wait3A_1333 : memref<40x128xf32, #tpu.memory_space<vmem>>) dst(%dma_wait3A_1339 : memref<10000x128xf32, #tpu.memory_space<vmem_shared>>)
          %dma_wait3A_1340 = arith.constant 1 : i32
          %dma_wait3A_1341 = arith.constant 0 : i32
          %dma_wait3A_1342 = arith.constant 0 : i32
          %dma_wait3A_1343 = tpu.memref_slice %arg13[%dma_wait3A_1340, %dma_wait3A_1341, %dma_wait3A_1342] : memref<2x40x16xf32, #tpu.memory_space<vmem>> -> memref<1x40x16xf32, #tpu.memory_space<vmem>>
          %dma_wait3A_1344 = tpu.memref_squeeze %dma_wait3A_1343 : memref<1x40x16xf32, #tpu.memory_space<vmem>> -> memref<40x16xf32, #tpu.memory_space<vmem>>
          %dma_wait3A_1345 = arith.constant 0 : i32
          %dma_wait3A_1346 = tpu.memref_slice %arg9[%rem3A_1328, %dma_wait3A_1345] : memref<4x40xi32, #tpu.memory_space<vmem>> -> memref<1x40xi32, #tpu.memory_space<vmem>>
          %dma_wait3A_1347 = tpu.memref_squeeze %dma_wait3A_1346 : memref<1x40xi32, #tpu.memory_space<vmem>> -> memref<40xi32, #tpu.memory_space<vmem>>
          %dma_wait3A_1348 = arith.constant 0 : i32
          %dma_wait3A_1349 = arith.constant 0 : i32
          %dma_wait3A_1350 = tpu.memref_slice %arg15[%dma_wait3A_1348, %dma_wait3A_1349] : memref<10000x16xf32, #tpu.memory_space<vmem_shared>> -> memref<10000x16xf32, #tpu.memory_space<vmem_shared>>
          tpu.wait_indirect_dma semaphore(%arg22 : memref<!tpu.dma_semaphore, #tpu.memory_space<semaphore_mem>>) src(%dma_wait3A_1344 : memref<40x16xf32, #tpu.memory_space<vmem>>) dst(%dma_wait3A_1350 : memref<10000x16xf32, #tpu.memory_space<vmem_shared>>)
        } else {
        }
        %add3A_1288 = arith.constant 1 : i32
        %add3A_1289 = arith.addi %mul3A_1101, %add3A_1288 : i32
        %rem3A_1290 = arith.constant 4 : i32
        %rem3A_1291 = arith.remsi %add3A_1289, %rem3A_1290 : i32
        %dma_start3A_1292 = arith.constant 1 : i32
        %dma_start3A_1293 = arith.constant 0 : i32
        %dma_start3A_1294 = arith.constant 0 : i32
        %dma_start3A_1295 = tpu.memref_slice %arg10[%dma_start3A_1292, %dma_start3A_1293, %dma_start3A_1294] : memref<2x40x128xbf16, #tpu.memory_space<vmem>> -> memref<1x40x128xbf16, #tpu.memory_space<vmem>>
        %dma_start3A_1296 = tpu.memref_squeeze %dma_start3A_1295 : memref<1x40x128xbf16, #tpu.memory_space<vmem>> -> memref<40x128xbf16, #tpu.memory_space<vmem>>
        %dma_start3A_1297 = arith.constant 0 : i32
        %dma_start3A_1298 = tpu.memref_slice %arg8[%rem3A_1291, %dma_start3A_1297] : memref<4x40xi32, #tpu.memory_space<vmem>> -> memref<1x40xi32, #tpu.memory_space<vmem>>
        %dma_start3A_1299 = tpu.memref_squeeze %dma_start3A_1298 : memref<1x40xi32, #tpu.memory_space<vmem>> -> memref<40xi32, #tpu.memory_space<vmem>>
        %dma_start3A_1300 = arith.constant 0 : i32
        %dma_start3A_1301 = arith.constant 0 : i32
        %dma_start3A_1302 = tpu.memref_slice %arg2[%dma_start3A_1300, %dma_start3A_1301] : memref<10000x128xbf16, #tpu.memory_space<hbm>> -> memref<10000x128xbf16, #tpu.memory_space<hbm>>
        tpu.enqueue_indirect_dma source(%dma_start3A_1302 : memref<10000x128xbf16, #tpu.memory_space<hbm>>) target(%dma_start3A_1296 : memref<40x128xbf16, #tpu.memory_space<vmem>>) offsets(%dma_start3A_1299 : memref<40xi32, #tpu.memory_space<vmem>>) semaphore(%arg16 : memref<!tpu.dma_semaphore, #tpu.memory_space<semaphore_mem>>)
        %dma_start3A_1303 = arith.constant 1 : i32
        %dma_start3A_1304 = arith.constant 0 : i32
        %dma_start3A_1305 = arith.constant 0 : i32
        %dma_start3A_1306 = tpu.memref_slice %arg11[%dma_start3A_1303, %dma_start3A_1304, %dma_start3A_1305] : memref<2x40x128xbf16, #tpu.memory_space<vmem>> -> memref<1x40x128xbf16, #tpu.memory_space<vmem>>
        %dma_start3A_1307 = tpu.memref_squeeze %dma_start3A_1306 : memref<1x40x128xbf16, #tpu.memory_space<vmem>> -> memref<40x128xbf16, #tpu.memory_space<vmem>>
        %dma_start3A_1308 = arith.constant 0 : i32
        %dma_start3A_1309 = tpu.memref_slice %arg9[%rem3A_1291, %dma_start3A_1308] : memref<4x40xi32, #tpu.memory_space<vmem>> -> memref<1x40xi32, #tpu.memory_space<vmem>>
        %dma_start3A_1310 = tpu.memref_squeeze %dma_start3A_1309 : memref<1x40xi32, #tpu.memory_space<vmem>> -> memref<40xi32, #tpu.memory_space<vmem>>
        %dma_start3A_1311 = arith.constant 0 : i32
        %dma_start3A_1312 = arith.constant 0 : i32
        %dma_start3A_1313 = tpu.memref_slice %arg3[%dma_start3A_1311, %dma_start3A_1312] : memref<10000x128xbf16, #tpu.memory_space<hbm>> -> memref<10000x128xbf16, #tpu.memory_space<hbm>>
        tpu.enqueue_indirect_dma source(%dma_start3A_1313 : memref<10000x128xbf16, #tpu.memory_space<hbm>>) target(%dma_start3A_1307 : memref<40x128xbf16, #tpu.memory_space<vmem>>) offsets(%dma_start3A_1310 : memref<40xi32, #tpu.memory_space<vmem>>) semaphore(%arg17 : memref<!tpu.dma_semaphore, #tpu.memory_space<semaphore_mem>>)
        %dma_start3A_1314 = arith.constant 1 : i32
        %dma_start3A_1315 = arith.constant 0 : i32
        %dma_start3A_1316 = arith.constant 0 : i32
        %dma_start3A_1317 = tpu.memref_slice %arg12[%dma_start3A_1314, %dma_start3A_1315, %dma_start3A_1316] : memref<2x40x128xf32, #tpu.memory_space<vmem>> -> memref<1x40x128xf32, #tpu.memory_space<vmem>>
        %dma_start3A_1318 = tpu.memref_squeeze %dma_start3A_1317 : memref<1x40x128xf32, #tpu.memory_space<vmem>> -> memref<40x128xf32, #tpu.memory_space<vmem>>
        %dma_start3A_1319 = arith.constant 0 : i32
        %dma_start3A_1320 = tpu.memref_slice %arg8[%rem3A_1291, %dma_start3A_1319] : memref<4x40xi32, #tpu.memory_space<vmem>> -> memref<1x40xi32, #tpu.memory_space<vmem>>
        %dma_start3A_1321 = tpu.memref_squeeze %dma_start3A_1320 : memref<1x40xi32, #tpu.memory_space<vmem>> -> memref<40xi32, #tpu.memory_space<vmem>>
        %dma_start3A_1322 = arith.constant 0 : i32
        %dma_start3A_1323 = arith.constant 0 : i32
        %dma_start3A_1324 = tpu.memref_slice %arg4[%dma_start3A_1322, %dma_start3A_1323] : memref<10000x128xf32, #tpu.memory_space<hbm>> -> memref<10000x128xf32, #tpu.memory_space<hbm>>
        tpu.enqueue_indirect_dma source(%dma_start3A_1324 : memref<10000x128xf32, #tpu.memory_space<hbm>>) target(%dma_start3A_1318 : memref<40x128xf32, #tpu.memory_space<vmem>>) offsets(%dma_start3A_1321 : memref<40xi32, #tpu.memory_space<vmem>>) semaphore(%arg18 : memref<!tpu.dma_semaphore, #tpu.memory_space<semaphore_mem>>)
      } else {
      }
      %rem3A = arith.constant 4 : i32
      %rem3A_1113 = arith.remsi %mul3A_1101, %rem3A : i32
      %dma_wait3A_1114 = arith.constant 0 : i32
      %dma_wait3A_1115 = arith.constant 0 : i32
      %dma_wait3A_1116 = arith.constant 0 : i32
      %dma_wait3A_1117 = tpu.memref_slice %arg10[%dma_wait3A_1114, %dma_wait3A_1115, %dma_wait3A_1116] : memref<2x40x128xbf16, #tpu.memory_space<vmem>> -> memref<1x40x128xbf16, #tpu.memory_space<vmem>>
      %dma_wait3A_1118 = tpu.memref_squeeze %dma_wait3A_1117 : memref<1x40x128xbf16, #tpu.memory_space<vmem>> -> memref<40x128xbf16, #tpu.memory_space<vmem>>
      %dma_wait3A_1119 = arith.constant 0 : i32
      %dma_wait3A_1120 = tpu.memref_slice %arg8[%rem3A_1113, %dma_wait3A_1119] : memref<4x40xi32, #tpu.memory_space<vmem>> -> memref<1x40xi32, #tpu.memory_space<vmem>>
      %dma_wait3A_1121 = tpu.memref_squeeze %dma_wait3A_1120 : memref<1x40xi32, #tpu.memory_space<vmem>> -> memref<40xi32, #tpu.memory_space<vmem>>
      %dma_wait3A_1122 = arith.constant 0 : i32
      %dma_wait3A_1123 = arith.constant 0 : i32
      %dma_wait3A_1124 = tpu.memref_slice %arg2[%dma_wait3A_1122, %dma_wait3A_1123] : memref<10000x128xbf16, #tpu.memory_space<hbm>> -> memref<10000x128xbf16, #tpu.memory_space<hbm>>
      tpu.wait_indirect_dma semaphore(%arg16 : memref<!tpu.dma_semaphore, #tpu.memory_space<semaphore_mem>>) src(%dma_wait3A_1124 : memref<10000x128xbf16, #tpu.memory_space<hbm>>) dst(%dma_wait3A_1118 : memref<40x128xbf16, #tpu.memory_space<vmem>>)
      %dma_wait3A_1125 = arith.constant 0 : i32
      %dma_wait3A_1126 = arith.constant 0 : i32
      %dma_wait3A_1127 = arith.constant 0 : i32
      %dma_wait3A_1128 = tpu.memref_slice %arg11[%dma_wait3A_1125, %dma_wait3A_1126, %dma_wait3A_1127] : memref<2x40x128xbf16, #tpu.memory_space<vmem>> -> memref<1x40x128xbf16, #tpu.memory_space<vmem>>
      %dma_wait3A_1129 = tpu.memref_squeeze %dma_wait3A_1128 : memref<1x40x128xbf16, #tpu.memory_space<vmem>> -> memref<40x128xbf16, #tpu.memory_space<vmem>>
      %dma_wait3A_1130 = arith.constant 0 : i32
      %dma_wait3A_1131 = tpu.memref_slice %arg9[%rem3A_1113, %dma_wait3A_1130] : memref<4x40xi32, #tpu.memory_space<vmem>> -> memref<1x40xi32, #tpu.memory_space<vmem>>
      %dma_wait3A_1132 = tpu.memref_squeeze %dma_wait3A_1131 : memref<1x40xi32, #tpu.memory_space<vmem>> -> memref<40xi32, #tpu.memory_space<vmem>>
      %dma_wait3A_1133 = arith.constant 0 : i32
      %dma_wait3A_1134 = arith.constant 0 : i32
      %dma_wait3A_1135 = tpu.memref_slice %arg3[%dma_wait3A_1133, %dma_wait3A_1134] : memref<10000x128xbf16, #tpu.memory_space<hbm>> -> memref<10000x128xbf16, #tpu.memory_space<hbm>>
      tpu.wait_indirect_dma semaphore(%arg17 : memref<!tpu.dma_semaphore, #tpu.memory_space<semaphore_mem>>) src(%dma_wait3A_1135 : memref<10000x128xbf16, #tpu.memory_space<hbm>>) dst(%dma_wait3A_1129 : memref<40x128xbf16, #tpu.memory_space<vmem>>)
      %dma_wait3A_1136 = arith.constant 0 : i32
      %dma_wait3A_1137 = arith.constant 0 : i32
      %dma_wait3A_1138 = arith.constant 0 : i32
      %dma_wait3A_1139 = tpu.memref_slice %arg12[%dma_wait3A_1136, %dma_wait3A_1137, %dma_wait3A_1138] : memref<2x40x128xf32, #tpu.memory_space<vmem>> -> memref<1x40x128xf32, #tpu.memory_space<vmem>>
      %dma_wait3A_1140 = tpu.memref_squeeze %dma_wait3A_1139 : memref<1x40x128xf32, #tpu.memory_space<vmem>> -> memref<40x128xf32, #tpu.memory_space<vmem>>
      %dma_wait3A_1141 = arith.constant 0 : i32
      %dma_wait3A_1142 = tpu.memref_slice %arg8[%rem3A_1113, %dma_wait3A_1141] : memref<4x40xi32, #tpu.memory_space<vmem>> -> memref<1x40xi32, #tpu.memory_space<vmem>>
      %dma_wait3A_1143 = tpu.memref_squeeze %dma_wait3A_1142 : memref<1x40xi32, #tpu.memory_space<vmem>> -> memref<40xi32, #tpu.memory_space<vmem>>
      %dma_wait3A_1144 = arith.constant 0 : i32
      %dma_wait3A_1145 = arith.constant 0 : i32
      %dma_wait3A_1146 = tpu.memref_slice %arg4[%dma_wait3A_1144, %dma_wait3A_1145] : memref<10000x128xf32, #tpu.memory_space<hbm>> -> memref<10000x128xf32, #tpu.memory_space<hbm>>
      tpu.wait_indirect_dma semaphore(%arg18 : memref<!tpu.dma_semaphore, #tpu.memory_space<semaphore_mem>>) src(%dma_wait3A_1146 : memref<10000x128xf32, #tpu.memory_space<hbm>>) dst(%dma_wait3A_1140 : memref<40x128xf32, #tpu.memory_space<vmem>>)
      %parallel_loop3A = arith.constant 0 : i32
      %parallel_loop3A_1147 = arith.constant 40 : i32
      %parallel_loop3A_1148 = arith.constant 1 : i32
      scf.for %parallel_loop3A_1251 = %parallel_loop3A to %parallel_loop3A_1147 step %parallel_loop3A_1148  : i32 {
        %parallel_loop3A_1252 = arith.constant 0.000000e+00 : f32
        %parallel_loop3A_1253 = vector.broadcast %parallel_loop3A_1252 : f32 to vector<16xf32>
        %parallel_loop3A_1254 = arith.constant 0 : i32
        %parallel_loop3A_1255 = arith.index_cast %parallel_loop3A_1254 : i32 to index
        %parallel_loop3A_1256 = arith.index_cast %parallel_loop3A_1251 : i32 to index
        %parallel_loop3A_1257 = arith.constant 0 : index
        %parallel_loop3A_1258 = tpu.vector_load %arg10[%parallel_loop3A_1255, %parallel_loop3A_1256, %parallel_loop3A_1257] {strides = array<i32>} : memref<2x40x128xbf16, #tpu.memory_space<vmem>>, vector<32xbf16>,
        %parallel_loop3A_1259 = arith.constant 0 : i32
        %parallel_loop3A_1260 = arith.index_cast %parallel_loop3A_1259 : i32 to index
        %parallel_loop3A_1261 = arith.index_cast %parallel_loop3A_1251 : i32 to index
        %parallel_loop3A_1262 = arith.constant 0 : index
        %parallel_loop3A_1263 = tpu.vector_load %arg11[%parallel_loop3A_1260, %parallel_loop3A_1261, %parallel_loop3A_1262] {strides = array<i32>} : memref<2x40x128xbf16, #tpu.memory_space<vmem>>, vector<32xbf16>,
        %parallel_loop3A_1264 = tpu.unpack_subelements %parallel_loop3A_1258, 0 {pack_format = #tpu.pack_format<interleaved>} : vector<32xbf16> -> vector<16xf32>
        %parallel_loop3A_1265 = tpu.unpack_subelements %parallel_loop3A_1258, 1 {pack_format = #tpu.pack_format<interleaved>} : vector<32xbf16> -> vector<16xf32>
        %parallel_loop3A_1266 = tpu.unpack_subelements %parallel_loop3A_1263, 0 {pack_format = #tpu.pack_format<interleaved>} : vector<32xbf16> -> vector<16xf32>
        %parallel_loop3A_1267 = tpu.unpack_subelements %parallel_loop3A_1263, 1 {pack_format = #tpu.pack_format<interleaved>} : vector<32xbf16> -> vector<16xf32>
        %parallel_loop3A_1268 = arith.mulf %parallel_loop3A_1264, %parallel_loop3A_1266 : vector<16xf32>
        %parallel_loop3A_1269 = arith.constant true
        %parallel_loop3A_1270 = vector.broadcast %parallel_loop3A_1269 : i1 to vector<16xi1>
        %parallel_loop3A_1271 = tpu.scan <sum>, %parallel_loop3A_1268 masked %parallel_loop3A_1270 : vector<16xf32>, vector<16xi1> -> vector<16xf32>
        %parallel_loop3A_1272 = vector.extract %parallel_loop3A_1271[15] : f32 from vector<16xf32>
        %parallel_loop3A_1273 = arith.constant -5.000000e+00 : f32
        %parallel_loop3A_1274 = arith.constant 5.000000e+00 : f32
        %parallel_loop3A_1275 = arith.maximumf %parallel_loop3A_1273, %parallel_loop3A_1272 : f32
        %parallel_loop3A_1276 = arith.minimumf %parallel_loop3A_1274, %parallel_loop3A_1275 : f32
        %parallel_loop3A_1277 = vector.broadcast %parallel_loop3A_1276 : f32 to vector<16xf32>
        %parallel_loop3A_1278 = arith.select %eq3A_902, %parallel_loop3A_1277, %parallel_loop3A_1253 : vector<16xi1>, vector<16xf32>
        %parallel_loop3A_1279 = arith.mulf %parallel_loop3A_1265, %parallel_loop3A_1267 : vector<16xf32>
        %parallel_loop3A_1280 = arith.constant true
        %parallel_loop3A_1281 = vector.broadcast %parallel_loop3A_1280 : i1 to vector<16xi1>
        %parallel_loop3A_1282 = tpu.scan <sum>, %parallel_loop3A_1279 masked %parallel_loop3A_1281 : vector<16xf32>, vector<16xi1> -> vector<16xf32>
        %parallel_loop3A_1283 = vector.extract %parallel_loop3A_1282[15] : f32 from vector<16xf32>
        %parallel_loop3A_1284 = arith.constant -5.000000e+00 : f32
        %parallel_loop3A_1285 = arith.constant 5.000000e+00 : f32
        %parallel_loop3A_1286 = arith.maximumf %parallel_loop3A_1284, %parallel_loop3A_1283 : f32
        %parallel_loop3A_1287 = arith.minimumf %parallel_loop3A_1285, %parallel_loop3A_1286 : f32
        %parallel_loop3A_1288 = vector.broadcast %parallel_loop3A_1287 : f32 to vector<16xf32>
        %parallel_loop3A_1289 = arith.select %eq3A_905, %parallel_loop3A_1288, %parallel_loop3A_1278 : vector<16xi1>, vector<16xf32>
        %parallel_loop3A_1290 = arith.constant 0 : i32
        %parallel_loop3A_1291 = arith.index_cast %parallel_loop3A_1290 : i32 to index
        %parallel_loop3A_1292 = arith.index_cast %parallel_loop3A_1251 : i32 to index
        %parallel_loop3A_1293 = arith.constant 32 : index
        %parallel_loop3A_1294 = tpu.vector_load %arg10[%parallel_loop3A_1291, %parallel_loop3A_1292, %parallel_loop3A_1293] {strides = array<i32>} : memref<2x40x128xbf16, #tpu.memory_space<vmem>>, vector<32xbf16>,
        %parallel_loop3A_1295 = arith.constant 0 : i32
        %parallel_loop3A_1296 = arith.index_cast %parallel_loop3A_1295 : i32 to index
        %parallel_loop3A_1297 = arith.index_cast %parallel_loop3A_1251 : i32 to index
        %parallel_loop3A_1298 = arith.constant 32 : index
        %parallel_loop3A_1299 = tpu.vector_load %arg11[%parallel_loop3A_1296, %parallel_loop3A_1297, %parallel_loop3A_1298] {strides = array<i32>} : memref<2x40x128xbf16, #tpu.memory_space<vmem>>, vector<32xbf16>,
        %parallel_loop3A_1300 = tpu.unpack_subelements %parallel_loop3A_1294, 0 {pack_format = #tpu.pack_format<interleaved>} : vector<32xbf16> -> vector<16xf32>
        %parallel_loop3A_1301 = tpu.unpack_subelements %parallel_loop3A_1294, 1 {pack_format = #tpu.pack_format<interleaved>} : vector<32xbf16> -> vector<16xf32>
        %parallel_loop3A_1302 = tpu.unpack_subelements %parallel_loop3A_1299, 0 {pack_format = #tpu.pack_format<interleaved>} : vector<32xbf16> -> vector<16xf32>
        %parallel_loop3A_1303 = tpu.unpack_subelements %parallel_loop3A_1299, 1 {pack_format = #tpu.pack_format<interleaved>} : vector<32xbf16> -> vector<16xf32>
        %parallel_loop3A_1304 = arith.mulf %parallel_loop3A_1300, %parallel_loop3A_1302 : vector<16xf32>
        %parallel_loop3A_1305 = arith.constant true
        %parallel_loop3A_1306 = vector.broadcast %parallel_loop3A_1305 : i1 to vector<16xi1>
        %parallel_loop3A_1307 = tpu.scan <sum>, %parallel_loop3A_1304 masked %parallel_loop3A_1306 : vector<16xf32>, vector<16xi1> -> vector<16xf32>
        %parallel_loop3A_1308 = vector.extract %parallel_loop3A_1307[15] : f32 from vector<16xf32>
        %parallel_loop3A_1309 = arith.constant -5.000000e+00 : f32
        %parallel_loop3A_1310 = arith.constant 5.000000e+00 : f32
        %parallel_loop3A_1311 = arith.maximumf %parallel_loop3A_1309, %parallel_loop3A_1308 : f32
        %parallel_loop3A_1312 = arith.minimumf %parallel_loop3A_1310, %parallel_loop3A_1311 : f32
        %parallel_loop3A_1313 = vector.broadcast %parallel_loop3A_1312 : f32 to vector<16xf32>
        %parallel_loop3A_1314 = arith.select %eq3A_908, %parallel_loop3A_1313, %parallel_loop3A_1289 : vector<16xi1>, vector<16xf32>
        %parallel_loop3A_1315 = arith.mulf %parallel_loop3A_1301, %parallel_loop3A_1303 : vector<16xf32>
        %parallel_loop3A_1316 = arith.constant true
        %parallel_loop3A_1317 = vector.broadcast %parallel_loop3A_1316 : i1 to vector<16xi1>
        %parallel_loop3A_1318 = tpu.scan <sum>, %parallel_loop3A_1315 masked %parallel_loop3A_1317 : vector<16xf32>, vector<16xi1> -> vector<16xf32>
        %parallel_loop3A_1319 = vector.extract %parallel_loop3A_1318[15] : f32 from vector<16xf32>
        %parallel_loop3A_1320 = arith.constant -5.000000e+00 : f32
        %parallel_loop3A_1321 = arith.constant 5.000000e+00 : f32
        %parallel_loop3A_1322 = arith.maximumf %parallel_loop3A_1320, %parallel_loop3A_1319 : f32
        %parallel_loop3A_1323 = arith.minimumf %parallel_loop3A_1321, %parallel_loop3A_1322 : f32
        %parallel_loop3A_1324 = vector.broadcast %parallel_loop3A_1323 : f32 to vector<16xf32>
        %parallel_loop3A_1325 = arith.select %eq3A_911, %parallel_loop3A_1324, %parallel_loop3A_1314 : vector<16xi1>, vector<16xf32>
        %parallel_loop3A_1326 = arith.constant 0 : i32
        %parallel_loop3A_1327 = arith.index_cast %parallel_loop3A_1326 : i32 to index
        %parallel_loop3A_1328 = arith.index_cast %parallel_loop3A_1251 : i32 to index
        %parallel_loop3A_1329 = arith.constant 64 : index
        %parallel_loop3A_1330 = tpu.vector_load %arg10[%parallel_loop3A_1327, %parallel_loop3A_1328, %parallel_loop3A_1329] {strides = array<i32>} : memref<2x40x128xbf16, #tpu.memory_space<vmem>>, vector<32xbf16>,
        %parallel_loop3A_1331 = arith.constant 0 : i32
        %parallel_loop3A_1332 = arith.index_cast %parallel_loop3A_1331 : i32 to index
        %parallel_loop3A_1333 = arith.index_cast %parallel_loop3A_1251 : i32 to index
        %parallel_loop3A_1334 = arith.constant 64 : index
        %parallel_loop3A_1335 = tpu.vector_load %arg11[%parallel_loop3A_1332, %parallel_loop3A_1333, %parallel_loop3A_1334] {strides = array<i32>} : memref<2x40x128xbf16, #tpu.memory_space<vmem>>, vector<32xbf16>,
        %parallel_loop3A_1336 = tpu.unpack_subelements %parallel_loop3A_1330, 0 {pack_format = #tpu.pack_format<interleaved>} : vector<32xbf16> -> vector<16xf32>
        %parallel_loop3A_1337 = tpu.unpack_subelements %parallel_loop3A_1330, 1 {pack_format = #tpu.pack_format<interleaved>} : vector<32xbf16> -> vector<16xf32>
        %parallel_loop3A_1338 = tpu.unpack_subelements %parallel_loop3A_1335, 0 {pack_format = #tpu.pack_format<interleaved>} : vector<32xbf16> -> vector<16xf32>
        %parallel_loop3A_1339 = tpu.unpack_subelements %parallel_loop3A_1335, 1 {pack_format = #tpu.pack_format<interleaved>} : vector<32xbf16> -> vector<16xf32>
        %parallel_loop3A_1340 = arith.mulf %parallel_loop3A_1336, %parallel_loop3A_1338 : vector<16xf32>
        %parallel_loop3A_1341 = arith.constant true
        %parallel_loop3A_1342 = vector.broadcast %parallel_loop3A_1341 : i1 to vector<16xi1>
        %parallel_loop3A_1343 = tpu.scan <sum>, %parallel_loop3A_1340 masked %parallel_loop3A_1342 : vector<16xf32>, vector<16xi1> -> vector<16xf32>
        %parallel_loop3A_1344 = vector.extract %parallel_loop3A_1343[15] : f32 from vector<16xf32>
        %parallel_loop3A_1345 = arith.constant -5.000000e+00 : f32
        %parallel_loop3A_1346 = arith.constant 5.000000e+00 : f32
        %parallel_loop3A_1347 = arith.maximumf %parallel_loop3A_1345, %parallel_loop3A_1344 : f32
        %parallel_loop3A_1348 = arith.minimumf %parallel_loop3A_1346, %parallel_loop3A_1347 : f32
        %parallel_loop3A_1349 = vector.broadcast %parallel_loop3A_1348 : f32 to vector<16xf32>
        %parallel_loop3A_1350 = arith.select %eq3A_914, %parallel_loop3A_1349, %parallel_loop3A_1325 : vector<16xi1>, vector<16xf32>
        %parallel_loop3A_1351 = arith.mulf %parallel_loop3A_1337, %parallel_loop3A_1339 : vector<16xf32>
        %parallel_loop3A_1352 = arith.constant true
        %parallel_loop3A_1353 = vector.broadcast %parallel_loop3A_1352 : i1 to vector<16xi1>
        %parallel_loop3A_1354 = tpu.scan <sum>, %parallel_loop3A_1351 masked %parallel_loop3A_1353 : vector<16xf32>, vector<16xi1> -> vector<16xf32>
        %parallel_loop3A_1355 = vector.extract %parallel_loop3A_1354[15] : f32 from vector<16xf32>
        %parallel_loop3A_1356 = arith.constant -5.000000e+00 : f32
        %parallel_loop3A_1357 = arith.constant 5.000000e+00 : f32
        %parallel_loop3A_1358 = arith.maximumf %parallel_loop3A_1356, %parallel_loop3A_1355 : f32
        %parallel_loop3A_1359 = arith.minimumf %parallel_loop3A_1357, %parallel_loop3A_1358 : f32
        %parallel_loop3A_1360 = vector.broadcast %parallel_loop3A_1359 : f32 to vector<16xf32>
        %parallel_loop3A_1361 = arith.select %eq3A_917, %parallel_loop3A_1360, %parallel_loop3A_1350 : vector<16xi1>, vector<16xf32>
        %parallel_loop3A_1362 = arith.constant 0 : i32
        %parallel_loop3A_1363 = arith.index_cast %parallel_loop3A_1362 : i32 to index
        %parallel_loop3A_1364 = arith.index_cast %parallel_loop3A_1251 : i32 to index
        %parallel_loop3A_1365 = arith.constant 96 : index
        %parallel_loop3A_1366 = tpu.vector_load %arg10[%parallel_loop3A_1363, %parallel_loop3A_1364, %parallel_loop3A_1365] {strides = array<i32>} : memref<2x40x128xbf16, #tpu.memory_space<vmem>>, vector<32xbf16>,
        %parallel_loop3A_1367 = arith.constant 0 : i32
        %parallel_loop3A_1368 = arith.index_cast %parallel_loop3A_1367 : i32 to index
        %parallel_loop3A_1369 = arith.index_cast %parallel_loop3A_1251 : i32 to index
        %parallel_loop3A_1370 = arith.constant 96 : index
        %parallel_loop3A_1371 = tpu.vector_load %arg11[%parallel_loop3A_1368, %parallel_loop3A_1369, %parallel_loop3A_1370] {strides = array<i32>} : memref<2x40x128xbf16, #tpu.memory_space<vmem>>, vector<32xbf16>,
        %parallel_loop3A_1372 = tpu.unpack_subelements %parallel_loop3A_1366, 0 {pack_format = #tpu.pack_format<interleaved>} : vector<32xbf16> -> vector<16xf32>
        %parallel_loop3A_1373 = tpu.unpack_subelements %parallel_loop3A_1366, 1 {pack_format = #tpu.pack_format<interleaved>} : vector<32xbf16> -> vector<16xf32>
        %parallel_loop3A_1374 = tpu.unpack_subelements %parallel_loop3A_1371, 0 {pack_format = #tpu.pack_format<interleaved>} : vector<32xbf16> -> vector<16xf32>
        %parallel_loop3A_1375 = tpu.unpack_subelements %parallel_loop3A_1371, 1 {pack_format = #tpu.pack_format<interleaved>} : vector<32xbf16> -> vector<16xf32>
        %parallel_loop3A_1376 = arith.mulf %parallel_loop3A_1372, %parallel_loop3A_1374 : vector<16xf32>
        %parallel_loop3A_1377 = arith.constant true
        %parallel_loop3A_1378 = vector.broadcast %parallel_loop3A_1377 : i1 to vector<16xi1>
        %parallel_loop3A_1379 = tpu.scan <sum>, %parallel_loop3A_1376 masked %parallel_loop3A_1378 : vector<16xf32>, vector<16xi1> -> vector<16xf32>
        %parallel_loop3A_1380 = vector.extract %parallel_loop3A_1379[15] : f32 from vector<16xf32>
        %parallel_loop3A_1381 = arith.constant -5.000000e+00 : f32
        %parallel_loop3A_1382 = arith.constant 5.000000e+00 : f32
        %parallel_loop3A_1383 = arith.maximumf %parallel_loop3A_1381, %parallel_loop3A_1380 : f32
        %parallel_loop3A_1384 = arith.minimumf %parallel_loop3A_1382, %parallel_loop3A_1383 : f32
        %parallel_loop3A_1385 = vector.broadcast %parallel_loop3A_1384 : f32 to vector<16xf32>
        %parallel_loop3A_1386 = arith.select %eq3A_920, %parallel_loop3A_1385, %parallel_loop3A_1361 : vector<16xi1>, vector<16xf32>
        %parallel_loop3A_1387 = arith.mulf %parallel_loop3A_1373, %parallel_loop3A_1375 : vector<16xf32>
        %parallel_loop3A_1388 = arith.constant true
        %parallel_loop3A_1389 = vector.broadcast %parallel_loop3A_1388 : i1 to vector<16xi1>
        %parallel_loop3A_1390 = tpu.scan <sum>, %parallel_loop3A_1387 masked %parallel_loop3A_1389 : vector<16xf32>, vector<16xi1> -> vector<16xf32>
        %parallel_loop3A_1391 = vector.extract %parallel_loop3A_1390[15] : f32 from vector<16xf32>
        %parallel_loop3A_1392 = arith.constant -5.000000e+00 : f32
        %parallel_loop3A_1393 = arith.constant 5.000000e+00 : f32
        %parallel_loop3A_1394 = arith.maximumf %parallel_loop3A_1392, %parallel_loop3A_1391 : f32
        %parallel_loop3A_1395 = arith.minimumf %parallel_loop3A_1393, %parallel_loop3A_1394 : f32
        %parallel_loop3A_1396 = vector.broadcast %parallel_loop3A_1395 : f32 to vector<16xf32>
        %parallel_loop3A_1397 = arith.select %eq3A_923, %parallel_loop3A_1396, %parallel_loop3A_1386 : vector<16xi1>, vector<16xf32>
        %parallel_loop3A_1398 = math.exp %parallel_loop3A_1397 : vector<16xf32>
        %parallel_loop3A_1399 = arith.constant 0 : i32
        %parallel_loop3A_1400 = arith.index_cast %parallel_loop3A_1399 : i32 to index
        %parallel_loop3A_1401 = arith.index_cast %parallel_loop3A_1251 : i32 to index
        %parallel_loop3A_1402 = arith.constant 0 : index
        %parallel_loop3A_1403 = tpu.vector_load %arg13[%parallel_loop3A_1400, %parallel_loop3A_1401, %parallel_loop3A_1402] {strides = array<i32>} : memref<2x40x16xf32, #tpu.memory_space<vmem>>, vector<16xf32>,
        tpu.vector_store %arg13[%parallel_loop3A_1400, %parallel_loop3A_1401, %parallel_loop3A_1402], %parallel_loop3A_1398 {strides = array<i32>} : memref<2x40x16xf32, #tpu.memory_space<vmem>>, vector<16xf32>,
        %parallel_loop3A_1404 = arith.constant 0 : i32
        %parallel_loop3A_1405 = vector.broadcast %parallel_loop3A_1404 : i32 to vector<16xi32>
        %parallel_loop3A_1406 = arith.cmpi slt, %broadcast_in_dim3A_925, %parallel_loop3A_1405 : vector<16xi32>
        %parallel_loop3A_1407 = arith.constant 16 : i32
        %parallel_loop3A_1408 = vector.broadcast %parallel_loop3A_1407 : i32 to vector<16xi32>
        %parallel_loop3A_1409 = arith.addi %broadcast_in_dim3A_925, %parallel_loop3A_1408 : vector<16xi32>
        %parallel_loop3A_1410 = arith.select %parallel_loop3A_1406, %parallel_loop3A_1409, %broadcast_in_dim3A_925 : vector<16xi1>, vector<16xi32>
        %parallel_loop3A_1411 = vector.shape_cast %parallel_loop3A_1410 : vector<16xi32> to vector<16x1xi32>
        %parallel_loop3A_1412 = vector.shape_cast %parallel_loop3A_1411 : vector<16x1xi32> to vector<16xi32>
        %parallel_loop3A_1413 = tpu.dynamic_gather %parallel_loop3A_1398[%parallel_loop3A_1412] in [0] : vector<16xf32>, vector<16xi32> -> vector<16xf32>
        %parallel_loop3A_1414 = arith.constant 0 : i32
        %parallel_loop3A_1415 = arith.index_cast %parallel_loop3A_1414 : i32 to index
        %parallel_loop3A_1416 = arith.index_cast %parallel_loop3A_1251 : i32 to index
        %parallel_loop3A_1417 = arith.constant 0 : index
        %parallel_loop3A_1418 = tpu.vector_load %arg12[%parallel_loop3A_1415, %parallel_loop3A_1416, %parallel_loop3A_1417] {strides = array<i32>} : memref<2x40x128xf32, #tpu.memory_space<vmem>>, vector<16xf32>,
        %parallel_loop3A_1419 = arith.mulf %parallel_loop3A_1418, %parallel_loop3A_1413 : vector<16xf32>
        %parallel_loop3A_1420 = arith.constant 0 : i32
        %parallel_loop3A_1421 = arith.index_cast %parallel_loop3A_1420 : i32 to index
        %parallel_loop3A_1422 = arith.index_cast %parallel_loop3A_1251 : i32 to index
        %parallel_loop3A_1423 = arith.constant 0 : index
        %parallel_loop3A_1424 = tpu.vector_load %arg12[%parallel_loop3A_1421, %parallel_loop3A_1422, %parallel_loop3A_1423] {strides = array<i32>} : memref<2x40x128xf32, #tpu.memory_space<vmem>>, vector<16xf32>,
        tpu.vector_store %arg12[%parallel_loop3A_1421, %parallel_loop3A_1422, %parallel_loop3A_1423], %parallel_loop3A_1419 {strides = array<i32>} : memref<2x40x128xf32, #tpu.memory_space<vmem>>, vector<16xf32>,
        %parallel_loop3A_1425 = arith.constant 0 : i32
        %parallel_loop3A_1426 = vector.broadcast %parallel_loop3A_1425 : i32 to vector<16xi32>
        %parallel_loop3A_1427 = arith.cmpi slt, %broadcast_in_dim3A_927, %parallel_loop3A_1426 : vector<16xi32>
        %parallel_loop3A_1428 = arith.constant 16 : i32
        %parallel_loop3A_1429 = vector.broadcast %parallel_loop3A_1428 : i32 to vector<16xi32>
        %parallel_loop3A_1430 = arith.addi %broadcast_in_dim3A_927, %parallel_loop3A_1429 : vector<16xi32>
        %parallel_loop3A_1431 = arith.select %parallel_loop3A_1427, %parallel_loop3A_1430, %broadcast_in_dim3A_927 : vector<16xi1>, vector<16xi32>
        %parallel_loop3A_1432 = vector.shape_cast %parallel_loop3A_1431 : vector<16xi32> to vector<16x1xi32>
        %parallel_loop3A_1433 = vector.shape_cast %parallel_loop3A_1432 : vector<16x1xi32> to vector<16xi32>
        %parallel_loop3A_1434 = tpu.dynamic_gather %parallel_loop3A_1398[%parallel_loop3A_1433] in [0] : vector<16xf32>, vector<16xi32> -> vector<16xf32>
        %parallel_loop3A_1435 = arith.constant 0 : i32
        %parallel_loop3A_1436 = arith.index_cast %parallel_loop3A_1435 : i32 to index
        %parallel_loop3A_1437 = arith.index_cast %parallel_loop3A_1251 : i32 to index
        %parallel_loop3A_1438 = arith.constant 16 : index
        %parallel_loop3A_1439 = tpu.vector_load %arg12[%parallel_loop3A_1436, %parallel_loop3A_1437, %parallel_loop3A_1438] {strides = array<i32>} : memref<2x40x128xf32, #tpu.memory_space<vmem>>, vector<16xf32>,
        %parallel_loop3A_1440 = arith.mulf %parallel_loop3A_1439, %parallel_loop3A_1434 : vector<16xf32>
        %parallel_loop3A_1441 = arith.constant 0 : i32
        %parallel_loop3A_1442 = arith.index_cast %parallel_loop3A_1441 : i32 to index
        %parallel_loop3A_1443 = arith.index_cast %parallel_loop3A_1251 : i32 to index
        %parallel_loop3A_1444 = arith.constant 16 : index
        %parallel_loop3A_1445 = tpu.vector_load %arg12[%parallel_loop3A_1442, %parallel_loop3A_1443, %parallel_loop3A_1444] {strides = array<i32>} : memref<2x40x128xf32, #tpu.memory_space<vmem>>, vector<16xf32>,
        tpu.vector_store %arg12[%parallel_loop3A_1442, %parallel_loop3A_1443, %parallel_loop3A_1444], %parallel_loop3A_1440 {strides = array<i32>} : memref<2x40x128xf32, #tpu.memory_space<vmem>>, vector<16xf32>,
        %parallel_loop3A_1446 = arith.constant 0 : i32
        %parallel_loop3A_1447 = vector.broadcast %parallel_loop3A_1446 : i32 to vector<16xi32>
        %parallel_loop3A_1448 = arith.cmpi slt, %broadcast_in_dim3A_929, %parallel_loop3A_1447 : vector<16xi32>
        %parallel_loop3A_1449 = arith.constant 16 : i32
        %parallel_loop3A_1450 = vector.broadcast %parallel_loop3A_1449 : i32 to vector<16xi32>
        %parallel_loop3A_1451 = arith.addi %broadcast_in_dim3A_929, %parallel_loop3A_1450 : vector<16xi32>
        %parallel_loop3A_1452 = arith.select %parallel_loop3A_1448, %parallel_loop3A_1451, %broadcast_in_dim3A_929 : vector<16xi1>, vector<16xi32>
        %parallel_loop3A_1453 = vector.shape_cast %parallel_loop3A_1452 : vector<16xi32> to vector<16x1xi32>
        %parallel_loop3A_1454 = vector.shape_cast %parallel_loop3A_1453 : vector<16x1xi32> to vector<16xi32>
        %parallel_loop3A_1455 = tpu.dynamic_gather %parallel_loop3A_1398[%parallel_loop3A_1454] in [0] : vector<16xf32>, vector<16xi32> -> vector<16xf32>
        %parallel_loop3A_1456 = arith.constant 0 : i32
        %parallel_loop3A_1457 = arith.index_cast %parallel_loop3A_1456 : i32 to index
        %parallel_loop3A_1458 = arith.index_cast %parallel_loop3A_1251 : i32 to index
        %parallel_loop3A_1459 = arith.constant 32 : index
        %parallel_loop3A_1460 = tpu.vector_load %arg12[%parallel_loop3A_1457, %parallel_loop3A_1458, %parallel_loop3A_1459] {strides = array<i32>} : memref<2x40x128xf32, #tpu.memory_space<vmem>>, vector<16xf32>,
        %parallel_loop3A_1461 = arith.mulf %parallel_loop3A_1460, %parallel_loop3A_1455 : vector<16xf32>
        %parallel_loop3A_1462 = arith.constant 0 : i32
        %parallel_loop3A_1463 = arith.index_cast %parallel_loop3A_1462 : i32 to index
        %parallel_loop3A_1464 = arith.index_cast %parallel_loop3A_1251 : i32 to index
        %parallel_loop3A_1465 = arith.constant 32 : index
        %parallel_loop3A_1466 = tpu.vector_load %arg12[%parallel_loop3A_1463, %parallel_loop3A_1464, %parallel_loop3A_1465] {strides = array<i32>} : memref<2x40x128xf32, #tpu.memory_space<vmem>>, vector<16xf32>,
        tpu.vector_store %arg12[%parallel_loop3A_1463, %parallel_loop3A_1464, %parallel_loop3A_1465], %parallel_loop3A_1461 {strides = array<i32>} : memref<2x40x128xf32, #tpu.memory_space<vmem>>, vector<16xf32>,
        %parallel_loop3A_1467 = arith.constant 0 : i32
        %parallel_loop3A_1468 = vector.broadcast %parallel_loop3A_1467 : i32 to vector<16xi32>
        %parallel_loop3A_1469 = arith.cmpi slt, %broadcast_in_dim3A_931, %parallel_loop3A_1468 : vector<16xi32>
        %parallel_loop3A_1470 = arith.constant 16 : i32
        %parallel_loop3A_1471 = vector.broadcast %parallel_loop3A_1470 : i32 to vector<16xi32>
        %parallel_loop3A_1472 = arith.addi %broadcast_in_dim3A_931, %parallel_loop3A_1471 : vector<16xi32>
        %parallel_loop3A_1473 = arith.select %parallel_loop3A_1469, %parallel_loop3A_1472, %broadcast_in_dim3A_931 : vector<16xi1>, vector<16xi32>
        %parallel_loop3A_1474 = vector.shape_cast %parallel_loop3A_1473 : vector<16xi32> to vector<16x1xi32>
        %parallel_loop3A_1475 = vector.shape_cast %parallel_loop3A_1474 : vector<16x1xi32> to vector<16xi32>
        %parallel_loop3A_1476 = tpu.dynamic_gather %parallel_loop3A_1398[%parallel_loop3A_1475] in [0] : vector<16xf32>, vector<16xi32> -> vector<16xf32>
        %parallel_loop3A_1477 = arith.constant 0 : i32
        %parallel_loop3A_1478 = arith.index_cast %parallel_loop3A_1477 : i32 to index
        %parallel_loop3A_1479 = arith.index_cast %parallel_loop3A_1251 : i32 to index
        %parallel_loop3A_1480 = arith.constant 48 : index
        %parallel_loop3A_1481 = tpu.vector_load %arg12[%parallel_loop3A_1478, %parallel_loop3A_1479, %parallel_loop3A_1480] {strides = array<i32>} : memref<2x40x128xf32, #tpu.memory_space<vmem>>, vector<16xf32>,
        %parallel_loop3A_1482 = arith.mulf %parallel_loop3A_1481, %parallel_loop3A_1476 : vector<16xf32>
        %parallel_loop3A_1483 = arith.constant 0 : i32
        %parallel_loop3A_1484 = arith.index_cast %parallel_loop3A_1483 : i32 to index
        %parallel_loop3A_1485 = arith.index_cast %parallel_loop3A_1251 : i32 to index
        %parallel_loop3A_1486 = arith.constant 48 : index
        %parallel_loop3A_1487 = tpu.vector_load %arg12[%parallel_loop3A_1484, %parallel_loop3A_1485, %parallel_loop3A_1486] {strides = array<i32>} : memref<2x40x128xf32, #tpu.memory_space<vmem>>, vector<16xf32>,
        tpu.vector_store %arg12[%parallel_loop3A_1484, %parallel_loop3A_1485, %parallel_loop3A_1486], %parallel_loop3A_1482 {strides = array<i32>} : memref<2x40x128xf32, #tpu.memory_space<vmem>>, vector<16xf32>,
        %parallel_loop3A_1488 = arith.constant 0 : i32
        %parallel_loop3A_1489 = vector.broadcast %parallel_loop3A_1488 : i32 to vector<16xi32>
        %parallel_loop3A_1490 = arith.cmpi slt, %broadcast_in_dim3A_933, %parallel_loop3A_1489 : vector<16xi32>
        %parallel_loop3A_1491 = arith.constant 16 : i32
        %parallel_loop3A_1492 = vector.broadcast %parallel_loop3A_1491 : i32 to vector<16xi32>
        %parallel_loop3A_1493 = arith.addi %broadcast_in_dim3A_933, %parallel_loop3A_1492 : vector<16xi32>
        %parallel_loop3A_1494 = arith.select %parallel_loop3A_1490, %parallel_loop3A_1493, %broadcast_in_dim3A_933 : vector<16xi1>, vector<16xi32>
        %parallel_loop3A_1495 = vector.shape_cast %parallel_loop3A_1494 : vector<16xi32> to vector<16x1xi32>
        %parallel_loop3A_1496 = vector.shape_cast %parallel_loop3A_1495 : vector<16x1xi32> to vector<16xi32>
        %parallel_loop3A_1497 = tpu.dynamic_gather %parallel_loop3A_1398[%parallel_loop3A_1496] in [0] : vector<16xf32>, vector<16xi32> -> vector<16xf32>
        %parallel_loop3A_1498 = arith.constant 0 : i32
        %parallel_loop3A_1499 = arith.index_cast %parallel_loop3A_1498 : i32 to index
        %parallel_loop3A_1500 = arith.index_cast %parallel_loop3A_1251 : i32 to index
        %parallel_loop3A_1501 = arith.constant 64 : index
        %parallel_loop3A_1502 = tpu.vector_load %arg12[%parallel_loop3A_1499, %parallel_loop3A_1500, %parallel_loop3A_1501] {strides = array<i32>} : memref<2x40x128xf32, #tpu.memory_space<vmem>>, vector<16xf32>,
        %parallel_loop3A_1503 = arith.mulf %parallel_loop3A_1502, %parallel_loop3A_1497 : vector<16xf32>
        %parallel_loop3A_1504 = arith.constant 0 : i32
        %parallel_loop3A_1505 = arith.index_cast %parallel_loop3A_1504 : i32 to index
        %parallel_loop3A_1506 = arith.index_cast %parallel_loop3A_1251 : i32 to index
        %parallel_loop3A_1507 = arith.constant 64 : index
        %parallel_loop3A_1508 = tpu.vector_load %arg12[%parallel_loop3A_1505, %parallel_loop3A_1506, %parallel_loop3A_1507] {strides = array<i32>} : memref<2x40x128xf32, #tpu.memory_space<vmem>>, vector<16xf32>,
        tpu.vector_store %arg12[%parallel_loop3A_1505, %parallel_loop3A_1506, %parallel_loop3A_1507], %parallel_loop3A_1503 {strides = array<i32>} : memref<2x40x128xf32, #tpu.memory_space<vmem>>, vector<16xf32>,
        %parallel_loop3A_1509 = arith.constant 0 : i32
        %parallel_loop3A_1510 = vector.broadcast %parallel_loop3A_1509 : i32 to vector<16xi32>
        %parallel_loop3A_1511 = arith.cmpi slt, %broadcast_in_dim3A_935, %parallel_loop3A_1510 : vector<16xi32>
        %parallel_loop3A_1512 = arith.constant 16 : i32
        %parallel_loop3A_1513 = vector.broadcast %parallel_loop3A_1512 : i32 to vector<16xi32>
        %parallel_loop3A_1514 = arith.addi %broadcast_in_dim3A_935, %parallel_loop3A_1513 : vector<16xi32>
        %parallel_loop3A_1515 = arith.select %parallel_loop3A_1511, %parallel_loop3A_1514, %broadcast_in_dim3A_935 : vector<16xi1>, vector<16xi32>
        %parallel_loop3A_1516 = vector.shape_cast %parallel_loop3A_1515 : vector<16xi32> to vector<16x1xi32>
        %parallel_loop3A_1517 = vector.shape_cast %parallel_loop3A_1516 : vector<16x1xi32> to vector<16xi32>
        %parallel_loop3A_1518 = tpu.dynamic_gather %parallel_loop3A_1398[%parallel_loop3A_1517] in [0] : vector<16xf32>, vector<16xi32> -> vector<16xf32>
        %parallel_loop3A_1519 = arith.constant 0 : i32
        %parallel_loop3A_1520 = arith.index_cast %parallel_loop3A_1519 : i32 to index
        %parallel_loop3A_1521 = arith.index_cast %parallel_loop3A_1251 : i32 to index
        %parallel_loop3A_1522 = arith.constant 80 : index
        %parallel_loop3A_1523 = tpu.vector_load %arg12[%parallel_loop3A_1520, %parallel_loop3A_1521, %parallel_loop3A_1522] {strides = array<i32>} : memref<2x40x128xf32, #tpu.memory_space<vmem>>, vector<16xf32>,
        %parallel_loop3A_1524 = arith.mulf %parallel_loop3A_1523, %parallel_loop3A_1518 : vector<16xf32>
        %parallel_loop3A_1525 = arith.constant 0 : i32
        %parallel_loop3A_1526 = arith.index_cast %parallel_loop3A_1525 : i32 to index
        %parallel_loop3A_1527 = arith.index_cast %parallel_loop3A_1251 : i32 to index
        %parallel_loop3A_1528 = arith.constant 80 : index
        %parallel_loop3A_1529 = tpu.vector_load %arg12[%parallel_loop3A_1526, %parallel_loop3A_1527, %parallel_loop3A_1528] {strides = array<i32>} : memref<2x40x128xf32, #tpu.memory_space<vmem>>, vector<16xf32>,
        tpu.vector_store %arg12[%parallel_loop3A_1526, %parallel_loop3A_1527, %parallel_loop3A_1528], %parallel_loop3A_1524 {strides = array<i32>} : memref<2x40x128xf32, #tpu.memory_space<vmem>>, vector<16xf32>,
        %parallel_loop3A_1530 = arith.constant 0 : i32
        %parallel_loop3A_1531 = vector.broadcast %parallel_loop3A_1530 : i32 to vector<16xi32>
        %parallel_loop3A_1532 = arith.cmpi slt, %broadcast_in_dim3A_937, %parallel_loop3A_1531 : vector<16xi32>
        %parallel_loop3A_1533 = arith.constant 16 : i32
        %parallel_loop3A_1534 = vector.broadcast %parallel_loop3A_1533 : i32 to vector<16xi32>
        %parallel_loop3A_1535 = arith.addi %broadcast_in_dim3A_937, %parallel_loop3A_1534 : vector<16xi32>
        %parallel_loop3A_1536 = arith.select %parallel_loop3A_1532, %parallel_loop3A_1535, %broadcast_in_dim3A_937 : vector<16xi1>, vector<16xi32>
        %parallel_loop3A_1537 = vector.shape_cast %parallel_loop3A_1536 : vector<16xi32> to vector<16x1xi32>
        %parallel_loop3A_1538 = vector.shape_cast %parallel_loop3A_1537 : vector<16x1xi32> to vector<16xi32>
        %parallel_loop3A_1539 = tpu.dynamic_gather %parallel_loop3A_1398[%parallel_loop3A_1538] in [0] : vector<16xf32>, vector<16xi32> -> vector<16xf32>
        %parallel_loop3A_1540 = arith.constant 0 : i32
        %parallel_loop3A_1541 = arith.index_cast %parallel_loop3A_1540 : i32 to index
        %parallel_loop3A_1542 = arith.index_cast %parallel_loop3A_1251 : i32 to index
        %parallel_loop3A_1543 = arith.constant 96 : index
        %parallel_loop3A_1544 = tpu.vector_load %arg12[%parallel_loop3A_1541, %parallel_loop3A_1542, %parallel_loop3A_1543] {strides = array<i32>} : memref<2x40x128xf32, #tpu.memory_space<vmem>>, vector<16xf32>,
        %parallel_loop3A_1545 = arith.mulf %parallel_loop3A_1544, %parallel_loop3A_1539 : vector<16xf32>
        %parallel_loop3A_1546 = arith.constant 0 : i32
        %parallel_loop3A_1547 = arith.index_cast %parallel_loop3A_1546 : i32 to index
        %parallel_loop3A_1548 = arith.index_cast %parallel_loop3A_1251 : i32 to index
        %parallel_loop3A_1549 = arith.constant 96 : index
        %parallel_loop3A_1550 = tpu.vector_load %arg12[%parallel_loop3A_1547, %parallel_loop3A_1548, %parallel_loop3A_1549] {strides = array<i32>} : memref<2x40x128xf32, #tpu.memory_space<vmem>>, vector<16xf32>,
        tpu.vector_store %arg12[%parallel_loop3A_1547, %parallel_loop3A_1548, %parallel_loop3A_1549], %parallel_loop3A_1545 {strides = array<i32>} : memref<2x40x128xf32, #tpu.memory_space<vmem>>, vector<16xf32>,
        %parallel_loop3A_1551 = arith.constant 0 : i32
        %parallel_loop3A_1552 = vector.broadcast %parallel_loop3A_1551 : i32 to vector<16xi32>
        %parallel_loop3A_1553 = arith.cmpi slt, %broadcast_in_dim3A_939, %parallel_loop3A_1552 : vector<16xi32>
        %parallel_loop3A_1554 = arith.constant 16 : i32
        %parallel_loop3A_1555 = vector.broadcast %parallel_loop3A_1554 : i32 to vector<16xi32>
        %parallel_loop3A_1556 = arith.addi %broadcast_in_dim3A_939, %parallel_loop3A_1555 : vector<16xi32>
        %parallel_loop3A_1557 = arith.select %parallel_loop3A_1553, %parallel_loop3A_1556, %broadcast_in_dim3A_939 : vector<16xi1>, vector<16xi32>
        %parallel_loop3A_1558 = vector.shape_cast %parallel_loop3A_1557 : vector<16xi32> to vector<16x1xi32>
        %parallel_loop3A_1559 = vector.shape_cast %parallel_loop3A_1558 : vector<16x1xi32> to vector<16xi32>
        %parallel_loop3A_1560 = tpu.dynamic_gather %parallel_loop3A_1398[%parallel_loop3A_1559] in [0] : vector<16xf32>, vector<16xi32> -> vector<16xf32>
        %parallel_loop3A_1561 = arith.constant 0 : i32
        %parallel_loop3A_1562 = arith.index_cast %parallel_loop3A_1561 : i32 to index
        %parallel_loop3A_1563 = arith.index_cast %parallel_loop3A_1251 : i32 to index
        %parallel_loop3A_1564 = arith.constant 112 : index
        %parallel_loop3A_1565 = tpu.vector_load %arg12[%parallel_loop3A_1562, %parallel_loop3A_1563, %parallel_loop3A_1564] {strides = array<i32>} : memref<2x40x128xf32, #tpu.memory_space<vmem>>, vector<16xf32>,
        %parallel_loop3A_1566 = arith.mulf %parallel_loop3A_1565, %parallel_loop3A_1560 : vector<16xf32>
        %parallel_loop3A_1567 = arith.constant 0 : i32
        %parallel_loop3A_1568 = arith.index_cast %parallel_loop3A_1567 : i32 to index
        %parallel_loop3A_1569 = arith.index_cast %parallel_loop3A_1251 : i32 to index
        %parallel_loop3A_1570 = arith.constant 112 : index
        %parallel_loop3A_1571 = tpu.vector_load %arg12[%parallel_loop3A_1568, %parallel_loop3A_1569, %parallel_loop3A_1570] {strides = array<i32>} : memref<2x40x128xf32, #tpu.memory_space<vmem>>, vector<16xf32>,
        tpu.vector_store %arg12[%parallel_loop3A_1568, %parallel_loop3A_1569, %parallel_loop3A_1570], %parallel_loop3A_1566 {strides = array<i32>} : memref<2x40x128xf32, #tpu.memory_space<vmem>>, vector<16xf32>,
      } {sc.loop_unroll_factor = 4 : i64, sc.parallel_access}
      %rem3A_1149 = arith.constant 4 : i32
      %rem3A_1150 = arith.remsi %mul3A_1101, %rem3A_1149 : i32
      %dma_start3A_1151 = arith.constant 0 : i32
      %dma_start3A_1152 = arith.constant 0 : i32
      %dma_start3A_1153 = arith.constant 0 : i32
      %dma_start3A_1154 = tpu.memref_slice %arg12[%dma_start3A_1151, %dma_start3A_1152, %dma_start3A_1153] : memref<2x40x128xf32, #tpu.memory_space<vmem>> -> memref<1x40x128xf32, #tpu.memory_space<vmem>>
      %dma_start3A_1155 = tpu.memref_squeeze %dma_start3A_1154 : memref<1x40x128xf32, #tpu.memory_space<vmem>> -> memref<40x128xf32, #tpu.memory_space<vmem>>
      %dma_start3A_1156 = arith.constant 0 : i32
      %dma_start3A_1157 = tpu.memref_slice %arg9[%rem3A_1150, %dma_start3A_1156] : memref<4x40xi32, #tpu.memory_space<vmem>> -> memref<1x40xi32, #tpu.memory_space<vmem>>
      %dma_start3A_1158 = tpu.memref_squeeze %dma_start3A_1157 : memref<1x40xi32, #tpu.memory_space<vmem>> -> memref<40xi32, #tpu.memory_space<vmem>>
      %dma_start3A_1159 = arith.constant 0 : i32
      %dma_start3A_1160 = arith.constant 0 : i32
      %dma_start3A_1161 = tpu.memref_slice %arg14[%dma_start3A_1159, %dma_start3A_1160] : memref<10000x128xf32, #tpu.memory_space<vmem_shared>> -> memref<10000x128xf32, #tpu.memory_space<vmem_shared>>
      tpu.enqueue_indirect_dma source(%dma_start3A_1155 : memref<40x128xf32, #tpu.memory_space<vmem>>) target(%dma_start3A_1161 : memref<10000x128xf32, #tpu.memory_space<vmem_shared>>) offsets(%dma_start3A_1158 : memref<40xi32, #tpu.memory_space<vmem>>) semaphore(%arg21 : memref<!tpu.dma_semaphore, #tpu.memory_space<semaphore_mem>>) {add = true}
      %dma_start3A_1162 = arith.constant 0 : i32
      %dma_start3A_1163 = arith.constant 0 : i32
      %dma_start3A_1164 = arith.constant 0 : i32
      %dma_start3A_1165 = tpu.memref_slice %arg13[%dma_start3A_1162, %dma_start3A_1163, %dma_start3A_1164] : memref<2x40x16xf32, #tpu.memory_space<vmem>> -> memref<1x40x16xf32, #tpu.memory_space<vmem>>
      %dma_start3A_1166 = tpu.memref_squeeze %dma_start3A_1165 : memref<1x40x16xf32, #tpu.memory_space<vmem>> -> memref<40x16xf32, #tpu.memory_space<vmem>>
      %dma_start3A_1167 = arith.constant 0 : i32
      %dma_start3A_1168 = tpu.memref_slice %arg9[%rem3A_1150, %dma_start3A_1167] : memref<4x40xi32, #tpu.memory_space<vmem>> -> memref<1x40xi32, #tpu.memory_space<vmem>>
      %dma_start3A_1169 = tpu.memref_squeeze %dma_start3A_1168 : memref<1x40xi32, #tpu.memory_space<vmem>> -> memref<40xi32, #tpu.memory_space<vmem>>
      %dma_start3A_1170 = arith.constant 0 : i32
      %dma_start3A_1171 = arith.constant 0 : i32
      %dma_start3A_1172 = tpu.memref_slice %arg15[%dma_start3A_1170, %dma_start3A_1171] : memref<10000x16xf32, #tpu.memory_space<vmem_shared>> -> memref<10000x16xf32, #tpu.memory_space<vmem_shared>>
      tpu.enqueue_indirect_dma source(%dma_start3A_1166 : memref<40x16xf32, #tpu.memory_space<vmem>>) target(%dma_start3A_1172 : memref<10000x16xf32, #tpu.memory_space<vmem_shared>>) offsets(%dma_start3A_1169 : memref<40xi32, #tpu.memory_space<vmem>>) semaphore(%arg22 : memref<!tpu.dma_semaphore, #tpu.memory_space<semaphore_mem>>) {add = true}
      %add3A_1173 = arith.constant 1 : i32
      %add3A_1174 = arith.addi %mul3A_1101, %add3A_1173 : i32
      %add3A_1175 = arith.constant 2 : i32
      %add3A_1176 = arith.addi %add3A_1174, %add3A_1175 : i32
      %lt3A_1177 = arith.constant 250 : i32
      %lt3A_1178 = arith.cmpi slt, %add3A_1176, %lt3A_1177 : i32
      %convert_element_type3A_1179 = arith.extui %lt3A_1178 : i1 to i32
      %cond3A_1180 = arith.constant 0 : i32
      %cond3A_1181 = arith.cmpi ne, %convert_element_type3A_1179, %cond3A_1180 : i32
      scf.if %cond3A_1181 {
        %add3A_1251 = arith.constant 2 : i32
        %add3A_1252 = arith.addi %add3A_1174, %add3A_1251 : i32
        %add3A_1253 = arith.constant 2 : i32
        %add3A_1254 = arith.addi %add3A_1174, %add3A_1253 : i32
        %rem3A_1255 = arith.constant 4 : i32
        %rem3A_1256 = arith.remsi %add3A_1254, %rem3A_1255 : i32
        %mul3A_1257 = arith.constant 10000 : i32
        %mul3A_1258 = arith.muli %add3A, %mul3A_1257 : i32
        %mul3A_1259 = arith.constant 40 : i32
        %mul3A_1260 = arith.muli %add3A_1252, %mul3A_1259 : i32
        %add3A_1261 = arith.addi %mul3A_1258, %mul3A_1260 : i32
        %dma_start3A_1262 = arith.constant 0 : i32
        %dma_start3A_1263 = arith.constant 0 : i32
        %dma_start3A_1264 = tpu.memref_slice %arg8[%rem3A_1256, %dma_start3A_1263] : memref<4x40xi32, #tpu.memory_space<vmem>> -> memref<1x40xi32, #tpu.memory_space<vmem>>
        %dma_start3A_1265 = tpu.memref_squeeze %dma_start3A_1264 : memref<1x40xi32, #tpu.memory_space<vmem>> -> memref<40xi32, #tpu.memory_space<vmem>>
        %dma_start3A_1266 = tpu.memref_slice %arg5[%dma_start3A_1262, %add3A_1261] : memref<2x320000xi32, #tpu.memory_space<hbm>> -> memref<1x40xi32, #tpu.memory_space<hbm>>
        %dma_start3A_1267 = tpu.memref_squeeze %dma_start3A_1266 : memref<1x40xi32, #tpu.memory_space<hbm>> -> memref<40xi32, #tpu.memory_space<hbm>>
        %dma_start3A_1268 = arith.constant 0 : i32
        %dma_start3A_1269 = tpu.memref_slice %arg8[%rem3A_1256, %dma_start3A_1268] : memref<4x40xi32, #tpu.memory_space<vmem>> -> memref<1x40xi32, #tpu.memory_space<vmem>>
        %dma_start3A_1270 = tpu.memref_squeeze %dma_start3A_1269 : memref<1x40xi32, #tpu.memory_space<vmem>> -> memref<40xi32, #tpu.memory_space<vmem>>
        %dma_start3A_1271 = tpu.memref_slice %arg5[%dma_start3A_1262, %add3A_1261] : memref<2x320000xi32, #tpu.memory_space<hbm>> -> memref<1x40xi32, #tpu.memory_space<hbm>>
        %dma_start3A_1272 = tpu.memref_squeeze %dma_start3A_1271 : memref<1x40xi32, #tpu.memory_space<hbm>> -> memref<40xi32, #tpu.memory_space<hbm>>
        tpu.enqueue_dma source(%dma_start3A_1272 : memref<40xi32, #tpu.memory_space<hbm>>) target(%dma_start3A_1270 : memref<40xi32, #tpu.memory_space<vmem>>) target_semaphore(%arg20 : memref<!tpu.dma_semaphore, #tpu.memory_space<semaphore_mem>>)
        %dma_start3A_1273 = arith.constant 1 : i32
        %dma_start3A_1274 = arith.constant 0 : i32
        %dma_start3A_1275 = tpu.memref_slice %arg9[%rem3A_1256, %dma_start3A_1274] : memref<4x40xi32, #tpu.memory_space<vmem>> -> memref<1x40xi32, #tpu.memory_space<vmem>>
        %dma_start3A_1276 = tpu.memref_squeeze %dma_start3A_1275 : memref<1x40xi32, #tpu.memory_space<vmem>> -> memref<40xi32, #tpu.memory_space<vmem>>
        %dma_start3A_1277 = tpu.memref_slice %arg5[%dma_start3A_1273, %add3A_1261] : memref<2x320000xi32, #tpu.memory_space<hbm>> -> memref<1x40xi32, #tpu.memory_space<hbm>>
        %dma_start3A_1278 = tpu.memref_squeeze %dma_start3A_1277 : memref<1x40xi32, #tpu.memory_space<hbm>> -> memref<40xi32, #tpu.memory_space<hbm>>
        %dma_start3A_1279 = arith.constant 0 : i32
        %dma_start3A_1280 = tpu.memref_slice %arg9[%rem3A_1256, %dma_start3A_1279] : memref<4x40xi32, #tpu.memory_space<vmem>> -> memref<1x40xi32, #tpu.memory_space<vmem>>
        %dma_start3A_1281 = tpu.memref_squeeze %dma_start3A_1280 : memref<1x40xi32, #tpu.memory_space<vmem>> -> memref<40xi32, #tpu.memory_space<vmem>>
        %dma_start3A_1282 = tpu.memref_slice %arg5[%dma_start3A_1273, %add3A_1261] : memref<2x320000xi32, #tpu.memory_space<hbm>> -> memref<1x40xi32, #tpu.memory_space<hbm>>
        %dma_start3A_1283 = tpu.memref_squeeze %dma_start3A_1282 : memref<1x40xi32, #tpu.memory_space<hbm>> -> memref<40xi32, #tpu.memory_space<hbm>>
        tpu.enqueue_dma source(%dma_start3A_1283 : memref<40xi32, #tpu.memory_space<hbm>>) target(%dma_start3A_1281 : memref<40xi32, #tpu.memory_space<vmem>>) target_semaphore(%arg20 : memref<!tpu.dma_semaphore, #tpu.memory_space<semaphore_mem>>)
      } else {
      }
      %add3A_1182 = arith.constant 1 : i32
      %add3A_1183 = arith.addi %add3A_1174, %add3A_1182 : i32
      %lt3A_1184 = arith.constant 250 : i32
      %lt3A_1185 = arith.cmpi slt, %add3A_1183, %lt3A_1184 : i32
      %convert_element_type3A_1186 = arith.extui %lt3A_1185 : i1 to i32
      %cond3A_1187 = arith.constant 0 : i32
      %cond3A_1188 = arith.cmpi ne, %convert_element_type3A_1186, %cond3A_1187 : i32
      scf.if %cond3A_1188 {
        %add3A_1251 = arith.constant 1 : i32
        %add3A_1252 = arith.addi %add3A_1174, %add3A_1251 : i32
        %add3A_1253 = arith.constant 1 : i32
        %add3A_1254 = arith.addi %add3A_1174, %add3A_1253 : i32
        %rem3A_1255 = arith.constant 4 : i32
        %rem3A_1256 = arith.remsi %add3A_1254, %rem3A_1255 : i32
        %mul3A_1257 = arith.constant 10000 : i32
        %mul3A_1258 = arith.muli %add3A, %mul3A_1257 : i32
        %mul3A_1259 = arith.constant 40 : i32
        %mul3A_1260 = arith.muli %add3A_1252, %mul3A_1259 : i32
        %add3A_1261 = arith.addi %mul3A_1258, %mul3A_1260 : i32
        %dma_wait3A_1262 = arith.constant 0 : i32
        %dma_wait3A_1263 = arith.constant 0 : i32
        %dma_wait3A_1264 = tpu.memref_slice %arg8[%rem3A_1256, %dma_wait3A_1263] : memref<4x40xi32, #tpu.memory_space<vmem>> -> memref<1x40xi32, #tpu.memory_space<vmem>>
        %dma_wait3A_1265 = tpu.memref_squeeze %dma_wait3A_1264 : memref<1x40xi32, #tpu.memory_space<vmem>> -> memref<40xi32, #tpu.memory_space<vmem>>
        %dma_wait3A_1266 = tpu.memref_slice %arg5[%dma_wait3A_1262, %add3A_1261] : memref<2x320000xi32, #tpu.memory_space<hbm>> -> memref<1x40xi32, #tpu.memory_space<hbm>>
        %dma_wait3A_1267 = tpu.memref_squeeze %dma_wait3A_1266 : memref<1x40xi32, #tpu.memory_space<hbm>> -> memref<40xi32, #tpu.memory_space<hbm>>
        %dma_wait3A_1268 = arith.constant 0 : i32
        %dma_wait3A_1269 = tpu.memref_slice %arg8[%rem3A_1256, %dma_wait3A_1268] : memref<4x40xi32, #tpu.memory_space<vmem>> -> memref<1x40xi32, #tpu.memory_space<vmem>>
        %dma_wait3A_1270 = tpu.memref_squeeze %dma_wait3A_1269 : memref<1x40xi32, #tpu.memory_space<vmem>> -> memref<40xi32, #tpu.memory_space<vmem>>
        %dma_wait3A_1271 = tpu.memref_slice %arg5[%dma_wait3A_1262, %add3A_1261] : memref<2x320000xi32, #tpu.memory_space<hbm>> -> memref<1x40xi32, #tpu.memory_space<hbm>>
        %dma_wait3A_1272 = tpu.memref_squeeze %dma_wait3A_1271 : memref<1x40xi32, #tpu.memory_space<hbm>> -> memref<40xi32, #tpu.memory_space<hbm>>
        tpu.wait_dma2 semaphore(%arg19 : memref<!tpu.dma_semaphore, #tpu.memory_space<semaphore_mem>>) src(%dma_wait3A_1272 : memref<40xi32, #tpu.memory_space<hbm>>) dst(%dma_wait3A_1270 : memref<40xi32, #tpu.memory_space<vmem>>)
        %dma_wait3A_1273 = arith.constant 1 : i32
        %dma_wait3A_1274 = arith.constant 0 : i32
        %dma_wait3A_1275 = tpu.memref_slice %arg9[%rem3A_1256, %dma_wait3A_1274] : memref<4x40xi32, #tpu.memory_space<vmem>> -> memref<1x40xi32, #tpu.memory_space<vmem>>
        %dma_wait3A_1276 = tpu.memref_squeeze %dma_wait3A_1275 : memref<1x40xi32, #tpu.memory_space<vmem>> -> memref<40xi32, #tpu.memory_space<vmem>>
        %dma_wait3A_1277 = tpu.memref_slice %arg5[%dma_wait3A_1273, %add3A_1261] : memref<2x320000xi32, #tpu.memory_space<hbm>> -> memref<1x40xi32, #tpu.memory_space<hbm>>
        %dma_wait3A_1278 = tpu.memref_squeeze %dma_wait3A_1277 : memref<1x40xi32, #tpu.memory_space<hbm>> -> memref<40xi32, #tpu.memory_space<hbm>>
        %dma_wait3A_1279 = arith.constant 0 : i32
        %dma_wait3A_1280 = tpu.memref_slice %arg9[%rem3A_1256, %dma_wait3A_1279] : memref<4x40xi32, #tpu.memory_space<vmem>> -> memref<1x40xi32, #tpu.memory_space<vmem>>
        %dma_wait3A_1281 = tpu.memref_squeeze %dma_wait3A_1280 : memref<1x40xi32, #tpu.memory_space<vmem>> -> memref<40xi32, #tpu.memory_space<vmem>>
        %dma_wait3A_1282 = tpu.memref_slice %arg5[%dma_wait3A_1273, %add3A_1261] : memref<2x320000xi32, #tpu.memory_space<hbm>> -> memref<1x40xi32, #tpu.memory_space<hbm>>
        %dma_wait3A_1283 = tpu.memref_squeeze %dma_wait3A_1282 : memref<1x40xi32, #tpu.memory_space<hbm>> -> memref<40xi32, #tpu.memory_space<hbm>>
        tpu.wait_dma2 semaphore(%arg19 : memref<!tpu.dma_semaphore, #tpu.memory_space<semaphore_mem>>) src(%dma_wait3A_1283 : memref<40xi32, #tpu.memory_space<hbm>>) dst(%dma_wait3A_1281 : memref<40xi32, #tpu.memory_space<vmem>>)
        %ge3A = arith.constant 1 : i32
        %ge3A_1284 = arith.cmpi sge, %add3A_1174, %ge3A : i32
        %convert_element_type3A_1285 = arith.extui %ge3A_1284 : i1 to i32
        %cond3A_1286 = arith.constant 0 : i32
        %cond3A_1287 = arith.cmpi ne, %convert_element_type3A_1285, %cond3A_1286 : i32
        scf.if %cond3A_1287 {
          %add3A_1325 = arith.constant 3 : i32
          %add3A_1326 = arith.addi %add3A_1174, %add3A_1325 : i32
          %rem3A_1327 = arith.constant 4 : i32
          %rem3A_1328 = arith.remsi %add3A_1326, %rem3A_1327 : i32
          %dma_wait3A_1329 = arith.constant 0 : i32
          %dma_wait3A_1330 = arith.constant 0 : i32
          %dma_wait3A_1331 = arith.constant 0 : i32
          %dma_wait3A_1332 = tpu.memref_slice %arg12[%dma_wait3A_1329, %dma_wait3A_1330, %dma_wait3A_1331] : memref<2x40x128xf32, #tpu.memory_space<vmem>> -> memref<1x40x128xf32, #tpu.memory_space<vmem>>
          %dma_wait3A_1333 = tpu.memref_squeeze %dma_wait3A_1332 : memref<1x40x128xf32, #tpu.memory_space<vmem>> -> memref<40x128xf32, #tpu.memory_space<vmem>>
          %dma_wait3A_1334 = arith.constant 0 : i32
          %dma_wait3A_1335 = tpu.memref_slice %arg9[%rem3A_1328, %dma_wait3A_1334] : memref<4x40xi32, #tpu.memory_space<vmem>> -> memref<1x40xi32, #tpu.memory_space<vmem>>
          %dma_wait3A_1336 = tpu.memref_squeeze %dma_wait3A_1335 : memref<1x40xi32, #tpu.memory_space<vmem>> -> memref<40xi32, #tpu.memory_space<vmem>>
          %dma_wait3A_1337 = arith.constant 0 : i32
          %dma_wait3A_1338 = arith.constant 0 : i32
          %dma_wait3A_1339 = tpu.memref_slice %arg14[%dma_wait3A_1337, %dma_wait3A_1338] : memref<10000x128xf32, #tpu.memory_space<vmem_shared>> -> memref<10000x128xf32, #tpu.memory_space<vmem_shared>>
          tpu.wait_indirect_dma semaphore(%arg21 : memref<!tpu.dma_semaphore, #tpu.memory_space<semaphore_mem>>) src(%dma_wait3A_1333 : memref<40x128xf32, #tpu.memory_space<vmem>>) dst(%dma_wait3A_1339 : memref<10000x128xf32, #tpu.memory_space<vmem_shared>>)
          %dma_wait3A_1340 = arith.constant 0 : i32
          %dma_wait3A_1341 = arith.constant 0 : i32
          %dma_wait3A_1342 = arith.constant 0 : i32
          %dma_wait3A_1343 = tpu.memref_slice %arg13[%dma_wait3A_1340, %dma_wait3A_1341, %dma_wait3A_1342] : memref<2x40x16xf32, #tpu.memory_space<vmem>> -> memref<1x40x16xf32, #tpu.memory_space<vmem>>
          %dma_wait3A_1344 = tpu.memref_squeeze %dma_wait3A_1343 : memref<1x40x16xf32, #tpu.memory_space<vmem>> -> memref<40x16xf32, #tpu.memory_space<vmem>>
          %dma_wait3A_1345 = arith.constant 0 : i32
          %dma_wait3A_1346 = tpu.memref_slice %arg9[%rem3A_1328, %dma_wait3A_1345] : memref<4x40xi32, #tpu.memory_space<vmem>> -> memref<1x40xi32, #tpu.memory_space<vmem>>
          %dma_wait3A_1347 = tpu.memref_squeeze %dma_wait3A_1346 : memref<1x40xi32, #tpu.memory_space<vmem>> -> memref<40xi32, #tpu.memory_space<vmem>>
          %dma_wait3A_1348 = arith.constant 0 : i32
          %dma_wait3A_1349 = arith.constant 0 : i32
          %dma_wait3A_1350 = tpu.memref_slice %arg15[%dma_wait3A_1348, %dma_wait3A_1349] : memref<10000x16xf32, #tpu.memory_space<vmem_shared>> -> memref<10000x16xf32, #tpu.memory_space<vmem_shared>>
          tpu.wait_indirect_dma semaphore(%arg22 : memref<!tpu.dma_semaphore, #tpu.memory_space<semaphore_mem>>) src(%dma_wait3A_1344 : memref<40x16xf32, #tpu.memory_space<vmem>>) dst(%dma_wait3A_1350 : memref<10000x16xf32, #tpu.memory_space<vmem_shared>>)
        } else {
        }
        %add3A_1288 = arith.constant 1 : i32
        %add3A_1289 = arith.addi %add3A_1174, %add3A_1288 : i32
        %rem3A_1290 = arith.constant 4 : i32
        %rem3A_1291 = arith.remsi %add3A_1289, %rem3A_1290 : i32
        %dma_start3A_1292 = arith.constant 0 : i32
        %dma_start3A_1293 = arith.constant 0 : i32
        %dma_start3A_1294 = arith.constant 0 : i32
        %dma_start3A_1295 = tpu.memref_slice %arg10[%dma_start3A_1292, %dma_start3A_1293, %dma_start3A_1294] : memref<2x40x128xbf16, #tpu.memory_space<vmem>> -> memref<1x40x128xbf16, #tpu.memory_space<vmem>>
        %dma_start3A_1296 = tpu.memref_squeeze %dma_start3A_1295 : memref<1x40x128xbf16, #tpu.memory_space<vmem>> -> memref<40x128xbf16, #tpu.memory_space<vmem>>
        %dma_start3A_1297 = arith.constant 0 : i32
        %dma_start3A_1298 = tpu.memref_slice %arg8[%rem3A_1291, %dma_start3A_1297] : memref<4x40xi32, #tpu.memory_space<vmem>> -> memref<1x40xi32, #tpu.memory_space<vmem>>
        %dma_start3A_1299 = tpu.memref_squeeze %dma_start3A_1298 : memref<1x40xi32, #tpu.memory_space<vmem>> -> memref<40xi32, #tpu.memory_space<vmem>>
        %dma_start3A_1300 = arith.constant 0 : i32
        %dma_start3A_1301 = arith.constant 0 : i32
        %dma_start3A_1302 = tpu.memref_slice %arg2[%dma_start3A_1300, %dma_start3A_1301] : memref<10000x128xbf16, #tpu.memory_space<hbm>> -> memref<10000x128xbf16, #tpu.memory_space<hbm>>
        tpu.enqueue_indirect_dma source(%dma_start3A_1302 : memref<10000x128xbf16, #tpu.memory_space<hbm>>) target(%dma_start3A_1296 : memref<40x128xbf16, #tpu.memory_space<vmem>>) offsets(%dma_start3A_1299 : memref<40xi32, #tpu.memory_space<vmem>>) semaphore(%arg16 : memref<!tpu.dma_semaphore, #tpu.memory_space<semaphore_mem>>)
        %dma_start3A_1303 = arith.constant 0 : i32
        %dma_start3A_1304 = arith.constant 0 : i32
        %dma_start3A_1305 = arith.constant 0 : i32
        %dma_start3A_1306 = tpu.memref_slice %arg11[%dma_start3A_1303, %dma_start3A_1304, %dma_start3A_1305] : memref<2x40x128xbf16, #tpu.memory_space<vmem>> -> memref<1x40x128xbf16, #tpu.memory_space<vmem>>
        %dma_start3A_1307 = tpu.memref_squeeze %dma_start3A_1306 : memref<1x40x128xbf16, #tpu.memory_space<vmem>> -> memref<40x128xbf16, #tpu.memory_space<vmem>>
        %dma_start3A_1308 = arith.constant 0 : i32
        %dma_start3A_1309 = tpu.memref_slice %arg9[%rem3A_1291, %dma_start3A_1308] : memref<4x40xi32, #tpu.memory_space<vmem>> -> memref<1x40xi32, #tpu.memory_space<vmem>>
        %dma_start3A_1310 = tpu.memref_squeeze %dma_start3A_1309 : memref<1x40xi32, #tpu.memory_space<vmem>> -> memref<40xi32, #tpu.memory_space<vmem>>
        %dma_start3A_1311 = arith.constant 0 : i32
        %dma_start3A_1312 = arith.constant 0 : i32
        %dma_start3A_1313 = tpu.memref_slice %arg3[%dma_start3A_1311, %dma_start3A_1312] : memref<10000x128xbf16, #tpu.memory_space<hbm>> -> memref<10000x128xbf16, #tpu.memory_space<hbm>>
        tpu.enqueue_indirect_dma source(%dma_start3A_1313 : memref<10000x128xbf16, #tpu.memory_space<hbm>>) target(%dma_start3A_1307 : memref<40x128xbf16, #tpu.memory_space<vmem>>) offsets(%dma_start3A_1310 : memref<40xi32, #tpu.memory_space<vmem>>) semaphore(%arg17 : memref<!tpu.dma_semaphore, #tpu.memory_space<semaphore_mem>>)
        %dma_start3A_1314 = arith.constant 0 : i32
        %dma_start3A_1315 = arith.constant 0 : i32
        %dma_start3A_1316 = arith.constant 0 : i32
        %dma_start3A_1317 = tpu.memref_slice %arg12[%dma_start3A_1314, %dma_start3A_1315, %dma_start3A_1316] : memref<2x40x128xf32, #tpu.memory_space<vmem>> -> memref<1x40x128xf32, #tpu.memory_space<vmem>>
        %dma_start3A_1318 = tpu.memref_squeeze %dma_start3A_1317 : memref<1x40x128xf32, #tpu.memory_space<vmem>> -> memref<40x128xf32, #tpu.memory_space<vmem>>
        %dma_start3A_1319 = arith.constant 0 : i32
        %dma_start3A_1320 = tpu.memref_slice %arg8[%rem3A_1291, %dma_start3A_1319] : memref<4x40xi32, #tpu.memory_space<vmem>> -> memref<1x40xi32, #tpu.memory_space<vmem>>
        %dma_start3A_1321 = tpu.memref_squeeze %dma_start3A_1320 : memref<1x40xi32, #tpu.memory_space<vmem>> -> memref<40xi32, #tpu.memory_space<vmem>>
        %dma_start3A_1322 = arith.constant 0 : i32
        %dma_start3A_1323 = arith.constant 0 : i32
        %dma_start3A_1324 = tpu.memref_slice %arg4[%dma_start3A_1322, %dma_start3A_1323] : memref<10000x128xf32, #tpu.memory_space<hbm>> -> memref<10000x128xf32, #tpu.memory_space<hbm>>
        tpu.enqueue_indirect_dma source(%dma_start3A_1324 : memref<10000x128xf32, #tpu.memory_space<hbm>>) target(%dma_start3A_1318 : memref<40x128xf32, #tpu.memory_space<vmem>>) offsets(%dma_start3A_1321 : memref<40xi32, #tpu.memory_space<vmem>>) semaphore(%arg18 : memref<!tpu.dma_semaphore, #tpu.memory_space<semaphore_mem>>)
      } else {
      }
      %rem3A_1189 = arith.constant 4 : i32
      %rem3A_1190 = arith.remsi %add3A_1174, %rem3A_1189 : i32
      %dma_wait3A_1191 = arith.constant 1 : i32
      %dma_wait3A_1192 = arith.constant 0 : i32
      %dma_wait3A_1193 = arith.constant 0 : i32
      %dma_wait3A_1194 = tpu.memref_slice %arg10[%dma_wait3A_1191, %dma_wait3A_1192, %dma_wait3A_1193] : memref<2x40x128xbf16, #tpu.memory_space<vmem>> -> memref<1x40x128xbf16, #tpu.memory_space<vmem>>
      %dma_wait3A_1195 = tpu.memref_squeeze %dma_wait3A_1194 : memref<1x40x128xbf16, #tpu.memory_space<vmem>> -> memref<40x128xbf16, #tpu.memory_space<vmem>>
      %dma_wait3A_1196 = arith.constant 0 : i32
      %dma_wait3A_1197 = tpu.memref_slice %arg8[%rem3A_1190, %dma_wait3A_1196] : memref<4x40xi32, #tpu.memory_space<vmem>> -> memref<1x40xi32, #tpu.memory_space<vmem>>
      %dma_wait3A_1198 = tpu.memref_squeeze %dma_wait3A_1197 : memref<1x40xi32, #tpu.memory_space<vmem>> -> memref<40xi32, #tpu.memory_space<vmem>>
      %dma_wait3A_1199 = arith.constant 0 : i32
      %dma_wait3A_1200 = arith.constant 0 : i32
      %dma_wait3A_1201 = tpu.memref_slice %arg2[%dma_wait3A_1199, %dma_wait3A_1200] : memref<10000x128xbf16, #tpu.memory_space<hbm>> -> memref<10000x128xbf16, #tpu.memory_space<hbm>>
      tpu.wait_indirect_dma semaphore(%arg16 : memref<!tpu.dma_semaphore, #tpu.memory_space<semaphore_mem>>) src(%dma_wait3A_1201 : memref<10000x128xbf16, #tpu.memory_space<hbm>>) dst(%dma_wait3A_1195 : memref<40x128xbf16, #tpu.memory_space<vmem>>)
      %dma_wait3A_1202 = arith.constant 1 : i32
      %dma_wait3A_1203 = arith.constant 0 : i32
      %dma_wait3A_1204 = arith.constant 0 : i32
      %dma_wait3A_1205 = tpu.memref_slice %arg11[%dma_wait3A_1202, %dma_wait3A_1203, %dma_wait3A_1204] : memref<2x40x128xbf16, #tpu.memory_space<vmem>> -> memref<1x40x128xbf16, #tpu.memory_space<vmem>>
      %dma_wait3A_1206 = tpu.memref_squeeze %dma_wait3A_1205 : memref<1x40x128xbf16, #tpu.memory_space<vmem>> -> memref<40x128xbf16, #tpu.memory_space<vmem>>
      %dma_wait3A_1207 = arith.constant 0 : i32
      %dma_wait3A_1208 = tpu.memref_slice %arg9[%rem3A_1190, %dma_wait3A_1207] : memref<4x40xi32, #tpu.memory_space<vmem>> -> memref<1x40xi32, #tpu.memory_space<vmem>>
      %dma_wait3A_1209 = tpu.memref_squeeze %dma_wait3A_1208 : memref<1x40xi32, #tpu.memory_space<vmem>> -> memref<40xi32, #tpu.memory_space<vmem>>
      %dma_wait3A_1210 = arith.constant 0 : i32
      %dma_wait3A_1211 = arith.constant 0 : i32
      %dma_wait3A_1212 = tpu.memref_slice %arg3[%dma_wait3A_1210, %dma_wait3A_1211] : memref<10000x128xbf16, #tpu.memory_space<hbm>> -> memref<10000x128xbf16, #tpu.memory_space<hbm>>
      tpu.wait_indirect_dma semaphore(%arg17 : memref<!tpu.dma_semaphore, #tpu.memory_space<semaphore_mem>>) src(%dma_wait3A_1212 : memref<10000x128xbf16, #tpu.memory_space<hbm>>) dst(%dma_wait3A_1206 : memref<40x128xbf16, #tpu.memory_space<vmem>>)
      %dma_wait3A_1213 = arith.constant 1 : i32
      %dma_wait3A_1214 = arith.constant 0 : i32
      %dma_wait3A_1215 = arith.constant 0 : i32
      %dma_wait3A_1216 = tpu.memref_slice %arg12[%dma_wait3A_1213, %dma_wait3A_1214, %dma_wait3A_1215] : memref<2x40x128xf32, #tpu.memory_space<vmem>> -> memref<1x40x128xf32, #tpu.memory_space<vmem>>
      %dma_wait3A_1217 = tpu.memref_squeeze %dma_wait3A_1216 : memref<1x40x128xf32, #tpu.memory_space<vmem>> -> memref<40x128xf32, #tpu.memory_space<vmem>>
      %dma_wait3A_1218 = arith.constant 0 : i32
      %dma_wait3A_1219 = tpu.memref_slice %arg8[%rem3A_1190, %dma_wait3A_1218] : memref<4x40xi32, #tpu.memory_space<vmem>> -> memref<1x40xi32, #tpu.memory_space<vmem>>
      %dma_wait3A_1220 = tpu.memref_squeeze %dma_wait3A_1219 : memref<1x40xi32, #tpu.memory_space<vmem>> -> memref<40xi32, #tpu.memory_space<vmem>>
      %dma_wait3A_1221 = arith.constant 0 : i32
      %dma_wait3A_1222 = arith.constant 0 : i32
      %dma_wait3A_1223 = tpu.memref_slice %arg4[%dma_wait3A_1221, %dma_wait3A_1222] : memref<10000x128xf32, #tpu.memory_space<hbm>> -> memref<10000x128xf32, #tpu.memory_space<hbm>>
      tpu.wait_indirect_dma semaphore(%arg18 : memref<!tpu.dma_semaphore, #tpu.memory_space<semaphore_mem>>) src(%dma_wait3A_1223 : memref<10000x128xf32, #tpu.memory_space<hbm>>) dst(%dma_wait3A_1217 : memref<40x128xf32, #tpu.memory_space<vmem>>)
      %parallel_loop3A_1224 = arith.constant 0 : i32
      %parallel_loop3A_1225 = arith.constant 40 : i32
      %parallel_loop3A_1226 = arith.constant 1 : i32
      scf.for %parallel_loop3A_1251 = %parallel_loop3A_1224 to %parallel_loop3A_1225 step %parallel_loop3A_1226  : i32 {
        %parallel_loop3A_1252 = arith.constant 0.000000e+00 : f32
        %parallel_loop3A_1253 = vector.broadcast %parallel_loop3A_1252 : f32 to vector<16xf32>
        %parallel_loop3A_1254 = arith.constant 1 : i32
        %parallel_loop3A_1255 = arith.index_cast %parallel_loop3A_1254 : i32 to index
        %parallel_loop3A_1256 = arith.index_cast %parallel_loop3A_1251 : i32 to index
        %parallel_loop3A_1257 = arith.constant 0 : index
        %parallel_loop3A_1258 = tpu.vector_load %arg10[%parallel_loop3A_1255, %parallel_loop3A_1256, %parallel_loop3A_1257] {strides = array<i32>} : memref<2x40x128xbf16, #tpu.memory_space<vmem>>, vector<32xbf16>,
        %parallel_loop3A_1259 = arith.constant 1 : i32
        %parallel_loop3A_1260 = arith.index_cast %parallel_loop3A_1259 : i32 to index
        %parallel_loop3A_1261 = arith.index_cast %parallel_loop3A_1251 : i32 to index
        %parallel_loop3A_1262 = arith.constant 0 : index
        %parallel_loop3A_1263 = tpu.vector_load %arg11[%parallel_loop3A_1260, %parallel_loop3A_1261, %parallel_loop3A_1262] {strides = array<i32>} : memref<2x40x128xbf16, #tpu.memory_space<vmem>>, vector<32xbf16>,
        %parallel_loop3A_1264 = tpu.unpack_subelements %parallel_loop3A_1258, 0 {pack_format = #tpu.pack_format<interleaved>} : vector<32xbf16> -> vector<16xf32>
        %parallel_loop3A_1265 = tpu.unpack_subelements %parallel_loop3A_1258, 1 {pack_format = #tpu.pack_format<interleaved>} : vector<32xbf16> -> vector<16xf32>
        %parallel_loop3A_1266 = tpu.unpack_subelements %parallel_loop3A_1263, 0 {pack_format = #tpu.pack_format<interleaved>} : vector<32xbf16> -> vector<16xf32>
        %parallel_loop3A_1267 = tpu.unpack_subelements %parallel_loop3A_1263, 1 {pack_format = #tpu.pack_format<interleaved>} : vector<32xbf16> -> vector<16xf32>
        %parallel_loop3A_1268 = arith.mulf %parallel_loop3A_1264, %parallel_loop3A_1266 : vector<16xf32>
        %parallel_loop3A_1269 = arith.constant true
        %parallel_loop3A_1270 = vector.broadcast %parallel_loop3A_1269 : i1 to vector<16xi1>
        %parallel_loop3A_1271 = tpu.scan <sum>, %parallel_loop3A_1268 masked %parallel_loop3A_1270 : vector<16xf32>, vector<16xi1> -> vector<16xf32>
        %parallel_loop3A_1272 = vector.extract %parallel_loop3A_1271[15] : f32 from vector<16xf32>
        %parallel_loop3A_1273 = arith.constant -5.000000e+00 : f32
        %parallel_loop3A_1274 = arith.constant 5.000000e+00 : f32
        %parallel_loop3A_1275 = arith.maximumf %parallel_loop3A_1273, %parallel_loop3A_1272 : f32
        %parallel_loop3A_1276 = arith.minimumf %parallel_loop3A_1274, %parallel_loop3A_1275 : f32
        %parallel_loop3A_1277 = vector.broadcast %parallel_loop3A_1276 : f32 to vector<16xf32>
        %parallel_loop3A_1278 = arith.select %eq3A_902, %parallel_loop3A_1277, %parallel_loop3A_1253 : vector<16xi1>, vector<16xf32>
        %parallel_loop3A_1279 = arith.mulf %parallel_loop3A_1265, %parallel_loop3A_1267 : vector<16xf32>
        %parallel_loop3A_1280 = arith.constant true
        %parallel_loop3A_1281 = vector.broadcast %parallel_loop3A_1280 : i1 to vector<16xi1>
        %parallel_loop3A_1282 = tpu.scan <sum>, %parallel_loop3A_1279 masked %parallel_loop3A_1281 : vector<16xf32>, vector<16xi1> -> vector<16xf32>
        %parallel_loop3A_1283 = vector.extract %parallel_loop3A_1282[15] : f32 from vector<16xf32>
        %parallel_loop3A_1284 = arith.constant -5.000000e+00 : f32
        %parallel_loop3A_1285 = arith.constant 5.000000e+00 : f32
        %parallel_loop3A_1286 = arith.maximumf %parallel_loop3A_1284, %parallel_loop3A_1283 : f32
        %parallel_loop3A_1287 = arith.minimumf %parallel_loop3A_1285, %parallel_loop3A_1286 : f32
        %parallel_loop3A_1288 = vector.broadcast %parallel_loop3A_1287 : f32 to vector<16xf32>
        %parallel_loop3A_1289 = arith.select %eq3A_905, %parallel_loop3A_1288, %parallel_loop3A_1278 : vector<16xi1>, vector<16xf32>
        %parallel_loop3A_1290 = arith.constant 1 : i32
        %parallel_loop3A_1291 = arith.index_cast %parallel_loop3A_1290 : i32 to index
        %parallel_loop3A_1292 = arith.index_cast %parallel_loop3A_1251 : i32 to index
        %parallel_loop3A_1293 = arith.constant 32 : index
        %parallel_loop3A_1294 = tpu.vector_load %arg10[%parallel_loop3A_1291, %parallel_loop3A_1292, %parallel_loop3A_1293] {strides = array<i32>} : memref<2x40x128xbf16, #tpu.memory_space<vmem>>, vector<32xbf16>,
        %parallel_loop3A_1295 = arith.constant 1 : i32
        %parallel_loop3A_1296 = arith.index_cast %parallel_loop3A_1295 : i32 to index
        %parallel_loop3A_1297 = arith.index_cast %parallel_loop3A_1251 : i32 to index
        %parallel_loop3A_1298 = arith.constant 32 : index
        %parallel_loop3A_1299 = tpu.vector_load %arg11[%parallel_loop3A_1296, %parallel_loop3A_1297, %parallel_loop3A_1298] {strides = array<i32>} : memref<2x40x128xbf16, #tpu.memory_space<vmem>>, vector<32xbf16>,
        %parallel_loop3A_1300 = tpu.unpack_subelements %parallel_loop3A_1294, 0 {pack_format = #tpu.pack_format<interleaved>} : vector<32xbf16> -> vector<16xf32>
        %parallel_loop3A_1301 = tpu.unpack_subelements %parallel_loop3A_1294, 1 {pack_format = #tpu.pack_format<interleaved>} : vector<32xbf16> -> vector<16xf32>
        %parallel_loop3A_1302 = tpu.unpack_subelements %parallel_loop3A_1299, 0 {pack_format = #tpu.pack_format<interleaved>} : vector<32xbf16> -> vector<16xf32>
        %parallel_loop3A_1303 = tpu.unpack_subelements %parallel_loop3A_1299, 1 {pack_format = #tpu.pack_format<interleaved>} : vector<32xbf16> -> vector<16xf32>
        %parallel_loop3A_1304 = arith.mulf %parallel_loop3A_1300, %parallel_loop3A_1302 : vector<16xf32>
        %parallel_loop3A_1305 = arith.constant true
        %parallel_loop3A_1306 = vector.broadcast %parallel_loop3A_1305 : i1 to vector<16xi1>
        %parallel_loop3A_1307 = tpu.scan <sum>, %parallel_loop3A_1304 masked %parallel_loop3A_1306 : vector<16xf32>, vector<16xi1> -> vector<16xf32>
        %parallel_loop3A_1308 = vector.extract %parallel_loop3A_1307[15] : f32 from vector<16xf32>
        %parallel_loop3A_1309 = arith.constant -5.000000e+00 : f32
        %parallel_loop3A_1310 = arith.constant 5.000000e+00 : f32
        %parallel_loop3A_1311 = arith.maximumf %parallel_loop3A_1309, %parallel_loop3A_1308 : f32
        %parallel_loop3A_1312 = arith.minimumf %parallel_loop3A_1310, %parallel_loop3A_1311 : f32
        %parallel_loop3A_1313 = vector.broadcast %parallel_loop3A_1312 : f32 to vector<16xf32>
        %parallel_loop3A_1314 = arith.select %eq3A_908, %parallel_loop3A_1313, %parallel_loop3A_1289 : vector<16xi1>, vector<16xf32>
        %parallel_loop3A_1315 = arith.mulf %parallel_loop3A_1301, %parallel_loop3A_1303 : vector<16xf32>
        %parallel_loop3A_1316 = arith.constant true
        %parallel_loop3A_1317 = vector.broadcast %parallel_loop3A_1316 : i1 to vector<16xi1>
        %parallel_loop3A_1318 = tpu.scan <sum>, %parallel_loop3A_1315 masked %parallel_loop3A_1317 : vector<16xf32>, vector<16xi1> -> vector<16xf32>
        %parallel_loop3A_1319 = vector.extract %parallel_loop3A_1318[15] : f32 from vector<16xf32>
        %parallel_loop3A_1320 = arith.constant -5.000000e+00 : f32
        %parallel_loop3A_1321 = arith.constant 5.000000e+00 : f32
        %parallel_loop3A_1322 = arith.maximumf %parallel_loop3A_1320, %parallel_loop3A_1319 : f32
        %parallel_loop3A_1323 = arith.minimumf %parallel_loop3A_1321, %parallel_loop3A_1322 : f32
        %parallel_loop3A_1324 = vector.broadcast %parallel_loop3A_1323 : f32 to vector<16xf32>
        %parallel_loop3A_1325 = arith.select %eq3A_911, %parallel_loop3A_1324, %parallel_loop3A_1314 : vector<16xi1>, vector<16xf32>
        %parallel_loop3A_1326 = arith.constant 1 : i32
        %parallel_loop3A_1327 = arith.index_cast %parallel_loop3A_1326 : i32 to index
        %parallel_loop3A_1328 = arith.index_cast %parallel_loop3A_1251 : i32 to index
        %parallel_loop3A_1329 = arith.constant 64 : index
        %parallel_loop3A_1330 = tpu.vector_load %arg10[%parallel_loop3A_1327, %parallel_loop3A_1328, %parallel_loop3A_1329] {strides = array<i32>} : memref<2x40x128xbf16, #tpu.memory_space<vmem>>, vector<32xbf16>,
        %parallel_loop3A_1331 = arith.constant 1 : i32
        %parallel_loop3A_1332 = arith.index_cast %parallel_loop3A_1331 : i32 to index
        %parallel_loop3A_1333 = arith.index_cast %parallel_loop3A_1251 : i32 to index
        %parallel_loop3A_1334 = arith.constant 64 : index
        %parallel_loop3A_1335 = tpu.vector_load %arg11[%parallel_loop3A_1332, %parallel_loop3A_1333, %parallel_loop3A_1334] {strides = array<i32>} : memref<2x40x128xbf16, #tpu.memory_space<vmem>>, vector<32xbf16>,
        %parallel_loop3A_1336 = tpu.unpack_subelements %parallel_loop3A_1330, 0 {pack_format = #tpu.pack_format<interleaved>} : vector<32xbf16> -> vector<16xf32>
        %parallel_loop3A_1337 = tpu.unpack_subelements %parallel_loop3A_1330, 1 {pack_format = #tpu.pack_format<interleaved>} : vector<32xbf16> -> vector<16xf32>
        %parallel_loop3A_1338 = tpu.unpack_subelements %parallel_loop3A_1335, 0 {pack_format = #tpu.pack_format<interleaved>} : vector<32xbf16> -> vector<16xf32>
        %parallel_loop3A_1339 = tpu.unpack_subelements %parallel_loop3A_1335, 1 {pack_format = #tpu.pack_format<interleaved>} : vector<32xbf16> -> vector<16xf32>
        %parallel_loop3A_1340 = arith.mulf %parallel_loop3A_1336, %parallel_loop3A_1338 : vector<16xf32>
        %parallel_loop3A_1341 = arith.constant true
        %parallel_loop3A_1342 = vector.broadcast %parallel_loop3A_1341 : i1 to vector<16xi1>
        %parallel_loop3A_1343 = tpu.scan <sum>, %parallel_loop3A_1340 masked %parallel_loop3A_1342 : vector<16xf32>, vector<16xi1> -> vector<16xf32>
        %parallel_loop3A_1344 = vector.extract %parallel_loop3A_1343[15] : f32 from vector<16xf32>
        %parallel_loop3A_1345 = arith.constant -5.000000e+00 : f32
        %parallel_loop3A_1346 = arith.constant 5.000000e+00 : f32
        %parallel_loop3A_1347 = arith.maximumf %parallel_loop3A_1345, %parallel_loop3A_1344 : f32
        %parallel_loop3A_1348 = arith.minimumf %parallel_loop3A_1346, %parallel_loop3A_1347 : f32
        %parallel_loop3A_1349 = vector.broadcast %parallel_loop3A_1348 : f32 to vector<16xf32>
        %parallel_loop3A_1350 = arith.select %eq3A_914, %parallel_loop3A_1349, %parallel_loop3A_1325 : vector<16xi1>, vector<16xf32>
        %parallel_loop3A_1351 = arith.mulf %parallel_loop3A_1337, %parallel_loop3A_1339 : vector<16xf32>
        %parallel_loop3A_1352 = arith.constant true
        %parallel_loop3A_1353 = vector.broadcast %parallel_loop3A_1352 : i1 to vector<16xi1>
        %parallel_loop3A_1354 = tpu.scan <sum>, %parallel_loop3A_1351 masked %parallel_loop3A_1353 : vector<16xf32>, vector<16xi1> -> vector<16xf32>
        %parallel_loop3A_1355 = vector.extract %parallel_loop3A_1354[15] : f32 from vector<16xf32>
        %parallel_loop3A_1356 = arith.constant -5.000000e+00 : f32
        %parallel_loop3A_1357 = arith.constant 5.000000e+00 : f32
        %parallel_loop3A_1358 = arith.maximumf %parallel_loop3A_1356, %parallel_loop3A_1355 : f32
        %parallel_loop3A_1359 = arith.minimumf %parallel_loop3A_1357, %parallel_loop3A_1358 : f32
        %parallel_loop3A_1360 = vector.broadcast %parallel_loop3A_1359 : f32 to vector<16xf32>
        %parallel_loop3A_1361 = arith.select %eq3A_917, %parallel_loop3A_1360, %parallel_loop3A_1350 : vector<16xi1>, vector<16xf32>
        %parallel_loop3A_1362 = arith.constant 1 : i32
        %parallel_loop3A_1363 = arith.index_cast %parallel_loop3A_1362 : i32 to index
        %parallel_loop3A_1364 = arith.index_cast %parallel_loop3A_1251 : i32 to index
        %parallel_loop3A_1365 = arith.constant 96 : index
        %parallel_loop3A_1366 = tpu.vector_load %arg10[%parallel_loop3A_1363, %parallel_loop3A_1364, %parallel_loop3A_1365] {strides = array<i32>} : memref<2x40x128xbf16, #tpu.memory_space<vmem>>, vector<32xbf16>,
        %parallel_loop3A_1367 = arith.constant 1 : i32
        %parallel_loop3A_1368 = arith.index_cast %parallel_loop3A_1367 : i32 to index
        %parallel_loop3A_1369 = arith.index_cast %parallel_loop3A_1251 : i32 to index
        %parallel_loop3A_1370 = arith.constant 96 : index
        %parallel_loop3A_1371 = tpu.vector_load %arg11[%parallel_loop3A_1368, %parallel_loop3A_1369, %parallel_loop3A_1370] {strides = array<i32>} : memref<2x40x128xbf16, #tpu.memory_space<vmem>>, vector<32xbf16>,
        %parallel_loop3A_1372 = tpu.unpack_subelements %parallel_loop3A_1366, 0 {pack_format = #tpu.pack_format<interleaved>} : vector<32xbf16> -> vector<16xf32>
        %parallel_loop3A_1373 = tpu.unpack_subelements %parallel_loop3A_1366, 1 {pack_format = #tpu.pack_format<interleaved>} : vector<32xbf16> -> vector<16xf32>
        %parallel_loop3A_1374 = tpu.unpack_subelements %parallel_loop3A_1371, 0 {pack_format = #tpu.pack_format<interleaved>} : vector<32xbf16> -> vector<16xf32>
        %parallel_loop3A_1375 = tpu.unpack_subelements %parallel_loop3A_1371, 1 {pack_format = #tpu.pack_format<interleaved>} : vector<32xbf16> -> vector<16xf32>
        %parallel_loop3A_1376 = arith.mulf %parallel_loop3A_1372, %parallel_loop3A_1374 : vector<16xf32>
        %parallel_loop3A_1377 = arith.constant true
        %parallel_loop3A_1378 = vector.broadcast %parallel_loop3A_1377 : i1 to vector<16xi1>
        %parallel_loop3A_1379 = tpu.scan <sum>, %parallel_loop3A_1376 masked %parallel_loop3A_1378 : vector<16xf32>, vector<16xi1> -> vector<16xf32>
        %parallel_loop3A_1380 = vector.extract %parallel_loop3A_1379[15] : f32 from vector<16xf32>
        %parallel_loop3A_1381 = arith.constant -5.000000e+00 : f32
        %parallel_loop3A_1382 = arith.constant 5.000000e+00 : f32
        %parallel_loop3A_1383 = arith.maximumf %parallel_loop3A_1381, %parallel_loop3A_1380 : f32
        %parallel_loop3A_1384 = arith.minimumf %parallel_loop3A_1382, %parallel_loop3A_1383 : f32
        %parallel_loop3A_1385 = vector.broadcast %parallel_loop3A_1384 : f32 to vector<16xf32>
        %parallel_loop3A_1386 = arith.select %eq3A_920, %parallel_loop3A_1385, %parallel_loop3A_1361 : vector<16xi1>, vector<16xf32>
        %parallel_loop3A_1387 = arith.mulf %parallel_loop3A_1373, %parallel_loop3A_1375 : vector<16xf32>
        %parallel_loop3A_1388 = arith.constant true
        %parallel_loop3A_1389 = vector.broadcast %parallel_loop3A_1388 : i1 to vector<16xi1>
        %parallel_loop3A_1390 = tpu.scan <sum>, %parallel_loop3A_1387 masked %parallel_loop3A_1389 : vector<16xf32>, vector<16xi1> -> vector<16xf32>
        %parallel_loop3A_1391 = vector.extract %parallel_loop3A_1390[15] : f32 from vector<16xf32>
        %parallel_loop3A_1392 = arith.constant -5.000000e+00 : f32
        %parallel_loop3A_1393 = arith.constant 5.000000e+00 : f32
        %parallel_loop3A_1394 = arith.maximumf %parallel_loop3A_1392, %parallel_loop3A_1391 : f32
        %parallel_loop3A_1395 = arith.minimumf %parallel_loop3A_1393, %parallel_loop3A_1394 : f32
        %parallel_loop3A_1396 = vector.broadcast %parallel_loop3A_1395 : f32 to vector<16xf32>
        %parallel_loop3A_1397 = arith.select %eq3A_923, %parallel_loop3A_1396, %parallel_loop3A_1386 : vector<16xi1>, vector<16xf32>
        %parallel_loop3A_1398 = math.exp %parallel_loop3A_1397 : vector<16xf32>
        %parallel_loop3A_1399 = arith.constant 1 : i32
        %parallel_loop3A_1400 = arith.index_cast %parallel_loop3A_1399 : i32 to index
        %parallel_loop3A_1401 = arith.index_cast %parallel_loop3A_1251 : i32 to index
        %parallel_loop3A_1402 = arith.constant 0 : index
        %parallel_loop3A_1403 = tpu.vector_load %arg13[%parallel_loop3A_1400, %parallel_loop3A_1401, %parallel_loop3A_1402] {strides = array<i32>} : memref<2x40x16xf32, #tpu.memory_space<vmem>>, vector<16xf32>,
        tpu.vector_store %arg13[%parallel_loop3A_1400, %parallel_loop3A_1401, %parallel_loop3A_1402], %parallel_loop3A_1398 {strides = array<i32>} : memref<2x40x16xf32, #tpu.memory_space<vmem>>, vector<16xf32>,
        %parallel_loop3A_1404 = arith.constant 0 : i32
        %parallel_loop3A_1405 = vector.broadcast %parallel_loop3A_1404 : i32 to vector<16xi32>
        %parallel_loop3A_1406 = arith.cmpi slt, %broadcast_in_dim3A_925, %parallel_loop3A_1405 : vector<16xi32>
        %parallel_loop3A_1407 = arith.constant 16 : i32
        %parallel_loop3A_1408 = vector.broadcast %parallel_loop3A_1407 : i32 to vector<16xi32>
        %parallel_loop3A_1409 = arith.addi %broadcast_in_dim3A_925, %parallel_loop3A_1408 : vector<16xi32>
        %parallel_loop3A_1410 = arith.select %parallel_loop3A_1406, %parallel_loop3A_1409, %broadcast_in_dim3A_925 : vector<16xi1>, vector<16xi32>
        %parallel_loop3A_1411 = vector.shape_cast %parallel_loop3A_1410 : vector<16xi32> to vector<16x1xi32>
        %parallel_loop3A_1412 = vector.shape_cast %parallel_loop3A_1411 : vector<16x1xi32> to vector<16xi32>
        %parallel_loop3A_1413 = tpu.dynamic_gather %parallel_loop3A_1398[%parallel_loop3A_1412] in [0] : vector<16xf32>, vector<16xi32> -> vector<16xf32>
        %parallel_loop3A_1414 = arith.constant 1 : i32
        %parallel_loop3A_1415 = arith.index_cast %parallel_loop3A_1414 : i32 to index
        %parallel_loop3A_1416 = arith.index_cast %parallel_loop3A_1251 : i32 to index
        %parallel_loop3A_1417 = arith.constant 0 : index
        %parallel_loop3A_1418 = tpu.vector_load %arg12[%parallel_loop3A_1415, %parallel_loop3A_1416, %parallel_loop3A_1417] {strides = array<i32>} : memref<2x40x128xf32, #tpu.memory_space<vmem>>, vector<16xf32>,
        %parallel_loop3A_1419 = arith.mulf %parallel_loop3A_1418, %parallel_loop3A_1413 : vector<16xf32>
        %parallel_loop3A_1420 = arith.constant 1 : i32
        %parallel_loop3A_1421 = arith.index_cast %parallel_loop3A_1420 : i32 to index
        %parallel_loop3A_1422 = arith.index_cast %parallel_loop3A_1251 : i32 to index
        %parallel_loop3A_1423 = arith.constant 0 : index
        %parallel_loop3A_1424 = tpu.vector_load %arg12[%parallel_loop3A_1421, %parallel_loop3A_1422, %parallel_loop3A_1423] {strides = array<i32>} : memref<2x40x128xf32, #tpu.memory_space<vmem>>, vector<16xf32>,
        tpu.vector_store %arg12[%parallel_loop3A_1421, %parallel_loop3A_1422, %parallel_loop3A_1423], %parallel_loop3A_1419 {strides = array<i32>} : memref<2x40x128xf32, #tpu.memory_space<vmem>>, vector<16xf32>,
        %parallel_loop3A_1425 = arith.constant 0 : i32
        %parallel_loop3A_1426 = vector.broadcast %parallel_loop3A_1425 : i32 to vector<16xi32>
        %parallel_loop3A_1427 = arith.cmpi slt, %broadcast_in_dim3A_927, %parallel_loop3A_1426 : vector<16xi32>
        %parallel_loop3A_1428 = arith.constant 16 : i32
        %parallel_loop3A_1429 = vector.broadcast %parallel_loop3A_1428 : i32 to vector<16xi32>
        %parallel_loop3A_1430 = arith.addi %broadcast_in_dim3A_927, %parallel_loop3A_1429 : vector<16xi32>
        %parallel_loop3A_1431 = arith.select %parallel_loop3A_1427, %parallel_loop3A_1430, %broadcast_in_dim3A_927 : vector<16xi1>, vector<16xi32>
        %parallel_loop3A_1432 = vector.shape_cast %parallel_loop3A_1431 : vector<16xi32> to vector<16x1xi32>
        %parallel_loop3A_1433 = vector.shape_cast %parallel_loop3A_1432 : vector<16x1xi32> to vector<16xi32>
        %parallel_loop3A_1434 = tpu.dynamic_gather %parallel_loop3A_1398[%parallel_loop3A_1433] in [0] : vector<16xf32>, vector<16xi32> -> vector<16xf32>
        %parallel_loop3A_1435 = arith.constant 1 : i32
        %parallel_loop3A_1436 = arith.index_cast %parallel_loop3A_1435 : i32 to index
        %parallel_loop3A_1437 = arith.index_cast %parallel_loop3A_1251 : i32 to index
        %parallel_loop3A_1438 = arith.constant 16 : index
        %parallel_loop3A_1439 = tpu.vector_load %arg12[%parallel_loop3A_1436, %parallel_loop3A_1437, %parallel_loop3A_1438] {strides = array<i32>} : memref<2x40x128xf32, #tpu.memory_space<vmem>>, vector<16xf32>,
        %parallel_loop3A_1440 = arith.mulf %parallel_loop3A_1439, %parallel_loop3A_1434 : vector<16xf32>
        %parallel_loop3A_1441 = arith.constant 1 : i32
        %parallel_loop3A_1442 = arith.index_cast %parallel_loop3A_1441 : i32 to index
        %parallel_loop3A_1443 = arith.index_cast %parallel_loop3A_1251 : i32 to index
        %parallel_loop3A_1444 = arith.constant 16 : index
        %parallel_loop3A_1445 = tpu.vector_load %arg12[%parallel_loop3A_1442, %parallel_loop3A_1443, %parallel_loop3A_1444] {strides = array<i32>} : memref<2x40x128xf32, #tpu.memory_space<vmem>>, vector<16xf32>,
        tpu.vector_store %arg12[%parallel_loop3A_1442, %parallel_loop3A_1443, %parallel_loop3A_1444], %parallel_loop3A_1440 {strides = array<i32>} : memref<2x40x128xf32, #tpu.memory_space<vmem>>, vector<16xf32>,
        %parallel_loop3A_1446 = arith.constant 0 : i32
        %parallel_loop3A_1447 = vector.broadcast %parallel_loop3A_1446 : i32 to vector<16xi32>
        %parallel_loop3A_1448 = arith.cmpi slt, %broadcast_in_dim3A_929, %parallel_loop3A_1447 : vector<16xi32>
        %parallel_loop3A_1449 = arith.constant 16 : i32
        %parallel_loop3A_1450 = vector.broadcast %parallel_loop3A_1449 : i32 to vector<16xi32>
        %parallel_loop3A_1451 = arith.addi %broadcast_in_dim3A_929, %parallel_loop3A_1450 : vector<16xi32>
        %parallel_loop3A_1452 = arith.select %parallel_loop3A_1448, %parallel_loop3A_1451, %broadcast_in_dim3A_929 : vector<16xi1>, vector<16xi32>
        %parallel_loop3A_1453 = vector.shape_cast %parallel_loop3A_1452 : vector<16xi32> to vector<16x1xi32>
        %parallel_loop3A_1454 = vector.shape_cast %parallel_loop3A_1453 : vector<16x1xi32> to vector<16xi32>
        %parallel_loop3A_1455 = tpu.dynamic_gather %parallel_loop3A_1398[%parallel_loop3A_1454] in [0] : vector<16xf32>, vector<16xi32> -> vector<16xf32>
        %parallel_loop3A_1456 = arith.constant 1 : i32
        %parallel_loop3A_1457 = arith.index_cast %parallel_loop3A_1456 : i32 to index
        %parallel_loop3A_1458 = arith.index_cast %parallel_loop3A_1251 : i32 to index
        %parallel_loop3A_1459 = arith.constant 32 : index
        %parallel_loop3A_1460 = tpu.vector_load %arg12[%parallel_loop3A_1457, %parallel_loop3A_1458, %parallel_loop3A_1459] {strides = array<i32>} : memref<2x40x128xf32, #tpu.memory_space<vmem>>, vector<16xf32>,
        %parallel_loop3A_1461 = arith.mulf %parallel_loop3A_1460, %parallel_loop3A_1455 : vector<16xf32>
        %parallel_loop3A_1462 = arith.constant 1 : i32
        %parallel_loop3A_1463 = arith.index_cast %parallel_loop3A_1462 : i32 to index
        %parallel_loop3A_1464 = arith.index_cast %parallel_loop3A_1251 : i32 to index
        %parallel_loop3A_1465 = arith.constant 32 : index
        %parallel_loop3A_1466 = tpu.vector_load %arg12[%parallel_loop3A_1463, %parallel_loop3A_1464, %parallel_loop3A_1465] {strides = array<i32>} : memref<2x40x128xf32, #tpu.memory_space<vmem>>, vector<16xf32>,
        tpu.vector_store %arg12[%parallel_loop3A_1463, %parallel_loop3A_1464, %parallel_loop3A_1465], %parallel_loop3A_1461 {strides = array<i32>} : memref<2x40x128xf32, #tpu.memory_space<vmem>>, vector<16xf32>,
        %parallel_loop3A_1467 = arith.constant 0 : i32
        %parallel_loop3A_1468 = vector.broadcast %parallel_loop3A_1467 : i32 to vector<16xi32>
        %parallel_loop3A_1469 = arith.cmpi slt, %broadcast_in_dim3A_931, %parallel_loop3A_1468 : vector<16xi32>
        %parallel_loop3A_1470 = arith.constant 16 : i32
        %parallel_loop3A_1471 = vector.broadcast %parallel_loop3A_1470 : i32 to vector<16xi32>
        %parallel_loop3A_1472 = arith.addi %broadcast_in_dim3A_931, %parallel_loop3A_1471 : vector<16xi32>
        %parallel_loop3A_1473 = arith.select %parallel_loop3A_1469, %parallel_loop3A_1472, %broadcast_in_dim3A_931 : vector<16xi1>, vector<16xi32>
        %parallel_loop3A_1474 = vector.shape_cast %parallel_loop3A_1473 : vector<16xi32> to vector<16x1xi32>
        %parallel_loop3A_1475 = vector.shape_cast %parallel_loop3A_1474 : vector<16x1xi32> to vector<16xi32>
        %parallel_loop3A_1476 = tpu.dynamic_gather %parallel_loop3A_1398[%parallel_loop3A_1475] in [0] : vector<16xf32>, vector<16xi32> -> vector<16xf32>
        %parallel_loop3A_1477 = arith.constant 1 : i32
        %parallel_loop3A_1478 = arith.index_cast %parallel_loop3A_1477 : i32 to index
        %parallel_loop3A_1479 = arith.index_cast %parallel_loop3A_1251 : i32 to index
        %parallel_loop3A_1480 = arith.constant 48 : index
        %parallel_loop3A_1481 = tpu.vector_load %arg12[%parallel_loop3A_1478, %parallel_loop3A_1479, %parallel_loop3A_1480] {strides = array<i32>} : memref<2x40x128xf32, #tpu.memory_space<vmem>>, vector<16xf32>,
        %parallel_loop3A_1482 = arith.mulf %parallel_loop3A_1481, %parallel_loop3A_1476 : vector<16xf32>
        %parallel_loop3A_1483 = arith.constant 1 : i32
        %parallel_loop3A_1484 = arith.index_cast %parallel_loop3A_1483 : i32 to index
        %parallel_loop3A_1485 = arith.index_cast %parallel_loop3A_1251 : i32 to index
        %parallel_loop3A_1486 = arith.constant 48 : index
        %parallel_loop3A_1487 = tpu.vector_load %arg12[%parallel_loop3A_1484, %parallel_loop3A_1485, %parallel_loop3A_1486] {strides = array<i32>} : memref<2x40x128xf32, #tpu.memory_space<vmem>>, vector<16xf32>,
        tpu.vector_store %arg12[%parallel_loop3A_1484, %parallel_loop3A_1485, %parallel_loop3A_1486], %parallel_loop3A_1482 {strides = array<i32>} : memref<2x40x128xf32, #tpu.memory_space<vmem>>, vector<16xf32>,
        %parallel_loop3A_1488 = arith.constant 0 : i32
        %parallel_loop3A_1489 = vector.broadcast %parallel_loop3A_1488 : i32 to vector<16xi32>
        %parallel_loop3A_1490 = arith.cmpi slt, %broadcast_in_dim3A_933, %parallel_loop3A_1489 : vector<16xi32>
        %parallel_loop3A_1491 = arith.constant 16 : i32
        %parallel_loop3A_1492 = vector.broadcast %parallel_loop3A_1491 : i32 to vector<16xi32>
        %parallel_loop3A_1493 = arith.addi %broadcast_in_dim3A_933, %parallel_loop3A_1492 : vector<16xi32>
        %parallel_loop3A_1494 = arith.select %parallel_loop3A_1490, %parallel_loop3A_1493, %broadcast_in_dim3A_933 : vector<16xi1>, vector<16xi32>
        %parallel_loop3A_1495 = vector.shape_cast %parallel_loop3A_1494 : vector<16xi32> to vector<16x1xi32>
        %parallel_loop3A_1496 = vector.shape_cast %parallel_loop3A_1495 : vector<16x1xi32> to vector<16xi32>
        %parallel_loop3A_1497 = tpu.dynamic_gather %parallel_loop3A_1398[%parallel_loop3A_1496] in [0] : vector<16xf32>, vector<16xi32> -> vector<16xf32>
        %parallel_loop3A_1498 = arith.constant 1 : i32
        %parallel_loop3A_1499 = arith.index_cast %parallel_loop3A_1498 : i32 to index
        %parallel_loop3A_1500 = arith.index_cast %parallel_loop3A_1251 : i32 to index
        %parallel_loop3A_1501 = arith.constant 64 : index
        %parallel_loop3A_1502 = tpu.vector_load %arg12[%parallel_loop3A_1499, %parallel_loop3A_1500, %parallel_loop3A_1501] {strides = array<i32>} : memref<2x40x128xf32, #tpu.memory_space<vmem>>, vector<16xf32>,
        %parallel_loop3A_1503 = arith.mulf %parallel_loop3A_1502, %parallel_loop3A_1497 : vector<16xf32>
        %parallel_loop3A_1504 = arith.constant 1 : i32
        %parallel_loop3A_1505 = arith.index_cast %parallel_loop3A_1504 : i32 to index
        %parallel_loop3A_1506 = arith.index_cast %parallel_loop3A_1251 : i32 to index
        %parallel_loop3A_1507 = arith.constant 64 : index
        %parallel_loop3A_1508 = tpu.vector_load %arg12[%parallel_loop3A_1505, %parallel_loop3A_1506, %parallel_loop3A_1507] {strides = array<i32>} : memref<2x40x128xf32, #tpu.memory_space<vmem>>, vector<16xf32>,
        tpu.vector_store %arg12[%parallel_loop3A_1505, %parallel_loop3A_1506, %parallel_loop3A_1507], %parallel_loop3A_1503 {strides = array<i32>} : memref<2x40x128xf32, #tpu.memory_space<vmem>>, vector<16xf32>,
        %parallel_loop3A_1509 = arith.constant 0 : i32
        %parallel_loop3A_1510 = vector.broadcast %parallel_loop3A_1509 : i32 to vector<16xi32>
        %parallel_loop3A_1511 = arith.cmpi slt, %broadcast_in_dim3A_935, %parallel_loop3A_1510 : vector<16xi32>
        %parallel_loop3A_1512 = arith.constant 16 : i32
        %parallel_loop3A_1513 = vector.broadcast %parallel_loop3A_1512 : i32 to vector<16xi32>
        %parallel_loop3A_1514 = arith.addi %broadcast_in_dim3A_935, %parallel_loop3A_1513 : vector<16xi32>
        %parallel_loop3A_1515 = arith.select %parallel_loop3A_1511, %parallel_loop3A_1514, %broadcast_in_dim3A_935 : vector<16xi1>, vector<16xi32>
        %parallel_loop3A_1516 = vector.shape_cast %parallel_loop3A_1515 : vector<16xi32> to vector<16x1xi32>
        %parallel_loop3A_1517 = vector.shape_cast %parallel_loop3A_1516 : vector<16x1xi32> to vector<16xi32>
        %parallel_loop3A_1518 = tpu.dynamic_gather %parallel_loop3A_1398[%parallel_loop3A_1517] in [0] : vector<16xf32>, vector<16xi32> -> vector<16xf32>
        %parallel_loop3A_1519 = arith.constant 1 : i32
        %parallel_loop3A_1520 = arith.index_cast %parallel_loop3A_1519 : i32 to index
        %parallel_loop3A_1521 = arith.index_cast %parallel_loop3A_1251 : i32 to index
        %parallel_loop3A_1522 = arith.constant 80 : index
        %parallel_loop3A_1523 = tpu.vector_load %arg12[%parallel_loop3A_1520, %parallel_loop3A_1521, %parallel_loop3A_1522] {strides = array<i32>} : memref<2x40x128xf32, #tpu.memory_space<vmem>>, vector<16xf32>,
        %parallel_loop3A_1524 = arith.mulf %parallel_loop3A_1523, %parallel_loop3A_1518 : vector<16xf32>
        %parallel_loop3A_1525 = arith.constant 1 : i32
        %parallel_loop3A_1526 = arith.index_cast %parallel_loop3A_1525 : i32 to index
        %parallel_loop3A_1527 = arith.index_cast %parallel_loop3A_1251 : i32 to index
        %parallel_loop3A_1528 = arith.constant 80 : index
        %parallel_loop3A_1529 = tpu.vector_load %arg12[%parallel_loop3A_1526, %parallel_loop3A_1527, %parallel_loop3A_1528] {strides = array<i32>} : memref<2x40x128xf32, #tpu.memory_space<vmem>>, vector<16xf32>,
        tpu.vector_store %arg12[%parallel_loop3A_1526, %parallel_loop3A_1527, %parallel_loop3A_1528], %parallel_loop3A_1524 {strides = array<i32>} : memref<2x40x128xf32, #tpu.memory_space<vmem>>, vector<16xf32>,
        %parallel_loop3A_1530 = arith.constant 0 : i32
        %parallel_loop3A_1531 = vector.broadcast %parallel_loop3A_1530 : i32 to vector<16xi32>
        %parallel_loop3A_1532 = arith.cmpi slt, %broadcast_in_dim3A_937, %parallel_loop3A_1531 : vector<16xi32>
        %parallel_loop3A_1533 = arith.constant 16 : i32
        %parallel_loop3A_1534 = vector.broadcast %parallel_loop3A_1533 : i32 to vector<16xi32>
        %parallel_loop3A_1535 = arith.addi %broadcast_in_dim3A_937, %parallel_loop3A_1534 : vector<16xi32>
        %parallel_loop3A_1536 = arith.select %parallel_loop3A_1532, %parallel_loop3A_1535, %broadcast_in_dim3A_937 : vector<16xi1>, vector<16xi32>
        %parallel_loop3A_1537 = vector.shape_cast %parallel_loop3A_1536 : vector<16xi32> to vector<16x1xi32>
        %parallel_loop3A_1538 = vector.shape_cast %parallel_loop3A_1537 : vector<16x1xi32> to vector<16xi32>
        %parallel_loop3A_1539 = tpu.dynamic_gather %parallel_loop3A_1398[%parallel_loop3A_1538] in [0] : vector<16xf32>, vector<16xi32> -> vector<16xf32>
        %parallel_loop3A_1540 = arith.constant 1 : i32
        %parallel_loop3A_1541 = arith.index_cast %parallel_loop3A_1540 : i32 to index
        %parallel_loop3A_1542 = arith.index_cast %parallel_loop3A_1251 : i32 to index
        %parallel_loop3A_1543 = arith.constant 96 : index
        %parallel_loop3A_1544 = tpu.vector_load %arg12[%parallel_loop3A_1541, %parallel_loop3A_1542, %parallel_loop3A_1543] {strides = array<i32>} : memref<2x40x128xf32, #tpu.memory_space<vmem>>, vector<16xf32>,
        %parallel_loop3A_1545 = arith.mulf %parallel_loop3A_1544, %parallel_loop3A_1539 : vector<16xf32>
        %parallel_loop3A_1546 = arith.constant 1 : i32
        %parallel_loop3A_1547 = arith.index_cast %parallel_loop3A_1546 : i32 to index
        %parallel_loop3A_1548 = arith.index_cast %parallel_loop3A_1251 : i32 to index
        %parallel_loop3A_1549 = arith.constant 96 : index
        %parallel_loop3A_1550 = tpu.vector_load %arg12[%parallel_loop3A_1547, %parallel_loop3A_1548, %parallel_loop3A_1549] {strides = array<i32>} : memref<2x40x128xf32, #tpu.memory_space<vmem>>, vector<16xf32>,
        tpu.vector_store %arg12[%parallel_loop3A_1547, %parallel_loop3A_1548, %parallel_loop3A_1549], %parallel_loop3A_1545 {strides = array<i32>} : memref<2x40x128xf32, #tpu.memory_space<vmem>>, vector<16xf32>,
        %parallel_loop3A_1551 = arith.constant 0 : i32
        %parallel_loop3A_1552 = vector.broadcast %parallel_loop3A_1551 : i32 to vector<16xi32>
        %parallel_loop3A_1553 = arith.cmpi slt, %broadcast_in_dim3A_939, %parallel_loop3A_1552 : vector<16xi32>
        %parallel_loop3A_1554 = arith.constant 16 : i32
        %parallel_loop3A_1555 = vector.broadcast %parallel_loop3A_1554 : i32 to vector<16xi32>
        %parallel_loop3A_1556 = arith.addi %broadcast_in_dim3A_939, %parallel_loop3A_1555 : vector<16xi32>
        %parallel_loop3A_1557 = arith.select %parallel_loop3A_1553, %parallel_loop3A_1556, %broadcast_in_dim3A_939 : vector<16xi1>, vector<16xi32>
        %parallel_loop3A_1558 = vector.shape_cast %parallel_loop3A_1557 : vector<16xi32> to vector<16x1xi32>
        %parallel_loop3A_1559 = vector.shape_cast %parallel_loop3A_1558 : vector<16x1xi32> to vector<16xi32>
        %parallel_loop3A_1560 = tpu.dynamic_gather %parallel_loop3A_1398[%parallel_loop3A_1559] in [0] : vector<16xf32>, vector<16xi32> -> vector<16xf32>
        %parallel_loop3A_1561 = arith.constant 1 : i32
        %parallel_loop3A_1562 = arith.index_cast %parallel_loop3A_1561 : i32 to index
        %parallel_loop3A_1563 = arith.index_cast %parallel_loop3A_1251 : i32 to index
        %parallel_loop3A_1564 = arith.constant 112 : index
        %parallel_loop3A_1565 = tpu.vector_load %arg12[%parallel_loop3A_1562, %parallel_loop3A_1563, %parallel_loop3A_1564] {strides = array<i32>} : memref<2x40x128xf32, #tpu.memory_space<vmem>>, vector<16xf32>,
        %parallel_loop3A_1566 = arith.mulf %parallel_loop3A_1565, %parallel_loop3A_1560 : vector<16xf32>
        %parallel_loop3A_1567 = arith.constant 1 : i32
        %parallel_loop3A_1568 = arith.index_cast %parallel_loop3A_1567 : i32 to index
        %parallel_loop3A_1569 = arith.index_cast %parallel_loop3A_1251 : i32 to index
        %parallel_loop3A_1570 = arith.constant 112 : index
        %parallel_loop3A_1571 = tpu.vector_load %arg12[%parallel_loop3A_1568, %parallel_loop3A_1569, %parallel_loop3A_1570] {strides = array<i32>} : memref<2x40x128xf32, #tpu.memory_space<vmem>>, vector<16xf32>,
        tpu.vector_store %arg12[%parallel_loop3A_1568, %parallel_loop3A_1569, %parallel_loop3A_1570], %parallel_loop3A_1566 {strides = array<i32>} : memref<2x40x128xf32, #tpu.memory_space<vmem>>, vector<16xf32>,
      } {sc.loop_unroll_factor = 4 : i64, sc.parallel_access}
      %rem3A_1227 = arith.constant 4 : i32
      %rem3A_1228 = arith.remsi %add3A_1174, %rem3A_1227 : i32
      %dma_start3A_1229 = arith.constant 1 : i32
      %dma_start3A_1230 = arith.constant 0 : i32
      %dma_start3A_1231 = arith.constant 0 : i32
      %dma_start3A_1232 = tpu.memref_slice %arg12[%dma_start3A_1229, %dma_start3A_1230, %dma_start3A_1231] : memref<2x40x128xf32, #tpu.memory_space<vmem>> -> memref<1x40x128xf32, #tpu.memory_space<vmem>>
      %dma_start3A_1233 = tpu.memref_squeeze %dma_start3A_1232 : memref<1x40x128xf32, #tpu.memory_space<vmem>> -> memref<40x128xf32, #tpu.memory_space<vmem>>
      %dma_start3A_1234 = arith.constant 0 : i32
      %dma_start3A_1235 = tpu.memref_slice %arg9[%rem3A_1228, %dma_start3A_1234] : memref<4x40xi32, #tpu.memory_space<vmem>> -> memref<1x40xi32, #tpu.memory_space<vmem>>
      %dma_start3A_1236 = tpu.memref_squeeze %dma_start3A_1235 : memref<1x40xi32, #tpu.memory_space<vmem>> -> memref<40xi32, #tpu.memory_space<vmem>>
      %dma_start3A_1237 = arith.constant 0 : i32
      %dma_start3A_1238 = arith.constant 0 : i32
      %dma_start3A_1239 = tpu.memref_slice %arg14[%dma_start3A_1237, %dma_start3A_1238] : memref<10000x128xf32, #tpu.memory_space<vmem_shared>> -> memref<10000x128xf32, #tpu.memory_space<vmem_shared>>
      tpu.enqueue_indirect_dma source(%dma_start3A_1233 : memref<40x128xf32, #tpu.memory_space<vmem>>) target(%dma_start3A_1239 : memref<10000x128xf32, #tpu.memory_space<vmem_shared>>) offsets(%dma_start3A_1236 : memref<40xi32, #tpu.memory_space<vmem>>) semaphore(%arg21 : memref<!tpu.dma_semaphore, #tpu.memory_space<semaphore_mem>>) {add = true}
      %dma_start3A_1240 = arith.constant 1 : i32
      %dma_start3A_1241 = arith.constant 0 : i32
      %dma_start3A_1242 = arith.constant 0 : i32
      %dma_start3A_1243 = tpu.memref_slice %arg13[%dma_start3A_1240, %dma_start3A_1241, %dma_start3A_1242] : memref<2x40x16xf32, #tpu.memory_space<vmem>> -> memref<1x40x16xf32, #tpu.memory_space<vmem>>
      %dma_start3A_1244 = tpu.memref_squeeze %dma_start3A_1243 : memref<1x40x16xf32, #tpu.memory_space<vmem>> -> memref<40x16xf32, #tpu.memory_space<vmem>>
      %dma_start3A_1245 = arith.constant 0 : i32
      %dma_start3A_1246 = tpu.memref_slice %arg9[%rem3A_1228, %dma_start3A_1245] : memref<4x40xi32, #tpu.memory_space<vmem>> -> memref<1x40xi32, #tpu.memory_space<vmem>>
      %dma_start3A_1247 = tpu.memref_squeeze %dma_start3A_1246 : memref<1x40xi32, #tpu.memory_space<vmem>> -> memref<40xi32, #tpu.memory_space<vmem>>
      %dma_start3A_1248 = arith.constant 0 : i32
      %dma_start3A_1249 = arith.constant 0 : i32
      %dma_start3A_1250 = tpu.memref_slice %arg15[%dma_start3A_1248, %dma_start3A_1249] : memref<10000x16xf32, #tpu.memory_space<vmem_shared>> -> memref<10000x16xf32, #tpu.memory_space<vmem_shared>>
      tpu.enqueue_indirect_dma source(%dma_start3A_1244 : memref<40x16xf32, #tpu.memory_space<vmem>>) target(%dma_start3A_1250 : memref<10000x16xf32, #tpu.memory_space<vmem_shared>>) offsets(%dma_start3A_1247 : memref<40xi32, #tpu.memory_space<vmem>>) semaphore(%arg22 : memref<!tpu.dma_semaphore, #tpu.memory_space<semaphore_mem>>) {add = true}
    }
    %scan3A_1065 = arith.constant 125 : i32
    %dma_wait3A_1066 = arith.constant 1 : i32
    %dma_wait3A_1067 = arith.constant 1 : i32
    %dma_wait3A_1068 = arith.constant 0 : i32
    %dma_wait3A_1069 = arith.constant 0 : i32
    %dma_wait3A_1070 = tpu.memref_slice %arg12[%dma_wait3A_1066, %dma_wait3A_1068, %dma_wait3A_1069] : memref<2x40x128xf32, #tpu.memory_space<vmem>> -> memref<1x40x128xf32, #tpu.memory_space<vmem>>
    %dma_wait3A_1071 = tpu.memref_squeeze %dma_wait3A_1070 : memref<1x40x128xf32, #tpu.memory_space<vmem>> -> memref<40x128xf32, #tpu.memory_space<vmem>>
    %dma_wait3A_1072 = arith.constant 0 : i32
    %dma_wait3A_1073 = tpu.memref_slice %arg9[%dma_wait3A_1067, %dma_wait3A_1072] : memref<4x40xi32, #tpu.memory_space<vmem>> -> memref<1x40xi32, #tpu.memory_space<vmem>>
    %dma_wait3A_1074 = tpu.memref_squeeze %dma_wait3A_1073 : memref<1x40xi32, #tpu.memory_space<vmem>> -> memref<40xi32, #tpu.memory_space<vmem>>
    %dma_wait3A_1075 = arith.constant 0 : i32
    %dma_wait3A_1076 = arith.constant 0 : i32
    %dma_wait3A_1077 = tpu.memref_slice %arg14[%dma_wait3A_1075, %dma_wait3A_1076] : memref<10000x128xf32, #tpu.memory_space<vmem_shared>> -> memref<10000x128xf32, #tpu.memory_space<vmem_shared>>
    tpu.wait_indirect_dma semaphore(%arg21 : memref<!tpu.dma_semaphore, #tpu.memory_space<semaphore_mem>>) src(%dma_wait3A_1071 : memref<40x128xf32, #tpu.memory_space<vmem>>) dst(%dma_wait3A_1077 : memref<10000x128xf32, #tpu.memory_space<vmem_shared>>)
    %dma_wait3A_1078 = arith.constant 1 : i32
    %dma_wait3A_1079 = arith.constant 1 : i32
    %dma_wait3A_1080 = arith.constant 0 : i32
    %dma_wait3A_1081 = arith.constant 0 : i32
    %dma_wait3A_1082 = tpu.memref_slice %arg13[%dma_wait3A_1078, %dma_wait3A_1080, %dma_wait3A_1081] : memref<2x40x16xf32, #tpu.memory_space<vmem>> -> memref<1x40x16xf32, #tpu.memory_space<vmem>>
    %dma_wait3A_1083 = tpu.memref_squeeze %dma_wait3A_1082 : memref<1x40x16xf32, #tpu.memory_space<vmem>> -> memref<40x16xf32, #tpu.memory_space<vmem>>
    %dma_wait3A_1084 = arith.constant 0 : i32
    %dma_wait3A_1085 = tpu.memref_slice %arg9[%dma_wait3A_1079, %dma_wait3A_1084] : memref<4x40xi32, #tpu.memory_space<vmem>> -> memref<1x40xi32, #tpu.memory_space<vmem>>
    %dma_wait3A_1086 = tpu.memref_squeeze %dma_wait3A_1085 : memref<1x40xi32, #tpu.memory_space<vmem>> -> memref<40xi32, #tpu.memory_space<vmem>>
    %dma_wait3A_1087 = arith.constant 0 : i32
    %dma_wait3A_1088 = arith.constant 0 : i32
    %dma_wait3A_1089 = tpu.memref_slice %arg15[%dma_wait3A_1087, %dma_wait3A_1088] : memref<10000x16xf32, #tpu.memory_space<vmem_shared>> -> memref<10000x16xf32, #tpu.memory_space<vmem_shared>>
    tpu.wait_indirect_dma semaphore(%arg22 : memref<!tpu.dma_semaphore, #tpu.memory_space<semaphore_mem>>) src(%dma_wait3A_1083 : memref<40x16xf32, #tpu.memory_space<vmem>>) dst(%dma_wait3A_1089 : memref<10000x16xf32, #tpu.memory_space<vmem_shared>>)
    %barrier3A_1090 = arith.constant 0 : index
    tpu.barrier barrier_id(%barrier3A_1090)
    %mul3A_1091 = arith.constant 625 : i32
    %mul3A_1092 = arith.muli %arg1, %mul3A_1091 : i32
    %mul3A_1093 = arith.constant 625 : i32
    %mul3A_1094 = arith.muli %arg1, %mul3A_1093 : i32
    "tpu.region"() ({
      %run_scoped3A = tpu.sem_alloc : memref<!tpu.dma_semaphore, #tpu.memory_space<semaphore_mem>>
      %dma_start3A_1099 = arith.constant 0 : i32
      %dma_start3A_1100 = tpu.memref_slice %arg6[%arg0, %mul3A_1094, %dma_start3A_1099] : memref<2x10000x128xf32, #tpu.memory_space<hbm>> -> memref<1x625x128xf32, #tpu.memory_space<hbm>>
      %dma_start3A_1101 = tpu.memref_squeeze %dma_start3A_1100 : memref<1x625x128xf32, #tpu.memory_space<hbm>> -> memref<625x128xf32, #tpu.memory_space<hbm>>
      %dma_start3A_1102 = arith.constant 0 : i32
      %dma_start3A_1103 = tpu.memref_slice %arg14[%mul3A_1092, %dma_start3A_1102] : memref<10000x128xf32, #tpu.memory_space<vmem_shared>> -> memref<625x128xf32, #tpu.memory_space<vmem_shared>>
      tpu.enqueue_dma source(%dma_start3A_1103 : memref<625x128xf32, #tpu.memory_space<vmem_shared>>) target(%dma_start3A_1101 : memref<625x128xf32, #tpu.memory_space<hbm>>) target_semaphore(%run_scoped3A : memref<!tpu.dma_semaphore, #tpu.memory_space<semaphore_mem>>)
      %dma_wait3A_1104 = arith.constant 0 : i32
      %dma_wait3A_1105 = tpu.memref_slice %arg6[%arg0, %mul3A_1094, %dma_wait3A_1104] : memref<2x10000x128xf32, #tpu.memory_space<hbm>> -> memref<1x625x128xf32, #tpu.memory_space<hbm>>
      %dma_wait3A_1106 = tpu.memref_squeeze %dma_wait3A_1105 : memref<1x625x128xf32, #tpu.memory_space<hbm>> -> memref<625x128xf32, #tpu.memory_space<hbm>>
      %dma_wait3A_1107 = arith.constant 0 : i32
      %dma_wait3A_1108 = tpu.memref_slice %arg14[%mul3A_1092, %dma_wait3A_1107] : memref<10000x128xf32, #tpu.memory_space<vmem_shared>> -> memref<625x128xf32, #tpu.memory_space<vmem_shared>>
      tpu.wait_dma2 semaphore(%run_scoped3A : memref<!tpu.dma_semaphore, #tpu.memory_space<semaphore_mem>>) src(%dma_wait3A_1108 : memref<625x128xf32, #tpu.memory_space<vmem_shared>>) dst(%dma_wait3A_1106 : memref<625x128xf32, #tpu.memory_space<hbm>>)
      tpu.yield
    }) : () -> ()
    %mul3A_1095 = arith.constant 625 : i32
    %mul3A_1096 = arith.muli %arg1, %mul3A_1095 : i32
    %mul3A_1097 = arith.constant 625 : i32
    %mul3A_1098 = arith.muli %arg1, %mul3A_1097 : i32
    "tpu.region"() ({
      %run_scoped3A = tpu.sem_alloc : memref<!tpu.dma_semaphore, #tpu.memory_space<semaphore_mem>>
      %dma_start3A_1099 = arith.constant 0 : i32
      %dma_start3A_1100 = tpu.memref_slice %arg7[%arg0, %mul3A_1098, %dma_start3A_1099] : memref<2x10000x16xf32, #tpu.memory_space<hbm>> -> memref<1x625x16xf32, #tpu.memory_space<hbm>>
      %dma_start3A_1101 = tpu.memref_squeeze %dma_start3A_1100 : memref<1x625x16xf32, #tpu.memory_space<hbm>> -> memref<625x16xf32, #tpu.memory_space<hbm>>
      %dma_start3A_1102 = arith.constant 0 : i32
      %dma_start3A_1103 = tpu.memref_slice %arg15[%mul3A_1096, %dma_start3A_1102] : memref<10000x16xf32, #tpu.memory_space<vmem_shared>> -> memref<625x16xf32, #tpu.memory_space<vmem_shared>>
      tpu.enqueue_dma source(%dma_start3A_1103 : memref<625x16xf32, #tpu.memory_space<vmem_shared>>) target(%dma_start3A_1101 : memref<625x16xf32, #tpu.memory_space<hbm>>) target_semaphore(%run_scoped3A : memref<!tpu.dma_semaphore, #tpu.memory_space<semaphore_mem>>)
      %dma_wait3A_1104 = arith.constant 0 : i32
      %dma_wait3A_1105 = tpu.memref_slice %arg7[%arg0, %mul3A_1098, %dma_wait3A_1104] : memref<2x10000x16xf32, #tpu.memory_space<hbm>> -> memref<1x625x16xf32, #tpu.memory_space<hbm>>
      %dma_wait3A_1106 = tpu.memref_squeeze %dma_wait3A_1105 : memref<1x625x16xf32, #tpu.memory_space<hbm>> -> memref<625x16xf32, #tpu.memory_space<hbm>>
      %dma_wait3A_1107 = arith.constant 0 : i32
      %dma_wait3A_1108 = tpu.memref_slice %arg15[%mul3A_1096, %dma_wait3A_1107] : memref<10000x16xf32, #tpu.memory_space<vmem_shared>> -> memref<625x16xf32, #tpu.memory_space<vmem_shared>>
      tpu.wait_dma2 semaphore(%run_scoped3A : memref<!tpu.dma_semaphore, #tpu.memory_space<semaphore_mem>>) src(%dma_wait3A_1108 : memref<625x16xf32, #tpu.memory_space<vmem_shared>>) dst(%dma_wait3A_1106 : memref<625x16xf32, #tpu.memory_space<hbm>>)
      tpu.yield
    }) : () -> ()
    return
  }
}

module attributes {stable_mosaic.version = 14 : i64} {
  func.func @_qkv_body(%arg0: i32, %arg1: memref<2000x128xf32, #tpu.memory_space<vmem>>, %arg2: memref<128x128xf32, #tpu.memory_space<vmem>>, %arg3: memref<128x128xf32, #tpu.memory_space<vmem>>, %arg4: memref<128x128xf32, #tpu.memory_space<vmem>>, %arg5: memref<128x128xf32, #tpu.memory_space<vmem>>, %arg6: memref<2000x128xbf16, #tpu.memory_space<vmem>>, %arg7: memref<2000x128xbf16, #tpu.memory_space<vmem>>, %arg8: memref<2000x128xf32, #tpu.memory_space<vmem>>) attributes {dimension_semantics = [#tpu.dimension_semantics<arbitrary>], iteration_bounds = array<i64: 5>, scalar_prefetch = 0 : i64, scratch_operands = 0 : i64, tpu.core_type = #tpu.core_type<tc>, window_params = [{transform_indices = @transform_0, window_bounds = array<i64: 2000, 128>}, {pipeline_mode = #tpu.pipeline_mode<synchronous>, transform_indices = @transform_1, window_bounds = array<i64: 128, 128>}, {pipeline_mode = #tpu.pipeline_mode<synchronous>, transform_indices = @transform_2, window_bounds = array<i64: 128, 128>}, {pipeline_mode = #tpu.pipeline_mode<synchronous>, transform_indices = @transform_3, window_bounds = array<i64: 128, 128>}, {pipeline_mode = #tpu.pipeline_mode<synchronous>, transform_indices = @transform_4, window_bounds = array<i64: 128, 128>}, {transform_indices = @transform_5, window_bounds = array<i64: 2000, 128>}, {transform_indices = @transform_6, window_bounds = array<i64: 2000, 128>}, {transform_indices = @transform_7, window_bounds = array<i64: 2000, 128>}]} {
    %get3A = arith.constant 0 : index
    %get3A_0 = arith.constant 0 : index
    %get3A_1 = vector.load %arg1[%get3A, %get3A_0] : memref<2000x128xf32, #tpu.memory_space<vmem>>, vector<2000x128xf32>
    %get3A_2 = arith.constant 0 : index
    %get3A_3 = arith.constant 0 : index
    %get3A_4 = vector.load %arg5[%get3A_2, %get3A_3] : memref<128x128xf32, #tpu.memory_space<vmem>>, vector<128x128xf32>
    %get3A_5 = arith.constant 0 : index
    %get3A_6 = arith.constant 0 : index
    %get3A_7 = vector.load %arg2[%get3A_5, %get3A_6] : memref<128x128xf32, #tpu.memory_space<vmem>>, vector<128x128xf32>
    %dot_general3A = arith.constant dense<0.000000e+00> : vector<128x128xf32>
    %dot_general3A_8 = tpu.matmul %get3A_7, %get3A_4, %dot_general3A {dimension_numbers = #tpu.dot_dimension_numbers<[1], [0], [0], [1], [0, 0, 1, 1], [], []>, transpose_lhs_hint = false} : vector<128x128xf32>, vector<128x128xf32>, vector<128x128xf32> -> vector<128x128xf32>
    %get3A_9 = arith.constant 0 : index
    %get3A_10 = arith.constant 0 : index
    %get3A_11 = vector.load %arg3[%get3A_9, %get3A_10] : memref<128x128xf32, #tpu.memory_space<vmem>>, vector<128x128xf32>
    %dot_general3A_12 = arith.constant dense<0.000000e+00> : vector<128x128xf32>
    %dot_general3A_13 = tpu.matmul %get3A_11, %get3A_4, %dot_general3A_12 {dimension_numbers = #tpu.dot_dimension_numbers<[1], [0], [0], [1], [0, 0, 1, 1], [], []>, transpose_lhs_hint = false} : vector<128x128xf32>, vector<128x128xf32>, vector<128x128xf32> -> vector<128x128xf32>
    %mul3A = arith.constant 2.500000e-01 : f32
    %mul3A_14 = vector.broadcast %mul3A : f32 to vector<128x128xf32>
    %mul3A_15 = arith.mulf %dot_general3A_13, %mul3A_14 : vector<128x128xf32>
    %dot_general3A_16 = arith.constant dense<0.000000e+00> : vector<2000x128xf32>
    %dot_general3A_17 = tpu.matmul %get3A_1, %dot_general3A_8, %dot_general3A_16 {dimension_numbers = #tpu.dot_dimension_numbers<[1], [0], [0], [1], [0, 0, 1, 1], [], []>, transpose_lhs_hint = false} : vector<2000x128xf32>, vector<128x128xf32>, vector<2000x128xf32> -> vector<2000x128xf32>
    %convert_element_type3A = arith.truncf %dot_general3A_17 : vector<2000x128xf32> to vector<2000x128xbf16>
    %swap3A = arith.constant 0 : index
    %swap3A_18 = arith.constant 0 : index
    %swap3A_19 = vector.load %arg6[%swap3A, %swap3A_18] : memref<2000x128xbf16, #tpu.memory_space<vmem>>, vector<2000x128xbf16>
    tpu.vector_store %arg6[%swap3A, %swap3A_18], %convert_element_type3A {strides = array<i32>} : memref<2000x128xbf16, #tpu.memory_space<vmem>>, vector<2000x128xbf16>,
    %dot_general3A_20 = arith.constant dense<0.000000e+00> : vector<2000x128xf32>
    %dot_general3A_21 = tpu.matmul %get3A_1, %mul3A_15, %dot_general3A_20 {dimension_numbers = #tpu.dot_dimension_numbers<[1], [0], [0], [1], [0, 0, 1, 1], [], []>, transpose_lhs_hint = false} : vector<2000x128xf32>, vector<128x128xf32>, vector<2000x128xf32> -> vector<2000x128xf32>
    %convert_element_type3A_22 = arith.truncf %dot_general3A_21 : vector<2000x128xf32> to vector<2000x128xbf16>
    %swap3A_23 = arith.constant 0 : index
    %swap3A_24 = arith.constant 0 : index
    %swap3A_25 = vector.load %arg7[%swap3A_23, %swap3A_24] : memref<2000x128xbf16, #tpu.memory_space<vmem>>, vector<2000x128xbf16>
    tpu.vector_store %arg7[%swap3A_23, %swap3A_24], %convert_element_type3A_22 {strides = array<i32>} : memref<2000x128xbf16, #tpu.memory_space<vmem>>, vector<2000x128xbf16>,
    %get3A_26 = arith.constant 0 : index
    %get3A_27 = arith.constant 0 : index
    %get3A_28 = vector.load %arg4[%get3A_26, %get3A_27] : memref<128x128xf32, #tpu.memory_space<vmem>>, vector<128x128xf32>
    %dot_general3A_29 = arith.constant dense<0.000000e+00> : vector<2000x128xf32>
    %dot_general3A_30 = tpu.matmul %get3A_1, %get3A_28, %dot_general3A_29 {dimension_numbers = #tpu.dot_dimension_numbers<[1], [0], [0], [1], [0, 0, 1, 1], [], []>, transpose_lhs_hint = false} : vector<2000x128xf32>, vector<128x128xf32>, vector<2000x128xf32> -> vector<2000x128xf32>
    %swap3A_31 = arith.constant 0 : index
    %swap3A_32 = arith.constant 0 : index
    %swap3A_33 = vector.load %arg8[%swap3A_31, %swap3A_32] : memref<2000x128xf32, #tpu.memory_space<vmem>>, vector<2000x128xf32>
    tpu.vector_store %arg8[%swap3A_31, %swap3A_32], %dot_general3A_30 {strides = array<i32>} : memref<2000x128xf32, #tpu.memory_space<vmem>>, vector<2000x128xf32>,
    return
  }
  func.func @transform_0(%arg0: i32) -> (i32, i32) {
    %c0_i32 = arith.constant 0 : i32
    %c0_i32_0 = arith.constant 0 : i32
    return %arg0, %c0_i32 : i32, i32
  }
  func.func @transform_1(%arg0: i32) -> (i32, i32) {
    %c0_i32 = arith.constant 0 : i32
    %c0_i32_0 = arith.constant 0 : i32
    %c0_i32_1 = arith.constant 0 : i32
    return %c0_i32, %c0_i32_0 : i32, i32
  }
  func.func @transform_2(%arg0: i32) -> (i32, i32) {
    %c0_i32 = arith.constant 0 : i32
    %c0_i32_0 = arith.constant 0 : i32
    %c0_i32_1 = arith.constant 0 : i32
    return %c0_i32, %c0_i32_0 : i32, i32
  }
  func.func @transform_3(%arg0: i32) -> (i32, i32) {
    %c0_i32 = arith.constant 0 : i32
    %c0_i32_0 = arith.constant 0 : i32
    %c0_i32_1 = arith.constant 0 : i32
    return %c0_i32, %c0_i32_0 : i32, i32
  }
  func.func @transform_4(%arg0: i32) -> (i32, i32) {
    %c0_i32 = arith.constant 0 : i32
    %c0_i32_0 = arith.constant 0 : i32
    %c0_i32_1 = arith.constant 0 : i32
    return %c0_i32, %c0_i32_0 : i32, i32
  }
  func.func @transform_5(%arg0: i32) -> (i32, i32) {
    %c0_i32 = arith.constant 0 : i32
    %c0_i32_0 = arith.constant 0 : i32
    return %arg0, %c0_i32 : i32, i32
  }
  func.func @transform_6(%arg0: i32) -> (i32, i32) {
    %c0_i32 = arith.constant 0 : i32
    %c0_i32_0 = arith.constant 0 : i32
    return %arg0, %c0_i32 : i32, i32
  }
  func.func @transform_7(%arg0: i32) -> (i32, i32) {
    %c0_i32 = arith.constant 0 : i32
    %c0_i32_0 = arith.constant 0 : i32
    return %arg0, %c0_i32 : i32, i32
  }
}

module attributes {stable_mosaic.version = 14 : i64} {
  func.func @_combine_body(%arg0: i32, %arg1: memref<2x2000x128xf32, #tpu.memory_space<vmem>>, %arg2: memref<2x2000x16xf32, #tpu.memory_space<vmem>>, %arg3: memref<8x128xf32, #tpu.memory_space<vmem>>, %arg4: memref<2000x128xf32, #tpu.memory_space<vmem>>) attributes {dimension_semantics = [#tpu.dimension_semantics<arbitrary>], iteration_bounds = array<i64: 5>, scalar_prefetch = 0 : i64, scratch_operands = 0 : i64, tpu.core_type = #tpu.core_type<tc>, window_params = [{transform_indices = @transform_0, window_bounds = array<i64: 2, 2000, 128>}, {transform_indices = @transform_1, window_bounds = array<i64: 2, 2000, 16>}, {pipeline_mode = #tpu.pipeline_mode<synchronous>, transform_indices = @transform_2, window_bounds = array<i64: 8, 128>}, {transform_indices = @transform_3, window_bounds = array<i64: 2000, 128>}]} {
    %get3A = arith.constant 0 : index
    %get3A_0 = arith.constant 0 : index
    %get3A_1 = arith.constant 0 : index
    %get3A_2 = vector.load %arg1[%get3A, %get3A_0, %get3A_1] : memref<2x2000x128xf32, #tpu.memory_space<vmem>>, vector<1x2000x128xf32>
    %get3A_3 = vector.shape_cast %get3A_2 : vector<1x2000x128xf32> to vector<2000x128xf32>
    %get3A_4 = arith.constant 1 : index
    %get3A_5 = arith.constant 0 : index
    %get3A_6 = arith.constant 0 : index
    %get3A_7 = vector.load %arg1[%get3A_4, %get3A_5, %get3A_6] : memref<2x2000x128xf32, #tpu.memory_space<vmem>>, vector<1x2000x128xf32>
    %get3A_8 = vector.shape_cast %get3A_7 : vector<1x2000x128xf32> to vector<2000x128xf32>
    %add3A = arith.addf %get3A_3, %get3A_8 : vector<2000x128xf32>
    %get3A_9 = arith.constant 0 : index
    %get3A_10 = arith.constant 0 : index
    %get3A_11 = arith.constant 0 : index
    %get3A_12 = vector.load %arg2[%get3A_9, %get3A_10, %get3A_11] : memref<2x2000x16xf32, #tpu.memory_space<vmem>>, vector<1x2000x8xf32>
    %get3A_13 = vector.shape_cast %get3A_12 : vector<1x2000x8xf32> to vector<2000x8xf32>
    %get3A_14 = arith.constant 1 : index
    %get3A_15 = arith.constant 0 : index
    %get3A_16 = arith.constant 0 : index
    %get3A_17 = vector.load %arg2[%get3A_14, %get3A_15, %get3A_16] : memref<2x2000x16xf32, #tpu.memory_space<vmem>>, vector<1x2000x8xf32>
    %get3A_18 = vector.shape_cast %get3A_17 : vector<1x2000x8xf32> to vector<2000x8xf32>
    %add3A_19 = arith.addf %get3A_13, %get3A_18 : vector<2000x8xf32>
    %get3A_20 = arith.constant 0 : index
    %get3A_21 = arith.constant 0 : index
    %get3A_22 = vector.load %arg3[%get3A_20, %get3A_21] : memref<8x128xf32, #tpu.memory_space<vmem>>, vector<8x128xf32>
    %dot_general3A = arith.constant dense<0.000000e+00> : vector<2000x128xf32>
    %dot_general3A_23 = tpu.matmul %add3A_19, %get3A_22, %dot_general3A {dimension_numbers = #tpu.dot_dimension_numbers<[1], [0], [0], [1], [0, 0, 1, 1], [], []>, transpose_lhs_hint = false} : vector<2000x8xf32>, vector<8x128xf32>, vector<2000x128xf32> -> vector<2000x128xf32>
    %add3A_24 = arith.constant 9.99999997E-7 : f32
    %add3A_25 = vector.broadcast %add3A_24 : f32 to vector<2000x128xf32>
    %add3A_26 = arith.addf %dot_general3A_23, %add3A_25 : vector<2000x128xf32>
    %div3A = arith.divf %add3A, %add3A_26 : vector<2000x128xf32>
    %swap3A = arith.constant 0 : index
    %swap3A_27 = arith.constant 0 : index
    %swap3A_28 = vector.load %arg4[%swap3A, %swap3A_27] : memref<2000x128xf32, #tpu.memory_space<vmem>>, vector<2000x128xf32>
    tpu.vector_store %arg4[%swap3A, %swap3A_27], %div3A {strides = array<i32>} : memref<2000x128xf32, #tpu.memory_space<vmem>>, vector<2000x128xf32>,
    return
  }
  func.func @transform_0(%arg0: i32) -> (i32, i32, i32) {
    %c0_i32 = arith.constant 0 : i32
    %c0_i32_0 = arith.constant 0 : i32
    %c0_i32_1 = arith.constant 0 : i32
    return %c0_i32, %arg0, %c0_i32_0 : i32, i32, i32
  }
  func.func @transform_1(%arg0: i32) -> (i32, i32, i32) {
    %c0_i32 = arith.constant 0 : i32
    %c0_i32_0 = arith.constant 0 : i32
    %c0_i32_1 = arith.constant 0 : i32
    return %c0_i32, %arg0, %c0_i32_0 : i32, i32, i32
  }
  func.func @transform_2(%arg0: i32) -> (i32, i32) {
    %c0_i32 = arith.constant 0 : i32
    %c0_i32_0 = arith.constant 0 : i32
    %c0_i32_1 = arith.constant 0 : i32
    return %c0_i32, %c0_i32_0 : i32, i32
  }
  func.func @transform_3(%arg0: i32) -> (i32, i32) {
    %c0_i32 = arith.constant 0 : i32
    %c0_i32_0 = arith.constant 0 : i32
    return %arg0, %c0_i32 : i32, i32
  }
}

</mosaic_0001>

<sc_bundles>
// kernel: kernel.5.cloned.1.call-start
scs
__scs_entry_jumppad:
0x0: {  	(pc) =	sbr.rel $0x88, $3  }
0x1: {  	(tag) =	ssettag $0x0;
	lr =	simm.s32 $0x1  }
0x2: {  	[smem:$0x3F9C] =	sst lr;
	_ =	strace $0xD0000000  }
0x3: {  	_ = 	snop  }
0x4: {  	_ = 	snop  }
0x5: {  	_ = 	snop  }
0x6: {  	_ = 	snop  }
0x7: {  	_ = 	snop  }
__scs_overlays_trampoline_lowered:
0x8: {  	[smem:$0x3FAB] =	sst s0  }
0x9: {  	[smem:$0x3FAC] =	sst s1  }
0xa: {  	[smem:$0x3FAD] =	sst s2  }
0xb: {  	[smem:$0x3FAE] =	sst s3  }
0xc: {  	[smem:$0x3FAF] =	sst s4  }
0xd: {  	[smem:$0x3FB0] =	sst s5  }
0xe: {  	[smem:$0x3FB1] =	sst s6  }
0xf: {  	[smem:$0x3FB2] =	sst s7  }
0x10: {  	[smem:$0x3FB3] =	sst s8  }
0x11: {  	[smem:$0x3FB4] =	sst s9;
	s0 =	simm.s32 @!p0 $0x0  }
0x12: {  	s1 =	sld [smem:$0x3F9A];
	s0 =	simm.s32 @p0 $0x1  }
0x13: {  	[smem:$0x3FB5] =	sst s0;
	s0 =	simm.s32 @!p1 $0x0  }
0x14: {  	s2 =	sld [smem:$0x3F99];
	s0 =	simm.s32 @p1 $0x1  }
0x15: {  	[smem:$0x3FB6] =	sst s0;
	s0 =	simm.s32 @!p2 $0x0  }
0x16: {  	s3 =	sld [smem:$0x3FDB];
	s0 =	simm.s32 @p2 $0x1  }
0x17: {  	s4 =	simm.s32 $0x1BF5;
	[smem:$0x3FB8] =	sst s0  }
0x18: {  	s0 =	sld [smem:$0x3F9B];
	_ =	swait.ge [sflag:s4], $0x0  }
0x19: {  	s7 =	sld [smem:$0x3F9C]  }
0x1a: {  	s8 =	sadd.s32 $0xFFFFE003, lr  }
0x1b: {  	s9 =	sadd.s32 $0xFFFFFEF7, lr;
	s5 =	simm.s32 $0xFFFFFFFF;
	p2 =	slt.u32 s8, $0xFFFFF086  }
0x1c: {  	p1 =	slt.u32 s9, $0xF7A;
	s5 =	simm.s32 @!p2 $0x0  }
0x1d: {  	s5 =	simm.s32 @p1 $0x1;
	p0 =	seq.s32 s7, s2  }
0x1e: {  	s7 =	smul.u32 @!p0 $0xF7A, s2;
	p2 =	seq.s32 @!p0 s5, $0x0  }
0x1f: {  	s9 =	smul.u32 $0xF7A, s1;
	s8 =	simm.s32 @!p0 $0x1BF5;
	p2 =	por !p2, p0  }
0x20: {  	[sflag:s8] =	ssyncset.s32 @!p0 $0xFFFFF086;
	s6 =	sadd.s32 @!p0 s3, s7;
	s7 =	simm.s32 @!p0 $0x108  }
0x21: {  	s3 =	sadd.s32 s3, s9;
	s6 =	sadd.s32 @!p0 $0x88, s6;
	s7 =	simm.s32 @p2 $0x1082  }
0x22: {  	[simem:s7], [sflag:s8] =	dma.local @!p0 [hbm:s6], $0xF7A  }
0x23: {  	s9 =	sor.u32 $0xD0000000, s2;
	s6 =	simm.s32 $0x108;
	_ =	swait.ge @!p0 [sflag:s8], $0x0  }
0x24: {  	s3 =	sadd.s32 $0x88, s3;
	s6 =	simm.s32 @!p1 $0x1082;
	[sflag:s4] =	ssyncset.s32 $0xFFFFF086  }
0x25: {  	[simem:s6], [sflag:s4] =	dma.local [hbm:s3], $0xF7A  }
0x26: {  	[smem:$0x3F9C] =	sst s1;
	(tag) =	ssettag s2;
	_ =	strace s9  }
0x27: {  	s1 =	sld [smem:$0x3FAC]  }
0x28: {  	s2 =	sld [smem:$0x3FAD]  }
0x29: {  	s4 =	sld [smem:$0x3FAF]  }
0x2a: {  	p0 =	seq.s32 s5, $0x0;
	s5 =	sld [smem:$0x3FB0]  }
0x2b: {  	s6 =	sld [smem:$0x3FB1]  }
0x2c: {  	s7 =	sld [smem:$0x3FB2]  }
0x2d: {  	s3 =	simm.s32 $0x108;
	s8 =	sld [smem:$0x3FB3]  }
0x2e: {  	s3 =	simm.s32 @!p0 $0x1082;
	s9 =	sld [smem:$0x3FB4]  }
0x2f: {  	lr =	sadd.s32 s0, s3;
	s0 =	sld [smem:$0x3FAB]  }
0x30: {  	s3 =	sld [smem:$0x3FAE]  }
0x31: {  	[smem:$0x3FB7] =	sst s10  }
0x32: {  	s10 =	sld [smem:$0x3FB5];
	_ =	sdelay $0x3  }
0x33: {  	p0 =	seq.s32 s10, $0x1;
	s10 =	sld [smem:$0x3FB7];
	_ =	sdelay $0x3  }
0x34: {  	[smem:$0x3FB7] =	sst s10  }
0x35: {  	s10 =	sld [smem:$0x3FB6];
	_ =	sdelay $0x3  }
0x36: {  	p1 =	seq.s32 s10, $0x1;
	s10 =	sld [smem:$0x3FB7];
	_ =	sdelay $0x3  }
0x37: {  	[smem:$0x3FB7] =	sst s10  }
0x38: {  	s10 =	sld [smem:$0x3FB8]  }
0x39: {  	_ = 	snop;
	(pc) =	sbr.ind lr, $3  }
0x3a: {  	_ = 	snop  }
0x3b: {  	_ = 	snop  }
0x3c: {  	p2 =	seq.s32 s10, $0x1;
	s10 =	sld [smem:$0x3FB7]  }
0x3d: {  	_ =	shalt  }
0x3e: {  	_ =	shalt  }
0x3f: {  	_ =	shalt  }
0x40: {  	_ =	shalt  }
0x41: {  	_ =	shalt  }
0x42: {  	_ =	shalt  }
0x43: {  	_ =	shalt  }
0x44: {  	_ =	shalt  }
0x45: {  	_ =	shalt  }
0x46: {  	_ =	shalt  }
0x47: {  	_ =	shalt  }
0x48: {  	_ =	shalt  }
0x49: {  	_ =	shalt  }
0x4a: {  	_ =	shalt  }
0x4b: {  	_ =	shalt  }
0x4c: {  	_ =	shalt  }
0x4d: {  	_ =	shalt  }
0x4e: {  	_ =	shalt  }
0x4f: {  	_ =	shalt  }
0x50: {  	_ =	shalt  }
0x51: {  	_ =	shalt  }
0x52: {  	_ =	shalt  }
0x53: {  	_ =	shalt  }
0x54: {  	_ =	shalt  }
0x55: {  	_ =	shalt  }
0x56: {  	_ =	shalt  }
0x57: {  	_ =	shalt  }
0x58: {  	_ =	shalt  }
0x59: {  	_ =	shalt  }
0x5a: {  	_ =	shalt  }
0x5b: {  	_ =	shalt  }
0x5c: {  	_ =	shalt  }
0x5d: {  	_ =	shalt  }
0x5e: {  	_ =	shalt  }
0x5f: {  	_ =	shalt  }
0x60: {  	_ =	shalt  }
0x61: {  	_ =	shalt  }
0x62: {  	_ =	shalt  }
0x63: {  	_ =	shalt  }
0x64: {  	_ =	shalt  }
0x65: {  	_ =	shalt  }
0x66: {  	_ =	shalt  }
0x67: {  	_ =	shalt  }
0x68: {  	_ =	shalt  }
0x69: {  	_ =	shalt  }
0x6a: {  	_ =	shalt  }
0x6b: {  	_ =	shalt  }
0x6c: {  	_ =	shalt  }
0x6d: {  	_ =	shalt  }
0x6e: {  	_ =	shalt  }
0x6f: {  	_ =	shalt  }
0x70: {  	_ =	shalt  }
0x71: {  	_ =	shalt  }
0x72: {  	_ =	shalt  }
0x73: {  	_ =	shalt  }
0x74: {  	_ =	shalt  }
0x75: {  	_ =	shalt  }
0x76: {  	_ =	shalt  }
0x77: {  	_ =	shalt  }
0x78: {  	_ =	shalt  }
0x79: {  	_ =	shalt  }
0x7a: {  	_ =	shalt  }
0x7b: {  	_ =	shalt  }
0x7c: {  	_ =	shalt  }
0x7d: {  	_ =	shalt  }
0x7e: {  	_ =	shalt  }
0x7f: {  	_ =	shalt  }
0x80: {  	_ =	shalt  }
0x81: {  	_ =	shalt  }
0x82: {  	_ =	shalt  }
0x83: {  	_ =	shalt  }
0x84: {  	_ =	shalt  }
0x85: {  	_ =	shalt  }
0x86: {  	_ =	shalt  }
0x87: {  	_ =	shalt  }
.Lfunc_end0:
.L_simem_size_0:
called_computation_lowered:
.L_overlay_start_0:
0x88: {  	s2 =	sld [smem:$0x3FD9]  }
0x89: {  	s3 =	sld [smem:$0x3FFE];
	_ =	sdelay $0x1  }
0x8a: {  	s1 =	srdreg.scid  }
0x8b: {  	s0 =	sand.u32 $0x1, s1  }
0x8c: {  	s17 =	sshll.u32 s0, $0xA;
	s2 =	sadd.s32 s3, s2  }
0x8d: {  	s2 =	sadd.s32 s2, s17  }
0x8e: {  	[smem:$0x3FC3] =	sst s2  }
0x8f: {  	_ = 	snop  }
0x90: {  	s2 =	sld [smem:$0x3FD0];
	(tm) =	ssettm $0x1  }
0x91: {  	s18 =	sld [smem:$0x3FFB];
	_ =	sdelay $0x3  }
0x92: {  	_ =	strace s18  }
0x93: {  	s3 =	sld [smem:$0x3FFC];
	_ =	sdelay $0x3  }
0x94: {  	_ =	strace s3  }
0x95: {  	s3 =	sld [smem:$0x3FFD];
	_ =	sdelay $0x3  }
0x96: {  	_ =	strace s3  }
0x97: {  	_ =	strace $0x8FFFFFFF  }
0x98: {  	s19 =	sld [smem:$0x3FDB];
	_ =	sdelay $0x1  }
0x99: {  	s4 =	simm.s32 $_scs_section_size  }
0x9a: {  	s5 =	simm.s32 $_size__tile_overlayer_lowered;
	s6 =	simm.s32 $_tile_overlayer_lowered  }
0x9b: {  	s22 =	simm.s32 $0x1BFF;
	s21 =	sshll.u32 s6, $0x1;
	s3 =	sadd.s32 s4, s19  }
0x9c: {  	s7 =	simm.s32 $0x0;
	s20 =	sshll.u32 s5, $0x1;
	s5 =	sadd.s32 s21, s3  }
0x9d: {  	[timem:s7], [sflag:s22] =	dma.local [hbm:s5], s20  }
0x9e: {  	_ =	swait.ge [sflag:s22], s20  }
0x9f: {  	s4 =	ssub.s32 $0x0, s20;
	[sflag:s22] =	ssyncset.done $0x0  }
0xa0: {  	[sflag:s22] =	ssyncadd.s32 s4;
	_ =	sdelay $0x1  }
0xa1: {  	s23 =	simm.s32 $0x1B8B  }
0xa2: {  	_ =	swait.ge [sflag:s23], $0x1  }
0xa3: {  	[sflag:s23] =	ssyncset.done $0x0  }
0xa4: {  	s25 =	simm.s32 $0x1B8E;
	s24 =	sld [smem:$0x3FFE];
	[sflag:s23] =	ssyncadd.s32 $0xFFFFFFFF  }
0xa5: {  	s26 =	simm.s32 $execute0_lowered;
	[smem:$0x3FD2] =	sst s25  }
0xa6: {  	s5 =	sshll.u32 s26, $0x1;
	_ =	strace $0x80000046;
	[dreg:$0x1] =	wrdreg $0xFFFFFFFF  }
0xa7: {  	s28 =	simm.s32 $_size_execute0_lowered;
	s3 =	sadd.s32 s3, s5;
	[dreg:$0x0] =	wrdreg $0x0  }
0xa8: {  	s5 =	sshll.u32 s28, $0x1;
	[dreg:$0x2] =	wrdreg s3  }
0xa9: {  	[dreg:$0x3] =	wrdreg s5  }
0xaa: {  	[dreg:$0x4] =	wrdreg $0xC0  }
0xab: {  	_ =	task [dreg:s7], $0x5FFFF  }
0xac: {  	[dreg:$0x1] =	wrdreg $0xFFFFFFFF  }
0xad: {  	[dreg:$0x0] =	wrdreg $0x60  }
0xae: {  	[dreg:$0x2] =	wrdreg s24  }
0xaf: {  	[dreg:$0x3] =	wrdreg s2  }
0xb0: {  	[dreg:$0x4] =	wrdreg $0x56400  }
0xb1: {  	[dreg:$0x5] =	wrdreg $0x18EC00  }
0xb2: {  	[dreg:$0x6] =	wrdreg $0x9  }
0xb3: {  	_ =	task.clear_ibuf [dreg:s7], $0x7FFFF;
	_ =	strace $0x90000046  }
0xb4: {  	s29 =	simm.s32 $0x9;
	_ =	strace $0x80000048  }
0xb5: {  	_ =	swait.ge [sflag:s29], $0x1  }
0xb6: {  	[sflag:s29] =	ssyncadd.s32 $0xFFFFFFFF  }
0xb7: {  	_ =	strace $0x90000048  }
0xb8: {  	_ =	sfence  }
0xb9: {  	s30 =	sld [smem:$0x0];
	_ =	sdelay $0x2  }
0xba: {  	s31 =	sshll.u32 s1, $0xD;
	s1 =	sshrl.u32 s1, $0x2  }
0xbb: {  	s3 =	sand.u32 $0x4000, s31;
	s1 =	sadd.s32 s1, s30  }
0xbc: {  	s0 =	sor.u32 s3, s0;
	s1 =	sshll.u32 s1, $0x11  }
0xbd: {  	s0 =	sor.u32 s1, s0  }
0xbe: {  	s0 =	sadd.s32 $0x8F2B, s0  }
0xbf: {  	[sflag:s0] =	ssyncadd.remote.s32 $0x1  }
0xc0: {  	_ =	sfence.sel $0xFFFF  }
0xc1: {  	[dreg:$0x0] =	wrdreg $0xFFFFFFFF;
	(pc) =	sbr.abs _section_cstart, $3  }
0xc2: {  	[dreg:$0x1] =	wrdreg $0xFFFFFFFF  }
0xc3: {  	_ =	task.clear_ibuf [dreg:s7], $0x2FFFF;
	_ =	strace $0x9FFFFFFF  }
0xc4: {  	(tm) =	ssettm $0x7FFFFFFF  }
0xc5: {  	_ =	shalt  }
tec
execute0_lowered:
.L_overlay_start_1:
0x0: {  	(tag) =	ssettag $0x1  }
0x1: {  	s1 =	rddreg [dreg:$0x0]  }
0x2: {  	s28 =	rddreg [dreg:$0x1]  }
0x3: {  	s10 =	rddreg [dreg:$0x2]  }
0x4: {  	s0 =	srdreg.scid;
	s7 =	stileid.u32  }
0x5: {  	s11 =	rddreg [dreg:$0x3];
	s12 =	simm.s32 $0x0;
	s6 =	smul.u32 $0x13880, s7  }
0x6: {  	s5 =	sand.u32 $0x1, s0;
	[smem:$0x7FF] =	sst s12;
	s8 =	smul.u32 $0x2710, s7  }
0x7: {  	s31 =	sadd.s32 $0x15400, s1;
	s3 =	sadd.s32 $0x28E00, s1;
	s13 =	sadd.s32 $0x1A00, s1  }
0x8: {  	s4 =	smul.u32 $0x271, s7;
	_ =	strace $0x80000047;
	[dreg:$0x7] =	wrdreg s3  }
0x9: {  	s9 =	sshll.u32 s7, $0x1;
	s0 =	smul.u32 $0x138800, s5;
	[dreg:$0x8] =	wrdreg s13  }
0xa: {  	s2 =	smul.u32 $0x27100, s5;
	s24 =	ssub.s32 $0x2, s5;
	[dreg:$0x6] =	wrdreg s31  }
0xb: {  	s25 =	sshrl.u32 s24, $0x1;
	s26 =	sadd.s32 $0x28, s4;
	s7 =	sadd.s32 s6, s10  }
0xc: {  	s14 =	sadd.s32 s8, s11;
	s30 =	sadd.s32 $0x50, s4;
	s15 =	sadd.s32 $0x78, s4  }
0xd: {  	s17 =	sadd.s32 $0xA0, s4;
	s20 =	sadd.s32 $0xC8, s4;
	s23 =	sadd.s32 $0xF0, s4  }
0xe: {  	s0 =	sadd.s32 s6, s0;
	s2 =	sadd.s32 s8, s2;
	s3 =	ssub.s32 s24, s25  }
0xf: {  	s29 =	sshll.u32 s26, $0x7;
	s8 =	sshll.u32 s30, $0x7;
	s16 =	sshll.u32 s15, $0x7  }
0x10: {  	s18 =	sshll.u32 s17, $0x7;
	s19 =	sshll.u32 s17, $0x4;
	s21 =	sshll.u32 s20, $0x7  }
0x11: {  	s24 =	sshll.u32 s23, $0x7;
	s25 =	sadd.s32 $0x118, s4;
	[dreg:$0x9] =	wrdreg s7  }
0x12: {  	s17 =	sadd.s32 $0x190, s4;
	[dreg:$0xa] =	wrdreg s14;
	s0 =	sshrl.u32 s0, $0x3  }
0x13: {  	s2 =	sshrl.u32 s2, $0x3;
	s6 =	sadd.s32 s29, s10;
	s0 =	sadd.s32 s0, s1  }
0x14: {  	s2 =	sadd.s32 s2, s1;
	s1 =	sor.u32 s5, s9;
	s5 =	sshll.u32 s26, $0x4  }
0x15: {  	[dreg:$0xb] =	wrdreg s6;
	s6 =	sshll.u32 s30, $0x4;
	s5 =	sadd.s32 s5, s11  }
0x16: {  	s29 =	sshll.u32 s25, $0x4;
	s9 =	sadd.s32 s6, s11;
	[dreg:$0xc] =	wrdreg s5  }
0x17: {  	s26 =	sshll.u32 s25, $0x7;
	s6 =	sadd.s32 s16, s10;
	[dreg:$0xe] =	wrdreg s9  }
0x18: {  	s30 =	sadd.s32 $0x140, s4;
	s0 =	sadd.s32 $0x46600, s0;
	[dreg:$0xf] =	wrdreg s6  }
0x19: {  	s5 =	sadd.s32 s8, s10;
	s6 =	sshll.u32 s20, $0x4;
	[smem:$0x7F9] =	sst s0  }
0x1a: {  	s8 =	sshll.u32 s30, $0x7;
	s20 =	sadd.s32 $0x1B8, s4;
	[dreg:$0xd] =	wrdreg s5  }
0x1b: {  	s5 =	sshll.u32 s15, $0x4;
	s22 =	sadd.s32 s6, s11;
	s6 =	sadd.s32 s24, s10  }
0x1c: {  	s15 =	sadd.s32 $0x168, s4;
	s5 =	sadd.s32 s5, s11;
	[dreg:$0x14] =	wrdreg s22  }
0x1d: {  	[dreg:$0x15] =	wrdreg s6;
	s6 =	sshll.u32 s30, $0x4;
	s16 =	sshll.u32 s15, $0x7  }
0x1e: {  	s22 =	sadd.s32 $0x1E0, s4;
	[dreg:$0x10] =	wrdreg s5;
	s5 =	sadd.s32 s18, s10  }
0x1f: {  	s30 =	sadd.s32 $0x230, s4;
	s9 =	sadd.s32 s6, s11;
	[dreg:$0x11] =	wrdreg s5  }
0x20: {  	s6 =	sadd.s32 s16, s10;
	s18 =	sshll.u32 s17, $0x7;
	[dreg:$0x1a] =	wrdreg s9  }
0x21: {  	s24 =	sshll.u32 s22, $0x7;
	s5 =	sadd.s32 s19, s11;
	[dreg:$0x1b] =	wrdreg s6  }
0x22: {  	s19 =	sshll.u32 s17, $0x4;
	[dreg:$0x12] =	wrdreg s5;
	s5 =	sadd.s32 s21, s10  }
0x23: {  	s25 =	sadd.s32 s24, s10;
	[dreg:$0x13] =	wrdreg s5;
	s5 =	sshll.u32 s23, $0x4  }
0x24: {  	s21 =	sshll.u32 s20, $0x7;
	[smem:$0x7EE] =	sst s25;
	s5 =	sadd.s32 s5, s11  }
0x25: {  	s23 =	sshll.u32 s20, $0x4;
	[dreg:$0x16] =	wrdreg s5;
	s5 =	sadd.s32 s26, s10  }
0x26: {  	[dreg:$0x17] =	wrdreg s5;
	s5 =	sadd.s32 s29, s11;
	s29 =	sadd.s32 $0x208, s4  }
0x27: {  	[dreg:$0x18] =	wrdreg s5;
	s5 =	sadd.s32 s8, s10;
	s9 =	sshll.u32 s29, $0x7  }
0x28: {  	[dreg:$0x19] =	wrdreg s5;
	s5 =	sshll.u32 s15, $0x4;
	s8 =	sadd.s32 s9, s10  }
0x29: {  	s15 =	sshll.u32 s30, $0x7;
	s5 =	sadd.s32 s5, s11;
	[smem:$0x7F0] =	sst s8  }
0x2a: {  	s4 =	sadd.s32 $0x258, s4;
	s16 =	sadd.s32 s15, s10;
	[dreg:$0x1c] =	wrdreg s5  }
0x2b: {  	s20 =	sshll.u32 s4, $0x7;
	s5 =	sadd.s32 s18, s10;
	[smem:$0x7F2] =	sst s16  }
0x2c: {  	s18 =	smul.u32 $0x2710, s1;
	s1 =	sadd.s32 s20, s10;
	[dreg:$0x1d] =	wrdreg s5  }
0x2d: {  	s17 =	sshll.u32 s30, $0x4;
	s5 =	sadd.s32 s19, s11;
	[smem:$0x7F4] =	sst s1  }
0x2e: {  	s19 =	sadd.s32 s17, s11;
	[dreg:$0x1e] =	wrdreg s5  }
0x2f: {  	[smem:$0x7F3] =	sst s19  }
0x30: {  	s4 =	sshll.u32 s4, $0x4;
	s5 =	sadd.s32 s21, s10;
	[smem:$0x7F6] =	sst s18  }
0x31: {  	s26 =	sshll.u32 s22, $0x4;
	s21 =	sadd.s32 s4, s11;
	[dreg:$0x1f] =	wrdreg s5  }
0x32: {  	s22 =	sadd.s32 $0x28, s18;
	s5 =	sadd.s32 s23, s11;
	[smem:$0x7F5] =	sst s21  }
0x33: {  	s1 =	sshrl.u32 s22, $0x3;
	[smem:$0x7ED] =	sst s5;
	s5 =	sadd.s32 s26, s11  }
0x34: {  	s24 =	sadd.s32 $0x4E228, s18;
	s1 =	sadd.s32 s13, s1;
	[smem:$0x7EF] =	sst s5  }
0x35: {  	s23 =	sshrl.u32 s18, $0x3;
	s26 =	sadd.s32 $0x3C800, s2;
	[smem:$0x7F7] =	sst s1  }
0x36: {  	s25 =	sshrl.u32 s24, $0x3;
	s4 =	sadd.s32 s13, s23;
	[smem:$0x7FA] =	sst s26  }
0x37: {  	s1 =	sadd.s32 s13, s25;
	[smem:$0x7FC] =	sst s4  }
0x38: {  	v0 =	vimm.f32 $0.0e+00;
	s5 =	sshll.u32 s29, $0x4;
	s29 =	smax.u32 s3, $0x1;
	[smem:$0x7F8] =	sst s1  }
0x39: {  	v1 =	vimm.s32 $0x0;
	v2 =	vimm.s32 $0x1;
	v3 =	vimm.s32 $0x2;
	s6 =	simm.s32 $0x28;
	s30 =	sadd.s32 $0x9C40, s4;
	[smem:$0x7FB] =	sst s29  }
0x3a: {  	v4 =	vimm.s32 $0x4;
	v5 =	vimm.s32 $0x5;
	v7 =	vimm.s32 $0x6;
	s8 =	simm.s32 $0x3D40;
	s5 =	sadd.s32 s5, s11;
	[smem:$0x7FD] =	sst s30  }
0x3b: {  	v6 =	vimm.s32 $0x7;
	v9 =	vimm.s32 $0x4;
	v8 =	vimm.s32 $0x5;
	s4 =	simm.s32 $0x6;
	[smem:$0x7F1] =	sst s5;
	s5 =	simm.s32 $0x7  }
.LBB2_1:
0x3c: {  	s0 =	simm.s32 $0x2980  }
0x3d: {  	[tilespmem:s0+$0xFFFFFFD0] =	vst v0  }
0x3e: {  	[tilespmem:s0+$0xFFFFFFE0] =	vst v0  }
0x3f: {  	[tilespmem:s0+$0xFFFFFFF0] =	vst v0  }
0x40: {  	[tilespmem:s0+$0x0] =	vst v0  }
0x41: {  	[tilespmem:s0+$0x10] =	vst v0  }
0x42: {  	[tilespmem:s0+$0x20] =	vst v0  }
0x43: {  	[tilespmem:s0+$0x30] =	vst v0  }
0x44: {  	[dreg:$0x5] =	wrdreg s12;
	s3 =	simm.s32 $0x0;
	s1 =	simm.s32 $0x40;
	[tilespmem:s0+$0xFFFFFFC0] =	vst v0  }
.LBB2_2:
0x45: {  	p0 =	sne.s32 s1, $0x9C0;
	[tilespmem:s3+$0x5140] =	vst v0;
	s0 =	sadd.s32 $0x80, s0  }
0x46: {  	[tilespmem:s0+$0xFFFFFFD0] =	vst v0  }
0x47: {  	[tilespmem:s0+$0xFFFFFFE0] =	vst v0  }
0x48: {  	[tilespmem:s0+$0xFFFFFFF0] =	vst v0  }
.Ltmp0:
0x49: {  	[tilespmem:s0+$0x0] =	vst v0;
	(pc) =	sbr.rel @p0 .LBB2_2-.Ltmp0, $4  }
0x4a: {  	[tilespmem:s0+$0x10] =	vst v0  }
0x4b: {  	[tilespmem:s0+$0x20] =	vst v0  }
0x4c: {  	[tilespmem:s0+$0x30] =	vst v0  }
0x4d: {  	s3 =	sshra.s32 s1, $0x2;
	s1 =	sadd.s32 $0x40, s1;
	[tilespmem:s0+$0xFFFFFFC0] =	vst v0  }
0x4e: {  	[tilespmem:s3+$0x5140] =	vst v0;
	s1 =	simm.s32 $0x2940  }
0x4f: {  	[spmem:s7] =	stream.linear.scatter [tilespmem:s1], [sflag:$0x6], $0x1400, $0x38;
	[tilespmem:$0x1B5D0] =	vst v63  }
0x50: {  	s2 =	simm.s32 $0x5140;
	s0 =	rddreg [dreg:$0xb]  }
0x51: {  	[spmem:s14] =	stream.linear.scatter [tilespmem:s2], [sflag:$0x7], $0x280, $0x38;
	[tilespmem:$0x1B5D0] =	vst v63  }
0x52: {  	s11 =	rddreg [dreg:$0xc]  }
0x53: {  	[spmem:s0] =	stream.linear.scatter [tilespmem:s1], [sflag:$0x6], $0x1400, $0x38;
	[tilespmem:$0x1B5D0] =	vst v63  }
0x54: {  	s12 =	rddreg [dreg:$0xd]  }
0x55: {  	[spmem:s11] =	stream.linear.scatter [tilespmem:s2], [sflag:$0x7], $0x280, $0x38;
	[tilespmem:$0x1B5D0] =	vst v63  }
0x56: {  	s13 =	rddreg [dreg:$0xe]  }
0x57: {  	[spmem:s12] =	stream.linear.scatter [tilespmem:s1], [sflag:$0x6], $0x1400, $0x38;
	[tilespmem:$0x1B5D0] =	vst v63  }
0x58: {  	s15 =	rddreg [dreg:$0x10]  }
0x59: {  	[spmem:s13] =	stream.linear.scatter [tilespmem:s2], [sflag:$0x7], $0x280, $0x38;
	[tilespmem:$0x1B5D0] =	vst v63  }
0x5a: {  	s14 =	rddreg [dreg:$0xf]  }
0x5b: {  	[spmem:s14] =	stream.linear.scatter [tilespmem:s1], [sflag:$0x6], $0x1400, $0x38;
	[tilespmem:$0x1B5D0] =	vst v63  }
0x5c: {  	s16 =	rddreg [dreg:$0x11]  }
0x5d: {  	[spmem:s15] =	stream.linear.scatter [tilespmem:s2], [sflag:$0x7], $0x280, $0x38;
	[tilespmem:$0x1B5D0] =	vst v63  }
0x5e: {  	s17 =	rddreg [dreg:$0x12]  }
0x5f: {  	[spmem:s16] =	stream.linear.scatter [tilespmem:s1], [sflag:$0x6], $0x1400, $0x38;
	[tilespmem:$0x1B5D0] =	vst v63  }
0x60: {  	s18 =	rddreg [dreg:$0x13]  }
0x61: {  	[spmem:s17] =	stream.linear.scatter [tilespmem:s2], [sflag:$0x7], $0x280, $0x38;
	[tilespmem:$0x1B5D0] =	vst v63  }
0x62: {  	s19 =	rddreg [dreg:$0x14]  }
0x63: {  	[spmem:s18] =	stream.linear.scatter [tilespmem:s1], [sflag:$0x6], $0x1400, $0x38;
	[tilespmem:$0x1B5D0] =	vst v63  }
0x64: {  	s20 =	rddreg [dreg:$0x15]  }
0x65: {  	[spmem:s19] =	stream.linear.scatter [tilespmem:s2], [sflag:$0x7], $0x280, $0x38;
	[tilespmem:$0x1B5D0] =	vst v63  }
0x66: {  	s21 =	rddreg [dreg:$0x16]  }
0x67: {  	[spmem:s20] =	stream.linear.scatter [tilespmem:s1], [sflag:$0x6], $0x1400, $0x38;
	[tilespmem:$0x1B5D0] =	vst v63  }
0x68: {  	s22 =	rddreg [dreg:$0x17]  }
0x69: {  	[spmem:s21] =	stream.linear.scatter [tilespmem:s2], [sflag:$0x7], $0x280, $0x38;
	[tilespmem:$0x1B5D0] =	vst v63  }
0x6a: {  	s23 =	rddreg [dreg:$0x18]  }
0x6b: {  	[spmem:s22] =	stream.linear.scatter [tilespmem:s1], [sflag:$0x6], $0x1400, $0x38;
	[tilespmem:$0x1B5D0] =	vst v63  }
0x6c: {  	s24 =	rddreg [dreg:$0x19]  }
0x6d: {  	[spmem:s23] =	stream.linear.scatter [tilespmem:s2], [sflag:$0x7], $0x280, $0x38;
	[tilespmem:$0x1B5D0] =	vst v63  }
0x6e: {  	s25 =	rddreg [dreg:$0x1a]  }
0x6f: {  	[spmem:s24] =	stream.linear.scatter [tilespmem:s1], [sflag:$0x6], $0x1400, $0x38;
	[tilespmem:$0x1B5D0] =	vst v63  }
0x70: {  	s26 =	rddreg [dreg:$0x1b]  }
0x71: {  	[spmem:s25] =	stream.linear.scatter [tilespmem:s2], [sflag:$0x7], $0x280, $0x38;
	[tilespmem:$0x1B5D0] =	vst v63  }
0x72: {  	s29 =	rddreg [dreg:$0x1c]  }
0x73: {  	[spmem:s26] =	stream.linear.scatter [tilespmem:s1], [sflag:$0x6], $0x1400, $0x38;
	[tilespmem:$0x1B5D0] =	vst v63  }
0x74: {  	s30 =	rddreg [dreg:$0x1d]  }
0x75: {  	[spmem:s29] =	stream.linear.scatter [tilespmem:s2], [sflag:$0x7], $0x280, $0x38;
	[tilespmem:$0x1B5D0] =	vst v63  }
0x76: {  	s3 =	rddreg [dreg:$0x1e]  }
0x77: {  	[spmem:s30] =	stream.linear.scatter [tilespmem:s1], [sflag:$0x6], $0x1400, $0x38;
	[tilespmem:$0x1B5D0] =	vst v63  }
0x78: {  	s9 =	sld [smem:$0x7ED]  }
0x79: {  	[spmem:s3] =	stream.linear.scatter [tilespmem:s2], [sflag:$0x7], $0x280, $0x38;
	[tilespmem:$0x1B5D0] =	vst v63  }
0x7a: {  	s7 =	rddreg [dreg:$0x1f]  }
0x7b: {  	[spmem:s7] =	stream.linear.scatter [tilespmem:s1], [sflag:$0x6], $0x1400, $0x38;
	[tilespmem:$0x1B5D0] =	vst v63  }
0x7c: {  	s10 =	sld [smem:$0x7EE]  }
0x7d: {  	[spmem:s9] =	stream.linear.scatter [tilespmem:s2], [sflag:$0x7], $0x280, $0x38;
	[tilespmem:$0x1B5D0] =	vst v63  }
0x7e: {  	s11 =	sld [smem:$0x7EF]  }
0x7f: {  	[spmem:s10] =	stream.linear.scatter [tilespmem:s1], [sflag:$0x6], $0x1400, $0x38;
	[tilespmem:$0x1B5D0] =	vst v63  }
0x80: {  	s12 =	sld [smem:$0x7F0]  }
0x81: {  	[spmem:s11] =	stream.linear.scatter [tilespmem:s2], [sflag:$0x7], $0x280, $0x38;
	[tilespmem:$0x1B5D0] =	vst v63  }
0x82: {  	s13 =	sld [smem:$0x7F1]  }
0x83: {  	[spmem:s12] =	stream.linear.scatter [tilespmem:s1], [sflag:$0x6], $0x1400, $0x38;
	[tilespmem:$0x1B5D0] =	vst v63  }
0x84: {  	s14 =	sld [smem:$0x7F2]  }
0x85: {  	[spmem:s13] =	stream.linear.scatter [tilespmem:s2], [sflag:$0x7], $0x280, $0x38;
	[tilespmem:$0x1B5D0] =	vst v63  }
0x86: {  	s15 =	sld [smem:$0x7F3]  }
0x87: {  	[spmem:s14] =	stream.linear.scatter [tilespmem:s1], [sflag:$0x6], $0x1400, $0x38;
	[tilespmem:$0x1B5D0] =	vst v63  }
0x88: {  	s16 =	sld [smem:$0x7F4]  }
0x89: {  	[spmem:s15] =	stream.linear.scatter [tilespmem:s2], [sflag:$0x7], $0x280, $0x38;
	[tilespmem:$0x1B5D0] =	vst v63  }
0x8a: {  	s17 =	sld [smem:$0x7F5]  }
0x8b: {  	[spmem:s16] =	stream.linear.scatter [tilespmem:s1], [sflag:$0x6], $0xC80, $0x38;
	[tilespmem:$0x1B5D0] =	vst v63  }
0x8c: {  	_ = 	snop  }
0x8d: {  	[spmem:s17] =	stream.linear.scatter [tilespmem:s2], [sflag:$0x7], $0x190, $0x38;
	[tilespmem:$0x1B5D0] =	vst v63  }
0x8e: {  	_ =	swait.ge [sflag:s4], $0x1400  }
0x8f: {  	[sflag:s4] =	ssyncset.done $0x0  }
0x90: {  	[sflag:s4] =	ssyncadd.s32 $0xFFFFEC00  }
0x91: {  	_ =	swait.ge [sflag:s5], $0x280  }
0x92: {  	[sflag:s5] =	ssyncset.done $0x0  }
0x93: {  	[sflag:s5] =	ssyncadd.s32 $0xFFFFFD80  }
0x94: {  	_ =	swait.ge [sflag:s4], $0x1400  }
0x95: {  	[sflag:s4] =	ssyncset.done $0x0  }
0x96: {  	[sflag:s4] =	ssyncadd.s32 $0xFFFFEC00  }
0x97: {  	_ =	swait.ge [sflag:s5], $0x280  }
0x98: {  	[sflag:s5] =	ssyncset.done $0x0  }
0x99: {  	[sflag:s5] =	ssyncadd.s32 $0xFFFFFD80  }
0x9a: {  	_ =	swait.ge [sflag:s4], $0x1400  }
0x9b: {  	[sflag:s4] =	ssyncset.done $0x0  }
0x9c: {  	[sflag:s4] =	ssyncadd.s32 $0xFFFFEC00  }
0x9d: {  	_ =	swait.ge [sflag:s5], $0x280  }
0x9e: {  	[sflag:s5] =	ssyncset.done $0x0  }
0x9f: {  	[sflag:s5] =	ssyncadd.s32 $0xFFFFFD80  }
0xa0: {  	_ =	swait.ge [sflag:s4], $0x1400  }
0xa1: {  	[sflag:s4] =	ssyncset.done $0x0  }
0xa2: {  	[sflag:s4] =	ssyncadd.s32 $0xFFFFEC00  }
0xa3: {  	_ =	swait.ge [sflag:s5], $0x280  }
0xa4: {  	[sflag:s5] =	ssyncset.done $0x0  }
0xa5: {  	[sflag:s5] =	ssyncadd.s32 $0xFFFFFD80  }
0xa6: {  	_ =	swait.ge [sflag:s4], $0x1400  }
0xa7: {  	[sflag:s4] =	ssyncset.done $0x0  }
0xa8: {  	[sflag:s4] =	ssyncadd.s32 $0xFFFFEC00  }
0xa9: {  	_ =	swait.ge [sflag:s5], $0x280  }
0xaa: {  	[sflag:s5] =	ssyncset.done $0x0  }
0xab: {  	[sflag:s5] =	ssyncadd.s32 $0xFFFFFD80  }
0xac: {  	_ =	swait.ge [sflag:s4], $0x1400  }
0xad: {  	[sflag:s4] =	ssyncset.done $0x0  }
0xae: {  	[sflag:s4] =	ssyncadd.s32 $0xFFFFEC00  }
0xaf: {  	_ =	swait.ge [sflag:s5], $0x280  }
0xb0: {  	[sflag:s5] =	ssyncset.done $0x0  }
0xb1: {  	[sflag:s5] =	ssyncadd.s32 $0xFFFFFD80  }
0xb2: {  	_ =	swait.ge [sflag:s4], $0x1400  }
0xb3: {  	[sflag:s4] =	ssyncset.done $0x0  }
0xb4: {  	[sflag:s4] =	ssyncadd.s32 $0xFFFFEC00  }
0xb5: {  	_ =	swait.ge [sflag:s5], $0x280  }
0xb6: {  	[sflag:s5] =	ssyncset.done $0x0  }
0xb7: {  	[sflag:s5] =	ssyncadd.s32 $0xFFFFFD80  }
0xb8: {  	_ =	swait.ge [sflag:s4], $0x1400  }
0xb9: {  	[sflag:s4] =	ssyncset.done $0x0  }
0xba: {  	[sflag:s4] =	ssyncadd.s32 $0xFFFFEC00  }
0xbb: {  	_ =	swait.ge [sflag:s5], $0x280  }
0xbc: {  	[sflag:s5] =	ssyncset.done $0x0  }
0xbd: {  	[sflag:s5] =	ssyncadd.s32 $0xFFFFFD80  }
0xbe: {  	_ =	swait.ge [sflag:s4], $0x1400  }
0xbf: {  	[sflag:s4] =	ssyncset.done $0x0  }
0xc0: {  	[sflag:s4] =	ssyncadd.s32 $0xFFFFEC00  }
0xc1: {  	_ =	swait.ge [sflag:s5], $0x280  }
0xc2: {  	[sflag:s5] =	ssyncset.done $0x0  }
0xc3: {  	[sflag:s5] =	ssyncadd.s32 $0xFFFFFD80  }
0xc4: {  	_ =	swait.ge [sflag:s4], $0x1400  }
0xc5: {  	[sflag:s4] =	ssyncset.done $0x0  }
0xc6: {  	[sflag:s4] =	ssyncadd.s32 $0xFFFFEC00  }
0xc7: {  	_ =	swait.ge [sflag:s5], $0x280  }
0xc8: {  	[sflag:s5] =	ssyncset.done $0x0  }
0xc9: {  	[sflag:s5] =	ssyncadd.s32 $0xFFFFFD80  }
0xca: {  	_ =	swait.ge [sflag:s4], $0x1400  }
0xcb: {  	[sflag:s4] =	ssyncset.done $0x0  }
0xcc: {  	[sflag:s4] =	ssyncadd.s32 $0xFFFFEC00  }
0xcd: {  	_ =	swait.ge [sflag:s5], $0x280  }
0xce: {  	[sflag:s5] =	ssyncset.done $0x0  }
0xcf: {  	[sflag:s5] =	ssyncadd.s32 $0xFFFFFD80  }
0xd0: {  	_ =	swait.ge [sflag:s4], $0x1400  }
0xd1: {  	[sflag:s4] =	ssyncset.done $0x0  }
0xd2: {  	[sflag:s4] =	ssyncadd.s32 $0xFFFFEC00  }
0xd3: {  	_ =	swait.ge [sflag:s5], $0x280  }
0xd4: {  	[sflag:s5] =	ssyncset.done $0x0  }
0xd5: {  	[sflag:s5] =	ssyncadd.s32 $0xFFFFFD80  }
0xd6: {  	_ =	swait.ge [sflag:s4], $0x1400  }
0xd7: {  	[sflag:s4] =	ssyncset.done $0x0  }
0xd8: {  	[sflag:s4] =	ssyncadd.s32 $0xFFFFEC00  }
0xd9: {  	_ =	swait.ge [sflag:s5], $0x280  }
0xda: {  	[sflag:s5] =	ssyncset.done $0x0  }
0xdb: {  	[sflag:s5] =	ssyncadd.s32 $0xFFFFFD80  }
0xdc: {  	_ =	swait.ge [sflag:s4], $0x1400  }
0xdd: {  	[sflag:s4] =	ssyncset.done $0x0  }
0xde: {  	[sflag:s4] =	ssyncadd.s32 $0xFFFFEC00  }
0xdf: {  	_ =	swait.ge [sflag:s5], $0x280  }
0xe0: {  	[sflag:s5] =	ssyncset.done $0x0  }
0xe1: {  	[sflag:s5] =	ssyncadd.s32 $0xFFFFFD80  }
0xe2: {  	_ =	swait.ge [sflag:s4], $0x1400  }
0xe3: {  	[sflag:s4] =	ssyncset.done $0x0  }
0xe4: {  	[sflag:s4] =	ssyncadd.s32 $0xFFFFEC00  }
0xe5: {  	_ =	swait.ge [sflag:s5], $0x280  }
0xe6: {  	[sflag:s5] =	ssyncset.done $0x0  }
0xe7: {  	[sflag:s5] =	ssyncadd.s32 $0xFFFFFD80  }
0xe8: {  	_ =	swait.ge [sflag:s4], $0xC80  }
0xe9: {  	[sflag:s4] =	ssyncset.done $0x0  }
0xea: {  	[sflag:s4] =	ssyncadd.s32 $0xFFFFF380  }
0xeb: {  	_ =	swait.ge [sflag:s5], $0x190  }
0xec: {  	[sflag:s5] =	ssyncset.done $0x0  }
0xed: {  	[sflag:s5] =	ssyncadd.s32 $0xFFFFFE70  }
0xee: {  	[bflag:$0x0] =	sbarrier.arrive $0xFFFF  }
0xef: {  	s18 =	sld [smem:$0x7FC];
	_ =	sdelay $0x1  }
0xf0: {  	s22 =	simm.s32 $0x0;
	s19 =	sld [smem:$0x7FD]  }
0xf1: {  	[tilespmem:s22], [sflag:$0x4] =	stream.linear.gather [hbm4b:s18+s22], $0x28, $0x38;
	[tilespmem:$0x1B5D0] =	vst v63  }
0xf2: {  	s20 =	simm.s32 $0xA0;
	s21 =	sld [smem:$0x7F7]  }
0xf3: {  	[tilespmem:s20], [sflag:$0x4] =	stream.linear.gather [hbm4b:s19+s22], $0x28, $0x38;
	[tilespmem:$0x1B5D0] =	vst v63  }
0xf4: {  	s23 =	sld [smem:$0x7F8]  }
0xf5: {  	[tilespmem:s6], [sflag:$0x5] =	stream.linear.gather [hbm4b:s21+s22], $0x28, $0x38;
	[tilespmem:$0x1B5D0] =	vst v63  }
0xf6: {  	s24 =	simm.s32 $0xC8;
	s25 =	simm.s32 $0x4  }
0xf7: {  	[tilespmem:s24], [sflag:$0x5] =	stream.linear.gather [hbm4b:s23+s22], $0x28, $0x38;
	[tilespmem:$0x1B5D0] =	vst v63  }
0xf8: {  	_ =	swait.ge [sflag:s25], $0x28  }
0xf9: {  	[sflag:s25] =	ssyncset.done $0x0  }
0xfa: {  	[sflag:s25] =	ssyncadd.s32 $0xFFFFFFD8  }
0xfb: {  	_ =	swait.ge [sflag:s25], $0x28  }
0xfc: {  	[sflag:s25] =	ssyncset.done $0x0  }
0xfd: {  	s26 =	simm.s32 $0x140;
	[sflag:s25] =	ssyncadd.s32 $0xFFFFFFD8  }
0xfe: {  	[tilespmem:s26], [sflag:$0x1] =	stream.indirect.gather [hbm4b:s31+s6], $0x40, s22, s6, $0xb8;
	[tilespmem:$0x1B5D0] =	vst v63  }
0xff: {  	s30 =	simm.s32 $0x1540;
	s29 =	rddreg [dreg:$0x7]  }
0x100: {  	[tilespmem:s30], [sflag:$0x2] =	stream.indirect.gather [hbm4b:s29+s6], $0x40, s20, s6, $0xb8;
	[tilespmem:$0x1B5D0] =	vst v63  }
0x101: {  	_ = 	snop  }
0x102: {  	[tilespmem:s1], [sflag:$0x3] =	stream.indirect.gather [hbm4b:s28+s6], $0x80, s22, s6, $0xb8;
	[tilespmem:$0x1B5D0] =	vst v63  }
.LBB2_4:
0x103: {  	s26 =	sshll.u32 s22, $0x1  }
0x104: {  	p0 =	seq.s32 s22, $0x7C;
	s2 =	sld [smem:$0x7F6];
	s0 =	sadd.s32 $0x2, s26  }
0x105: {  	s1 =	smul.u32 @!p0 $0x28, s0;
	_ =	sdelay $0x1  }
0x106: {  	s0 =	sand.u32 @!p0 $0x2, s0;
	s1 =	sadd.s32 @!p0 s2, s1  }
0x107: {  	s24 =	smul.u32 @!p0 $0x28, s0;
	s0 =	sshrl.u32 @!p0 s1, $0x3;
	s1 =	rddreg [dreg:$0x8]  }
0x108: {  	s0 =	sadd.s32 @!p0 s1, s0;
	s1 =	simm.s32 @!p0 $0x0  }
0x109: {  	[tilespmem:s24], [sflag:$0x4] =	stream.linear.gather @!p0 [hbm4b:s0+s1], $0x28, $0x38;
	[tilespmem:$0x1B5D0] =	vst v63  }
0x10a: {  	s17 =	simm.s32 $0x5;
	s25 =	sadd.s32 @!p0 $0xA0, s24;
	s0 =	sadd.s32 @!p0 $0x9C40, s0  }
0x10b: {  	[tilespmem:s25], [sflag:$0x4] =	stream.linear.gather @!p0 [hbm4b:s0+s1], $0x28, $0x38;
	[tilespmem:$0x1B5D0] =	vst v63  }
0x10c: {  	_ =	swait.ge [sflag:s17], $0x28  }
0x10d: {  	[sflag:s17] =	ssyncset.done $0x0  }
0x10e: {  	[sflag:s17] =	ssyncadd.s32 $0xFFFFFFD8  }
0x10f: {  	_ =	swait.ge [sflag:s17], $0x28  }
0x110: {  	p1 =	seq.s32 s22, $0x0;
	[sflag:s17] =	ssyncset.done $0x0  }
0x111: {  	s0 =	simm.s32 @!p1 $0x6;
	[sflag:s17] =	ssyncadd.s32 $0xFFFFFFD8  }
0x112: {  	_ =	swait.ge @!p1 [sflag:s0], $0x1400  }
0x113: {  	[sflag:s0] =	ssyncset.done @!p1 $0x0  }
0x114: {  	s20 =	sand.u32 $0x2, s26;
	[sflag:s0] =	ssyncadd.s32 @!p1 $0xFFFFEC00;
	s0 =	simm.s32 @!p1 $0x7  }
0x115: {  	s18 =	sor.u32 $0x1, s20;
	_ =	swait.ge @!p1 [sflag:s0], $0x280  }
0x116: {  	s1 =	smul.u32 $0x28, s18;
	[sflag:s0] =	ssyncset.done @!p1 $0x0  }
0x117: {  	s19 =	simm.s32 $0xB40;
	[sflag:s0] =	ssyncadd.s32 @!p1 $0xFFFFFD80  }
0x118: {  	[tilespmem:s19], [sflag:$0x1] =	stream.indirect.gather [hbm4b:s31+s6], $0x40, s1, s6, $0xb8;
	[tilespmem:$0x1B5D0] =	vst v63  }
0x119: {  	s3 =	simm.s32 $0x1F40;
	s21 =	sadd.s32 $0xA0, s1;
	s23 =	rddreg [dreg:$0x7]  }
0x11a: {  	[tilespmem:s3], [sflag:$0x2] =	stream.indirect.gather [hbm4b:s23+s6], $0x40, s21, s6, $0xb8;
	[tilespmem:$0x1B5D0] =	vst v63  }
0x11b: {  	s29 =	simm.s32 $0x1;
	[smem:$0x7EC] =	sst s18  }
0x11c: {  	[tilespmem:s8], [sflag:$0x3] =	stream.indirect.gather [hbm4b:s28+s6], $0x80, s1, s6, $0xb8;
	[tilespmem:$0x1B5D0] =	vst v63  }
0x11d: {  	_ =	swait.ge [sflag:s29], $0xA00  }
0x11e: {  	[sflag:s29] =	ssyncset.done $0x0  }
0x11f: {  	s30 =	simm.s32 $0x2;
	[sflag:s29] =	ssyncadd.s32 $0xFFFFF600  }
0x120: {  	_ =	swait.ge [sflag:s30], $0xA00  }
0x121: {  	[sflag:s30] =	ssyncset.done $0x0  }
0x122: {  	s31 =	simm.s32 $0x3;
	[sflag:s30] =	ssyncadd.s32 $0xFFFFF600  }
0x123: {  	_ =	swait.ge [sflag:s31], $0x1400  }
0x124: {  	[sflag:s31] =	ssyncset.done $0x0  }
0x125: {  	s5 =	simm.s32 $0x1C0;
	[sflag:s31] =	ssyncadd.s32 $0xFFFFEC00  }
0x126: {  	s1 =	simm.s32 $0x15C0;
	v10 =	vld [tilespmem:s5+$0x70]  }
0x127: {  	v11 =	vld [tilespmem:s1+$0x70]  }
0x128: {  	v12 =	vld [tilespmem:s5+$0x60]  }
0x129: {  	v13 =	vld [tilespmem:s1+$0x60]  }
0x12a: {  	v14 =	vld [tilespmem:s5+$0x50]  }
0x12b: {  	v15 =	vld [tilespmem:s1+$0x50]  }
0x12c: {  	v16 =	vld [tilespmem:s5+$0x40]  }
0x12d: {  	v19 =	vld [tilespmem:s1+$0x40];
	v17 =	vunpack.i.u.bf16.f32 v10;
	v18 =	vunpack.i.u.bf16.f32 v11  }
0x12e: {  	v10 =	vunpack.i.l.bf16.f32 v10;
	v11 =	vunpack.i.l.bf16.f32 v11;
	v17 =	vmul.f32 v18, v17  }
0x12f: {  	v10 =	vmul.f32 v11, v10;
	v11 =	vunpack.i.u.bf16.f32 v12;
	v18 =	vunpack.i.u.bf16.f32 v13  }
0x130: {  	v12 =	vunpack.i.l.bf16.f32 v12;
	v13 =	vunpack.i.l.bf16.f32 v13;
	v11 =	vmul.f32 v18, v11;
	(xrf2) =	vadd.scan.msk.f32 $0xffff, v17  }
0x131: {  	(xrf2) =	vadd.scan.msk.f32 $0xffff, v10;
	v10 =	vmul.f32 v13, v12;
	v12 =	vunpack.i.u.bf16.f32 v14;
	v13 =	vunpack.i.u.bf16.f32 v15  }
0x132: {  	(xrf2) =	vadd.scan.msk.f32 $0xffff, v11;
	v11 =	vmul.f32 v13, v12;
	v12 =	vunpack.i.u.bf16.f32 v16;
	v13 =	vunpack.i.u.bf16.f32 v19  }
0x133: {  	(xrf2) =	vadd.scan.msk.f32 $0xffff, v10;
	v10 =	vmul.f32 v13, v12  }
0x134: {  	v12 =	vunpack.i.l.bf16.f32 v16;
	v13 =	vunpack.i.l.bf16.f32 v19;
	v16 =	vld [tilespmem:s1+$0xFFFFFF80];
	(xrf2) =	vadd.scan.msk.f32 $0xffff, v11  }
0x135: {  	v11 =	vmul.f32 v13, v12;
	(xrf2) =	vadd.scan.msk.f32 $0xffff, v10;
	v10 =	vld [tilespmem:s1+$0xFFFFFFC0]  }
0x136: {  	v12 =	vld [tilespmem:s5+$0xFFFFFFC0];
	v13 =	vunpack.i.l.bf16.f32 v14;
	v14 =	vunpack.i.l.bf16.f32 v15  }
0x137: {  	v13 =	vmul.f32 v14, v13;
	v14 =	vld [tilespmem:s5+$0xFFFFFF80];
	(xrf2) =	vadd.scan.msk.f32 $0xffff, v11;
	_ =	sdelay $0x1  }
0x138: {  	v11 =	vld [tilespmem:s5+$0x0]  }
0x139: {  	v0 =	vlaneseq.u32;
	v19 =	vunpack.i.l.bf16.f32 v10  }
0x13a: {  	vm0 =	veq.s32 v0, $0x0;
	(xrf2) =	vadd.scan.msk.f32 $0xffff, v13;
	v13 =	vld [tilespmem:s1+$0x0];
	v17 =	vunpack.i.u.bf16.f32 v16;
	v16 =	vunpack.i.l.bf16.f32 v16;
	v15, _, _ =	vpop (xrf2)  }
0x13b: {  	v18 =	vunpack.i.l.bf16.f32 v12;
	v12 =	vunpack.i.u.bf16.f32 v12;
	v24 =	vunpack.i.l.bf16.f32 v14;
	v20, _, _ =	vpop (xrf2)  }
0x13c: {  	v21 =	vld [tilespmem:s5+$0xFFFFFF90];
	v10 =	vunpack.i.u.bf16.f32 v10;
	v18 =	vmul.f32 v19, v18;
	v16 =	vmul.f32 v16, v24;
	v19, _, _ =	vpop (xrf2)  }
0x13d: {  	v23 =	vld [tilespmem:s1+$0xFFFFFF90];
	v14 =	vunpack.i.u.bf16.f32 v14;
	v22 =	vunpack.i.l.bf16.f32 v11;
	(v2sf) =	vpush v15, $0xF;
	v25, _, _ =	vpop (xrf2)  }
0x13e: {  	v26 =	vld [tilespmem:s1+$0xFFFFFFD0];
	v11 =	vunpack.i.u.bf16.f32 v11;
	v10 =	vmul.f32 v10, v12;
	(v2sf) =	vpush v20, $0xF;
	v24, _, _ =	vpop (xrf2)  }
0x13f: {  	v15 =	vld [tilespmem:s5+$0xFFFFFFD0];
	v14 =	vmul.f32 v17, v14;
	v20 =	vunpack.i.l.bf16.f32 v13;
	(v2sf) =	vpush v19, $0xF;
	v27, _, _ =	vpop (xrf2)  }
0x140: {  	v17 =	vld [tilespmem:s5+$0xFFFFFFA0];
	v13 =	vunpack.i.u.bf16.f32 v13;
	v12 =	vmul.f32 v20, v22;
	(xrf2) =	vadd.scan.msk.f32 $0xffff, v16;
	(v2sf) =	vpush v25, $0xF;
	v16, _, _ =	vpop (xrf2)  }
0x141: {  	vm1 =	veq.s32 v0, $0x1;
	v11 =	vmul.f32 v13, v11;
	v19 =	vld [tilespmem:s5+$0x10];
	(xrf2) =	vadd.scan.msk.f32 $0xffff, v18;
	(v2sf) =	vpush v16, $0xF  }
0x142: {  	v20 =	vld [tilespmem:s1+$0x10];
	v18 =	vunpack.i.l.bf16.f32 v23;
	v16 =	vunpack.i.l.bf16.f32 v21;
	(xrf2) =	vadd.scan.msk.f32 $0xffff, v12;
	(v2sf) =	vpush v24, $0xF  }
0x143: {  	v13 =	vunpack.i.u.bf16.f32 v23;
	v23 =	vld [tilespmem:s5+$0xFFFFFFE0];
	v12 =	vunpack.i.u.bf16.f32 v21;
	(xrf2) =	vadd.scan.msk.f32 $0xffff, v14;
	v14 =	vmul.f32 v18, v16  }
0x144: {  	v21 =	vld [tilespmem:s1+$0xFFFFFFA0];
	v22, _, _ =	vpop (xrf2);
	v16 =	vunpack.i.l.bf16.f32 v15;
	v12 =	vmul.f32 v13, v12;
	(v2sf) =	vpush v27, $0xF  }
0x145: {  	v13 =	vld [tilespmem:s1+$0xFFFFFFE0];
	v15 =	vunpack.i.u.bf16.f32 v15;
	(xrf2) =	vadd.scan.msk.f32 $0xffff, v10;
	(v2sf) =	vpush v22, $0xF;
	v22 =	vunpack.i.l.bf16.f32 v26  }
0x146: {  	v18 =	vunpack.i.u.bf16.f32 v26;
	(xrf2) =	vadd.scan.msk.f32 $0xffff, v11;
	v11 =	vunpack.i.u.bf16.f32 v19;
	v10 =	vmul.f32 v22, v16  }
0x147: {  	v24 =	vld [tilespmem:s5+$0x20];
	v16 =	vunpack.i.l.bf16.f32 v19;
	v22 =	vunpack.i.l.bf16.f32 v20;
	v19 =	vunpack.i.u.bf16.f32 v20  }
0x148: {  	v20 =	vld [tilespmem:s1+$0x20];
	(xrf2) =	vadd.scan.msk.f32 $0xffff, v14;
	v16 =	vmul.f32 v22, v16;
	v11 =	vmul.f32 v19, v11;
	v19 =	vunpack.i.l.bf16.f32 v23  }
0x149: {  	v15 =	vmul.f32 v18, v15;
	v14 =	vunpack.i.l.bf16.f32 v17;
	v17 =	vunpack.i.u.bf16.f32 v17;
	(xrf2) =	vadd.scan.msk.f32 $0xffff, v10  }
0x14a: {  	v18 =	vunpack.i.l.bf16.f32 v21;
	v21 =	vunpack.i.u.bf16.f32 v21;
	v22 =	vunpack.i.l.bf16.f32 v13;
	v25, _, _ =	vpop (xrf2);
	(xrf2) =	vadd.scan.msk.f32 $0xffff, v16  }
0x14b: {  	v10 =	vld [tilespmem:s5+$0xFFFFFFB0];
	v14 =	vmul.f32 v18, v14;
	v18 =	vmul.f32 v22, v19;
	(v2sf) =	vpush v25, $0xF;
	v19, _, _ =	vpop (xrf2);
	(xrf2) =	vadd.scan.msk.f32 $0xffff, v12  }
0x14c: {  	v13 =	vunpack.i.u.bf16.f32 v13;
	v16 =	vld [tilespmem:s1+$0xFFFFFFB0];
	v22 =	vunpack.i.l.bf16.f32 v24;
	s12 =	spop (v2sf);
	(v2sf) =	vpush v19, $0xF;
	v19, _, _ =	vpop (xrf2);
	(xrf2) =	vadd.scan.msk.f32 $0xffff, v15  }
0x14d: {  	v25 =	vunpack.i.l.bf16.f32 v20;
	s2 =	spop (v2sf);
	v15 =	vld [tilespmem:s1+$0xFFFFFFF0];
	(v2sf) =	vpush v19, $0xF;
	(xrf2) =	vadd.scan.msk.f32 $0xffff, v11;
	v19 =	vunpack.i.u.bf16.f32 v23  }
0x14e: {  	v17 =	vmul.f32 v21, v17;
	v21 =	vunpack.i.u.bf16.f32 v24;
	v22 =	vmul.f32 v25, v22;
	v11 =	vld [tilespmem:s5+$0x30];
	s4 =	spop (v2sf);
	v23, _, _ =	vpop (xrf2);
	(xrf2) =	vadd.scan.msk.f32 $0xffff, v14  }
0x14f: {  	v14 =	vld [tilespmem:s1+$0x30];
	s7 =	spop (v2sf);
	(v2sf) =	vpush v23, $0xF;
	v13 =	vmul.f32 v13, v19;
	(xrf2) =	vadd.scan.msk.f32 $0xffff, v18;
	v18 =	vunpack.i.u.bf16.f32 v20  }
0x150: {  	v12 =	vld [tilespmem:s5+$0xFFFFFFF0];
	v20 =	vunpack.i.l.bf16.f32 v10;
	v10 =	vunpack.i.u.bf16.f32 v10;
	v19, _, _ =	vpop (xrf2);
	(xrf2) =	vadd.scan.msk.f32 $0xffff, v22;
	v18 =	vmul.f32 v18, v21;
	s9 =	spop (v2sf)  }
0x151: {  	v21 =	vunpack.i.l.bf16.f32 v16;
	v16 =	vunpack.i.u.bf16.f32 v16;
	s10 =	spop (v2sf);
	(v2sf) =	vpush v19, $0xF;
	v19, _, _ =	vpop (xrf2);
	(xrf2) =	vadd.scan.msk.f32 $0xffff, v17  }
0x152: {  	v22 =	vunpack.i.l.bf16.f32 v15;
	v20 =	vmul.f32 v21, v20;
	(v2sf) =	vpush v19, $0xF;
	v19, _, _ =	vpop (xrf2)  }
0x153: {  	v15 =	vunpack.i.u.bf16.f32 v15;
	v10 =	vmul.f32 v16, v10;
	s0 =	smax.f32 s9, $-5.000000000e+00;
	s13 =	spop (v2sf);
	(v2sf) =	vpush v19, $0xF;
	v19, _, _ =	vpop (xrf2)  }
0x154: {  	v23 =	vunpack.i.l.bf16.f32 v11;
	s9 =	simm.s32 $0x16C0;
	s11 =	smin.f32 s0, $5.000000000e+00;
	v21 =	vunpack.i.l.bf16.f32 v14;
	s0 =	smax.f32 s13, $-5.000000000e+00;
	(v2sf) =	vpush v19, $0xF;
	v19, _, _ =	vpop (xrf2)  }
0x155: {  	v17 =	vunpack.i.l.bf16.f32 v12;
	s14 =	spop (v2sf);
	v21 =	vmul.f32 v21, v23;
	v23 =	vld [tilespmem:s9+$0x70];
	s13 =	smin.f32 s0, $5.000000000e+00;
	s0 =	simm.s32 $0x2C0;
	(v2sf) =	vpush v19, $0xF;
	v19, _, _ =	vpop (xrf2)  }
0x156: {  	s15 =	smax.f32 s12, $-5.000000000e+00;
	v17 =	vmul.f32 v22, v17;
	v24 =	vmov s11;
	v22 =	vld [tilespmem:s0+$0x70];
	(v2sf) =	vpush v19, $0xF;
	v19, _, _ =	vpop (xrf2)  }
0x157: {  	s16 =	smin.f32 s15, $5.000000000e+00;
	s4 =	smax.f32 s4, $-5.000000000e+00;
	v12 =	vunpack.i.u.bf16.f32 v12;
	v16 =	vnsel vm0, $0x0, v24;
	(v2sf) =	vpush v19, $0xF;
	v19, _, _ =	vpop (xrf2);
	(xrf2) =	vadd.scan.msk.f32 $0xffff, v13;
	v13 =	vld [tilespmem:s0+$0x60]  }
0x158: {  	s1 =	smax.f32 s2, $-5.000000000e+00;
	s3 =	smax.f32 s7, $-5.000000000e+00;
	v12 =	vmul.f32 v15, v12;
	v15 =	vsel vm1, s13, v16;
	(v2sf) =	vpush v19, $0xF;
	v19, _, _ =	vpop (xrf2);
	(xrf2) =	vadd.scan.msk.f32 $0xffff, v18;
	v18 =	vld [tilespmem:s9+$0x60]  }
0x159: {  	vm2 =	veq.s32 v0, $0x2;
	vm7 =	veq.s32 v0, $0x3;
	s30 =	smin.f32 s1, $5.000000000e+00;
	s8 =	smax.f32 s14, $-5.000000000e+00;
	(v2sf) =	vpush v19, $0xF;
	v19, _, _ =	vpop (xrf2);
	(xrf2) =	vadd.scan.msk.f32 $0xffff, v20;
	v20 =	vld [tilespmem:s0+$0x50]  }
0x15a: {  	v11 =	vunpack.i.u.bf16.f32 v11;
	v14 =	vunpack.i.u.bf16.f32 v14;
	s8 =	smin.f32 s8, $5.000000000e+00;
	s17 =	spop (v2sf);
	(v2sf) =	vpush v19, $0xF;
	v16, _, _ =	vpop (xrf2);
	(xrf2) =	vadd.scan.msk.f32 $0xffff, v17;
	v17 =	vld [tilespmem:s9+$0x50]  }
0x15b: {  	s3 =	smin.f32 s3, $5.000000000e+00;
	v11 =	vmul.f32 v14, v11;
	v14 =	vsel vm2, s8, v15;
	s18 =	spop (v2sf);
	v19 =	vld [tilespmem:s9+$0x40];
	(v2sf) =	vpush v16, $0xF;
	v15, _, _ =	vpop (xrf2);
	(xrf2) =	vadd.scan.msk.f32 $0xffff, v21  }
0x15c: {  	s5 =	smax.f32 s10, $-5.000000000e+00;
	s10 =	smin.f32 s4, $5.000000000e+00;
	v16 =	vld [tilespmem:s0+$0x40];
	(v2sf) =	vpush v15, $0xF;
	(xrf2) =	vadd.scan.msk.f32 $0xffff, v10;
	v10 =	vunpack.i.u.bf16.f32 v22;
	v15 =	vunpack.i.u.bf16.f32 v23  }
0x15d: {  	s5 =	smin.f32 s5, $5.000000000e+00;
	s1 =	smax.f32 s17, $-5.000000000e+00;
	(xrf2) =	vadd.scan.msk.f32 $0xffff, v12;
	v10 =	vmul.f32 v15, v10;
	v12 =	vunpack.i.l.bf16.f32 v22;
	v15 =	vunpack.i.l.bf16.f32 v23  }
0x15e: {  	s13 =	smin.f32 s1, $5.000000000e+00;
	s19 =	spop (v2sf);
	(xrf2) =	vadd.scan.msk.f32 $0xffff, v11;
	v11 =	vmul.f32 v15, v12;
	v12 =	vunpack.i.u.bf16.f32 v13;
	v15 =	vunpack.i.u.bf16.f32 v18  }
0x15f: {  	s4 =	smax.f32 s18, $-5.000000000e+00;
	s21 =	smax.f32 s19, $-5.000000000e+00;
	(xrf2) =	vadd.scan.msk.f32 $0xffff, v10;
	v10 =	vmul.f32 v15, v12;
	v12 =	vunpack.i.l.bf16.f32 v13;
	v13 =	vunpack.i.l.bf16.f32 v18  }
0x160: {  	s12 =	smin.f32 s4, $5.000000000e+00;
	s23 =	spop (v2sf);
	(xrf2) =	vadd.scan.msk.f32 $0xffff, v11;
	v11 =	vmul.f32 v13, v12;
	v12 =	vunpack.i.u.bf16.f32 v20;
	v13 =	vunpack.i.u.bf16.f32 v17  }
0x161: {  	s19 =	smin.f32 s21, $5.000000000e+00;
	s29 =	spop (v2sf);
	v15, _, _ =	vpop (xrf2);
	(xrf2) =	vadd.scan.msk.f32 $0xffff, v10;
	v10 =	vmul.f32 v13, v12;
	v12 =	vunpack.i.u.bf16.f32 v16;
	v13 =	vunpack.i.u.bf16.f32 v19  }
0x162: {  	vm3 =	veq.s32 v0, $0x4;
	s28 =	smax.f32 s23, $-5.000000000e+00;
	s2 =	spop (v2sf);
	v18, _, _ =	vpop (xrf2);
	(xrf2) =	vadd.scan.msk.f32 $0xffff, v11;
	v11 =	vmul.f32 v13, v12;
	v13 =	vunpack.i.l.bf16.f32 v19  }
0x163: {  	v14 =	vsel vm7, s5, v14;
	s21 =	smin.f32 s28, $5.000000000e+00;
	v12 =	vunpack.i.l.bf16.f32 v16;
	s5 =	spop (v2sf);
	(v2sf) =	vpush v15, $0xF  }
0x164: {  	vm4 =	veq.s32 v0, $0x5;
	s1 =	smax.f32 s29, $-5.000000000e+00;
	s4 =	smax.f32 s2, $-5.000000000e+00;
	v15, _, _ =	vpop (xrf2);
	(xrf2) =	vadd.scan.msk.f32 $0xffff, v10;
	v10 =	vmul.f32 v13, v12;
	v12 =	vsel vm3, s3, v14  }
0x165: {  	vm5 =	veq.s32 v0, $0x6;
	s28 =	smin.f32 s1, $5.000000000e+00;
	s29 =	smin.f32 s4, $5.000000000e+00;
	v13, _, _ =	vpop (xrf2);
	(xrf2) =	vadd.scan.msk.f32 $0xffff, v11;
	v11 =	vsel vm4, s10, v12  }
0x166: {  	vm6 =	veq.s32 v0, $0x7;
	s1 =	smax.f32 s5, $-5.000000000e+00;
	s6 =	spop (v2sf);
	(v2sf) =	vpush v18, $0xF;
	v11 =	vsel vm5, s30, v11  }
0x167: {  	v16 =	vunpack.i.l.bf16.f32 v17;
	v14 =	vunpack.i.l.bf16.f32 v20;
	s3 =	smin.f32 s1, $5.000000000e+00;
	s8 =	spop (v2sf);
	v12, _, _ =	vpop (xrf2);
	(xrf2) =	vadd.scan.msk.f32 $0xffff, v10;
	v11 =	vsel vm6, s16, v11  }
0x168: {  	v38 =	vld [tilespmem:s9+$0xFFFFFFE0];
	s7 =	smax.f32 s6, $-5.000000000e+00;
	(v2sf) =	vpush v15, $0xF;
	v14 =	vmul.f32 v16, v14;
	s1 =	smax.f32 s8, $-5.000000000e+00;
	v10, _, _ =	vpop (xrf2);
	v11 =	vmul.f32 $1.442695020e+00, v11  }
0x169: {  	v45 =	vld [tilespmem:s9+$0xFFFFFFB0];
	s10 =	spop (v2sf);
	s30 =	smin.f32 s7, $5.000000000e+00;
	(v2sf) =	vpush v13, $0xF;
	v15, _, _ =	vpop (xrf2)  }
0x16a: {  	v50 =	vld [tilespmem:s9+$0xFFFFFFF0];
	s31 =	smin.f32 s1, $5.000000000e+00;
	s11 =	smax.f32 s10, $-5.000000000e+00;
	(v2sf) =	vpush v12, $0xF;
	v12, _, _ =	vpop (xrf2);
	(xrf2) =	vadd.scan.msk.f32 $0xffff, v14;
	(erf) = vpow2.f32 v11  }
0x16b: {  	v34 =	vld [tilespmem:s0+$0x10];
	s14 =	spop (v2sf);
	s4 =	smin.f32 s11, $5.000000000e+00;
	(v2sf) =	vpush v10, $0xF;
	v10, _, _ =	vpop (xrf2)  }
0x16c: {  	v37 =	vld [tilespmem:s0+$0xFFFFFFE0];
	s1 =	smax.f32 s14, $-5.000000000e+00;
	s15 =	spop (v2sf);
	(v2sf) =	vpush v15, $0xF;
	v11, _, _ =	vpop (xrf2)  }
0x16d: {  	v49 =	vld [tilespmem:s0+$0xFFFFFFF0];
	s5 =	smax.f32 s15, $-5.000000000e+00;
	s16 =	spop (v2sf);
	(v2sf) =	vpush v12, $0xF;
	v12, _, _ =	vpop (xrf2)  }
0x16e: {  	v0 =	vimm.s32 $0x3;
	v42 =	vld [tilespmem:s0+$0x30];
	v44 =	vunpack.i.l.bf16.f32 v38;
	s14 =	smin.f32 s5, $5.000000000e+00;
	s17 =	spop (v2sf);
	(v2sf) =	vpush v10, $0xF;
	v13, _, _ =	vpop (xrf2)  }
0x16f: {  	v51 =	vunpack.i.u.bf16.f32 v38;
	v53 =	vunpack.i.l.bf16.f32 v50;
	s5 =	smax.f32 s16, $-5.000000000e+00;
	s23 =	spop (v2sf);
	(v2sf) =	vpush v11, $0xF;
	v10, _, _ =	vpop (xrf2)  }
0x170: {  	v55 =	vunpack.i.u.bf16.f32 v45;
	v58 =	vunpack.i.u.bf16.f32 v50;
	s8 =	smin.f32 s5, $5.000000000e+00;
	s5 =	smax.f32 s23, $-5.000000000e+00;
	(v2sf) =	vpush v12, $0xF;
	v11, _, _ =	vpop (xrf2)  }
0x171: {  	v47 =	vunpack.i.u.bf16.f32 v34;
	v34 =	vunpack.i.l.bf16.f32 v34;
	s2 =	spop (v2sf);
	s7 =	smin.f32 s5, $5.000000000e+00;
	(v2sf) =	vpush v13, $0xF;
	v12, _, _ =	vpop (xrf2)  }
0x172: {  	v43 =	vunpack.i.l.bf16.f32 v37;
	v52 =	vunpack.i.l.bf16.f32 v49;
	s10 =	smax.f32 s2, $-5.000000000e+00;
	s11 =	spop (v2sf);
	(v2sf) =	vpush v12, $0xF  }
0x173: {  	v54 =	vunpack.i.l.bf16.f32 v42;
	v59 =	vunpack.i.u.bf16.f32 v42;
	s5 =	simm.s32 $0x5160;
	s16 =	smin.f32 s10, $5.000000000e+00;
	s10 =	smax.f32 s11, $-5.000000000e+00;
	(v2sf) =	vpush v10, $0xF;
	v12 =	vpop (erf)  }
0x174: {  	s1 =	smin.f32 s1, $5.000000000e+00;
	v14 =	vmov s12;
	v15 =	vmov s19;
	v10, _, _ =	vpop (xrf2);
	s15 =	smin.f32 s10, $5.000000000e+00;
	s10 =	simm.s32 $0x2A40;
	(v2sf) =	vpush v11, $0xF;
	[tilespmem:s5+$0x10] =	vst v12  }
0x175: {  	s18 =	smax.f32 s17, $-5.000000000e+00;
	v14 =	vnsel vm0, $0x0, v14;
	v15 =	vnsel vm0, $0x0, v15;
	s11 =	spop (v2sf);
	(v2sf) =	vpush v10, $0xF;
	v10 =	vld [tilespmem:s10+$0xF0]  }
0x176: {  	v43 =	vmul.f32 v44, v43;
	s6 =	smin.f32 s18, $5.000000000e+00;
	v14 =	vsel vm1, s28, v14;
	v15 =	vsel vm1, s29, v15;
	s11 =	smax.f32 s11, $-5.000000000e+00  }
0x177: {  	v26 =	vld [tilespmem:s9+$0xFFFFFF80];
	v14 =	vsel vm2, s30, v14;
	v15 =	vsel vm2, s31, v15;
	s17 =	spop (v2sf);
	s11 =	smin.f32 s11, $5.000000000e+00;
	v13 =	vperm.xlane v12, v6  }
0x178: {  	v29 =	vld [tilespmem:s0+$0xFFFFFFC0];
	s17 =	smax.f32 s17, $-5.000000000e+00;
	v11 =	vmov s13;
	v19 =	vperm.xlane v12, v2;
	v20 =	vperm.xlane v12, v3;
	s18 =	spop (v2sf)  }
0x179: {  	v3 =	vimm.s32 $0x0;
	v2 =	vimm.s32 $0x1;
	s17 =	smin.f32 s17, $5.000000000e+00;
	v11 =	vnsel vm0, $0x0, v11;
	v18 =	vld [tilespmem:s10+$0xC0];
	s13 =	spop (v2sf)  }
0x17a: {  	v28 =	vperm.xlane v12, v0;
	s18 =	smax.f32 s18, $-5.000000000e+00;
	v11 =	vsel vm1, s21, v11;
	s23 =	spop (v2sf);
	v10 =	vmul.f32 v10, v13;
	v13 =	vld [tilespmem:s10+$0x90]  }
0x17b: {  	v30 =	vperm.xlane v12, v4;
	v31 =	vperm.xlane v12, v5;
	v22 =	vld [tilespmem:s10+$0xD0];
	s18 =	smin.f32 s18, $5.000000000e+00;
	v11 =	vsel vm2, s3, v11;
	s2 =	spop (v2sf)  }
0x17c: {  	s13 =	smax.f32 s13, $-5.000000000e+00;
	s19 =	spop (v2sf);
	[tilespmem:s10+$0xF0] =	vst v10;
	v10 =	vsel vm7, s4, v11;
	v11 =	vsel vm7, s1, v14;
	v14 =	vsel vm7, s14, v15  }
0x17d: {  	v32 =	vld [tilespmem:s9+$0xFFFFFFC0];
	s21 =	smin.f32 s13, $5.000000000e+00;
	s12 =	spop (v2sf);
	v10 =	vsel vm3, s8, v10;
	v11 =	vsel vm3, s6, v11;
	v14 =	vsel vm3, s7, v14  }
0x17e: {  	v16 =	vld [tilespmem:s10+$0x80];
	s23 =	smax.f32 s23, $-5.000000000e+00;
	s13 =	spop (v2sf);
	v10 =	vsel vm4, s16, v10;
	v11 =	vsel vm4, s15, v11;
	v14 =	vsel vm4, s11, v14  }
0x17f: {  	s28 =	smin.f32 s23, $5.000000000e+00;
	s29 =	spop (v2sf);
	v10 =	vsel vm5, s17, v10;
	v23 =	vmul.f32 v13, v19;
	v13 =	vld [tilespmem:s9+$0x0];
	v19 =	vmul.f32 v18, v30  }
0x180: {  	s2 =	smax.f32 s2, $-5.000000000e+00;
	s30 =	spop (v2sf);
	v18 =	vmul.f32 v22, v31;
	v22 =	vunpack.i.l.bf16.f32 v29;
	v30 =	vld [tilespmem:s9+$0xFFFFFF90];
	v29 =	vunpack.i.u.bf16.f32 v29  }
0x181: {  	v17 =	vld [tilespmem:s10+$0xA0];
	s2 =	smin.f32 s2, $5.000000000e+00;
	v24 =	vsel vm6, s28, v10;
	v10 =	vsel vm5, s18, v11;
	v11 =	vsel vm5, s21, v14;
	s31 =	spop (v2sf)  }
0x182: {  	v25 =	vld [tilespmem:s10+$0xE0];
	v14 =	vperm.xlane v12, v1;
	v27 =	vsel vm6, s2, v10;
	v24 =	vmul.f32 $1.442695020e+00, v24;
	s3 =	smax.f32 s31, $-5.000000000e+00;
	s6 =	spop (v2sf)  }
0x183: {  	v15 =	vld [tilespmem:s10+$0xB0];
	v1 =	vimm.s32 $0x2;
	v12 =	vperm.xlane v12, v7;
	v27 =	vmul.f32 $1.442695020e+00, v27;
	s1 =	smin.f32 s3, $5.000000000e+00;
	s7 =	spop (v2sf)  }
0x184: {  	v63 =	vld [tilespmem:s0+$0xFFFFFFA0];
	(erf) = vpow2.f32 v24;
	v10 =	vmov s1;
	s8 =	smax.f32 s7, $-5.000000000e+00;
	s11 =	spop (v2sf);
	v62 =	vunpack.i.u.bf16.f32 v13  }
0x185: {  	v39 =	vld [tilespmem:s0+$0x20];
	v13 =	vunpack.i.l.bf16.f32 v13;
	v36 =	vunpack.i.l.bf16.f32 v30;
	v10 =	vnsel vm0, $0x0, v10;
	s1 =	smin.f32 s8, $5.000000000e+00;
	s2 =	smax.f32 s11, $-5.000000000e+00  }
0x186: {  	v48 =	vld [tilespmem:s0+$0xFFFFFFB0];
	v30 =	vunpack.i.u.bf16.f32 v30;
	(erf) = vpow2.f32 v27;
	v21 =	vsel vm1, s1, v10;
	s14 =	smin.f32 s2, $5.000000000e+00  }
0x187: {  	s23 =	smax.f32 s19, $-5.000000000e+00;
	s15 =	smax.f32 s6, $-5.000000000e+00;
	v10 =	vmul.f32 v16, v14;
	v14 =	vld [tilespmem:s0+$0x0];
	v16 =	vsel vm2, s14, v21;
	v21 =	vmul.f32 v17, v20  }
0x188: {  	s17 =	smax.f32 s30, $-5.000000000e+00;
	s16 =	smin.f32 s15, $5.000000000e+00;
	v20 =	vmul.f32 v15, v28;
	v17 =	vld [tilespmem:s0+$0xFFFFFF80];
	v15 =	vmul.f32 v25, v12;
	v25 =	vunpack.i.l.bf16.f32 v32  }
0x189: {  	s18 =	smin.f32 s17, $5.000000000e+00;
	s28 =	smax.f32 s29, $-5.000000000e+00;
	v12 =	vld [tilespmem:s0+$0xFFFFFF90];
	v32 =	vunpack.i.u.bf16.f32 v32;
	v16 =	vsel vm7, s16, v16;
	v22 =	vmul.f32 v25, v22  }
0x18a: {  	s1 =	smin.f32 s28, $5.000000000e+00;
	v25 =	vld [tilespmem:s0+$0xFFFFFFD0];
	v29 =	vmul.f32 v32, v29;
	s0 =	smin.f32 s23, $5.000000000e+00;
	v28 =	vsel vm3, s18, v16;
	v16 =	vunpack.i.u.bf16.f32 v26  }
0x18b: {  	s29 =	smax.f32 s13, $-5.000000000e+00;
	v26 =	vunpack.i.l.bf16.f32 v26;
	v11 =	vsel vm6, s0, v11;
	v28 =	vsel vm4, s1, v28  }
0x18c: {  	s30 =	smin.f32 s29, $5.000000000e+00;
	v11 =	vmul.f32 $1.442695020e+00, v11;
	v31 =	vunpack.i.l.bf16.f32 v14;
	v14 =	vunpack.i.u.bf16.f32 v14  }
0x18d: {  	s31 =	smax.f32 s12, $-5.000000000e+00;
	v28 =	vsel vm5, s30, v28;
	v35 =	vunpack.i.u.bf16.f32 v17;
	v13 =	vmul.f32 v13, v31  }
0x18e: {  	v33 =	vld [tilespmem:s9+$0xFFFFFFD0];
	s2 =	smin.f32 s31, $5.000000000e+00;
	v17 =	vunpack.i.l.bf16.f32 v17;
	v32 =	vmul.f32 v62, v14;
	v27 =	vpop (erf);
	(erf) = vpow2.f32 v11  }
0x18f: {  	v28 =	vsel vm6, s2, v28;
	v17 =	vmul.f32 v26, v17;
	v16 =	vmul.f32 v16, v35  }
0x190: {  	[tilespmem:s10+$0x90] =	vst v23;
	v26 =	vunpack.i.l.bf16.f32 v12;
	v12 =	vunpack.i.u.bf16.f32 v12;
	v11 =	vmul.f32 $1.442695020e+00, v28  }
0x191: {  	[tilespmem:s10+$0xB0] =	vst v20;
	v31 =	vld [tilespmem:s9+$0x10];
	v46 =	vunpack.i.l.bf16.f32 v25;
	v23 =	vperm.xlane v27, v0;
	v20 =	vperm.xlane v27, v6  }
0x192: {  	v14 =	vld [tilespmem:s9+$0xFFFFFFA0];
	v28 =	vunpack.i.u.bf16.f32 v49;
	v26 =	vmul.f32 v36, v26;
	v30 =	vmul.f32 v30, v12;
	(xrf2) =	vadd.scan.msk.f32 $0xffff, v17  }
0x193: {  	v12 =	vunpack.i.u.bf16.f32 v25;
	v25 =	vunpack.i.l.bf16.f32 v33;
	v33 =	vunpack.i.u.bf16.f32 v33;
	(xrf2) =	vadd.scan.msk.f32 $0xffff, v22  }
0x194: {  	v41 =	vld [tilespmem:s9+$0x20];
	v25 =	vmul.f32 v25, v46;
	v33 =	vmul.f32 v33, v12;
	v12 =	vunpack.i.l.bf16.f32 v63;
	(xrf2) =	vadd.scan.msk.f32 $0xffff, v13  }
0x195: {  	[tilespmem:s5+$0xFFFFFFE0] =	vst v27;
	v17 =	vunpack.i.u.bf16.f32 v63;
	(erf) = vpow2.f32 v11;
	v11 =	vmul.f32 v58, v28  }
0x196: {  	v38 =	vld [tilespmem:s10+$0xFFFFFF10];
	v63 =	vperm.xlane v27, v2;
	v58 =	vperm.xlane v27, v5;
	v22 =	vunpack.i.u.bf16.f32 v37  }
0x197: {  	v36 =	vld [tilespmem:s10+$0xFFFFFF30];
	v40 =	vunpack.i.l.bf16.f32 v31;
	v31 =	vunpack.i.u.bf16.f32 v31;
	v24 =	vunpack.i.l.bf16.f32 v14;
	(xrf2) =	vadd.scan.msk.f32 $0xffff, v16  }
0x198: {  	v28 =	vld [tilespmem:s10+$0xFFFFFF50];
	v14 =	vunpack.i.u.bf16.f32 v14;
	v22 =	vmul.f32 v51, v22;
	v34 =	vmul.f32 v40, v34  }
0x199: {  	v46 =	vmul.f32 v24, v12;
	v12 =	vunpack.i.l.bf16.f32 v39;
	v24 =	vunpack.i.l.bf16.f32 v41;
	v40 =	vld [tilespmem:s10+$0xFFFFFF70];
	(xrf2) =	vadd.scan.msk.f32 $0xffff, v29  }
0x19a: {  	[tilespmem:s10+$0xE0] =	vst v15;
	v13 =	vunpack.i.l.bf16.f32 v48;
	v31 =	vmul.f32 v31, v47;
	v37 =	vmul.f32 v24, v12;
	v12 =	vld [tilespmem:s9+$0x30]  }
0x19b: {  	v24 =	vmul.f32 v14, v17;
	v14 =	vunpack.i.u.bf16.f32 v39;
	v39 =	vperm.xlane v27, v1;
	(xrf2) =	vadd.scan.msk.f32 $0xffff, v32  }
0x19c: {  	v17 =	vunpack.i.u.bf16.f32 v41;
	v35 =	vmul.f32 v38, v63;
	v15 =	vmul.f32 v36, v23;
	(xrf2) =	vadd.scan.msk.f32 $0xffff, v26;
	v56, _, _ =	vpop (xrf2)  }
0x19d: {  	v17 =	vmul.f32 v17, v14;
	v14 =	vunpack.i.l.bf16.f32 v45;
	v28 =	vmul.f32 v28, v58;
	v57, _, _ =	vpop (xrf2);
	(xrf2) =	vadd.scan.msk.f32 $0xffff, v25  }
0x19e: {  	v29 =	vunpack.i.u.bf16.f32 v48;
	v16 =	vmul.f32 v14, v13;
	v14 =	vmul.f32 v53, v52;
	v26 =	vld [tilespmem:s10+$0xFFFFFF00];
	v61, _, _ =	vpop (xrf2);
	(xrf2) =	vadd.scan.msk.f32 $0xffff, v34  }
0x19f: {  	v20 =	vmul.f32 v40, v20;
	v13 =	vunpack.i.l.bf16.f32 v12;
	(v2sf) =	vpush v56, $0xF;
	(xrf2) =	vadd.scan.msk.f32 $0xffff, v30  }
0x1a0: {  	v60 =	vunpack.i.u.bf16.f32 v12;
	v12 =	vmul.f32 v55, v29;
	(v2sf) =	vpush v57, $0xF;
	v30 =	vpop (erf)  }
0x1a1: {  	[tilespmem:s10+$0xC0] =	vst v19;
	v32 =	vld [tilespmem:s10+$0xFFFFFF60];
	v29 =	vperm.xlane v27, v3;
	v13 =	vmul.f32 v13, v54;
	(v2sf) =	vpush v61, $0xF;
	v62, _, _ =	vpop (xrf2)  }
0x1a2: {  	[tilespmem:s10+$0x80] =	vst v10;
	v10 =	vmul.f32 v60, v59;
	v59 =	vperm.xlane v27, v7;
	v25 =	vld [tilespmem:s10+$0xFFFFFF20];
	(xrf2) =	vadd.scan.msk.f32 $0xffff, v33;
	v19 =	vpop (erf)  }
0x1a3: {  	v26 =	vmul.f32 v26, v29;
	v34 =	vld [tilespmem:s10+$0xFFFFFF40];
	[tilespmem:s5+$0xFFFFFFF0] =	vst v30;
	(v2sf) =	vpush v62, $0xF;
	(xrf2) =	vadd.scan.msk.f32 $0xffff, v31;
	v31, _, _ =	vpop (xrf2)  }
0x1a4: {  	[tilespmem:s10+$0xD0] =	vst v18;
	v57 =	vperm.xlane v27, v4;
	v27 =	vperm.xlane v30, v3;
	v42 =	vld [tilespmem:s10+$0xFFFFFF80];
	v18 =	vpop (erf)  }
0x1a5: {  	[tilespmem:s10+$0xA0] =	vst v21;
	v48 =	vperm.xlane v30, v1;
	v50 =	vperm.xlane v30, v0;
	v47 =	vld [tilespmem:s10+$0xFFFFFF90];
	v21, _, _ =	vpop (xrf2);
	(v2sf) =	vpush v31, $0xF  }
0x1a6: {  	s21 =	simm.s32 $0x51A0;
	[tilespmem:s10+$0xFFFFFF50] =	vst v28;
	v51 =	vperm.xlane v30, v4;
	v53 =	vperm.xlane v30, v7;
	v33 =	vld [tilespmem:s10+$0xFFFFFFA0];
	v60, _, _ =	vpop (xrf2);
	(v2sf) =	vpush v21, $0xF  }
0x1a7: {  	s0 =	simm.s32 $0x2C40;
	v49 =	vld [tilespmem:s10+$0xFFFFFFB0];
	v28 =	vperm.xlane v19, v4;
	(xrf2) =	vadd.scan.msk.f32 $0xffff, v46;
	v31 =	vperm.xlane v30, v2;
	[tilespmem:s21+$0x10] =	vst v18;
	v21, _, _ =	vpop (xrf2)  }
0x1a8: {  	v46 =	vperm.xlane v30, v5;
	v25 =	vmul.f32 v25, v39;
	(xrf2) =	vadd.scan.msk.f32 $0xffff, v43;
	v62 =	vld [tilespmem:s0+$0xF0];
	(v2sf) =	vpush v60, $0xF;
	v61, _, _ =	vpop (xrf2)  }
0x1a9: {  	v39 =	vld [tilespmem:s10+$0xFFFFFFF0];
	v56 =	vperm.xlane v18, v6;
	v43 =	vperm.xlane v19, v3;
	(v2sf) =	vpush v21, $0xF;
	v29, _, _ =	vpop (xrf2);
	(xrf2) =	vadd.scan.msk.f32 $0xffff, v37  }
0x1aa: {  	v52 =	vld [tilespmem:s10+$0xFFFFFFC0];
	v34 =	vmul.f32 v34, v57;
	[tilespmem:s10+$0xFFFFFF20] =	vst v25;
	v25 =	vperm.xlane v19, v1  }
0x1ab: {  	v54 =	vld [tilespmem:s10+$0xFFFFFFD0];
	[tilespmem:s5+$0x0] =	vst v19;
	v27 =	vmul.f32 v42, v27;
	v31 =	vmul.f32 v47, v31;
	(v2sf) =	vpush v61, $0xF  }
0x1ac: {  	[tilespmem:s10+$0xFFFFFF10] =	vst v35;
	v23 =	vld [tilespmem:s10+$0x0];
	v33 =	vmul.f32 v33, v48;
	v21 =	vperm.xlane v30, v6;
	(v2sf) =	vpush v29, $0xF  }
0x1ad: {  	[tilespmem:s10+$0xFFFFFF00] =	vst v26;
	v26 =	vld [tilespmem:s10+$0x10];
	v58 =	vmul.f32 v62, v56;
	v56 =	vperm.xlane v19, v7;
	v63, _, _ =	vpop (xrf2)  }
0x1ae: {  	v36 =	vld [tilespmem:s10+$0x30];
	v29 =	vperm.xlane v19, v2;
	v39 =	vmul.f32 v39, v21;
	(v2sf) =	vpush v63, $0xF;
	v55, _, _ =	vpop (xrf2);
	(xrf2) =	vadd.scan.msk.f32 $0xffff, v24;
	s3 =	spop (v2sf)  }
0x1af: {  	[tilespmem:s10+$0xFFFFFF30] =	vst v15;
	v30 =	vld [tilespmem:s10+$0xFFFFFFE0];
	v24 =	vmul.f32 v32, v59;
	v63 =	vmul.f32 v49, v50;
	(v2sf) =	vpush v55, $0xF;
	s4 =	spop (v2sf);
	s1 =	smax.f32 s3, $-5.000000000e+00  }
0x1b0: {  	[tilespmem:s10+$0xFFFFFF70] =	vst v20;
	v32 =	vld [tilespmem:s10+$0x20];
	v49 =	vmul.f32 v52, v51;
	v51 =	vmul.f32 v54, v46;
	s2 =	smax.f32 s4, $-5.000000000e+00;
	s5 =	spop (v2sf)  }
0x1b1: {  	[tilespmem:s10+$0xFFFFFF40] =	vst v34;
	v59 =	vld [tilespmem:s10+$0x40];
	v57, _, _ =	vpop (xrf2);
	(xrf2) =	vadd.scan.msk.f32 $0xffff, v22;
	v22 =	vperm.xlane v19, v0;
	v55 =	vmul.f32 v23, v43;
	s1 =	smin.f32 s1, $5.000000000e+00;
	s3 =	smax.f32 s5, $-5.000000000e+00  }
0x1b2: {  	[tilespmem:s10+$0xFFFFFF80] =	vst v27;
	v61 =	vld [tilespmem:s10+$0x50];
	v29 =	vmul.f32 v26, v29;
	(v2sf) =	vpush v57, $0xF;
	v50, _, _ =	vpop (xrf2);
	v57 =	vperm.xlane v19, v6;
	s6 =	smin.f32 s2, $5.000000000e+00;
	s8 =	spop (v2sf)  }
0x1b3: {  	[tilespmem:s0+$0xF0] =	vst v58;
	v58 =	vld [tilespmem:s10+$0x70];
	(v2sf) =	vpush v50, $0xF;
	v15 =	vmov s1;
	s7 =	smin.f32 s3, $5.000000000e+00;
	v60 =	vmov s6;
	s1 =	smax.f32 s8, $-5.000000000e+00;
	v21, _, _ =	vpop (xrf2)  }
0x1b4: {  	[tilespmem:s10+$0xFFFFFF90] =	vst v31;
	v52 =	vld [tilespmem:s0+$0x90];
	v15 =	vnsel vm0, $0x0, v15;
	s11 =	spop (v2sf);
	s1 =	smin.f32 s1, $5.000000000e+00;
	(v2sf) =	vpush v21, $0xF;
	v21 =	vperm.xlane v19, v5  }
0x1b5: {  	v54 =	vld [tilespmem:s0+$0xA0];
	[tilespmem:s10+$0xFFFFFF60] =	vst v24;
	v20 =	vmul.f32 v32, v25;
	v25 =	vmul.f32 v36, v22;
	v62 =	vmov s7;
	s2 =	smax.f32 s11, $-5.000000000e+00;
	s12 =	spop (v2sf)  }
0x1b6: {  	v23 =	vld [tilespmem:s10+$0x60];
	v24 =	vmul.f32 v59, v28;
	v22 =	vperm.xlane v18, v1;
	v26 =	vnsel vm0, $0x0, v62;
	(xrf2) =	vadd.scan.msk.f32 $0xffff, v17;
	s2 =	smin.f32 s2, $5.000000000e+00;
	s13 =	smax.f32 s12, $-5.000000000e+00  }
0x1b7: {  	v15 =	vsel vm1, s1, v15;
	v17 =	vnsel vm0, $0x0, v60;
	s14 =	spop (v2sf);
	s1 =	smin.f32 s13, $5.000000000e+00;
	(xrf2) =	vadd.scan.msk.f32 $0xffff, v16;
	v16 =	vperm.xlane v18, v2  }
0x1b8: {  	[tilespmem:s10+$0xFFFFFFA0] =	vst v33;
	v28 =	vld [tilespmem:s0+$0xB0];
	v17 =	vsel vm1, s2, v17;
	s15 =	smax.f32 s14, $-5.000000000e+00;
	v31 =	vsel vm1, s1, v26;
	v26 =	vmul.f32 v61, v21;
	s17 =	spop (v2sf);
	v21, _, _ =	vpop (xrf2)  }
0x1b9: {  	v48 =	vld [tilespmem:s0+$0x80];
	[tilespmem:s10+$0xFFFFFFF0] =	vst v39;
	s16 =	smin.f32 s15, $5.000000000e+00;
	s2 =	smax.f32 s17, $-5.000000000e+00;
	(v2sf) =	vpush v21, $0xF;
	v21 =	vmul.f32 v52, v16;
	v16 =	vperm.xlane v18, v0  }
0x1ba: {  	v30 =	vmul.f32 v30, v53;
	[tilespmem:s10+$0xFFFFFFB0] =	vst v63;
	v27 =	vmul.f32 v58, v57;
	v59 =	vld [tilespmem:s0+$0xC0];
	s18 =	spop (v2sf);
	s2 =	smin.f32 s2, $5.000000000e+00  }
0x1bb: {  	v6 =	vimm.s32 $0x7;
	v23 =	vmul.f32 v23, v56;
	v22 =	vmul.f32 v54, v22;
	(xrf2) =	vadd.scan.msk.f32 $0xffff, v14;
	v14 =	vld [tilespmem:s0+$0xE0];
	s3 =	smax.f32 s18, $-5.000000000e+00;
	s23 =	spop (v2sf)  }
0x1bc: {  	[tilespmem:s10+$0xFFFFFFC0] =	vst v49;
	v62 =	vperm.xlane v18, v5;
	v60 =	vld [tilespmem:s0+$0xD0];
	v19 =	vperm.xlane v18, v3;
	v61 =	vsel vm2, s16, v15;
	s19 =	smin.f32 s3, $5.000000000e+00;
	s28 =	smax.f32 s23, $-5.000000000e+00  }
0x1bd: {  	[tilespmem:s10+$0xFFFFFFD0] =	vst v51;
	v15 =	vperm.xlane v18, v4;
	v63 =	vsel vm2, s2, v17;
	s29 =	spop (v2sf);
	v17 =	vmul.f32 v28, v16;
	s30 =	smin.f32 s28, $5.000000000e+00;
	v16, _, _ =	vpop (xrf2)  }
0x1be: {  	[tilespmem:s10+$0x10] =	vst v29;
	v19 =	vmul.f32 v48, v19;
	v28 =	vperm.xlane v18, v7;
	s31 =	spop (v2sf);
	s3 =	smax.f32 s29, $-5.000000000e+00;
	(v2sf) =	vpush v16, $0xF  }
0x1bf: {  	v31 =	vsel vm2, s19, v31;
	v18 =	vmul.f32 v59, v15;
	v7 =	vimm.s32 $0x6;
	s2 =	smax.f32 s31, $-5.000000000e+00;
	s3 =	smin.f32 s3, $5.000000000e+00;
	(xrf2) =	vadd.scan.msk.f32 $0xffff, v13  }
0x1c0: {  	[tilespmem:s10+$0xFFFFFFE0] =	vst v30;
	v29 =	vsel vm7, s30, v61;
	v15 =	vmul.f32 v14, v28;
	s2 =	smin.f32 s2, $5.000000000e+00;
	v28 =	vsel vm7, s3, v63;
	v30, _, _ =	vpop (xrf2)  }
0x1c1: {  	[tilespmem:s10+$0x0] =	vst v55;
	s5 =	simm.s32 $0x4;
	s12 =	simm.s32 $0x3C0;
	s1 =	spop (v2sf);
	v16 =	vmul.f32 v60, v62;
	v14 =	vsel vm7, s2, v31;
	(v2sf) =	vpush v30, $0xF  }
.LBB2_5:
0x1c2: {  	v13 =	vld [tilespmem:s12+$0x70];
	s1 =	smax.f32 s1, $-5.000000000e+00;
	s9 =	sadd.s32 $0x100, s9;
	(xrf2) =	vadd.scan.msk.f32 $0xffff, v12;
	[tilespmem:s10+$0x20] =	vst v20  }
0x1c3: {  	v12 =	vld [tilespmem:s9+$0x70];
	s1 =	smin.f32 s1, $5.000000000e+00;
	v30, _, _ =	vpop (xrf2);
	[tilespmem:s10+$0x30] =	vst v25  }
0x1c4: {  	v25 =	vld [tilespmem:s9+$0xFFFFFF80];
	v20 =	vsel vm3, s1, v29;
	(v2sf) =	vpush v30, $0xF;
	s1 =	spop (v2sf);
	[tilespmem:s10+$0x40] =	vst v24  }
0x1c5: {  	v24 =	vld [tilespmem:s12+$0xFFFFFFC0];
	s1 =	smax.f32 s1, $-5.000000000e+00;
	(xrf2) =	vadd.scan.msk.f32 $0xffff, v11;
	[tilespmem:s10+$0x50] =	vst v26  }
0x1c6: {  	v11 =	vld [tilespmem:s9+$0xFFFFFFC0];
	s1 =	smin.f32 s1, $5.000000000e+00;
	v26, _, _ =	vpop (xrf2);
	[tilespmem:s10+$0x60] =	vst v23  }
0x1c7: {  	v29 =	vld [tilespmem:s12+$0x0];
	v23 =	vsel vm3, s1, v28;
	(v2sf) =	vpush v26, $0xF;
	s1 =	spop (v2sf);
	[tilespmem:s10+$0x70] =	vst v27;
	s10 =	smov.u32 s0  }
0x1c8: {  	v27 =	vunpack.i.u.bf16.f32 v13;
	v26 =	vld [tilespmem:s12+$0x60];
	v28 =	vunpack.i.u.bf16.f32 v12;
	s1 =	smax.f32 s1, $-5.000000000e+00;
	[tilespmem:s0+$0x80] =	vst v19;
	(xrf2) =	vadd.scan.msk.f32 $0xffff, v10  }
0x1c9: {  	v19 =	vunpack.i.u.bf16.f32 v25;
	v25 =	vunpack.i.l.bf16.f32 v25;
	v30 =	vld [tilespmem:s9+$0x60];
	v10 =	vmul.f32 v28, v27;
	s13 =	smin.f32 s1, $5.000000000e+00;
	[tilespmem:s0+$0x90] =	vst v21;
	v21, _, _ =	vpop (xrf2)  }
0x1ca: {  	v27 =	vunpack.i.u.bf16.f32 v24;
	v24 =	vunpack.i.l.bf16.f32 v24;
	v28 =	vld [tilespmem:s9+$0x0];
	[tilespmem:s0+$0xA0] =	vst v22;
	s1 =	spop (v2sf);
	(v2sf) =	vpush v21, $0xF  }
0x1cb: {  	v0 =	vunpack.i.l.bf16.f32 v13;
	v12 =	vunpack.i.l.bf16.f32 v12;
	v21 =	vld [tilespmem:s12+$0xFFFFFF80];
	v22 =	vunpack.i.l.bf16.f32 v11;
	(xrf2) =	vadd.scan.msk.f32 $0xffff, v10;
	s1 =	smax.f32 s1, $-5.000000000e+00  }
0x1cc: {  	v12 =	vmul.f32 v12, v0;
	v32 =	vld [tilespmem:s12+$0xFFFFFF90];
	v10 =	vmul.f32 v22, v24;
	v22 =	vunpack.i.l.bf16.f32 v29;
	s19 =	smin.f32 s1, $5.000000000e+00;
	[tilespmem:s0+$0xB0] =	vst v17;
	v13, _, _ =	vpop (xrf2)  }
0x1cd: {  	v11 =	vunpack.i.u.bf16.f32 v11;
	v24 =	vunpack.i.u.bf16.f32 v29;
	v17 =	vld [tilespmem:s9+$0xFFFFFF90];
	[tilespmem:s0+$0xC0] =	vst v18;
	(v2sf) =	vpush v13, $0xF;
	s1 =	spop (v2sf)  }
0x1ce: {  	v27 =	vmul.f32 v11, v27;
	v11 =	vunpack.i.u.bf16.f32 v26;
	v13 =	vld [tilespmem:s12+$0x50];
	v18 =	vunpack.i.u.bf16.f32 v30;
	(xrf2) =	vadd.scan.msk.f32 $0xffff, v12;
	s1 =	smax.f32 s1, $-5.000000000e+00  }
0x1cf: {  	v12 =	vunpack.i.u.bf16.f32 v28;
	v28 =	vunpack.i.l.bf16.f32 v28;
	v34 =	vld [tilespmem:s9+$0x50];
	v18 =	vmul.f32 v18, v11;
	s29 =	smin.f32 s1, $5.000000000e+00;
	[tilespmem:s0+$0xD0] =	vst v16;
	v16, _, _ =	vpop (xrf2)  }
0x1d0: {  	v29 =	vunpack.i.u.bf16.f32 v21;
	v21 =	vunpack.i.l.bf16.f32 v21;
	v33 =	vld [tilespmem:s12+$0xFFFFFFD0];
	v11 =	vmul.f32 v28, v22;
	[tilespmem:s0+$0xE0] =	vst v15;
	s1 =	spop (v2sf)  }
0x1d1: {  	v0 =	vunpack.i.l.bf16.f32 v30;
	v22 =	vunpack.i.l.bf16.f32 v26;
	v15 =	vmul.f32 v25, v21;
	v21 =	vld [tilespmem:s12+$0x40];
	(xrf2) =	vadd.scan.msk.f32 $0xffff, v18;
	s1 =	smax.f32 s1, $-5.000000000e+00  }
0x1d2: {  	v31 =	vmul.f32 v19, v29;
	v18 =	vunpack.i.l.bf16.f32 v32;
	v22 =	vmul.f32 v0, v22;
	v19 =	vld [tilespmem:s9+$0x40];
	s28 =	smin.f32 s1, $5.000000000e+00;
	v25, _, _ =	vpop (xrf2)  }
0x1d3: {  	v30 =	vmul.f32 v12, v24;
	v26 =	vunpack.i.u.bf16.f32 v32;
	v28 =	vunpack.i.l.bf16.f32 v17;
	v32 =	vld [tilespmem:s9+$0xFFFFFFD0];
	s1 =	spop (v2sf)  }
0x1d4: {  	v29 =	vmul.f32 v28, v18;
	v18 =	vunpack.i.u.bf16.f32 v13;
	v12 =	vld [tilespmem:s12+$0x10];
	v24 =	vunpack.i.u.bf16.f32 v34;
	(xrf2) =	vadd.scan.msk.f32 $0xffff, v22;
	s1 =	smax.f32 s1, $-5.000000000e+00  }
0x1d5: {  	s5 =	sadd.s32 $0x4, s5;
	v17 =	vunpack.i.u.bf16.f32 v17;
	v22 =	vunpack.i.l.bf16.f32 v33;
	v28 =	vld [tilespmem:s9+$0x10];
	v18 =	vmul.f32 v24, v18;
	v35, _, _ =	vpop (xrf2);
	s30 =	smin.f32 s1, $5.000000000e+00  }
0x1d6: {  	p1 =	slt.u32 s5, $0x24;
	v26 =	vmul.f32 v17, v26;
	v24 =	vunpack.i.u.bf16.f32 v33;
	v17 =	vld [tilespmem:s12+$0xFFFFFFA0];
	s1 =	spop (v2sf);
	(v2sf) =	vpush v16, $0xF  }
0x1d7: {  	v33 =	vunpack.i.u.bf16.f32 v21;
	v16 =	vld [tilespmem:s9+$0xFFFFFFA0];
	v0 =	vunpack.i.u.bf16.f32 v19;
	(xrf2) =	vadd.scan.msk.f32 $0xffff, v18;
	s1 =	smax.f32 s1, $-5.000000000e+00;
	(v2sf) =	vpush v25, $0xF  }
0x1d8: {  	v18 =	vunpack.i.u.bf16.f32 v32;
	v25 =	vunpack.i.l.bf16.f32 v32;
	v37 =	vld [tilespmem:s12+$0xFFFFFFE0];
	v32 =	vmul.f32 v0, v33;
	v36, _, _ =	vpop (xrf2);
	s31 =	smin.f32 s1, $5.000000000e+00  }
0x1d9: {  	v33 =	vmul.f32 v25, v22;
	v38 =	vld [tilespmem:s9+$0xFFFFFFE0];
	v22 =	vunpack.i.u.bf16.f32 v12;
	v12 =	vunpack.i.l.bf16.f32 v12;
	s1 =	spop (v2sf)  }
0x1da: {  	v21 =	vunpack.i.l.bf16.f32 v21;
	v19 =	vunpack.i.l.bf16.f32 v19;
	v25 =	vunpack.i.l.bf16.f32 v28;
	v39 =	vld [tilespmem:s12+$0x20];
	(xrf2) =	vadd.scan.msk.f32 $0xffff, v32;
	s1 =	smax.f32 s1, $-5.000000000e+00  }
0x1db: {  	v19 =	vmul.f32 v19, v21;
	v40 =	vunpack.i.u.bf16.f32 v28;
	v32 =	vmul.f32 v25, v12;
	v12 =	vld [tilespmem:s9+$0x20];
	v41, _, _ =	vpop (xrf2);
	s3 =	smin.f32 s1, $5.000000000e+00  }
0x1dc: {  	v28 =	vmul.f32 v18, v24;
	v21 =	vunpack.i.l.bf16.f32 v17;
	v25 =	vmul.f32 v40, v22;
	v42 =	vld [tilespmem:s12+$0xFFFFFFB0];
	s1 =	spop (v2sf)  }
0x1dd: {  	v13 =	vunpack.i.l.bf16.f32 v13;
	v22 =	vunpack.i.l.bf16.f32 v34;
	v18 =	vunpack.i.l.bf16.f32 v16;
	v40 =	vld [tilespmem:s9+$0xFFFFFFB0];
	(xrf2) =	vadd.scan.msk.f32 $0xffff, v19;
	s1 =	smax.f32 s1, $-5.000000000e+00  }
0x1de: {  	v13 =	vmul.f32 v22, v13;
	v19 =	vunpack.i.l.bf16.f32 v37;
	v34 =	vunpack.i.l.bf16.f32 v38;
	v43 =	vld [tilespmem:s12+$0xFFFFFFF0];
	v44, _, _ =	vpop (xrf2);
	s4 =	smin.f32 s1, $5.000000000e+00  }
0x1df: {  	v24 =	vmul.f32 v18, v21;
	v22 =	vmul.f32 v34, v19;
	v34 =	vld [tilespmem:s9+$0xFFFFFFF0];
	v18 =	vunpack.i.l.bf16.f32 v39  }
0x1e0: {  	v17 =	vunpack.i.u.bf16.f32 v17;
	v16 =	vunpack.i.u.bf16.f32 v16;
	v19 =	vunpack.i.l.bf16.f32 v12;
	v45 =	vld [tilespmem:s12+$0x30];
	(xrf2) =	vadd.scan.msk.f32 $0xffff, v13  }
0x1e1: {  	v13 =	vunpack.i.u.bf16.f32 v37;
	v37 =	vunpack.i.u.bf16.f32 v38;
	v21 =	vmul.f32 v19, v18;
	v38 =	vld [tilespmem:s9+$0x30];
	v46, _, _ =	vpop (xrf2)  }
0x1e2: {  	v12 =	vunpack.i.u.bf16.f32 v12;
	v19 =	vmul.f32 v16, v17;
	v16 =	vunpack.i.u.bf16.f32 v39  }
0x1e3: {  	v39 =	vunpack.i.l.bf16.f32 v42;
	v18 =	vmul.f32 v37, v13;
	v17 =	vmul.f32 v12, v16;
	(xrf2) =	vadd.scan.msk.f32 $0xffff, v15  }
0x1e4: {  	v12 =	vunpack.i.l.bf16.f32 v40;
	v13 =	vunpack.i.l.bf16.f32 v43;
	v37, _, _ =	vpop (xrf2);
	(v2sf) =	vpush v35, $0xF  }
0x1e5: {  	v15 =	vunpack.i.l.bf16.f32 v34;
	v35 =	vunpack.i.l.bf16.f32 v45;
	(v2sf) =	vpush v36, $0xF;
	s1 =	spop (v2sf)  }
0x1e6: {  	v16 =	vmul.f32 v12, v39;
	v12 =	vunpack.i.l.bf16.f32 v38;
	(xrf2) =	vadd.scan.msk.f32 $0xffff, v10;
	(v2sf) =	vpush v41, $0xF;
	s1 =	smax.f32 s1, $-5.000000000e+00;
	s2 =	spop (v2sf)  }
0x1e7: {  	v15 =	vmul.f32 v15, v13;
	v13 =	vmul.f32 v12, v35;
	v10, _, _ =	vpop (xrf2);
	(v2sf) =	vpush v44, $0xF;
	s1 =	smin.f32 s1, $5.000000000e+00;
	s2 =	smax.f32 s2, $-5.000000000e+00  }
0x1e8: {  	v12 =	vunpack.i.u.bf16.f32 v42;
	v35 =	vunpack.i.u.bf16.f32 v40;
	(v2sf) =	vpush v10, $0xF;
	s2 =	smin.f32 s2, $5.000000000e+00  }
0x1e9: {  	v34 =	vunpack.i.u.bf16.f32 v34;
	v10 =	vunpack.i.u.bf16.f32 v43;
	(xrf2) =	vadd.scan.msk.f32 $0xffff, v11;
	(v2sf) =	vpush v46, $0xF  }
0x1ea: {  	v36 =	vunpack.i.u.bf16.f32 v45;
	v38 =	vunpack.i.u.bf16.f32 v38;
	(v2sf) =	vpush v37, $0xF;
	v37, _, _ =	vpop (xrf2)  }
0x1eb: {  	v12 =	vmul.f32 v35, v12;
	v11 =	vmul.f32 v34, v10;
	(v2sf) =	vpush v37, $0xF  }
0x1ec: {  	v14 =	vsel vm3, s13, v14;
	v20 =	vsel vm4, s19, v20;
	v10 =	vmul.f32 v38, v36;
	(xrf2) =	vadd.scan.msk.f32 $0xffff, v31  }
0x1ed: {  	v23 =	vsel vm4, s29, v23;
	v14 =	vsel vm4, s28, v14;
	v20 =	vsel vm5, s30, v20;
	v31, _, _ =	vpop (xrf2)  }
0x1ee: {  	v23 =	vsel vm5, s31, v23;
	v14 =	vsel vm5, s3, v14;
	v20 =	vsel vm6, s4, v20  }
0x1ef: {  	v20 =	vmul.f32 $1.442695020e+00, v20;
	v23 =	vsel vm6, s1, v23;
	v14 =	vsel vm6, s2, v14;
	(xrf2) =	vadd.scan.msk.f32 $0xffff, v27  }
0x1f0: {  	v23 =	vmul.f32 $1.442695020e+00, v23;
	v14 =	vmul.f32 $1.442695020e+00, v14;
	v27, _, _ =	vpop (xrf2)  }
0x1f1: {  	(erf) = vpow2.f32 v20  }
0x1f2: {  	(v2sf) =	vpush v31, $0xF;
	(xrf2) =	vadd.scan.msk.f32 $0xffff, v30;
	(erf) = vpow2.f32 v23  }
0x1f3: {  	(v2sf) =	vpush v27, $0xF;
	v20, _, _ =	vpop (xrf2);
	s1 =	spop (v2sf)  }
0x1f4: {  	(v2sf) =	vpush v20, $0xF;
	s2 =	spop (v2sf);
	(erf) = vpow2.f32 v14  }
0x1f5: {  	(xrf2) =	vadd.scan.msk.f32 $0xffff, v29;
	s3 =	spop (v2sf)  }
0x1f6: {  	v14, _, _ =	vpop (xrf2);
	s4 =	spop (v2sf)  }
0x1f7: {  	(v2sf) =	vpush v14, $0xF;
	s6 =	spop (v2sf)  }
0x1f8: {  	s6 =	smax.f32 s6, $-5.000000000e+00;
	(xrf2) =	vadd.scan.msk.f32 $0xffff, v33;
	s7 =	spop (v2sf)  }
0x1f9: {  	v1 =	vimm.s32 $0x0;
	v2 =	vimm.s32 $0x2;
	v3 =	vimm.s32 $0x3;
	s6 =	smin.f32 s6, $5.000000000e+00;
	v14, _, _ =	vpop (xrf2);
	s8 =	spop (v2sf)  }
0x1fa: {  	v0 =	vimm.s32 $0x1;
	v20 =	vmov s6;
	s6 =	smax.f32 s8, $-5.000000000e+00;
	(v2sf) =	vpush v14, $0xF;
	s8 =	spop (v2sf);
	v14 =	vpop (erf)  }
0x1fb: {  	v20 =	vnsel vm0, $0x0, v20;
	s6 =	smin.f32 s6, $5.000000000e+00;
	s8 =	smax.f32 s8, $-5.000000000e+00;
	(xrf2) =	vadd.scan.msk.f32 $0xffff, v32;
	[tilespmem:s21+$0xFFFFFFE0] =	vst v14;
	v34 =	vperm.xlane v14, v1;
	v35 =	vpop (erf)  }
0x1fc: {  	s7 =	smax.f32 s7, $-5.000000000e+00;
	v37 =	vperm.xlane v14, v0;
	v38 =	vperm.xlane v14, v2;
	v20 =	vsel vm1, s6, v20;
	s6 =	smin.f32 s8, $5.000000000e+00;
	v23, _, _ =	vpop (xrf2);
	v36 =	vld [tilespmem:s0+$0xFFFFFF00];
	[tilespmem:s21+$0xFFFFFFF0] =	vst v35  }
0x1fd: {  	s4 =	smax.f32 s4, $-5.000000000e+00;
	v40 =	vperm.xlane v14, v3;
	v20 =	vsel vm2, s6, v20;
	s6 =	smin.f32 s7, $5.000000000e+00;
	(v2sf) =	vpush v23, $0xF;
	v39 =	vld [tilespmem:s0+$0xFFFFFF10];
	v41 =	vpop (erf)  }
0x1fe: {  	s3 =	smax.f32 s3, $-5.000000000e+00;
	s4 =	smin.f32 s4, $5.000000000e+00;
	v20 =	vsel vm7, s6, v20;
	(xrf2) =	vadd.scan.msk.f32 $0xffff, v26;
	v42 =	vld [tilespmem:s0+$0xFFFFFF20];
	v26 =	vperm.xlane v14, v9;
	[tilespmem:s21+$0x0] =	vst v41  }
0x1ff: {  	s2 =	smax.f32 s2, $-5.000000000e+00;
	s3 =	smin.f32 s3, $5.000000000e+00;
	v30 =	vperm.xlane v14, v8;
	v23 =	vsel vm3, s4, v20;
	v27, _, _ =	vpop (xrf2);
	v43 =	vld [tilespmem:s0+$0xFFFFFF30];
	v20 =	vperm.xlane v14, v7  }
0x200: {  	s1 =	smax.f32 s1, $-5.000000000e+00;
	s2 =	smin.f32 s2, $5.000000000e+00;
	v32 =	vperm.xlane v14, v6;
	v23 =	vsel vm4, s3, v23;
	(v2sf) =	vpush v27, $0xF;
	v44 =	vld [tilespmem:s0+$0xFFFFFF40]  }
0x201: {  	s1 =	smin.f32 s1, $5.000000000e+00;
	v14 =	vperm.xlane v35, v0;
	v27 =	vperm.xlane v35, v1;
	v23 =	vsel vm5, s2, v23;
	s2 =	spop (v2sf);
	(xrf2) =	vadd.scan.msk.f32 $0xffff, v28;
	v45 =	vld [tilespmem:s0+$0xFFFFFF50]  }
0x202: {  	v31 =	vperm.xlane v35, v2;
	s2 =	smax.f32 s2, $-5.000000000e+00;
	v28 =	vsel vm6, s1, v23;
	s1 =	spop (v2sf);
	v29, _, _ =	vpop (xrf2);
	v46 =	vld [tilespmem:s0+$0xFFFFFF60];
	v23 =	vperm.xlane v35, v3  }
0x203: {  	v33 =	vperm.xlane v35, v9;
	s1 =	smax.f32 s1, $-5.000000000e+00;
	v47 =	vmul.f32 $1.442695020e+00, v28;
	(v2sf) =	vpush v29, $0xF;
	s3 =	spop (v2sf);
	v48 =	vld [tilespmem:s0+$0xFFFFFF70]  }
0x204: {  	s2 =	smin.f32 s2, $5.000000000e+00;
	v28 =	vperm.xlane v35, v8;
	v29 =	vperm.xlane v35, v7;
	s3 =	smax.f32 s3, $-5.000000000e+00;
	v49 =	vld [tilespmem:s0+$0xFFFFFF80]  }
0x205: {  	v50 =	vmov s2;
	s1 =	smin.f32 s1, $5.000000000e+00;
	s2 =	smin.f32 s3, $5.000000000e+00;
	v51, _, _ =	vpop (xrf2);
	(xrf2) =	vadd.scan.msk.f32 $0xffff, v25;
	(erf) = vpow2.f32 v47;
	v47 =	vld [tilespmem:s0+$0xFFFFFF90];
	v25 =	vperm.xlane v35, v6  }
0x206: {  	v35 =	vmov s1;
	v52 =	vmov s2;
	s1 =	spop (v2sf);
	(v2sf) =	vpush v51, $0xF;
	v51 =	vld [tilespmem:s0+$0xFFFFFFA0]  }
0x207: {  	v50 =	vnsel vm0, $0x0, v50;
	v35 =	vnsel vm0, $0x0, v35;
	s1 =	smax.f32 s1, $-5.000000000e+00;
	v52 =	vnsel vm0, $0x0, v52;
	v53 =	vld [tilespmem:s0+$0xFFFFFFB0]  }
0x208: {  	v55 =	vperm.xlane v41, v1;
	v56 =	vperm.xlane v41, v0;
	s1 =	smin.f32 s1, $5.000000000e+00;
	v54, _, _ =	vpop (xrf2);
	(xrf2) =	vadd.scan.msk.f32 $0xffff, v24;
	v24 =	vld [tilespmem:s0+$0xFFFFFFC0]  }
0x209: {  	v57 =	vperm.xlane v41, v2;
	v50 =	vsel vm1, s1, v50;
	(v2sf) =	vpush v54, $0xF;
	s1 =	spop (v2sf);
	v54 =	vld [tilespmem:s0+$0xFFFFFFD0]  }
0x20a: {  	v59 =	vperm.xlane v41, v3;
	v60 =	vperm.xlane v41, v9;
	s1 =	smax.f32 s1, $-5.000000000e+00;
	v58 =	vld [tilespmem:s0+$0xFFFFFFE0]  }
0x20b: {  	v62 =	vperm.xlane v41, v8;
	v63 =	vperm.xlane v41, v7;
	s1 =	smin.f32 s1, $5.000000000e+00;
	v61, _, _ =	vpop (xrf2);
	(xrf2) =	vadd.scan.msk.f32 $0xffff, v22;
	v22 =	vld [tilespmem:s0+$0xFFFFFFF0]  }
0x20c: {  	v41 =	vperm.xlane v41, v6;
	v35 =	vsel vm1, s1, v35;
	(v2sf) =	vpush v61, $0xF;
	s1 =	spop (v2sf);
	v61 =	vld [tilespmem:s0+$0x0]  }
0x20d: {  	v34 =	vmul.f32 v36, v34;
	v36 =	vmul.f32 v39, v37;
	s1 =	smax.f32 s1, $-5.000000000e+00;
	v37 =	vld [tilespmem:s0+$0x10]  }
0x20e: {  	s21 =	sadd.s32 $0x40, s21;
	v38 =	vmul.f32 v42, v38;
	v39 =	vmul.f32 v43, v40;
	s1 =	smin.f32 s1, $5.000000000e+00;
	(xrf2) =	vadd.scan.msk.f32 $0xffff, v21;
	v21 =	vpop (erf);
	v40 =	vld [tilespmem:s0+$0x20]  }
0x20f: {  	s0 =	sadd.s32 $0x200, s0;
	v42 =	vsel vm1, s1, v52;
	[tilespmem:s21+$0x10] =	vst v21;
	v43 =	vperm.xlane v21, v1;
	v52 =	vperm.xlane v21, v0;
	s1 =	spop (v2sf);
	v1, _, _ =	vpop (xrf2);
	v0 =	vld [tilespmem:s10+$0x30]  }
0x210: {  	v2 =	vperm.xlane v21, v2;
	v3 =	vperm.xlane v21, v3;
	s1 =	smax.f32 s1, $-5.000000000e+00;
	v4 =	vld [tilespmem:s0+$0xF0];
	(v2sf) =	vpush v1, $0xF;
	[tilespmem:s10+$0xFFFFFF00] =	vst v34  }
0x211: {  	v1 =	vperm.xlane v21, v9;
	v34 =	vperm.xlane v21, v8;
	s1 =	smin.f32 s1, $5.000000000e+00;
	(xrf2) =	vadd.scan.msk.f32 $0xffff, v19;
	[tilespmem:s10+$0xFFFFFF10] =	vst v36;
	v19 =	vld [tilespmem:s10+$0x40]  }
0x212: {  	v26 =	vmul.f32 v44, v26;
	v36 =	vsel vm2, s1, v50;
	v50 =	vperm.xlane v21, v7;
	v5, _, _ =	vpop (xrf2);
	s1 =	spop (v2sf);
	[tilespmem:s10+$0xFFFFFF20] =	vst v38;
	v38 =	vld [tilespmem:s10+$0x50]  }
0x213: {  	v44 =	vperm.xlane v21, v6;
	s1 =	smax.f32 s1, $-5.000000000e+00;
	(v2sf) =	vpush v5, $0xF;
	[tilespmem:s10+$0xFFFFFF30] =	vst v39;
	v5 =	vmul.f32 v45, v30;
	v30 =	vld [tilespmem:s10+$0x60]  }
0x214: {  	s1 =	smin.f32 s1, $5.000000000e+00;
	(xrf2) =	vadd.scan.msk.f32 $0xffff, v18;
	[tilespmem:s10+$0xFFFFFF40] =	vst v26;
	v18 =	vmul.f32 v46, v20;
	v20 =	vmul.f32 v48, v32;
	v32 =	vld [tilespmem:s10+$0x70]  }
0x215: {  	v35 =	vsel vm2, s1, v35;
	v39 =	vld [tilespmem:s0+$0x80];
	v4 =	vmul.f32 v4, v44;
	v21, _, _ =	vpop (xrf2);
	s1 =	spop (v2sf);
	[tilespmem:s10+$0xFFFFFF50] =	vst v5;
	v5 =	vmul.f32 v49, v27  }
0x216: {  	v14 =	vmul.f32 v47, v14;
	s1 =	smax.f32 s1, $-5.000000000e+00;
	v44 =	vld [tilespmem:s0+$0x90];
	(v2sf) =	vpush v21, $0xF;
	[tilespmem:s10+$0xFFFFFF60] =	vst v18;
	v18 =	vmul.f32 v51, v31  }
0x217: {  	s1 =	smin.f32 s1, $5.000000000e+00;
	v31 =	vld [tilespmem:s0+$0xA0];
	[tilespmem:s0+$0xF0] =	vst v4;
	(xrf2) =	vadd.scan.msk.f32 $0xffff, v17;
	v4 =	vmul.f32 v53, v23;
	v17 =	vmul.f32 v24, v33  }
0x218: {  	v45 =	vmul.f32 v54, v28;
	v46 =	vmul.f32 v58, v29;
	v33 =	vsel vm2, s1, v42;
	v42 =	vld [tilespmem:s0+$0xB0];
	s1 =	spop (v2sf);
	v21, _, _ =	vpop (xrf2);
	[tilespmem:s10+$0xFFFFFF70] =	vst v20  }
0x219: {  	v48 =	vmul.f32 v61, v55;
	s1 =	smax.f32 s1, $-5.000000000e+00;
	v47 =	vld [tilespmem:s0+$0xC0];
	(v2sf) =	vpush v21, $0xF;
	[tilespmem:s10+$0xFFFFFF80] =	vst v5;
	v5 =	vmul.f32 v22, v25  }
0x21a: {  	v37 =	vmul.f32 v37, v56;
	v20 =	vmul.f32 v40, v57;
	s1 =	smin.f32 s1, $5.000000000e+00;
	v49 =	vld [tilespmem:s0+$0xD0];
	(xrf2) =	vadd.scan.msk.f32 $0xffff, v16;
	[tilespmem:s10+$0xFFFFFF90] =	vst v14  }
0x21b: {  	v24 =	vmul.f32 v19, v60;
	v25 =	vmul.f32 v0, v59;
	v29 =	vsel vm7, s1, v36;
	v14 =	vld [tilespmem:s0+$0xE0];
	v16, _, _ =	vpop (xrf2);
	s1 =	spop (v2sf);
	[tilespmem:s10+$0xFFFFFFA0] =	vst v18  }
0x21c: {  	v26 =	vmul.f32 v38, v62;
	v23 =	vmul.f32 v30, v63;
	s1 =	smax.f32 s1, $-5.000000000e+00;
	(v2sf) =	vpush v16, $0xF;
	[tilespmem:s10+$0xFFFFFFB0] =	vst v4  }
0x21d: {  	v27 =	vmul.f32 v32, v41;
	v19 =	vmul.f32 v39, v43;
	s1 =	smin.f32 s1, $5.000000000e+00;
	(xrf2) =	vadd.scan.msk.f32 $0xffff, v15;
	[tilespmem:s10+$0xFFFFFFC0] =	vst v17  }
.Ltmp1:
0x21e: {  	v21 =	vmul.f32 v44, v52;
	v22 =	vmul.f32 v31, v2;
	v28 =	vsel vm7, s1, v35;
	v0, _, _ =	vpop (xrf2);
	[tilespmem:s10+$0xFFFFFFD0] =	vst v45;
	(pc) =	sbr.rel @p1 .LBB2_5-.Ltmp1, $4  }
0x21f: {  	v17 =	vmul.f32 v42, v3;
	v18 =	vmul.f32 v47, v1;
	(v2sf) =	vpush v0, $0xF;
	s1 =	spop (v2sf);
	[tilespmem:s10+$0xFFFFFFE0] =	vst v46  }
0x220: {  	v16 =	vmul.f32 v49, v34;
	s1 =	smax.f32 s1, $-5.000000000e+00;
	v15 =	vmul.f32 v14, v50;
	(xrf2) =	vadd.scan.msk.f32 $0xffff, v13;
	[tilespmem:s10+$0xFFFFFFF0] =	vst v5  }
0x221: {  	s1 =	smin.f32 s1, $5.000000000e+00;
	v0, _, _ =	vpop (xrf2);
	[tilespmem:s10+$0x0] =	vst v48  }
0x222: {  	s12 =	sadd.s32 $0x100, s12;
	v14 =	vsel vm7, s1, v33;
	s1 =	spop (v2sf);
	(v2sf) =	vpush v0, $0xF;
	[tilespmem:s10+$0x10] =	vst v37  }
0x223: {  	(xrf2) =	vadd.scan.msk.f32 $0xffff, v12;
	_ =	sdelay $0x5  }
0x224: {  	(xrf2) =	vadd.scan.msk.f32 $0xffff, v11  }
0x225: {  	v0, _, _ =	vpop (xrf2);
	(xrf2) =	vadd.scan.msk.f32 $0xffff, v10  }
0x226: {  	(v2sf) =	vpush v0, $0xF;
	v36, _, _ =	vpop (xrf2)  }
0x227: {  	(v2sf) =	vpush v36, $0xF;
	v37, _, _ =	vpop (xrf2)  }
0x228: {  	(v2sf) =	vpush v37, $0xF;
	v38, _, _ =	vpop (xrf2)  }
0x229: {  	(v2sf) =	vpush v38, $0xF;
	_ =	sdelay $0x4  }
0x22a: {  	v39, _, _ =	vpop (xrf2)  }
0x22b: {  	v1, _, _ =	vpop (xrf2);
	(v2sf) =	vpush v39, $0xF  }
0x22c: {  	s1 =	smax.f32 s1, $-5.000000000e+00;
	s2 =	spop (v2sf);
	(v2sf) =	vpush v1, $0xF  }
0x22d: {  	s1 =	smin.f32 s1, $5.000000000e+00;
	s3 =	spop (v2sf)  }
0x22e: {  	s2 =	smax.f32 s2, $-5.000000000e+00;
	s4 =	spop (v2sf)  }
0x22f: {  	s2 =	smin.f32 s2, $5.000000000e+00;
	s5 =	spop (v2sf)  }
0x230: {  	s3 =	smax.f32 s3, $-5.000000000e+00;
	s6 =	spop (v2sf)  }
0x231: {  	s19 =	smin.f32 s3, $5.000000000e+00;
	s7 =	spop (v2sf)  }
0x232: {  	s4 =	smax.f32 s4, $-5.000000000e+00;
	s8 =	spop (v2sf)  }
0x233: {  	s4 =	smin.f32 s4, $5.000000000e+00;
	s9 =	spop (v2sf)  }
0x234: {  	v40 =	vsel vm3, s1, v29;
	s16 =	smax.f32 s7, $-5.000000000e+00;
	s17 =	spop (v2sf)  }
0x235: {  	v0 =	vsel vm4, s4, v40;
	s1 =	smin.f32 s16, $5.000000000e+00;
	s7 =	smax.f32 s17, $-5.000000000e+00  }
0x236: {  	s23 =	smax.f32 s5, $-5.000000000e+00;
	v0 =	vsel vm5, s1, v0;
	s18 =	smin.f32 s7, $5.000000000e+00  }
0x237: {  	s3 =	smin.f32 s23, $5.000000000e+00;
	s5 =	smax.f32 s6, $-5.000000000e+00;
	v0 =	vsel vm6, s18, v0  }
0x238: {  	s4 =	smin.f32 s5, $5.000000000e+00;
	s6 =	smax.f32 s8, $-5.000000000e+00;
	v0 =	vmul.f32 $1.442695020e+00, v0  }
0x239: {  	s5 =	smin.f32 s6, $5.000000000e+00;
	s7 =	smax.f32 s9, $-5.000000000e+00  }
0x23a: {  	v41 =	vsel vm3, s2, v28;
	s9 =	spop (v2sf);
	s8 =	smin.f32 s7, $5.000000000e+00;
	(erf) = vpow2.f32 v0  }
0x23b: {  	v42 =	vsel vm3, s19, v14;
	s6 =	smax.f32 s9, $-5.000000000e+00;
	s11 =	spop (v2sf);
	v0 =	vsel vm4, s3, v41  }
0x23c: {  	[tilespmem:s10+$0x20] =	vst v20;
	v1 =	vsel vm4, s4, v42;
	s12 =	smin.f32 s6, $5.000000000e+00;
	s13 =	smax.f32 s11, $-5.000000000e+00;
	v0 =	vsel vm5, s5, v0  }
0x23d: {  	[tilespmem:s10+$0x30] =	vst v25;
	v1 =	vsel vm5, s8, v1;
	s3 =	smin.f32 s13, $5.000000000e+00;
	v0 =	vsel vm6, s12, v0  }
0x23e: {  	[tilespmem:s10+$0x40] =	vst v24;
	v1 =	vsel vm6, s3, v1;
	v0 =	vmul.f32 $1.442695020e+00, v0  }
0x23f: {  	[tilespmem:s10+$0x50] =	vst v26;
	v1 =	vmul.f32 $1.442695020e+00, v1  }
0x240: {  	[tilespmem:s10+$0x60] =	vst v23;
	(erf) = vpow2.f32 v0  }
0x241: {  	[tilespmem:s10+$0x70] =	vst v27;
	(erf) = vpow2.f32 v1  }
0x242: {  	[tilespmem:s0+$0x80] =	vst v19  }
0x243: {  	[tilespmem:s0+$0x90] =	vst v21;
	v43 =	vpop (erf)  }
0x244: {  	[tilespmem:s21+$0xFFFFFFE0] =	vst v43  }
0x245: {  	[tilespmem:s0+$0xA0] =	vst v22;
	v44 =	vld [tilespmem:s0+$0xFFFFFF00]  }
0x246: {  	[tilespmem:s0+$0xB0] =	vst v17;
	v2 =	vld [tilespmem:s0+$0xFFFFFF10]  }
0x247: {  	[tilespmem:s0+$0xC0] =	vst v18;
	v52 =	vimm.s32 $0x0;
	v3 =	vld [tilespmem:s0+$0xFFFFFF20]  }
0x248: {  	[tilespmem:s0+$0xD0] =	vst v16;
	v51 =	vimm.s32 $0x1;
	v5 =	vperm.xlane v43, v52;
	v17 =	vld [tilespmem:s0+$0xFFFFFF70]  }
0x249: {  	[tilespmem:s0+$0xE0] =	vst v15;
	v50 =	vimm.s32 $0x2;
	v12 =	vperm.xlane v43, v51;
	v4 =	vld [tilespmem:s0+$0xFFFFFF30];
	v11 =	vpop (erf)  }
0x24a: {  	v14 =	vperm.xlane v43, v50;
	v10 =	vld [tilespmem:s0+$0xFFFFFF40];
	[tilespmem:s21+$0xFFFFFFF0] =	vst v11;
	v15 =	vpop (erf);
	v1 =	vmul.f32 v44, v5  }
0x24b: {  	v49 =	vimm.s32 $0x3;
	v0 =	vperm.xlane v43, v6;
	v13 =	vld [tilespmem:s0+$0xFFFFFF50];
	[tilespmem:s21+$0x0] =	vst v15;
	v2 =	vmul.f32 v2, v12  }
0x24c: {  	v16 =	vld [tilespmem:s0+$0xFFFFFF60];
	v5 =	vperm.xlane v43, v49;
	v3 =	vmul.f32 v3, v14;
	[tilespmem:s0+$0xFFFFFF00] =	vst v1  }
0x24d: {  	v12 =	vperm.xlane v43, v9;
	v14 =	vld [tilespmem:s0+$0xFFFFFF90];
	v0 =	vmul.f32 v17, v0;
	[tilespmem:s0+$0xFFFFFF10] =	vst v2  }
0x24e: {  	v45 =	vperm.xlane v43, v8;
	v18 =	vld [tilespmem:s0+$0xFFFFFF80];
	v4 =	vmul.f32 v4, v5;
	[tilespmem:s0+$0xFFFFFF20] =	vst v3  }
0x24f: {  	v46 =	vperm.xlane v43, v7;
	v5 =	vld [tilespmem:s0+$0xFFFFFFA0];
	v47 =	vmul.f32 v10, v12;
	[tilespmem:s0+$0xFFFFFF70] =	vst v0  }
0x250: {  	v48 =	vperm.xlane v11, v51;
	v10 =	vld [tilespmem:s0+$0xFFFFFFB0];
	v1 =	vmul.f32 v13, v45;
	[tilespmem:s0+$0xFFFFFF30] =	vst v4  }
0x251: {  	v12 =	vld [tilespmem:s0+$0xFFFFFFC0];
	v2 =	vmul.f32 v16, v46;
	v4 =	vperm.xlane v11, v52;
	[tilespmem:s0+$0xFFFFFF40] =	vst v47  }
0x252: {  	v53 =	vperm.xlane v11, v50;
	v16 =	vld [tilespmem:s0+$0xFFFFFFE0];
	[tilespmem:s0+$0xFFFFFF50] =	vst v1;
	v3 =	vmul.f32 v14, v48  }
0x253: {  	v54 =	vperm.xlane v11, v49;
	v17 =	vld [tilespmem:s0+$0xFFFFFFF0];
	[tilespmem:s0+$0xFFFFFF60] =	vst v2;
	v4 =	vmul.f32 v18, v4  }
0x254: {  	v55 =	vperm.xlane v11, v9;
	v13 =	vld [tilespmem:s0+$0xFFFFFFD0];
	v1 =	vmul.f32 v5, v53;
	[tilespmem:s0+$0xFFFFFF90] =	vst v3  }
0x255: {  	v56 =	vperm.xlane v11, v7;
	v14 =	vld [tilespmem:s0+$0x0];
	v2 =	vmul.f32 v10, v54;
	[tilespmem:s0+$0xFFFFFF80] =	vst v4  }
0x256: {  	v57 =	vperm.xlane v11, v6;
	v5 =	vld [tilespmem:s0+$0x10];
	v0 =	vmul.f32 v12, v55;
	[tilespmem:s0+$0xFFFFFFA0] =	vst v1  }
0x257: {  	v12 =	vld [tilespmem:s0+$0x40];
	v3 =	vmul.f32 v16, v56;
	v4 =	vperm.xlane v11, v8;
	[tilespmem:s0+$0xFFFFFFB0] =	vst v2  }
0x258: {  	v58 =	vperm.xlane v15, v52;
	v10 =	vld [tilespmem:s0+$0x20];
	[tilespmem:s0+$0xFFFFFFC0] =	vst v0;
	v1 =	vmul.f32 v17, v57  }
0x259: {  	v59 =	vperm.xlane v15, v51;
	v11 =	vld [tilespmem:s0+$0x30];
	[tilespmem:s0+$0xFFFFFFE0] =	vst v3;
	v4 =	vmul.f32 v13, v4  }
0x25a: {  	v61 =	vperm.xlane v15, v9;
	v16 =	vld [tilespmem:s0+$0x60];
	v2 =	vmul.f32 v14, v58;
	[tilespmem:s0+$0xFFFFFFF0] =	vst v1  }
0x25b: {  	v13 =	vld [tilespmem:s0+$0x50];
	[tilespmem:s0+$0xFFFFFFD0] =	vst v4;
	v4 =	vperm.xlane v15, v50;
	v0 =	vmul.f32 v5, v59  }
0x25c: {  	v60 =	vperm.xlane v15, v49;
	v14 =	vld [tilespmem:s0+$0x70];
	[tilespmem:s0+$0x0] =	vst v2;
	v1 =	vmul.f32 v12, v61  }
0x25d: {  	v63 =	vperm.xlane v15, v7;
	v4 =	vmul.f32 v10, v4;
	[tilespmem:s0+$0x10] =	vst v0  }
0x25e: {  	v62 =	vperm.xlane v15, v8;
	v3 =	vmul.f32 v11, v60;
	[tilespmem:s0+$0x40] =	vst v1  }
0x25f: {  	v0 =	vmul.f32 v16, v63;
	[tilespmem:s0+$0x20] =	vst v4;
	v4 =	vperm.xlane v15, v6  }
0x260: {  	s14 =	smul.u32 $0xA0, s20;
	v2 =	vmul.f32 v13, v62;
	[tilespmem:s0+$0x30] =	vst v3  }
0x261: {  	[tilespmem:s0+$0x60] =	vst v0;
	v32 =	vmul.f32 v14, v4  }
0x262: {  	s29 =	rddreg [dreg:$0x2];
	s16 =	simm.s32 $0x2940;
	s1 =	sshrl.u32 s14, $0x2;
	[tilespmem:s0+$0x50] =	vst v2  }
0x263: {  	s15 =	sadd.s32 $0xA0, s1;
	s1 =	sadd.s32 @!p0 $0x3, s26;
	s17 =	simm.s32 $0x28;
	[tilespmem:s0+$0x70] =	vst v32  }
0x264: {  	[spmem:s29] =	stream.indirect.scatter.add.f32 [tilespmem:s16], [sflag:$0x6], $0x80, s15, s17, $0xb8;
	[tilespmem:$0x1B5D0] =	vst v63  }
0x265: {  	s2 =	smul.u32 @!p0 $0x28, s1;
	s0 =	sand.u32 @!p0 $0x3, s1;
	s1 =	sld [smem:$0x7F6]  }
0x266: {  	s30 =	rddreg [dreg:$0x3];
	s18 =	simm.s32 $0x5140  }
0x267: {  	[spmem:s30] =	stream.indirect.scatter.add.f32 [tilespmem:s18], [sflag:$0x7], $0x10, s15, s17, $0xb8;
	[tilespmem:$0x1B5D0] =	vst v63  }
0x268: {  	s1 =	sadd.s32 @!p0 s1, s2  }
0x269: {  	s0 =	smul.u32 @!p0 $0x28, s0;
	s2 =	rddreg [dreg:$0x8];
	s1 =	sshrl.u32 @!p0 s1, $0x3  }
0x26a: {  	s1 =	sadd.s32 @!p0 s2, s1;
	s2 =	simm.s32 @!p0 $0x0  }
0x26b: {  	[tilespmem:s0], [sflag:$0x5] =	stream.linear.gather @!p0 [hbm4b:s1+s2], $0x28, $0x38;
	[tilespmem:$0x1B5D0] =	vst v63  }
0x26c: {  	s0 =	sadd.s32 @!p0 $0xA0, s0;
	s1 =	sadd.s32 @!p0 $0x9C40, s1  }
0x26d: {  	[tilespmem:s0], [sflag:$0x5] =	stream.linear.gather @!p0 [hbm4b:s1+s2], $0x28, $0x38;
	[tilespmem:$0x1B5D0] =	vst v63  }
0x26e: {  	s0 =	simm.s32 @!p0 $0x4  }
0x26f: {  	_ =	swait.ge @!p0 [sflag:s0], $0x28  }
0x270: {  	[sflag:s0] =	ssyncset.done @!p0 $0x0  }
0x271: {  	[sflag:s0] =	ssyncadd.s32 @!p0 $0xFFFFFFD8  }
0x272: {  	_ =	swait.ge @!p0 [sflag:s0], $0x28  }
0x273: {  	[sflag:s0] =	ssyncset.done @!p0 $0x0  }
0x274: {  	[sflag:s0] =	ssyncadd.s32 @!p0 $0xFFFFFFD8;
	s0 =	simm.s32 @!p0 $0x6  }
0x275: {  	_ =	swait.ge @!p0 [sflag:s0], $0x1400  }
0x276: {  	[sflag:s0] =	ssyncset.done @!p0 $0x0  }
0x277: {  	[sflag:s0] =	ssyncadd.s32 @!p0 $0xFFFFEC00;
	s0 =	simm.s32 @!p0 $0x7  }
0x278: {  	_ =	swait.ge @!p0 [sflag:s0], $0x280  }
0x279: {  	s1 =	simm.s32 @!p0 $0x140;
	[sflag:s0] =	ssyncset.done @!p0 $0x0  }
0x27a: {  	s31 =	rddreg [dreg:$0x6];
	[sflag:s0] =	ssyncadd.s32 @!p0 $0xFFFFFD80;
	s0 =	simm.s32 @!p0 $0x28  }
0x27b: {  	[tilespmem:s1], [sflag:$0x1] =	stream.indirect.gather @!p0 [hbm4b:s31+s0], $0x40, s24, s0, $0xb8;
	[tilespmem:$0x1B5D0] =	vst v63  }
0x27c: {  	s2 =	rddreg [dreg:$0x7];
	s1 =	simm.s32 @!p0 $0x1540  }
0x27d: {  	[tilespmem:s1], [sflag:$0x2] =	stream.indirect.gather @!p0 [hbm4b:s2+s0], $0x40, s25, s0, $0xb8;
	[tilespmem:$0x1B5D0] =	vst v63  }
0x27e: {  	s19 =	simm.s32 $0x1;
	s28 =	rddreg [dreg:$0x1];
	s1 =	simm.s32 @!p0 $0x2940  }
0x27f: {  	[tilespmem:s1], [sflag:$0x3] =	stream.indirect.gather @!p0 [hbm4b:s28+s0], $0x80, s24, s0, $0xb8;
	[tilespmem:$0x1B5D0] =	vst v63  }
0x280: {  	_ =	swait.ge [sflag:s19], $0xA00  }
0x281: {  	[sflag:s19] =	ssyncset.done $0x0  }
0x282: {  	s20 =	simm.s32 $0x2;
	[sflag:s19] =	ssyncadd.s32 $0xFFFFF600  }
0x283: {  	_ =	swait.ge [sflag:s20], $0xA00  }
0x284: {  	[sflag:s20] =	ssyncset.done $0x0  }
0x285: {  	s21 =	simm.s32 $0x3;
	[sflag:s20] =	ssyncadd.s32 $0xFFFFF600  }
0x286: {  	_ =	swait.ge [sflag:s21], $0x1400  }
0x287: {  	[sflag:s21] =	ssyncset.done $0x0  }
0x288: {  	s23 =	simm.s32 $0xC30;
	[sflag:s21] =	ssyncadd.s32 $0xFFFFEC00  }
0x289: {  	s24 =	simm.s32 $0x2030;
	v33 =	vld [tilespmem:s23+$0x0]  }
0x28a: {  	v34 =	vld [tilespmem:s24+$0x0]  }
0x28b: {  	v35 =	vld [tilespmem:s23+$0xFFFFFFF0]  }
0x28c: {  	v36 =	vld [tilespmem:s24+$0xFFFFFFF0]  }
0x28d: {  	v4 =	vld [tilespmem:s23+$0xFFFFFFE0]  }
0x28e: {  	v5 =	vld [tilespmem:s24+$0xFFFFFFE0]  }
0x28f: {  	v10 =	vld [tilespmem:s23+$0xFFFFFFD0]  }
0x290: {  	v13 =	vld [tilespmem:s24+$0xFFFFFFD0];
	v11 =	vunpack.i.u.bf16.f32 v33;
	v12 =	vunpack.i.u.bf16.f32 v34  }
0x291: {  	v0 =	vunpack.i.l.bf16.f32 v33;
	v1 =	vunpack.i.l.bf16.f32 v34;
	v11 =	vmul.f32 v12, v11  }
0x292: {  	v14 =	vld [tilespmem:s24+$0xFFFFFF10];
	v37 =	vunpack.i.u.bf16.f32 v35;
	v0 =	vmul.f32 v1, v0;
	v12 =	vunpack.i.u.bf16.f32 v36  }
0x293: {  	v15 =	vld [tilespmem:s23+$0xFFFFFF10];
	v2 =	vunpack.i.l.bf16.f32 v35;
	v3 =	vunpack.i.l.bf16.f32 v36;
	v1 =	vmul.f32 v12, v37;
	(xrf2) =	vadd.scan.msk.f32 $0xffff, v11  }
0x294: {  	v39 =	vunpack.i.u.bf16.f32 v4;
	v40 =	vunpack.i.u.bf16.f32 v5;
	v38 =	vmul.f32 v3, v2;
	v12 =	vld [tilespmem:s24+$0xFFFFFF50];
	(xrf2) =	vadd.scan.msk.f32 $0xffff, v0  }
0x295: {  	v42 =	vunpack.i.u.bf16.f32 v10;
	v43 =	vunpack.i.u.bf16.f32 v13;
	v41 =	vmul.f32 v40, v39;
	v11 =	vld [tilespmem:s23+$0xFFFFFF50];
	(xrf2) =	vadd.scan.msk.f32 $0xffff, v1  }
0x296: {  	v48 =	vld [tilespmem:s24+$0xFFFFFF90];
	v45 =	vunpack.i.l.bf16.f32 v10;
	v46 =	vunpack.i.l.bf16.f32 v13;
	v44 =	vmul.f32 v43, v42;
	(xrf2) =	vadd.scan.msk.f32 $0xffff, v38  }
0x297: {  	v10 =	vld [tilespmem:s23+$0xFFFFFF90];
	v54 =	vunpack.i.l.bf16.f32 v4;
	v47 =	vmul.f32 v46, v45;
	(xrf2) =	vadd.scan.msk.f32 $0xffff, v41  }
0x298: {  	v4 =	vunpack.i.l.bf16.f32 v5;
	v55 =	vunpack.i.l.bf16.f32 v14;
	v13 =	vld [tilespmem:s23+$0xFFFFFF20];
	v16 =	vunpack.i.l.bf16.f32 v15;
	(xrf2) =	vadd.scan.msk.f32 $0xffff, v44  }
0x299: {  	v53 =	vunpack.i.u.bf16.f32 v14;
	v14 =	vld [tilespmem:s24+$0xFFFFFF20];
	v3 =	vmul.f32 v4, v54;
	v1 =	vmul.f32 v55, v16;
	(xrf2) =	vadd.scan.msk.f32 $0xffff, v47  }
0x29a: {  	v5 =	vunpack.i.u.bf16.f32 v11;
	v4 =	vunpack.i.l.bf16.f32 v11;
	v11 =	vunpack.i.l.bf16.f32 v12  }
0x29b: {  	v16 =	vld [tilespmem:s24+$0xFFFFFF60];
	v56 =	vunpack.i.u.bf16.f32 v12;
	v12 =	vunpack.i.l.bf16.f32 v48;
	v4 =	vmul.f32 v11, v4  }
0x29c: {  	v11 =	vunpack.i.l.bf16.f32 v10;
	(xrf2) =	vadd.scan.msk.f32 $0xffff, v3;
	v3 =	vmul.f32 v56, v5;
	v5 =	vunpack.i.u.bf16.f32 v15  }
0x29d: {  	v17 =	vld [tilespmem:s23+$0xFFFFFF60];
	v57 =	vunpack.i.u.bf16.f32 v48;
	v58 =	vunpack.i.l.bf16.f32 v13;
	v11 =	vmul.f32 v12, v11;
	v18, _, _ =	vpop (xrf2)  }
0x29e: {  	v60 =	vunpack.i.u.bf16.f32 v14;
	v10 =	vunpack.i.u.bf16.f32 v10;
	(xrf2) =	vadd.scan.msk.f32 $0xffff, v1;
	v0 =	vmul.f32 v53, v5;
	v12, _, _ =	vpop (xrf2)  }
0x29f: {  	v15 =	vld [tilespmem:s23+$0xFFFFFFA0];
	v1 =	vmul.f32 v57, v10;
	(xrf2) =	vadd.scan.msk.f32 $0xffff, v4;
	v4 =	vunpack.i.u.bf16.f32 v13;
	v13 =	vunpack.i.l.bf16.f32 v14;
	v5, _, _ =	vpop (xrf2)  }
0x2a0: {  	v10 =	vld [tilespmem:s24+$0xFFFFFFA0];
	v2 =	vmul.f32 v13, v58;
	v13 =	vunpack.i.l.bf16.f32 v16;
	(v2sf) =	vpush v18, $0xF;
	v19, _, _ =	vpop (xrf2);
	(xrf2) =	vadd.scan.msk.f32 $0xffff, v11  }
0x2a1: {  	v61 =	vmul.f32 v60, v4;
	v4 =	vld [tilespmem:s23+$0xFFFFFF70];
	(v2sf) =	vpush v12, $0xF;
	v11, _, _ =	vpop (xrf2);
	(xrf2) =	vadd.scan.msk.f32 $0xffff, v0  }
0x2a2: {  	v59 =	vunpack.i.l.bf16.f32 v17;
	v12 =	vld [tilespmem:s23+$0xFFFFFF30];
	(v2sf) =	vpush v5, $0xF;
	v18, _, _ =	vpop (xrf2);
	(xrf2) =	vadd.scan.msk.f32 $0xffff, v3  }
0x2a3: {  	v35 =	vld [tilespmem:s24+$0xFFFFFF40];
	v0 =	vmul.f32 v13, v59;
	(v2sf) =	vpush v19, $0xF;
	v13, _, _ =	vpop (xrf2);
	(xrf2) =	vadd.scan.msk.f32 $0xffff, v1  }
0x2a4: {  	v62 =	vunpack.i.u.bf16.f32 v17;
	v63 =	vunpack.i.u.bf16.f32 v16;
	v5 =	vld [tilespmem:s24+$0xFFFFFF30];
	(v2sf) =	vpush v13, $0xF  }
0x2a5: {  	(v2sf) =	vpush v11, $0xF;
	v11 =	vunpack.i.l.bf16.f32 v10;
	v10 =	vunpack.i.u.bf16.f32 v10  }
0x2a6: {  	v14 =	vunpack.i.u.bf16.f32 v15;
	v32 =	vunpack.i.l.bf16.f32 v15;
	(xrf2) =	vadd.scan.msk.f32 $0xffff, v2;
	v13 =	vld [tilespmem:s24+$0xFFFFFF70];
	v16, _, _ =	vpop (xrf2);
	(v2sf) =	vpush v18, $0xF  }
0x2a7: {  	v15 =	vld [tilespmem:s23+$0xFFFFFFB0];
	v17 =	vunpack.i.l.bf16.f32 v4;
	(xrf2) =	vadd.scan.msk.f32 $0xffff, v0;
	(v2sf) =	vpush v16, $0xF;
	v16 =	vunpack.i.l.bf16.f32 v12  }
0x2a8: {  	v4 =	vunpack.i.u.bf16.f32 v4;
	v0 =	vmul.f32 v11, v32;
	v11 =	vld [tilespmem:s24+$0xFFFFFFB0];
	v33 =	vmul.f32 v10, v14;
	v10, _, _ =	vpop (xrf2)  }
0x2a9: {  	v1 =	vunpack.i.u.bf16.f32 v35;
	v14 =	vunpack.i.l.bf16.f32 v5;
	v18, _, _ =	vpop (xrf2);
	(v2sf) =	vpush v10, $0xF  }
0x2aa: {  	v34 =	vld [tilespmem:s23+$0xFFFFFF40];
	v2 =	vmul.f32 v63, v62;
	v14 =	vmul.f32 v14, v16;
	(xrf2) =	vadd.scan.msk.f32 $0xffff, v0;
	(v2sf) =	vpush v18, $0xF;
	v16, _, _ =	vpop (xrf2)  }
0x2ab: {  	v5 =	vunpack.i.u.bf16.f32 v5;
	v10 =	vunpack.i.l.bf16.f32 v13;
	(v2sf) =	vpush v16, $0xF;
	v16, _, _ =	vpop (xrf2);
	(xrf2) =	vadd.scan.msk.f32 $0xffff, v61  }
0x2ac: {  	v12 =	vunpack.i.u.bf16.f32 v12;
	v10 =	vmul.f32 v10, v17;
	(v2sf) =	vpush v16, $0xF;
	v16, _, _ =	vpop (xrf2);
	(xrf2) =	vadd.scan.msk.f32 $0xffff, v2  }
0x2ad: {  	v17 =	vunpack.i.l.bf16.f32 v15;
	v36 =	vunpack.i.l.bf16.f32 v11;
	(v2sf) =	vpush v16, $0xF;
	v16, _, _ =	vpop (xrf2);
	(xrf2) =	vadd.scan.msk.f32 $0xffff, v33  }
0x2ae: {  	v38 =	vld [tilespmem:s23+$0xFFFFFFC0];
	v5 =	vmul.f32 v5, v12;
	v12 =	vunpack.i.u.bf16.f32 v15;
	v2 =	vmul.f32 v36, v17;
	(xrf2) =	vadd.scan.msk.f32 $0xffff, v14  }
0x2af: {  	v0 =	vunpack.i.u.bf16.f32 v34;
	v37 =	vunpack.i.u.bf16.f32 v13;
	(v2sf) =	vpush v16, $0xF;
	(xrf2) =	vadd.scan.msk.f32 $0xffff, v10  }
0x2b0: {  	v3 =	vmul.f32 v37, v4;
	v4 =	vunpack.i.l.bf16.f32 v34;
	v11 =	vunpack.i.u.bf16.f32 v11;
	s25 =	spop (v2sf);
	v13, _, _ =	vpop (xrf2);
	v14 =	vld [tilespmem:s23+$0xFFFFFF80];
	(xrf2) =	vadd.scan.msk.f32 $0xffff, v2  }
0x2b1: {  	v11 =	vmul.f32 v11, v12;
	v12 =	vunpack.i.l.bf16.f32 v35;
	s26 =	spop (v2sf);
	(v2sf) =	vpush v13, $0xF;
	v13, _, _ =	vpop (xrf2);
	v10 =	vld [tilespmem:s24+$0xFFFFFF80];
	(xrf2) =	vadd.scan.msk.f32 $0xffff, v5  }
0x2b2: {  	v0 =	vmul.f32 v1, v0;
	v17 =	vlaneseq.u32;
	v4 =	vmul.f32 v12, v4;
	s8 =	spop (v2sf);
	v5 =	vld [tilespmem:s24+$0xFFFFFFC0]  }
0x2b3: {  	v12 =	vunpack.i.l.bf16.f32 v38;
	vm0 =	veq.s32 v17, $0x0;
	vm1 =	veq.s32 v17, $0x1;
	s25 =	smax.f32 s25, $-5.000000000e+00;
	s13 =	spop (v2sf);
	(xrf2) =	vadd.scan.msk.f32 $0xffff, v3  }
0x2b4: {  	vm2 =	veq.s32 v17, $0x2;
	vm7 =	veq.s32 v17, $0x3;
	vm3 =	veq.s32 v17, $0x4;
	s3 =	smax.f32 s26, $-5.000000000e+00;
	v39, _, _ =	vpop (xrf2);
	s14 =	spop (v2sf)  }
0x2b5: {  	vm4 =	veq.s32 v17, $0x5;
	vm5 =	veq.s32 v17, $0x6;
	(v2sf) =	vpush v13, $0xF;
	s1 =	smax.f32 s13, $-5.000000000e+00;
	(xrf2) =	vadd.scan.msk.f32 $0xffff, v11;
	s15 =	spop (v2sf);
	v40, _, _ =	vpop (xrf2)  }
0x2b6: {  	(v2sf) =	vpush v39, $0xF;
	s0 =	smax.f32 s14, $-5.000000000e+00;
	(xrf2) =	vadd.scan.msk.f32 $0xffff, v4;
	v4 =	vunpack.i.l.bf16.f32 v14;
	v11 =	vunpack.i.l.bf16.f32 v10;
	s17 =	spop (v2sf);
	v41, _, _ =	vpop (xrf2)  }
0x2b7: {  	s9 =	simm.s32 $0x2130;
	s16 =	smin.f32 s0, $5.000000000e+00;
	v4 =	vmul.f32 v11, v4;
	s0 =	smax.f32 s17, $-5.000000000e+00;
	(v2sf) =	vpush v40, $0xF;
	v13 =	vunpack.i.l.bf16.f32 v5;
	v42, _, _ =	vpop (xrf2)  }
0x2b8: {  	s18 =	spop (v2sf);
	s19 =	smin.f32 s0, $5.000000000e+00;
	(v2sf) =	vpush v41, $0xF;
	s0 =	simm.s32 $0xD30;
	v11 =	vmul.f32 v13, v12;
	v13 =	vunpack.i.u.bf16.f32 v14;
	v14 =	vld [tilespmem:s9+$0x0];
	v43, _, _ =	vpop (xrf2)  }
0x2b9: {  	v2 =	vunpack.i.u.bf16.f32 v38;
	s2 =	smax.f32 s15, $-5.000000000e+00;
	v16 =	vmov s16;
	s20 =	spop (v2sf);
	(v2sf) =	vpush v42, $0xF;
	v12 =	vld [tilespmem:s0+$0x0];
	v44, _, _ =	vpop (xrf2)  }
0x2ba: {  	v5 =	vunpack.i.u.bf16.f32 v5;
	s5 =	smax.f32 s18, $-5.000000000e+00;
	v47 =	vnsel vm0, $0x0, v16;
	v15 =	vld [tilespmem:s0+$0xFFFFFFF0];
	s12 =	spop (v2sf);
	(v2sf) =	vpush v43, $0xF;
	v45, _, _ =	vpop (xrf2)  }
0x2bb: {  	v2 =	vmul.f32 v5, v2;
	s11 =	smin.f32 s5, $5.000000000e+00;
	v1 =	vsel vm1, s19, v47;
	v5 =	vld [tilespmem:s0+$0xFFFFFFD0];
	s23 =	spop (v2sf);
	(v2sf) =	vpush v44, $0xF;
	v46, _, _ =	vpop (xrf2);
	(xrf2) =	vadd.scan.msk.f32 $0xffff, v4  }
0x2bc: {  	v10 =	vunpack.i.u.bf16.f32 v10;
	s21 =	smin.f32 s2, $5.000000000e+00;
	v1 =	vsel vm2, s11, v1;
	s15 =	spop (v2sf);
	(v2sf) =	vpush v45, $0xF;
	v4 =	vld [tilespmem:s9+$0xFFFFFFF0];
	(xrf2) =	vadd.scan.msk.f32 $0xffff, v11  }
0x2bd: {  	s1 =	smin.f32 s1, $5.000000000e+00;
	v10 =	vmul.f32 v10, v13;
	v13 =	vld [tilespmem:s9+$0xFFFFFFE0];
	v1 =	vsel vm7, s21, v1;
	s16 =	spop (v2sf);
	(v2sf) =	vpush v46, $0xF;
	v48, _, _ =	vpop (xrf2)  }
0x2be: {  	s4 =	smax.f32 s8, $-5.000000000e+00;
	v1 =	vsel vm3, s1, v1;
	v11 =	vld [tilespmem:s0+$0xFFFFFFE0];
	v56 =	vunpack.i.u.bf16.f32 v14;
	s14 =	spop (v2sf);
	(v2sf) =	vpush v48, $0xF  }
0x2bf: {  	s26 =	smin.f32 s25, $5.000000000e+00;
	s4 =	smin.f32 s4, $5.000000000e+00;
	v16 =	vld [tilespmem:s9+$0xFFFFFFD0];
	(xrf2) =	vadd.scan.msk.f32 $0xffff, v0;
	v55 =	vunpack.i.u.bf16.f32 v12;
	v57 =	vunpack.i.l.bf16.f32 v12;
	v59 =	vunpack.i.u.bf16.f32 v15  }
0x2c0: {  	s24 =	smin.f32 s3, $5.000000000e+00;
	s10 =	smax.f32 s20, $-5.000000000e+00;
	v61 =	vunpack.i.l.bf16.f32 v15;
	(xrf2) =	vadd.scan.msk.f32 $0xffff, v10;
	v0 =	vmul.f32 v56, v55;
	v10 =	vunpack.i.l.bf16.f32 v14  }
0x2c1: {  	s13 =	smax.f32 s12, $-5.000000000e+00;
	s10 =	smin.f32 s10, $5.000000000e+00;
	v53, _, _ =	vpop (xrf2);
	v33 =	vunpack.i.u.bf16.f32 v5;
	(xrf2) =	vadd.scan.msk.f32 $0xffff, v2;
	v58 =	vmul.f32 v10, v57;
	v10 =	vunpack.i.u.bf16.f32 v4  }
0x2c2: {  	s2 =	smax.f32 s23, $-5.000000000e+00;
	s12 =	smin.f32 s13, $5.000000000e+00;
	v35 =	vunpack.i.l.bf16.f32 v5;
	(xrf2) =	vadd.scan.msk.f32 $0xffff, v0;
	v4 =	vunpack.i.l.bf16.f32 v4;
	v60 =	vmul.f32 v10, v59  }
0x2c3: {  	s13 =	smin.f32 s2, $5.000000000e+00;
	s15 =	smax.f32 s15, $-5.000000000e+00;
	(xrf2) =	vadd.scan.msk.f32 $0xffff, v58;
	v62 =	vmul.f32 v4, v61;
	v63 =	vunpack.i.u.bf16.f32 v11;
	v4 =	vunpack.i.u.bf16.f32 v13  }
0x2c4: {  	s19 =	smin.f32 s15, $5.000000000e+00;
	s7 =	spop (v2sf);
	(v2sf) =	vpush v53, $0xF;
	v54, _, _ =	vpop (xrf2);
	v32 =	vmul.f32 v4, v63;
	v4 =	vunpack.i.u.bf16.f32 v16;
	(xrf2) =	vadd.scan.msk.f32 $0xffff, v60  }
0x2c5: {  	s16 =	smax.f32 s16, $-5.000000000e+00;
	s11 =	spop (v2sf);
	(v2sf) =	vpush v54, $0xF;
	v34 =	vmul.f32 v4, v33;
	v4 =	vunpack.i.l.bf16.f32 v16;
	(xrf2) =	vadd.scan.msk.f32 $0xffff, v62;
	v10, _, _ =	vpop (xrf2)  }
0x2c6: {  	v1 =	vsel vm4, s4, v1;
	s21 =	smin.f32 s16, $5.000000000e+00;
	s17 =	spop (v2sf);
	v36 =	vmul.f32 v4, v35;
	(xrf2) =	vadd.scan.msk.f32 $0xffff, v32;
	(v2sf) =	vpush v10, $0xF;
	v5, _, _ =	vpop (xrf2)  }
0x2c7: {  	vm6 =	veq.s32 v17, $0x7;
	v1 =	vsel vm5, s24, v1;
	s18 =	smax.f32 s14, $-5.000000000e+00;
	s23 =	spop (v2sf);
	(xrf2) =	vadd.scan.msk.f32 $0xffff, v34;
	(v2sf) =	vpush v5, $0xF  }
0x2c8: {  	v38 =	vunpack.i.l.bf16.f32 v13;
	v1 =	vsel vm6, s26, v1;
	s3 =	smin.f32 s18, $5.000000000e+00;
	s6 =	smax.f32 s7, $-5.000000000e+00;
	v37 =	vunpack.i.l.bf16.f32 v11;
	(xrf2) =	vadd.scan.msk.f32 $0xffff, v36  }
0x2c9: {  	v1 =	vmul.f32 $1.442695020e+00, v1;
	s24 =	smin.f32 s6, $5.000000000e+00;
	s8 =	smax.f32 s11, $-5.000000000e+00;
	v2 =	vmul.f32 v38, v37;
	v39, _, _ =	vpop (xrf2)  }
0x2ca: {  	s25 =	smin.f32 s8, $5.000000000e+00;
	s11 =	smax.f32 s17, $-5.000000000e+00;
	v40, _, _ =	vpop (xrf2)  }
0x2cb: {  	(erf) = vpow2.f32 v1;
	s26 =	smin.f32 s11, $5.000000000e+00;
	s14 =	smax.f32 s23, $-5.000000000e+00;
	v4, _, _ =	vpop (xrf2);
	(xrf2) =	vadd.scan.msk.f32 $0xffff, v2  }
0x2cc: {  	s15 =	spop (v2sf);
	s4 =	smin.f32 s14, $5.000000000e+00;
	(v2sf) =	vpush v39, $0xF;
	v41, _, _ =	vpop (xrf2)  }
0x2cd: {  	s1 =	smax.f32 s15, $-5.000000000e+00;
	s16 =	spop (v2sf);
	(v2sf) =	vpush v40, $0xF;
	v42, _, _ =	vpop (xrf2)  }
0x2ce: {  	s1 =	smin.f32 s1, $5.000000000e+00;
	s17 =	spop (v2sf);
	(v2sf) =	vpush v4, $0xF;
	v43, _, _ =	vpop (xrf2)  }
0x2cf: {  	s2 =	smax.f32 s16, $-5.000000000e+00;
	s18 =	spop (v2sf);
	(v2sf) =	vpush v41, $0xF;
	v44, _, _ =	vpop (xrf2)  }
0x2d0: {  	s14 =	smin.f32 s2, $5.000000000e+00;
	s20 =	spop (v2sf);
	(v2sf) =	vpush v42, $0xF;
	v45, _, _ =	vpop (xrf2)  }
0x2d1: {  	s5 =	smax.f32 s17, $-5.000000000e+00;
	s7 =	spop (v2sf);
	(v2sf) =	vpush v43, $0xF;
	v46, _, _ =	vpop (xrf2)  }
0x2d2: {  	s8 =	smin.f32 s5, $5.000000000e+00;
	s11 =	spop (v2sf);
	(v2sf) =	vpush v44, $0xF;
	v47, _, _ =	vpop (xrf2)  }
0x2d3: {  	v26 =	vld [tilespmem:s9+$0xFFFFFF50];
	s15 =	smax.f32 s18, $-5.000000000e+00;
	s16 =	spop (v2sf);
	(v2sf) =	vpush v47, $0xF  }
0x2d4: {  	v22 =	vld [tilespmem:s0+$0xFFFFFF50];
	v53 =	vpop (erf);
	s15 =	smin.f32 s15, $5.000000000e+00;
	s23 =	spop (v2sf);
	(v2sf) =	vpush v45, $0xF  }
0x2d5: {  	v56 =	vmov s12;
	v61 =	vld [tilespmem:s0+$0xFFFFFF90];
	s5 =	simm.s32 $0x53F0;
	s2 =	smax.f32 s20, $-5.000000000e+00;
	v48, _, _ =	vpop (xrf2);
	s17 =	spop (v2sf);
	(v2sf) =	vpush v46, $0xF  }
0x2d6: {  	v3 =	vnsel vm0, $0x0, v56;
	v32 =	vld [tilespmem:s9+$0xFFFFFF70];
	v5 =	vmov s13;
	s20 =	simm.s32 $0x3F30;
	[tilespmem:s5+$0x0] =	vst v53;
	s2 =	smin.f32 s2, $5.000000000e+00;
	s18 =	spop (v2sf);
	(v2sf) =	vpush v48, $0xF  }
0x2d7: {  	v55 =	vmov s10;
	v3 =	vsel vm1, s21, v3;
	v5 =	vnsel vm0, $0x0, v5;
	s7 =	smax.f32 s7, $-5.000000000e+00;
	v54 =	vld [tilespmem:s20+$0x0];
	s11 =	smax.f32 s11, $-5.000000000e+00  }
0x2d8: {  	v3 =	vsel vm2, s25, v3;
	v2 =	vnsel vm0, $0x0, v55;
	v5 =	vsel vm1, s3, v5;
	v10 =	vld [tilespmem:s20+$0xFFFFFF90];
	s7 =	smin.f32 s7, $5.000000000e+00;
	s11 =	smin.f32 s11, $5.000000000e+00  }
0x2d9: {  	v58 =	vsel vm7, s1, v3;
	v2 =	vsel vm1, s19, v2;
	v4 =	vperm.xlane v53, v6;
	v12 =	vld [tilespmem:s20+$0xFFFFFFB0];
	s6 =	smax.f32 s16, $-5.000000000e+00;
	s16 =	smax.f32 s23, $-5.000000000e+00  }
0x2da: {  	v5 =	vsel vm2, s26, v5;
	v60 =	vperm.xlane v53, v52;
	v16 =	vperm.xlane v53, v51;
	v14 =	vld [tilespmem:s20+$0xFFFFFFE0];
	s6 =	smin.f32 s6, $5.000000000e+00;
	s16 =	smin.f32 s16, $5.000000000e+00  }
0x2db: {  	v38 =	vunpack.i.l.bf16.f32 v32;
	v18 =	vperm.xlane v53, v50;
	v19 =	vperm.xlane v53, v49;
	v15 =	vld [tilespmem:s20+$0xFFFFFFF0];
	s17 =	smax.f32 s17, $-5.000000000e+00;
	s12 =	spop (v2sf)  }
0x2dc: {  	v62 =	vld [tilespmem:s0+$0xFFFFFF20];
	v2 =	vsel vm2, s24, v2;
	v24 =	vperm.xlane v53, v9;
	v25 =	vperm.xlane v53, v8;
	s17 =	smin.f32 s17, $5.000000000e+00;
	s23 =	spop (v2sf)  }
0x2dd: {  	v59 =	vsel vm7, s14, v5;
	v1 =	vperm.xlane v53, v7;
	v0 =	vmul.f32 v54, v4;
	v4 =	vld [tilespmem:s20+$0xFFFFFFA0];
	s19 =	smax.f32 s18, $-5.000000000e+00;
	s13 =	spop (v2sf)  }
0x2de: {  	v57 =	vsel vm7, s4, v2;
	v2 =	vsel vm3, s15, v58;
	v3 =	vsel vm3, s2, v59;
	v44 =	vld [tilespmem:s9+$0xFFFFFFC0];
	s18 =	smin.f32 s19, $5.000000000e+00;
	s10 =	spop (v2sf)  }
0x2df: {  	v2 =	vsel vm4, s11, v2;
	v10 =	vmul.f32 v10, v60;
	v21 =	vmul.f32 v12, v18;
	s19 =	smax.f32 s12, $-5.000000000e+00;
	s12 =	spop (v2sf)  }
0x2e0: {  	v27 =	vld [tilespmem:s9+$0xFFFFFF60];
	v3 =	vsel vm4, s6, v3;
	v18 =	vmul.f32 v14, v25;
	v15 =	vmul.f32 v15, v1;
	s21 =	smin.f32 s19, $5.000000000e+00;
	s19 =	spop (v2sf)  }
0x2e1: {  	v17 =	vld [tilespmem:s9+$0xFFFFFF10];
	v14 =	vunpack.i.l.bf16.f32 v22;
	v22 =	vunpack.i.u.bf16.f32 v22;
	v25 =	vunpack.i.l.bf16.f32 v61;
	s24 =	smax.f32 s23, $-5.000000000e+00;
	s25 =	spop (v2sf)  }
0x2e2: {  	v1 =	vunpack.i.u.bf16.f32 v62;
	[tilespmem:s20+$0x0] =	vst v0;
	v0 =	vsel vm3, s8, v57;
	v23 =	vmul.f32 v4, v16;
	v4 =	vld [tilespmem:s9+$0xFFFFFF90];
	s4 =	smin.f32 s24, $5.000000000e+00;
	s26 =	spop (v2sf)  }
0x2e3: {  	v28 =	vld [tilespmem:s0+$0xFFFFFFA0];
	v0 =	vsel vm4, s7, v0;
	v47 =	vunpack.i.l.bf16.f32 v44;
	v16 =	vunpack.i.l.bf16.f32 v26;
	s7 =	smax.f32 s26, $-5.000000000e+00;
	s8 =	spop (v2sf)  }
0x2e4: {  	v5 =	vld [tilespmem:s20+$0xFFFFFFC0];
	v0 =	vsel vm5, s16, v0;
	v26 =	vunpack.i.u.bf16.f32 v26;
	v14 =	vmul.f32 v16, v14;
	s1 =	smin.f32 s7, $5.000000000e+00;
	s11 =	spop (v2sf)  }
0x2e5: {  	v13 =	vld [tilespmem:s20+$0xFFFFFFD0];
	v26 =	vmul.f32 v26, v22;
	v2 =	vsel vm5, s17, v2;
	v20 =	vmov s1;
	s14 =	smax.f32 s11, $-5.000000000e+00;
	s15 =	spop (v2sf)  }
0x2e6: {  	v63 =	vld [tilespmem:s0+$0xFFFFFFC0];
	v11 =	vsel vm5, s18, v3;
	v2 =	vsel vm6, s4, v2;
	v20 =	vnsel vm0, $0x0, v20;
	s1 =	smin.f32 s14, $5.000000000e+00;
	s4 =	smax.f32 s15, $-5.000000000e+00  }
0x2e7: {  	v31 =	vld [tilespmem:s0+$0xFFFFFF70];
	v0 =	vsel vm6, s21, v0;
	v22 =	vunpack.i.u.bf16.f32 v4;
	s3 =	smax.f32 s8, $-5.000000000e+00;
	v20 =	vsel vm1, s1, v20;
	s16 =	smin.f32 s4, $5.000000000e+00  }
0x2e8: {  	v39 =	vld [tilespmem:s9+$0xFFFFFF40];
	v4 =	vunpack.i.l.bf16.f32 v4;
	v0 =	vmul.f32 $1.442695020e+00, v0;
	s17 =	smin.f32 s3, $5.000000000e+00;
	v20 =	vsel vm2, s16, v20  }
0x2e9: {  	v4 =	vmul.f32 v4, v25;
	v12 =	vsel vm7, s17, v20;
	v20 =	vmul.f32 v5, v19;
	v5 =	vld [tilespmem:s0+$0xFFFFFF10]  }
0x2ea: {  	v3 =	vunpack.i.u.bf16.f32 v61;
	v2 =	vmul.f32 $1.442695020e+00, v2;
	s2 =	smax.f32 s25, $-5.000000000e+00;
	v19 =	vmul.f32 v13, v24;
	v24 =	vld [tilespmem:s9+$0xFFFFFF20]  }
0x2eb: {  	v37 =	vld [tilespmem:s0+$0xFFFFFF80];
	v46 =	vunpack.i.l.bf16.f32 v63;
	v3 =	vmul.f32 v22, v3;
	(erf) = vpow2.f32 v0;
	s23 =	smax.f32 s19, $-5.000000000e+00;
	s18 =	smin.f32 s2, $5.000000000e+00  }
0x2ec: {  	v16 =	vld [tilespmem:s0+$0xFFFFFF60];
	v0 =	vunpack.i.u.bf16.f32 v63;
	(erf) = vpow2.f32 v2;
	s1 =	smin.f32 s23, $5.000000000e+00;
	v12 =	vsel vm3, s18, v12  }
0x2ed: {  	v34 =	vld [tilespmem:s0+$0xFFFFFFB0];
	v13 =	vunpack.i.u.bf16.f32 v17;
	v17 =	vunpack.i.l.bf16.f32 v17;
	v48 =	vsel vm4, s1, v12  }
0x2ee: {  	v36 =	vld [tilespmem:s0+$0xFFFFFF40];
	v12 =	vunpack.i.u.bf16.f32 v39;
	v29 =	vunpack.i.u.bf16.f32 v5;
	v5 =	vunpack.i.l.bf16.f32 v5  }
0x2ef: {  	s21 =	smax.f32 s13, $-5.000000000e+00;
	v25 =	vld [tilespmem:s9+$0xFFFFFFA0];
	v30 =	vunpack.i.l.bf16.f32 v24;
	v5 =	vmul.f32 v17, v5;
	v17 =	vunpack.i.l.bf16.f32 v62  }
0x2f0: {  	v13 =	vmul.f32 v13, v29;
	v29 =	vld [tilespmem:s0+$0xFFFFFF30];
	s0 =	smin.f32 s21, $5.000000000e+00;
	v30 =	vmul.f32 v30, v17;
	v17 =	vunpack.i.u.bf16.f32 v24  }
0x2f1: {  	v24 =	vunpack.i.l.bf16.f32 v16;
	v16 =	vunpack.i.u.bf16.f32 v16;
	v11 =	vsel vm6, s0, v11  }
0x2f2: {  	v22 =	vld [tilespmem:s9+$0xFFFFFF30];
	v1 =	vmul.f32 v17, v1;
	v17 =	vunpack.i.l.bf16.f32 v27;
	v27 =	vunpack.i.u.bf16.f32 v27  }
0x2f3: {  	v53 =	vmul.f32 $1.442695020e+00, v11;
	v11 =	vunpack.i.u.bf16.f32 v36;
	v33 =	vmul.f32 v17, v24  }
0x2f4: {  	v35 =	vld [tilespmem:s9+$0xFFFFFFB0];
	v17 =	vunpack.i.u.bf16.f32 v28;
	v24 =	vunpack.i.l.bf16.f32 v28;
	v28 =	vunpack.i.l.bf16.f32 v25  }
0x2f5: {  	(xrf2) =	vadd.scan.msk.f32 $0xffff, v5;
	v25 =	vunpack.i.u.bf16.f32 v25;
	v27 =	vmul.f32 v27, v16;
	v12 =	vmul.f32 v12, v11  }
0x2f6: {  	(xrf2) =	vadd.scan.msk.f32 $0xffff, v14;
	v14 =	vunpack.i.u.bf16.f32 v31;
	v28 =	vmul.f32 v28, v24;
	v25 =	vmul.f32 v25, v17  }
0x2f7: {  	v17 =	vunpack.i.l.bf16.f32 v22;
	v24 =	vunpack.i.l.bf16.f32 v31;
	v22 =	vunpack.i.u.bf16.f32 v22  }
0x2f8: {  	v5 =	vld [tilespmem:s9+$0xFFFFFF80];
	(xrf2) =	vadd.scan.msk.f32 $0xffff, v4;
	v4 =	vunpack.i.l.bf16.f32 v36;
	v16 =	vunpack.i.l.bf16.f32 v29;
	v38 =	vmul.f32 v38, v24  }
0x2f9: {  	v24 =	vunpack.i.l.bf16.f32 v35;
	(xrf2) =	vadd.scan.msk.f32 $0xffff, v13;
	v13 =	vmul.f32 v47, v46;
	v40 =	vmul.f32 v17, v16  }
0x2fa: {  	v16 =	vunpack.i.l.bf16.f32 v34;
	v17 =	vunpack.i.u.bf16.f32 v29;
	v29 =	vunpack.i.u.bf16.f32 v32  }
0x2fb: {  	v32 =	vunpack.i.u.bf16.f32 v44;
	v31 =	vmul.f32 v24, v16;
	v24 =	vmul.f32 v22, v17  }
0x2fc: {  	[tilespmem:s20+$0xFFFFFF90] =	vst v10;
	s24 =	smax.f32 s12, $-5.000000000e+00;
	v16 =	vunpack.i.u.bf16.f32 v34;
	v17 =	vunpack.i.u.bf16.f32 v35;
	v22 =	vmul.f32 v29, v14  }
0x2fd: {  	s25 =	smin.f32 s24, $5.000000000e+00;
	s26 =	smax.f32 s10, $-5.000000000e+00;
	(xrf2) =	vadd.scan.msk.f32 $0xffff, v26;
	v14 =	vunpack.i.l.bf16.f32 v39;
	v29 =	vunpack.i.l.bf16.f32 v37;
	v45 =	vunpack.i.l.bf16.f32 v5  }
0x2fe: {  	s2 =	smin.f32 s26, $5.000000000e+00;
	(xrf2) =	vadd.scan.msk.f32 $0xffff, v3;
	v3 =	vsel vm5, s25, v48;
	v17 =	vmul.f32 v17, v16;
	v16 =	vmul.f32 v14, v4;
	v4 =	vpop (erf)  }
0x2ff: {  	v10 =	vmul.f32 v32, v0;
	v3 =	vsel vm6, s2, v3;
	(erf) = vpow2.f32 v53;
	[tilespmem:s5+$0xFFFFFFD0] =	vst v4  }
0x300: {  	v14 =	vmul.f32 v45, v29;
	(xrf2) =	vadd.scan.msk.f32 $0xffff, v30;
	v3 =	vmul.f32 $1.442695020e+00, v3;
	v57 =	vpop (erf);
	v26 =	vld [tilespmem:s20+$0xFFFFFE10]  }
0x301: {  	[tilespmem:s20+$0xFFFFFFB0] =	vst v21;
	v56 =	vperm.xlane v4, v52;
	v58 =	vperm.xlane v4, v50;
	v30 =	vld [tilespmem:s20+$0xFFFFFE20];
	v29, _, _ =	vpop (xrf2)  }
0x302: {  	[tilespmem:s20+$0xFFFFFFA0] =	vst v23;
	v23 =	vperm.xlane v4, v49;
	v2 =	vld [tilespmem:s20+$0xFFFFFE30];
	(erf) = vpow2.f32 v3;
	v54, _, _ =	vpop (xrf2);
	(xrf2) =	vadd.scan.msk.f32 $0xffff, v33  }
0x303: {  	v60 =	vperm.xlane v4, v9;
	[tilespmem:s5+$0xFFFFFFE0] =	vst v57;
	v59 =	vld [tilespmem:s20+$0xFFFFFE80];
	(v2sf) =	vpush v29, $0xF;
	v55, _, _ =	vpop (xrf2);
	(xrf2) =	vadd.scan.msk.f32 $0xffff, v28  }
0x304: {  	v62 =	vperm.xlane v4, v8;
	v63 =	vperm.xlane v4, v7;
	v61 =	vld [tilespmem:s20+$0xFFFFFE90];
	(v2sf) =	vpush v54, $0xF;
	(xrf2) =	vadd.scan.msk.f32 $0xffff, v1  }
0x305: {  	[tilespmem:s20+$0xFFFFFFC0] =	vst v20;
	v5 =	vunpack.i.u.bf16.f32 v5;
	v20 =	vperm.xlane v57, v52;
	v42 =	vperm.xlane v57, v50;
	v43 =	vld [tilespmem:s20+$0xFFFFFEC0]  }
0x306: {  	v44 =	vperm.xlane v57, v49;
	v45 =	vperm.xlane v57, v9;
	v46 =	vld [tilespmem:s20+$0xFFFFFED0];
	(v2sf) =	vpush v55, $0xF;
	(xrf2) =	vadd.scan.msk.f32 $0xffff, v27;
	v27, _, _ =	vpop (xrf2)  }
0x307: {  	v47 =	vperm.xlane v57, v7;
	v3 =	vperm.xlane v57, v6;
	v29 =	vunpack.i.u.bf16.f32 v37;
	v33 =	vld [tilespmem:s20+$0xFFFFFE40];
	(xrf2) =	vadd.scan.msk.f32 $0xffff, v25;
	v25, _, _ =	vpop (xrf2)  }
0x308: {  	[tilespmem:s20+$0xFFFFFFD0] =	vst v19;
	v28 =	vld [tilespmem:s20+$0xFFFFFE50];
	v11 =	vmul.f32 v5, v29;
	v29 =	vperm.xlane v4, v51;
	(v2sf) =	vpush v27, $0xF;
	v19 =	vpop (erf)  }
0x309: {  	[tilespmem:s20+$0xFFFFFFE0] =	vst v18;
	v5 =	vld [tilespmem:s20+$0xFFFFFE70];
	v4 =	vperm.xlane v4, v6;
	v54 =	vperm.xlane v57, v8;
	v21, _, _ =	vpop (xrf2);
	(v2sf) =	vpush v25, $0xF  }
0x30a: {  	[tilespmem:s20+$0xFFFFFFF0] =	vst v15;
	v1 =	vld [tilespmem:s20+$0xFFFFFE60];
	v0 =	vmul.f32 v26, v56;
	v2 =	vmul.f32 v2, v58;
	v53, _, _ =	vpop (xrf2)  }
0x30b: {  	v48 =	vld [tilespmem:s20+$0xFFFFFEE0];
	v29 =	vmul.f32 v30, v29;
	v4 =	vmul.f32 v59, v4;
	(xrf2) =	vadd.scan.msk.f32 $0xffff, v40;
	(v2sf) =	vpush v21, $0xF;
	v18 =	vpop (erf)  }
0x30c: {  	v27 =	vld [tilespmem:s20+$0xFFFFFEB0];
	[tilespmem:s20+$0xFFFFFE10] =	vst v0;
	v25 =	vperm.xlane v57, v51;
	(xrf2) =	vadd.scan.msk.f32 $0xffff, v38;
	(v2sf) =	vpush v53, $0xF;
	v21, _, _ =	vpop (xrf2)  }
0x30d: {  	v56 =	vperm.xlane v19, v52;
	[tilespmem:s5+$0xFFFFFFF0] =	vst v19;
	v57 =	vld [tilespmem:s20+$0xFFFFFF00];
	v15 =	vmul.f32 v33, v23;
	v55, _, _ =	vpop (xrf2)  }
0x30e: {  	s10 =	simm.s32 $0x5430;
	v41 =	vld [tilespmem:s20+$0xFFFFFEA0];
	v59 =	vperm.xlane v19, v50;
	v28 =	vmul.f32 v28, v60;
	(v2sf) =	vpush v21, $0xF;
	v26, _, _ =	vpop (xrf2);
	(xrf2) =	vadd.scan.msk.f32 $0xffff, v31  }
0x30f: {  	v23 =	vld [tilespmem:s20+$0xFFFFFF10];
	v5 =	vmul.f32 v5, v63;
	v1 =	vmul.f32 v1, v62;
	[tilespmem:s10+$0x0] =	vst v18;
	(v2sf) =	vpush v55, $0xF  }
0x310: {  	s0 =	simm.s32 $0x4130;
	v58 =	vld [tilespmem:s20+$0xFFFFFF20];
	v53 =	vmul.f32 v48, v54;
	[tilespmem:s20+$0xFFFFFE50] =	vst v28;
	v28 =	vmul.f32 v43, v44  }
0x311: {  	[tilespmem:s20+$0xFFFFFE30] =	vst v2;
	v44 =	vmul.f32 v46, v45;
	v46 =	vperm.xlane v19, v9;
	v30 =	vld [tilespmem:s0+$0x0];
	v31, _, _ =	vpop (xrf2);
	(v2sf) =	vpush v26, $0xF  }
0x312: {  	[tilespmem:s20+$0xFFFFFE20] =	vst v29;
	v60 =	vld [tilespmem:s20+$0xFFFFFF50];
	v27 =	vmul.f32 v27, v42;
	v3 =	vmul.f32 v57, v3;
	(v2sf) =	vpush v31, $0xF;
	v31, _, _ =	vpop (xrf2);
	s3 =	spop (v2sf)  }
0x313: {  	v57 =	vperm.xlane v19, v6;
	v21 =	vld [tilespmem:s20+$0xFFFFFEF0];
	v26 =	vperm.xlane v19, v51;
	(xrf2) =	vadd.scan.msk.f32 $0xffff, v24;
	(v2sf) =	vpush v31, $0xF;
	s4 =	spop (v2sf)  }
0x314: {  	v62 =	vld [tilespmem:s20+$0xFFFFFF60];
	[tilespmem:s20+$0xFFFFFEC0] =	vst v28;
	v28 =	vperm.xlane v18, v8;
	v31 =	vperm.xlane v18, v6;
	s1 =	smax.f32 s3, $-5.000000000e+00;
	s2 =	smax.f32 s4, $-5.000000000e+00  }
0x315: {  	[tilespmem:s20+$0xFFFFFE80] =	vst v4;
	v29, _, _ =	vpop (xrf2);
	(xrf2) =	vadd.scan.msk.f32 $0xffff, v22;
	v22 =	vperm.xlane v19, v49;
	v0 =	vmul.f32 v58, v26;
	v58 =	vld [tilespmem:s20+$0xFFFFFF80];
	s5 =	spop (v2sf);
	s1 =	smin.f32 s1, $5.000000000e+00  }
0x316: {  	[tilespmem:s20+$0xFFFFFE40] =	vst v15;
	v24 =	vld [tilespmem:s20+$0xFFFFFF30];
	(v2sf) =	vpush v29, $0xF;
	v45, _, _ =	vpop (xrf2);
	v29 =	vmul.f32 v30, v31;
	v31 =	vmul.f32 v61, v20;
	s3 =	smax.f32 s5, $-5.000000000e+00;
	s6 =	smin.f32 s2, $5.000000000e+00  }
0x317: {  	[tilespmem:s20+$0xFFFFFE70] =	vst v5;
	v30 =	vld [tilespmem:s20+$0xFFFFFF40];
	v61 =	vmul.f32 v41, v25;
	(v2sf) =	vpush v45, $0xF;
	v15 =	vmov s1;
	s7 =	smin.f32 s3, $5.000000000e+00;
	s8 =	spop (v2sf)  }
0x318: {  	v63 =	vld [tilespmem:s0+$0xFFFFFF90];
	[tilespmem:s20+$0xFFFFFEB0] =	vst v27;
	v20 =	vmov s6;
	v5 =	vnsel vm0, $0x0, v15;
	v15 =	vmul.f32 v21, v47;
	s1 =	smax.f32 s8, $-5.000000000e+00;
	s11 =	spop (v2sf);
	v21, _, _ =	vpop (xrf2)  }
0x319: {  	v54 =	vld [tilespmem:s0+$0xFFFFFFA0];
	[tilespmem:s0+$0x0] =	vst v29;
	v29 =	vmul.f32 v23, v56;
	s1 =	smin.f32 s1, $5.000000000e+00;
	s2 =	smax.f32 s11, $-5.000000000e+00;
	(v2sf) =	vpush v21, $0xF;
	v21 =	vperm.xlane v19, v8  }
0x31a: {  	v23 =	vld [tilespmem:s20+$0xFFFFFF70];
	v56 =	vperm.xlane v19, v7;
	v25 =	vmov s7;
	v27 =	vmul.f32 v58, v57;
	s12 =	spop (v2sf);
	(xrf2) =	vadd.scan.msk.f32 $0xffff, v17;
	s2 =	smin.f32 s2, $5.000000000e+00  }
0x31b: {  	[tilespmem:s20+$0xFFFFFE60] =	vst v1;
	v55 =	vld [tilespmem:s0+$0xFFFFFFB0];
	v4 =	vnsel vm0, $0x0, v25;
	v17 =	vnsel vm0, $0x0, v20;
	v20 =	vmul.f32 v24, v59;
	s13 =	smax.f32 s12, $-5.000000000e+00;
	s14 =	spop (v2sf)  }
0x31c: {  	v5 =	vsel vm1, s1, v5;
	v25 =	vmul.f32 v30, v22;
	v24 =	vmul.f32 v60, v46;
	v59 =	vld [tilespmem:s0+$0xFFFFFFC0];
	s1 =	smin.f32 s13, $5.000000000e+00;
	(xrf2) =	vadd.scan.msk.f32 $0xffff, v16;
	s15 =	smax.f32 s14, $-5.000000000e+00  }
0x31d: {  	[tilespmem:s20+$0xFFFFFE90] =	vst v31;
	v31 =	vld [tilespmem:s0+$0xFFFFFFE0];
	s16 =	smin.f32 s15, $5.000000000e+00;
	v26 =	vmul.f32 v62, v21;
	s17 =	spop (v2sf);
	v21, _, _ =	vpop (xrf2);
	(xrf2) =	vadd.scan.msk.f32 $0xffff, v14;
	v14 =	vperm.xlane v18, v49  }
0x31e: {  	[tilespmem:s20+$0xFFFFFEE0] =	vst v53;
	v22 =	vperm.xlane v18, v50;
	v60 =	vld [tilespmem:s0+$0xFFFFFFF0];
	v19 =	vperm.xlane v18, v52;
	v17 =	vsel vm1, s2, v17;
	s2 =	smax.f32 s17, $-5.000000000e+00;
	s18 =	spop (v2sf)  }
0x31f: {  	[tilespmem:s20+$0xFFFFFED0] =	vst v44;
	v30 =	vld [tilespmem:s0+$0xFFFFFFD0];
	v16 =	vperm.xlane v18, v51;
	v23 =	vmul.f32 v23, v56;
	(v2sf) =	vpush v21, $0xF;
	s2 =	smin.f32 s2, $5.000000000e+00;
	s3 =	smax.f32 s18, $-5.000000000e+00  }
0x320: {  	[tilespmem:s20+$0xFFFFFF00] =	vst v3;
	v4 =	vsel vm1, s1, v4;
	v22 =	vmul.f32 v55, v22;
	v19 =	vmul.f32 v63, v19;
	s21 =	spop (v2sf);
	s19 =	smin.f32 s3, $5.000000000e+00  }
0x321: {  	[tilespmem:s20+$0xFFFFFEA0] =	vst v61;
	v62 =	vperm.xlane v18, v7;
	v61 =	vsel vm2, s2, v17;
	s23 =	smax.f32 s21, $-5.000000000e+00;
	s24 =	spop (v2sf);
	v17 =	vmul.f32 v59, v14;
	v14, _, _ =	vpop (xrf2)  }
0x322: {  	[tilespmem:s20+$0xFFFFFEF0] =	vst v15;
	v21 =	vmul.f32 v54, v16;
	v16 =	vperm.xlane v18, v9;
	s25 =	smin.f32 s23, $5.000000000e+00;
	s26 =	spop (v2sf);
	(v2sf) =	vpush v14, $0xF  }
0x323: {  	v5 =	vsel vm2, s16, v5;
	v15 =	vmul.f32 v60, v62;
	v4 =	vsel vm2, s19, v4;
	s3 =	smax.f32 s24, $-5.000000000e+00;
	s2 =	smax.f32 s26, $-5.000000000e+00;
	(xrf2) =	vadd.scan.msk.f32 $0xffff, v13  }
0x324: {  	[tilespmem:s20+$0xFFFFFF10] =	vst v29;
	v18 =	vmul.f32 v30, v16;
	v16 =	vmul.f32 v31, v28;
	s3 =	smin.f32 s3, $5.000000000e+00;
	v29 =	vsel vm7, s25, v5;
	v63, _, _ =	vpop (xrf2);
	s2 =	smin.f32 s2, $5.000000000e+00  }
0x325: {  	[tilespmem:s20+$0xFFFFFF20] =	vst v0;
	s5 =	simm.s32 $0x4;
	s12 =	simm.s32 $0xE30;
	s1 =	spop (v2sf);
	v28 =	vsel vm7, s3, v61;
	(v2sf) =	vpush v63, $0xF;
	v14 =	vsel vm7, s2, v4  }
.LBB2_7:
0x326: {  	v0 =	vld [tilespmem:s12+$0x0];
	s1 =	smax.f32 s1, $-5.000000000e+00;
	s9 =	sadd.s32 $0x100, s9;
	(xrf2) =	vadd.scan.msk.f32 $0xffff, v12;
	[tilespmem:s20+$0xFFFFFF30] =	vst v20  }
0x327: {  	v1 =	vld [tilespmem:s9+$0x0];
	s1 =	smin.f32 s1, $5.000000000e+00;
	v2, _, _ =	vpop (xrf2);
	[tilespmem:s20+$0xFFFFFF40] =	vst v25  }
0x328: {  	v3 =	vld [tilespmem:s9+$0xFFFFFF10];
	v20 =	vsel vm3, s1, v29;
	(v2sf) =	vpush v2, $0xF;
	s1 =	spop (v2sf);
	[tilespmem:s20+$0xFFFFFF50] =	vst v24  }
0x329: {  	v2 =	vld [tilespmem:s12+$0xFFFFFF50];
	s1 =	smax.f32 s1, $-5.000000000e+00;
	(xrf2) =	vadd.scan.msk.f32 $0xffff, v11;
	[tilespmem:s20+$0xFFFFFF60] =	vst v26  }
0x32a: {  	v4 =	vld [tilespmem:s9+$0xFFFFFF50];
	s1 =	smin.f32 s1, $5.000000000e+00;
	v5, _, _ =	vpop (xrf2);
	[tilespmem:s20+$0xFFFFFF70] =	vst v23  }
0x32b: {  	v11 =	vld [tilespmem:s12+$0xFFFFFF90];
	v23 =	vsel vm3, s1, v28;
	(v2sf) =	vpush v5, $0xF;
	s1 =	spop (v2sf);
	[tilespmem:s20+$0xFFFFFF80] =	vst v27;
	s20 =	smov.u32 s0  }
0x32c: {  	v25 =	vunpack.i.u.bf16.f32 v0;
	v5 =	vld [tilespmem:s12+$0xFFFFFFF0];
	v13 =	vunpack.i.u.bf16.f32 v1;
	s1 =	smax.f32 s1, $-5.000000000e+00;
	[tilespmem:s0+$0xFFFFFF90] =	vst v19;
	(xrf2) =	vadd.scan.msk.f32 $0xffff, v10  }
0x32d: {  	v19 =	vunpack.i.u.bf16.f32 v3;
	v3 =	vunpack.i.l.bf16.f32 v3;
	v24 =	vld [tilespmem:s9+$0xFFFFFFF0];
	v10 =	vmul.f32 v13, v25;
	s13 =	smin.f32 s1, $5.000000000e+00;
	[tilespmem:s0+$0xFFFFFFA0] =	vst v21;
	v12, _, _ =	vpop (xrf2)  }
0x32e: {  	v13 =	vunpack.i.u.bf16.f32 v2;
	v2 =	vunpack.i.l.bf16.f32 v2;
	v21 =	vld [tilespmem:s9+$0xFFFFFF90];
	[tilespmem:s0+$0xFFFFFFB0] =	vst v22;
	s1 =	spop (v2sf);
	(v2sf) =	vpush v12, $0xF  }
0x32f: {  	v0 =	vunpack.i.l.bf16.f32 v0;
	v26 =	vunpack.i.l.bf16.f32 v1;
	v12 =	vld [tilespmem:s12+$0xFFFFFF10];
	v22 =	vunpack.i.l.bf16.f32 v4;
	(xrf2) =	vadd.scan.msk.f32 $0xffff, v10;
	s1 =	smax.f32 s1, $-5.000000000e+00  }
0x330: {  	v0 =	vmul.f32 v26, v0;
	v25 =	vld [tilespmem:s12+$0xFFFFFF20];
	v10 =	vmul.f32 v22, v2;
	v2 =	vunpack.i.l.bf16.f32 v11;
	s19 =	smin.f32 s1, $5.000000000e+00;
	[tilespmem:s0+$0xFFFFFFC0] =	vst v17;
	v1, _, _ =	vpop (xrf2)  }
0x331: {  	v4 =	vunpack.i.u.bf16.f32 v4;
	v22 =	vunpack.i.u.bf16.f32 v11;
	v17 =	vld [tilespmem:s9+$0xFFFFFF20];
	[tilespmem:s0+$0xFFFFFFD0] =	vst v18;
	(v2sf) =	vpush v1, $0xF;
	s1 =	spop (v2sf)  }
0x332: {  	v27 =	vmul.f32 v4, v13;
	v4 =	vunpack.i.u.bf16.f32 v5;
	v1 =	vld [tilespmem:s12+$0xFFFFFFE0];
	v11 =	vunpack.i.u.bf16.f32 v24;
	(xrf2) =	vadd.scan.msk.f32 $0xffff, v0;
	s1 =	smax.f32 s1, $-5.000000000e+00  }
0x333: {  	v0 =	vunpack.i.u.bf16.f32 v21;
	v13 =	vunpack.i.l.bf16.f32 v21;
	v18 =	vld [tilespmem:s9+$0xFFFFFFE0];
	v4 =	vmul.f32 v11, v4;
	s21 =	smin.f32 s1, $5.000000000e+00;
	[tilespmem:s0+$0xFFFFFFE0] =	vst v16;
	v16, _, _ =	vpop (xrf2)  }
0x334: {  	v21 =	vunpack.i.u.bf16.f32 v12;
	v26 =	vunpack.i.l.bf16.f32 v12;
	v28 =	vld [tilespmem:s12+$0xFFFFFF60];
	v11 =	vmul.f32 v13, v2;
	[tilespmem:s0+$0xFFFFFFF0] =	vst v15;
	s1 =	spop (v2sf)  }
0x335: {  	v5 =	vunpack.i.l.bf16.f32 v5;
	v15 =	vunpack.i.l.bf16.f32 v24;
	v2 =	vmul.f32 v3, v26;
	v3 =	vld [tilespmem:s12+$0xFFFFFFD0];
	(xrf2) =	vadd.scan.msk.f32 $0xffff, v4;
	s1 =	smax.f32 s1, $-5.000000000e+00  }
0x336: {  	v31 =	vmul.f32 v19, v21;
	v4 =	vunpack.i.l.bf16.f32 v25;
	v5 =	vmul.f32 v15, v5;
	v13 =	vld [tilespmem:s9+$0xFFFFFFD0];
	s24 =	smin.f32 s1, $5.000000000e+00;
	v12, _, _ =	vpop (xrf2)  }
0x337: {  	v30 =	vmul.f32 v0, v22;
	v15 =	vunpack.i.u.bf16.f32 v25;
	v19 =	vunpack.i.l.bf16.f32 v17;
	v21 =	vld [tilespmem:s9+$0xFFFFFF60];
	s1 =	spop (v2sf)  }
0x338: {  	v29 =	vmul.f32 v19, v4;
	v4 =	vunpack.i.u.bf16.f32 v1;
	v0 =	vld [tilespmem:s12+$0xFFFFFFA0];
	v19 =	vunpack.i.u.bf16.f32 v18;
	(xrf2) =	vadd.scan.msk.f32 $0xffff, v5;
	s1 =	smax.f32 s1, $-5.000000000e+00  }
0x339: {  	s5 =	sadd.s32 $0x4, s5;
	v5 =	vunpack.i.u.bf16.f32 v17;
	v17 =	vunpack.i.l.bf16.f32 v28;
	v22 =	vld [tilespmem:s9+$0xFFFFFFA0];
	v4 =	vmul.f32 v19, v4;
	v34, _, _ =	vpop (xrf2);
	s25 =	smin.f32 s1, $5.000000000e+00  }
0x33a: {  	p0 =	slt.u32 s5, $0x24;
	v26 =	vmul.f32 v5, v15;
	v15 =	vunpack.i.u.bf16.f32 v28;
	v5 =	vld [tilespmem:s12+$0xFFFFFF30];
	s1 =	spop (v2sf);
	(v2sf) =	vpush v16, $0xF  }
0x33b: {  	v19 =	vunpack.i.u.bf16.f32 v3;
	v16 =	vld [tilespmem:s9+$0xFFFFFF30];
	v24 =	vunpack.i.u.bf16.f32 v13;
	(xrf2) =	vadd.scan.msk.f32 $0xffff, v4;
	s1 =	smax.f32 s1, $-5.000000000e+00;
	(v2sf) =	vpush v12, $0xF  }
0x33c: {  	v4 =	vunpack.i.u.bf16.f32 v21;
	v12 =	vunpack.i.l.bf16.f32 v21;
	v21 =	vld [tilespmem:s12+$0xFFFFFF70];
	v19 =	vmul.f32 v24, v19;
	v35, _, _ =	vpop (xrf2);
	s26 =	smin.f32 s1, $5.000000000e+00  }
0x33d: {  	v33 =	vmul.f32 v12, v17;
	v12 =	vld [tilespmem:s9+$0xFFFFFF70];
	v17 =	vunpack.i.u.bf16.f32 v0;
	v0 =	vunpack.i.l.bf16.f32 v0;
	s1 =	spop (v2sf)  }
0x33e: {  	v3 =	vunpack.i.l.bf16.f32 v3;
	v25 =	vunpack.i.l.bf16.f32 v13;
	v24 =	vunpack.i.l.bf16.f32 v22;
	v36 =	vld [tilespmem:s12+$0xFFFFFFB0];
	(xrf2) =	vadd.scan.msk.f32 $0xffff, v19;
	s1 =	smax.f32 s1, $-5.000000000e+00  }
0x33f: {  	v3 =	vmul.f32 v25, v3;
	v19 =	vunpack.i.u.bf16.f32 v22;
	v32 =	vmul.f32 v24, v0;
	v0 =	vld [tilespmem:s9+$0xFFFFFFB0];
	v13, _, _ =	vpop (xrf2);
	s3 =	smin.f32 s1, $5.000000000e+00  }
0x340: {  	v28 =	vmul.f32 v4, v15;
	v22 =	vunpack.i.l.bf16.f32 v5;
	v25 =	vmul.f32 v19, v17;
	v37 =	vld [tilespmem:s12+$0xFFFFFF40];
	s1 =	spop (v2sf)  }
0x341: {  	v1 =	vunpack.i.l.bf16.f32 v1;
	v15 =	vunpack.i.l.bf16.f32 v18;
	v4 =	vunpack.i.l.bf16.f32 v16;
	v38 =	vld [tilespmem:s9+$0xFFFFFF40];
	(xrf2) =	vadd.scan.msk.f32 $0xffff, v3;
	s1 =	smax.f32 s1, $-5.000000000e+00  }
0x342: {  	v1 =	vmul.f32 v15, v1;
	v3 =	vunpack.i.l.bf16.f32 v21;
	v17 =	vunpack.i.l.bf16.f32 v12;
	v39 =	vld [tilespmem:s12+$0xFFFFFF80];
	v40, _, _ =	vpop (xrf2);
	s4 =	smin.f32 s1, $5.000000000e+00  }
0x343: {  	v24 =	vmul.f32 v4, v22;
	v22 =	vmul.f32 v17, v3;
	v3 =	vld [tilespmem:s9+$0xFFFFFF80];
	v4 =	vunpack.i.l.bf16.f32 v36  }
0x344: {  	v5 =	vunpack.i.u.bf16.f32 v5;
	v15 =	vunpack.i.u.bf16.f32 v16;
	v16 =	vunpack.i.l.bf16.f32 v0;
	v41 =	vld [tilespmem:s12+$0xFFFFFFC0];
	(xrf2) =	vadd.scan.msk.f32 $0xffff, v1  }
0x345: {  	v12 =	vunpack.i.u.bf16.f32 v12;
	v1 =	vunpack.i.u.bf16.f32 v21;
	v21 =	vmul.f32 v16, v4;
	v4 =	vld [tilespmem:s9+$0xFFFFFFC0];
	v42, _, _ =	vpop (xrf2)  }
0x346: {  	v19 =	vmul.f32 v15, v5;
	v5 =	vunpack.i.u.bf16.f32 v36;
	v0 =	vunpack.i.u.bf16.f32 v0  }
0x347: {  	v15 =	vunpack.i.l.bf16.f32 v37;
	v18 =	vmul.f32 v12, v1;
	v17 =	vmul.f32 v0, v5;
	(xrf2) =	vadd.scan.msk.f32 $0xffff, v2  }
0x348: {  	v0 =	vunpack.i.l.bf16.f32 v38;
	v1 =	vunpack.i.l.bf16.f32 v39;
	v2, _, _ =	vpop (xrf2);
	(v2sf) =	vpush v34, $0xF  }
0x349: {  	v5 =	vunpack.i.l.bf16.f32 v3;
	v12 =	vunpack.i.l.bf16.f32 v41;
	(v2sf) =	vpush v35, $0xF;
	s1 =	spop (v2sf)  }
0x34a: {  	v16 =	vmul.f32 v0, v15;
	v34 =	vunpack.i.l.bf16.f32 v4;
	(xrf2) =	vadd.scan.msk.f32 $0xffff, v10;
	(v2sf) =	vpush v13, $0xF;
	s1 =	smax.f32 s1, $-5.000000000e+00;
	s2 =	spop (v2sf)  }
0x34b: {  	v15 =	vmul.f32 v5, v1;
	v13 =	vmul.f32 v34, v12;
	v0, _, _ =	vpop (xrf2);
	(v2sf) =	vpush v40, $0xF;
	s1 =	smin.f32 s1, $5.000000000e+00;
	s2 =	smax.f32 s2, $-5.000000000e+00  }
0x34c: {  	v1 =	vunpack.i.u.bf16.f32 v37;
	v5 =	vunpack.i.u.bf16.f32 v38;
	(v2sf) =	vpush v0, $0xF;
	s2 =	smin.f32 s2, $5.000000000e+00  }
0x34d: {  	v3 =	vunpack.i.u.bf16.f32 v3;
	v0 =	vunpack.i.u.bf16.f32 v39;
	(xrf2) =	vadd.scan.msk.f32 $0xffff, v11;
	(v2sf) =	vpush v42, $0xF  }
0x34e: {  	v10 =	vunpack.i.u.bf16.f32 v41;
	v4 =	vunpack.i.u.bf16.f32 v4;
	(v2sf) =	vpush v2, $0xF;
	v2, _, _ =	vpop (xrf2)  }
0x34f: {  	v12 =	vmul.f32 v5, v1;
	v11 =	vmul.f32 v3, v0;
	(v2sf) =	vpush v2, $0xF  }
0x350: {  	v10 =	vmul.f32 v4, v10;
	v1 =	vsel vm3, s13, v14;
	v0 =	vsel vm4, s19, v20;
	(xrf2) =	vadd.scan.msk.f32 $0xffff, v31  }
0x351: {  	v1 =	vsel vm4, s24, v1;
	v3 =	vsel vm4, s21, v23;
	v0 =	vsel vm5, s25, v0;
	v2, _, _ =	vpop (xrf2)  }
0x352: {  	v1 =	vsel vm5, s3, v1;
	v3 =	vsel vm5, s26, v3;
	v0 =	vsel vm6, s4, v0  }
0x353: {  	v1 =	vsel vm6, s2, v1;
	v3 =	vsel vm6, s1, v3;
	v0 =	vmul.f32 $1.442695020e+00, v0;
	(xrf2) =	vadd.scan.msk.f32 $0xffff, v27  }
0x354: {  	v1 =	vmul.f32 $1.442695020e+00, v1;
	v3 =	vmul.f32 $1.442695020e+00, v3;
	v4, _, _ =	vpop (xrf2)  }
0x355: {  	(erf) = vpow2.f32 v0  }
0x356: {  	(v2sf) =	vpush v2, $0xF;
	(xrf2) =	vadd.scan.msk.f32 $0xffff, v30;
	(erf) = vpow2.f32 v3  }
0x357: {  	(v2sf) =	vpush v4, $0xF;
	v0, _, _ =	vpop (xrf2);
	s1 =	spop (v2sf)  }
0x358: {  	(v2sf) =	vpush v0, $0xF;
	s2 =	spop (v2sf);
	(erf) = vpow2.f32 v1  }
0x359: {  	(xrf2) =	vadd.scan.msk.f32 $0xffff, v29;
	s3 =	spop (v2sf)  }
0x35a: {  	v0, _, _ =	vpop (xrf2);
	s4 =	spop (v2sf)  }
0x35b: {  	(v2sf) =	vpush v0, $0xF;
	s6 =	spop (v2sf)  }
0x35c: {  	s6 =	smax.f32 s6, $-5.000000000e+00;
	(xrf2) =	vadd.scan.msk.f32 $0xffff, v33;
	s7 =	spop (v2sf)  }
0x35d: {  	v59 =	vimm.s32 $0x0;
	v58 =	vimm.s32 $0x1;
	v60 =	vimm.s32 $0x2;
	s6 =	smin.f32 s6, $5.000000000e+00;
	v0, _, _ =	vpop (xrf2);
	s8 =	spop (v2sf)  }
0x35e: {  	v61 =	vimm.s32 $0x3;
	v1 =	vmov s6;
	s6 =	smax.f32 s8, $-5.000000000e+00;
	(v2sf) =	vpush v0, $0xF;
	s8 =	spop (v2sf);
	v0 =	vpop (erf)  }
0x35f: {  	v1 =	vnsel vm0, $0x0, v1;
	s6 =	smin.f32 s6, $5.000000000e+00;
	s8 =	smax.f32 s8, $-5.000000000e+00;
	(xrf2) =	vadd.scan.msk.f32 $0xffff, v32;
	[tilespmem:s10+$0xFFFFFFD0] =	vst v0;
	v2 =	vperm.xlane v0, v59;
	v3 =	vpop (erf)  }
0x360: {  	s7 =	smax.f32 s7, $-5.000000000e+00;
	v34 =	vperm.xlane v0, v58;
	v35 =	vperm.xlane v0, v60;
	v1 =	vsel vm1, s6, v1;
	s6 =	smin.f32 s8, $5.000000000e+00;
	v4, _, _ =	vpop (xrf2);
	v5 =	vld [tilespmem:s0+$0xFFFFFE10];
	[tilespmem:s10+$0xFFFFFFE0] =	vst v3  }
0x361: {  	s4 =	smax.f32 s4, $-5.000000000e+00;
	v36 =	vperm.xlane v0, v61;
	v1 =	vsel vm2, s6, v1;
	s6 =	smin.f32 s7, $5.000000000e+00;
	(v2sf) =	vpush v4, $0xF;
	v4 =	vld [tilespmem:s0+$0xFFFFFE20];
	v37 =	vpop (erf)  }
0x362: {  	s3 =	smax.f32 s3, $-5.000000000e+00;
	s4 =	smin.f32 s4, $5.000000000e+00;
	v1 =	vsel vm7, s6, v1;
	(xrf2) =	vadd.scan.msk.f32 $0xffff, v26;
	v38 =	vld [tilespmem:s0+$0xFFFFFE30];
	v26 =	vperm.xlane v0, v9;
	[tilespmem:s10+$0xFFFFFFF0] =	vst v37  }
0x363: {  	s2 =	smax.f32 s2, $-5.000000000e+00;
	s3 =	smin.f32 s3, $5.000000000e+00;
	v30 =	vperm.xlane v0, v8;
	v20 =	vperm.xlane v0, v7;
	v1 =	vsel vm3, s4, v1;
	v14, _, _ =	vpop (xrf2);
	v39 =	vld [tilespmem:s0+$0xFFFFFE40]  }
0x364: {  	s1 =	smax.f32 s1, $-5.000000000e+00;
	s2 =	smin.f32 s2, $5.000000000e+00;
	v32 =	vperm.xlane v0, v6;
	v1 =	vsel vm4, s3, v1;
	(v2sf) =	vpush v14, $0xF;
	v40 =	vld [tilespmem:s0+$0xFFFFFE50]  }
0x365: {  	s1 =	smin.f32 s1, $5.000000000e+00;
	v27 =	vperm.xlane v3, v59;
	v14 =	vperm.xlane v3, v58;
	v0 =	vsel vm5, s2, v1;
	s2 =	spop (v2sf);
	(xrf2) =	vadd.scan.msk.f32 $0xffff, v28;
	v1 =	vld [tilespmem:s0+$0xFFFFFE60]  }
0x366: {  	v31 =	vperm.xlane v3, v60;
	v23 =	vperm.xlane v3, v61;
	s2 =	smax.f32 s2, $-5.000000000e+00;
	v0 =	vsel vm6, s1, v0;
	s1 =	spop (v2sf);
	v28, _, _ =	vpop (xrf2);
	v41 =	vld [tilespmem:s0+$0xFFFFFE70]  }
0x367: {  	v33 =	vperm.xlane v3, v9;
	s1 =	smax.f32 s1, $-5.000000000e+00;
	v0 =	vmul.f32 $1.442695020e+00, v0;
	(v2sf) =	vpush v28, $0xF;
	s3 =	spop (v2sf);
	v42 =	vld [tilespmem:s0+$0xFFFFFE80]  }
0x368: {  	v29 =	vperm.xlane v3, v7;
	s2 =	smin.f32 s2, $5.000000000e+00;
	v28 =	vperm.xlane v3, v8;
	s3 =	smax.f32 s3, $-5.000000000e+00;
	v43 =	vld [tilespmem:s0+$0xFFFFFE90]  }
0x369: {  	v44 =	vmov s2;
	s1 =	smin.f32 s1, $5.000000000e+00;
	s2 =	smin.f32 s3, $5.000000000e+00;
	v45, _, _ =	vpop (xrf2);
	(xrf2) =	vadd.scan.msk.f32 $0xffff, v25;
	(erf) = vpow2.f32 v0;
	v0 =	vld [tilespmem:s0+$0xFFFFFEA0];
	v25 =	vperm.xlane v3, v6  }
0x36a: {  	v3 =	vmov s1;
	v46 =	vmov s2;
	s1 =	spop (v2sf);
	(v2sf) =	vpush v45, $0xF;
	v45 =	vld [tilespmem:s0+$0xFFFFFEB0]  }
0x36b: {  	v44 =	vnsel vm0, $0x0, v44;
	v3 =	vnsel vm0, $0x0, v3;
	s1 =	smax.f32 s1, $-5.000000000e+00;
	v46 =	vnsel vm0, $0x0, v46;
	v47 =	vld [tilespmem:s0+$0xFFFFFEC0]  }
0x36c: {  	v49 =	vperm.xlane v37, v59;
	v50 =	vperm.xlane v37, v58;
	s1 =	smin.f32 s1, $5.000000000e+00;
	v48, _, _ =	vpop (xrf2);
	(xrf2) =	vadd.scan.msk.f32 $0xffff, v24;
	v24 =	vld [tilespmem:s0+$0xFFFFFED0]  }
0x36d: {  	v51 =	vperm.xlane v37, v60;
	v44 =	vsel vm1, s1, v44;
	(v2sf) =	vpush v48, $0xF;
	s1 =	spop (v2sf);
	v48 =	vld [tilespmem:s0+$0xFFFFFEE0]  }
0x36e: {  	v53 =	vperm.xlane v37, v61;
	v54 =	vperm.xlane v37, v9;
	s1 =	smax.f32 s1, $-5.000000000e+00;
	v52 =	vld [tilespmem:s0+$0xFFFFFEF0]  }
0x36f: {  	v56 =	vperm.xlane v37, v8;
	v57 =	vperm.xlane v37, v7;
	s1 =	smin.f32 s1, $5.000000000e+00;
	v55, _, _ =	vpop (xrf2);
	(xrf2) =	vadd.scan.msk.f32 $0xffff, v22;
	v22 =	vld [tilespmem:s0+$0xFFFFFF00]  }
0x370: {  	v37 =	vperm.xlane v37, v6;
	v3 =	vsel vm1, s1, v3;
	(v2sf) =	vpush v55, $0xF;
	s1 =	spop (v2sf);
	v55 =	vld [tilespmem:s0+$0xFFFFFF10]  }
0x371: {  	v2 =	vmul.f32 v5, v2;
	v4 =	vmul.f32 v4, v34;
	s1 =	smax.f32 s1, $-5.000000000e+00;
	v5 =	vld [tilespmem:s0+$0xFFFFFF20]  }
0x372: {  	s10 =	sadd.s32 $0x40, s10;
	v34 =	vmul.f32 v38, v35;
	v35 =	vmul.f32 v39, v36;
	s1 =	smin.f32 s1, $5.000000000e+00;
	(xrf2) =	vadd.scan.msk.f32 $0xffff, v21;
	v21 =	vpop (erf);
	v36 =	vld [tilespmem:s0+$0xFFFFFF30]  }
0x373: {  	s0 =	sadd.s32 $0x200, s0;
	v38 =	vsel vm1, s1, v46;
	[tilespmem:s10+$0x0] =	vst v21;
	v39 =	vperm.xlane v21, v59;
	v46 =	vperm.xlane v21, v58;
	s1 =	spop (v2sf);
	v58, _, _ =	vpop (xrf2);
	v59 =	vld [tilespmem:s20+$0xFFFFFF40]  }
0x374: {  	v60 =	vperm.xlane v21, v60;
	v61 =	vperm.xlane v21, v61;
	s1 =	smax.f32 s1, $-5.000000000e+00;
	v62 =	vld [tilespmem:s0+$0x0];
	(v2sf) =	vpush v58, $0xF;
	[tilespmem:s20+$0xFFFFFE10] =	vst v2  }
0x375: {  	v2 =	vperm.xlane v21, v9;
	v58 =	vperm.xlane v21, v8;
	s1 =	smin.f32 s1, $5.000000000e+00;
	(xrf2) =	vadd.scan.msk.f32 $0xffff, v19;
	[tilespmem:s20+$0xFFFFFE20] =	vst v4;
	v4 =	vld [tilespmem:s20+$0xFFFFFF50]  }
0x376: {  	v40 =	vmul.f32 v40, v26;
	v19 =	vsel vm2, s1, v44;
	v44 =	vperm.xlane v21, v7;
	v63, _, _ =	vpop (xrf2);
	s1 =	spop (v2sf);
	[tilespmem:s20+$0xFFFFFE30] =	vst v34;
	v34 =	vld [tilespmem:s20+$0xFFFFFF60]  }
0x377: {  	v1 =	vmul.f32 v1, v30;
	v21 =	vperm.xlane v21, v6;
	s1 =	smax.f32 s1, $-5.000000000e+00;
	(v2sf) =	vpush v63, $0xF;
	[tilespmem:s20+$0xFFFFFE40] =	vst v35;
	v30 =	vld [tilespmem:s20+$0xFFFFFF70]  }
0x378: {  	s1 =	smin.f32 s1, $5.000000000e+00;
	(xrf2) =	vadd.scan.msk.f32 $0xffff, v18;
	[tilespmem:s20+$0xFFFFFE50] =	vst v40;
	v18 =	vmul.f32 v41, v20;
	v20 =	vmul.f32 v42, v32;
	v32 =	vld [tilespmem:s20+$0xFFFFFF80]  }
0x379: {  	v3 =	vsel vm2, s1, v3;
	v35 =	vld [tilespmem:s0+$0xFFFFFF90];
	v21 =	vmul.f32 v62, v21;
	v26, _, _ =	vpop (xrf2);
	s1 =	spop (v2sf);
	[tilespmem:s20+$0xFFFFFE60] =	vst v1;
	v1 =	vmul.f32 v43, v27  }
0x37a: {  	v0 =	vmul.f32 v0, v14;
	v14 =	vmul.f32 v45, v31;
	s1 =	smax.f32 s1, $-5.000000000e+00;
	v40 =	vld [tilespmem:s0+$0xFFFFFFA0];
	(v2sf) =	vpush v26, $0xF;
	[tilespmem:s20+$0xFFFFFE70] =	vst v18  }
0x37b: {  	s1 =	smin.f32 s1, $5.000000000e+00;
	v18 =	vld [tilespmem:s0+$0xFFFFFFB0];
	[tilespmem:s0+$0x0] =	vst v21;
	(xrf2) =	vadd.scan.msk.f32 $0xffff, v17;
	v17 =	vmul.f32 v47, v23;
	v21 =	vmul.f32 v24, v33  }
0x37c: {  	v41 =	vmul.f32 v52, v29;
	v31 =	vsel vm2, s1, v38;
	v33 =	vld [tilespmem:s0+$0xFFFFFFC0];
	s1 =	spop (v2sf);
	v23, _, _ =	vpop (xrf2);
	[tilespmem:s20+$0xFFFFFE80] =	vst v20;
	v38 =	vmul.f32 v48, v28  }
0x37d: {  	v43 =	vmul.f32 v55, v49;
	s1 =	smax.f32 s1, $-5.000000000e+00;
	v42 =	vld [tilespmem:s0+$0xFFFFFFD0];
	(v2sf) =	vpush v23, $0xF;
	[tilespmem:s20+$0xFFFFFE90] =	vst v1;
	v1 =	vmul.f32 v22, v25  }
0x37e: {  	v20 =	vmul.f32 v36, v51;
	s1 =	smin.f32 s1, $5.000000000e+00;
	v45 =	vld [tilespmem:s0+$0xFFFFFFE0];
	(xrf2) =	vadd.scan.msk.f32 $0xffff, v16;
	[tilespmem:s20+$0xFFFFFEA0] =	vst v0;
	v0 =	vmul.f32 v5, v50  }
0x37f: {  	v24 =	vmul.f32 v4, v54;
	v25 =	vmul.f32 v59, v53;
	v29 =	vsel vm7, s1, v19;
	v5 =	vld [tilespmem:s0+$0xFFFFFFF0];
	v16, _, _ =	vpop (xrf2);
	s1 =	spop (v2sf);
	[tilespmem:s20+$0xFFFFFEB0] =	vst v14  }
0x380: {  	v26 =	vmul.f32 v34, v56;
	v23 =	vmul.f32 v30, v57;
	s1 =	smax.f32 s1, $-5.000000000e+00;
	(v2sf) =	vpush v16, $0xF;
	[tilespmem:s20+$0xFFFFFEC0] =	vst v17  }
0x381: {  	v27 =	vmul.f32 v32, v37;
	v19 =	vmul.f32 v35, v39;
	s1 =	smin.f32 s1, $5.000000000e+00;
	(xrf2) =	vadd.scan.msk.f32 $0xffff, v15;
	[tilespmem:s20+$0xFFFFFED0] =	vst v21  }
.Ltmp2:
0x382: {  	v22 =	vmul.f32 v18, v60;
	v21 =	vmul.f32 v40, v46;
	v28 =	vsel vm7, s1, v3;
	v3, _, _ =	vpop (xrf2);
	[tilespmem:s20+$0xFFFFFEE0] =	vst v38;
	(pc) =	sbr.rel @p0 .LBB2_7-.Ltmp2, $4  }
0x383: {  	v17 =	vmul.f32 v33, v61;
	v18 =	vmul.f32 v42, v2;
	(v2sf) =	vpush v3, $0xF;
	s1 =	spop (v2sf);
	[tilespmem:s20+$0xFFFFFEF0] =	vst v41  }
0x384: {  	v16 =	vmul.f32 v45, v58;
	s1 =	smax.f32 s1, $-5.000000000e+00;
	v15 =	vmul.f32 v5, v44;
	(xrf2) =	vadd.scan.msk.f32 $0xffff, v13;
	[tilespmem:s20+$0xFFFFFF00] =	vst v1  }
0x385: {  	s1 =	smin.f32 s1, $5.000000000e+00;
	v1, _, _ =	vpop (xrf2);
	[tilespmem:s20+$0xFFFFFF10] =	vst v43  }
0x386: {  	s12 =	sadd.s32 $0x100, s12;
	v14 =	vsel vm7, s1, v31;
	s1 =	spop (v2sf);
	(v2sf) =	vpush v1, $0xF;
	[tilespmem:s20+$0xFFFFFF20] =	vst v0  }
0x387: {  	(xrf2) =	vadd.scan.msk.f32 $0xffff, v12;
	_ =	sdelay $0x5  }
0x388: {  	v0, _, _ =	vpop (xrf2);
	(xrf2) =	vadd.scan.msk.f32 $0xffff, v11  }
0x389: {  	(v2sf) =	vpush v0, $0xF;
	v0, _, _ =	vpop (xrf2);
	(xrf2) =	vadd.scan.msk.f32 $0xffff, v10;
	_ =	sdelay $0x1  }
0x38a: {  	(v2sf) =	vpush v0, $0xF;
	v0, _, _ =	vpop (xrf2)  }
0x38b: {  	(v2sf) =	vpush v0, $0xF;
	v0, _, _ =	vpop (xrf2)  }
0x38c: {  	(v2sf) =	vpush v0, $0xF;
	_ =	sdelay $0x4  }
0x38d: {  	v0, _, _ =	vpop (xrf2)  }
0x38e: {  	s2 =	spop (v2sf);
	(v2sf) =	vpush v0, $0xF;
	v1, _, _ =	vpop (xrf2)  }
0x38f: {  	s1 =	smax.f32 s1, $-5.000000000e+00;
	s3 =	spop (v2sf);
	(v2sf) =	vpush v1, $0xF  }
0x390: {  	s1 =	smin.f32 s1, $5.000000000e+00  }
0x391: {  	s2 =	smax.f32 s2, $-5.000000000e+00;
	s4 =	spop (v2sf)  }
0x392: {  	s2 =	smin.f32 s2, $5.000000000e+00;
	s5 =	spop (v2sf)  }
0x393: {  	s3 =	smax.f32 s3, $-5.000000000e+00;
	s6 =	spop (v2sf)  }
0x394: {  	s13 =	smin.f32 s3, $5.000000000e+00;
	s7 =	spop (v2sf)  }
0x395: {  	s4 =	smax.f32 s4, $-5.000000000e+00;
	s8 =	spop (v2sf)  }
0x396: {  	s4 =	smin.f32 s4, $5.000000000e+00;
	s9 =	spop (v2sf)  }
0x397: {  	v0 =	vsel vm3, s1, v29;
	s7 =	smax.f32 s7, $-5.000000000e+00;
	s11 =	spop (v2sf)  }
0x398: {  	v0 =	vsel vm4, s4, v0;
	s1 =	smin.f32 s7, $5.000000000e+00;
	s7 =	smax.f32 s11, $-5.000000000e+00  }
0x399: {  	s14 =	smax.f32 s5, $-5.000000000e+00;
	v0 =	vsel vm5, s1, v0;
	s12 =	smin.f32 s7, $5.000000000e+00  }
0x39a: {  	s3 =	smin.f32 s14, $5.000000000e+00;
	s15 =	smax.f32 s6, $-5.000000000e+00;
	v0 =	vsel vm6, s12, v0  }
0x39b: {  	s4 =	smin.f32 s15, $5.000000000e+00;
	s16 =	smax.f32 s8, $-5.000000000e+00;
	v0 =	vmul.f32 $1.442695020e+00, v0  }
0x39c: {  	s5 =	smin.f32 s16, $5.000000000e+00;
	s17 =	smax.f32 s9, $-5.000000000e+00  }
0x39d: {  	s18 =	smin.f32 s17, $5.000000000e+00;
	s19 =	spop (v2sf);
	(erf) = vpow2.f32 v0;
	v0 =	vsel vm3, s2, v28  }
0x39e: {  	v1 =	vsel vm3, s13, v14;
	s6 =	smax.f32 s19, $-5.000000000e+00;
	s21 =	spop (v2sf);
	v0 =	vsel vm4, s3, v0  }
0x39f: {  	[tilespmem:s20+$0xFFFFFF30] =	vst v20;
	v1 =	vsel vm4, s4, v1;
	s23 =	smin.f32 s6, $5.000000000e+00;
	s24 =	smax.f32 s21, $-5.000000000e+00;
	v0 =	vsel vm5, s5, v0  }
0x3a0: {  	[tilespmem:s20+$0xFFFFFF40] =	vst v25;
	v1 =	vsel vm5, s18, v1;
	s3 =	smin.f32 s24, $5.000000000e+00;
	v0 =	vsel vm6, s23, v0  }
0x3a1: {  	[tilespmem:s20+$0xFFFFFF50] =	vst v24;
	v1 =	vsel vm6, s3, v1;
	v0 =	vmul.f32 $1.442695020e+00, v0  }
0x3a2: {  	[tilespmem:s20+$0xFFFFFF60] =	vst v26;
	v1 =	vmul.f32 $1.442695020e+00, v1  }
0x3a3: {  	[tilespmem:s20+$0xFFFFFF70] =	vst v23;
	(erf) = vpow2.f32 v0  }
0x3a4: {  	[tilespmem:s20+$0xFFFFFF80] =	vst v27;
	(erf) = vpow2.f32 v1  }
0x3a5: {  	[tilespmem:s0+$0xFFFFFF90] =	vst v19  }
0x3a6: {  	[tilespmem:s0+$0xFFFFFFA0] =	vst v21;
	v0 =	vpop (erf)  }
0x3a7: {  	[tilespmem:s10+$0xFFFFFFD0] =	vst v0  }
0x3a8: {  	[tilespmem:s0+$0xFFFFFFB0] =	vst v22;
	v1 =	vld [tilespmem:s0+$0xFFFFFE10]  }
0x3a9: {  	[tilespmem:s0+$0xFFFFFFC0] =	vst v17;
	v2 =	vld [tilespmem:s0+$0xFFFFFE20]  }
0x3aa: {  	[tilespmem:s0+$0xFFFFFFD0] =	vst v18;
	v43 =	vimm.s32 $0x0;
	v3 =	vld [tilespmem:s0+$0xFFFFFE30]  }
0x3ab: {  	[tilespmem:s0+$0xFFFFFFE0] =	vst v16;
	v44 =	vimm.s32 $0x1;
	v5 =	vperm.xlane v0, v43;
	v4 =	vld [tilespmem:s0+$0xFFFFFE40]  }
0x3ac: {  	[tilespmem:s0+$0xFFFFFFF0] =	vst v15;
	v46 =	vimm.s32 $0x2;
	v45 =	vperm.xlane v0, v44;
	v10 =	vld [tilespmem:s0+$0xFFFFFE50];
	v11 =	vpop (erf)  }
0x3ad: {  	v50 =	vimm.s32 $0x3;
	v47 =	vperm.xlane v0, v46;
	v13 =	vld [tilespmem:s0+$0xFFFFFE60];
	[tilespmem:s10+$0xFFFFFFE0] =	vst v11;
	v48 =	vpop (erf);
	v1 =	vmul.f32 v1, v5  }
0x3ae: {  	v49 =	vld [tilespmem:s0+$0xFFFFFE70];
	v5 =	vperm.xlane v0, v50;
	v2 =	vmul.f32 v2, v45;
	[tilespmem:s10+$0xFFFFFFF0] =	vst v48  }
0x3af: {  	v52 =	vperm.xlane v0, v9;
	v51 =	vld [tilespmem:s0+$0xFFFFFE80];
	v3 =	vmul.f32 v3, v47;
	[tilespmem:s0+$0xFFFFFE10] =	vst v1  }
0x3b0: {  	v53 =	vld [tilespmem:s0+$0xFFFFFE90];
	v1 =	vperm.xlane v0, v8;
	v4 =	vmul.f32 v4, v5;
	[tilespmem:s0+$0xFFFFFE20] =	vst v2  }
0x3b1: {  	v54 =	vld [tilespmem:s0+$0xFFFFFEA0];
	v2 =	vperm.xlane v0, v7;
	[tilespmem:s0+$0xFFFFFE30] =	vst v3;
	v3 =	vmul.f32 v10, v52  }
0x3b2: {  	v5 =	vld [tilespmem:s0+$0xFFFFFEB0];
	v0 =	vperm.xlane v0, v6;
	[tilespmem:s0+$0xFFFFFE40] =	vst v4;
	v1 =	vmul.f32 v13, v1  }
0x3b3: {  	v10 =	vld [tilespmem:s0+$0xFFFFFEC0];
	v4 =	vperm.xlane v11, v43;
	[tilespmem:s0+$0xFFFFFE50] =	vst v3;
	v2 =	vmul.f32 v49, v2  }
0x3b4: {  	v55 =	vld [tilespmem:s0+$0xFFFFFED0];
	v3 =	vperm.xlane v11, v44;
	v0 =	vmul.f32 v51, v0;
	[tilespmem:s0+$0xFFFFFE60] =	vst v1  }
0x3b5: {  	v56 =	vld [tilespmem:s0+$0xFFFFFEE0];
	v1 =	vperm.xlane v11, v46;
	v4 =	vmul.f32 v53, v4;
	[tilespmem:s0+$0xFFFFFE70] =	vst v2  }
0x3b6: {  	v57 =	vld [tilespmem:s0+$0xFFFFFEF0];
	v2 =	vperm.xlane v11, v50;
	v3 =	vmul.f32 v54, v3;
	[tilespmem:s0+$0xFFFFFE80] =	vst v0  }
0x3b7: {  	v58 =	vld [tilespmem:s0+$0xFFFFFF00];
	v0 =	vperm.xlane v11, v9;
	v1 =	vmul.f32 v5, v1;
	[tilespmem:s0+$0xFFFFFE90] =	vst v4  }
0x3b8: {  	v59 =	vld [tilespmem:s0+$0xFFFFFF10];
	v4 =	vperm.xlane v11, v8;
	v2 =	vmul.f32 v10, v2;
	[tilespmem:s0+$0xFFFFFEA0] =	vst v3  }
0x3b9: {  	v5 =	vld [tilespmem:s0+$0xFFFFFF20];
	v3 =	vperm.xlane v11, v7;
	v0 =	vmul.f32 v55, v0;
	[tilespmem:s0+$0xFFFFFEB0] =	vst v1  }
0x3ba: {  	v10 =	vld [tilespmem:s0+$0xFFFFFF30];
	v1 =	vperm.xlane v11, v6;
	v4 =	vmul.f32 v56, v4;
	[tilespmem:s0+$0xFFFFFEC0] =	vst v2  }
0x3bb: {  	v11 =	vld [tilespmem:s0+$0xFFFFFF40];
	v2 =	vperm.xlane v48, v43;
	v3 =	vmul.f32 v57, v3;
	[tilespmem:s0+$0xFFFFFED0] =	vst v0  }
0x3bc: {  	v60 =	vld [tilespmem:s0+$0xFFFFFF50];
	v0 =	vperm.xlane v48, v44;
	v1 =	vmul.f32 v58, v1;
	[tilespmem:s0+$0xFFFFFEE0] =	vst v4  }
0x3bd: {  	v4 =	vperm.xlane v48, v46;
	v2 =	vmul.f32 v59, v2;
	[tilespmem:s0+$0xFFFFFEF0] =	vst v3  }
0x3be: {  	v3 =	vperm.xlane v48, v50;
	v0 =	vmul.f32 v5, v0;
	[tilespmem:s0+$0xFFFFFF00] =	vst v1  }
0x3bf: {  	v1 =	vperm.xlane v48, v9;
	v4 =	vmul.f32 v10, v4;
	[tilespmem:s0+$0xFFFFFF10] =	vst v2  }
0x3c0: {  	v3 =	vmul.f32 v11, v3;
	[tilespmem:s0+$0xFFFFFF20] =	vst v0  }
0x3c1: {  	v61 =	vld [tilespmem:s0+$0xFFFFFF60];
	v1 =	vmul.f32 v60, v1;
	[tilespmem:s0+$0xFFFFFF30] =	vst v4  }
0x3c2: {  	v62 =	vld [tilespmem:s0+$0xFFFFFF70];
	[tilespmem:s0+$0xFFFFFF40] =	vst v3  }
0x3c3: {  	v63 =	vld [tilespmem:s0+$0xFFFFFF80];
	[tilespmem:s0+$0xFFFFFF50] =	vst v1  }
0x3c4: {  	v2 =	vperm.xlane v48, v8;
	s25 =	sld [smem:$0x7EC]  }
0x3c5: {  	v0 =	vperm.xlane v48, v7  }
0x3c6: {  	v4 =	vperm.xlane v48, v6;
	v2 =	vmul.f32 v61, v2  }
0x3c7: {  	s22 =	sadd.s32 $0x1, s22;
	v0 =	vmul.f32 v62, v0;
	s1 =	smul.u32 $0xA0, s25  }
0x3c8: {  	p0 =	sne.s32 s22, $0x7D;
	v1 =	vmul.f32 v63, v4;
	[tilespmem:s0+$0xFFFFFF60] =	vst v2  }
.Ltmp3:
0x3c9: {  	[tilespmem:s0+$0xFFFFFF70] =	vst v0;
	s1 =	sshrl.u32 s1, $0x2;
	(pc) =	sbr.rel @p0 .LBB2_4-.Ltmp3, $4  }
0x3ca: {  	s8 =	simm.s32 $0x3D40;
	s6 =	simm.s32 $0x28;
	[tilespmem:s0+$0xFFFFFF80] =	vst v1;
	s26 =	sadd.s32 $0xA0, s1  }
0x3cb: {  	v5 =	vimm.s32 $0x5;
	[spmem:s29] =	stream.indirect.scatter.add.f32 [tilespmem:s8], [sflag:$0x6], $0x80, s26, s6, $0xb8;
	[tilespmem:$0x1B5D0] =	vst v63  }
0x3cc: {  	v7 =	vimm.s32 $0x6;
	v6 =	vimm.s32 $0x7;
	v3 =	vimm.s32 $0x2;
	s29 =	simm.s32 $0x53C0  }
0x3cd: {  	v4 =	vimm.s32 $0x4;
	v2 =	vimm.s32 $0x1;
	v1 =	vimm.s32 $0x0;
	[spmem:s30] =	stream.indirect.scatter.add.f32 [tilespmem:s29], [sflag:$0x7], $0x10, s26, s6, $0xb8;
	[tilespmem:$0x1B5D0] =	vst v63  }
0x3ce: {  	s4 =	simm.s32 $0x6  }
0x3cf: {  	_ =	swait.ge [sflag:s4], $0x1400  }
0x3d0: {  	[sflag:s4] =	ssyncset.done $0x0  }
0x3d1: {  	s5 =	simm.s32 $0x7;
	[sflag:s4] =	ssyncadd.s32 $0xFFFFEC00  }
0x3d2: {  	_ =	swait.ge [sflag:s5], $0x280  }
0x3d3: {  	[sflag:s5] =	ssyncset.done $0x0  }
0x3d4: {  	[sflag:s5] =	ssyncadd.s32 $0xFFFFFD80  }
0x3d5: {  	[bflag:$0x0] =	sbarrier.arrive $0xFFFF  }
0x3d6: {  	s0 =	stileid.u32;
	s2 =	sld [smem:$0x7F9]  }
0x3d7: {  	s0 =	sshll.u32 s0, $0x6;
	s7 =	rddreg [dreg:$0x9]  }
0x3d8: {  	s3 =	simm.s32 $0x8;
	s0 =	sor.u32 $0x1C08, s0;
	s1 =	sshrl.u32 s7, $0x3  }
0x3d9: {  	[hbm:s2], [sflag:s0] =	dma.local [spmem:s1], $0x2710  }
0x3da: {  	_ =	swait.ge [sflag:s3], $0x2710  }
0x3db: {  	s29 =	sld [smem:$0x7FA]  }
0x3dc: {  	[sflag:s3] =	ssyncset.done $0x0;
	s14 =	rddreg [dreg:$0xa]  }
0x3dd: {  	[sflag:s3] =	ssyncadd.s32 $0xFFFFD8F0;
	s26 =	sshrl.u32 s14, $0x3  }
0x3de: {  	[hbm:s29], [sflag:s0] =	dma.local [spmem:s26], $0x4E2  }
0x3df: {  	_ =	swait.ge [sflag:s3], $0x4E2  }
0x3e0: {  	s30 =	sld [smem:$0x7FB]  }
0x3e1: {  	s12 =	rddreg [dreg:$0x5]  }
0x3e2: {  	s12 =	sadd.s32 $0x1, s12  }
0x3e3: {  	p0 =	sne.s32 s12, s30  }
.Ltmp4:
0x3e4: {  	_ = 	snop;
	(pc) =	sbr.rel @p0 .LBB2_1-.Ltmp4, $3  }
0x3e5: {  	_ =	sdelay $0x1  }
0x3e6: {  	[sflag:s3] =	ssyncset.done $0x0  }
0x3e7: {  	v0 =	vimm.f32 $0.0e+00;
	[sflag:s3] =	ssyncadd.s32 $0xFFFFFB1E  }
0x3e8: {  	_ =	sfence.sel $0x180000  }
0x3e9: {  	[bflag:$0x0] =	sbarrier.arrive $0xFFFF  }
0x3ea: {  	_ =	strace $0x90000047  }
0x3eb: {  	s0 =	stileid.u32;
	[bflag:$0x2] =	sbarrier.arrive $0xFFFF  }
0x3ec: {  	p0 =	sne.s32 s0, $0x0;
	s0 =	rddreg [dreg:$0x4]  }
0x3ed: {  	s0 =	sadd.s32 @!p0 $0x100000, s0  }
0x3ee: {  	[sflag:s0] =	ssyncadd.tile.s32 @!p0 $0x1;
	_ =	shalt  }
.Lfunc_end2:
_tile_overlayer_lowered:
.L_overlay_start_2:
0x3ef: {  	(tag) =	ssettag $0x2  }
0x3f0: {  	s0 =	rddreg [dreg:$0x0];
	s2 =	stileid.u32  }
0x3f1: {  	s1 =	rddreg [dreg:$0x1];
	p0 =	sne.s32 s2, $0x0  }
0x3f2: {  	s3 =	rddreg [dreg:$0x2];
	[bflag:$0x3] =	sbarrier.arrive $0xFFFF;
	s2 =	simm.s32 @!p0 $0x1C08  }
0x3f3: {  	[timem:s3], [sflag:s2] =	dma.local @!p0 [hbm:s0], s1  }
0x3f4: {  	s0 =	simm.s32 @!p0 $0x8  }
0x3f5: {  	_ =	swait.ge @!p0 [sflag:s0], s1  }
0x3f6: {  	s1 =	ssub.s32 @!p0 $0x0, s1;
	[sflag:s0] =	ssyncset.done @!p0 $0x0  }
0x3f7: {  	[sflag:s0] =	ssyncadd.s32 @!p0 s1  }
0x3f8: {  	[bflag:$0x3] =	sbarrier.arrive $0xFFFF  }
0x3f9: {  	_ =	shalt  }

</sc_bundles>
